<compile_context>
chip_gen: v7x
topology: tpu7x:2x2x1
jax: 0.10.2.dev20260603
libtpu: 0.0.44.dev20260713+nightly
codegen_flags: <defaults>
</compile_context>

<pallas_src>
import functools

import jax
import jax.numpy as jnp
from jax import lax
from jax.experimental import pallas as pl
from jax.experimental.pallas import tpu as pltpu
from jax.experimental.pallas import tpu_sc as plsc

N, E, DIN, H, C = 10000, 320000, 128, 256, 64
NP = 10240

_info = plsc.get_sparse_core_info()
NC, NS = _info.num_cores, _info.num_subcores
K = 80
NBUF = 4

_f32 = jnp.float32


def _make_agg(feature_split):
    mesh = plsc.VectorSubcoreMesh(core_axis_name="c", subcore_axis_name="s")
    if feature_split:
        n = E // (NS * K)
        ew = E // NS
    else:
        n = E // (NS * NC * K)
        ew = E // (NS * NC)
    zr = NP // NS

    NI = 2 * NBUF
    LI = NBUF + 1
    LG = 2

    @functools.partial(
        pl.kernel,
        mesh=mesh,
        out_type=jax.ShapeDtypeStruct((2 * NP, 128), _f32),
        scratch_types=(
            [pltpu.VMEM((K,), jnp.int32) for _ in range(2 * NI)]
            + [pltpu.VMEM((K, 128), _f32) for _ in range(NBUF)]
            + [pltpu.SemaphoreType.DMA for _ in range(NI + 2 * NBUF)]
            + [pltpu.VMEM_SHARED((NP, 128), _f32)]
        ),
    )
    def agg(src_hbm, dst_hbm, table_hbm, out_hbm, *refs):
        isrc = list(refs[0:NI])
        idst = list(refs[NI:2 * NI])
        rows = list(refs[2 * NI:2 * NI + NBUF])
        isem = list(refs[2 * NI + NBUF:3 * NI + NBUF])
        gsem = list(refs[3 * NI + NBUF:3 * NI + 2 * NBUF])
        ssem = list(refs[3 * NI + 2 * NBUF:3 * NI + 3 * NBUF])
        acc = refs[3 * NI + 3 * NBUF]
        c = lax.axis_index("c")
        s = lax.axis_index("s")
        if feature_split:
            src_base = c * E + s * ew
            dst_base = s * ew
        else:
            src_base = (s * NC + c) * ew
            dst_base = src_base

        def iload(j, h):
            pltpu.async_copy(src_hbm.at[pl.ds(src_base + j * K, K)],
                             isrc[h], isem[h])
            pltpu.async_copy(dst_hbm.at[pl.ds(dst_base + j * K, K)],
                             idst[h], isem[h])

        def iload_wait(h):
            pltpu.make_async_copy(src_hbm.at[pl.ds(0, K)], isrc[h],
                                  isem[h]).wait()
            pltpu.make_async_copy(dst_hbm.at[pl.ds(0, K)], idst[h],
                                  isem[h]).wait()

        def gather(h, b):
            pltpu.async_copy(table_hbm.at[isrc[h]], rows[b], gsem[b])

        def gather_wait(h, b):
            pltpu.make_async_copy(table_hbm.at[isrc[h]], rows[b],
                                  gsem[b]).wait()

        def scatter(h, b):
            pltpu.async_copy(rows[b], acc.at[idst[h]], ssem[b], add=True)

        def scatter_wait(h, b):
            pltpu.make_async_copy(rows[b], acc.at[idst[h]], ssem[b]).wait()

        for j in range(LI):
            iload(j, j)
        def zrow(r, carry):
            for jj in range(128 // 16):
                rows[0][r, pl.ds(jj * 16, 16)] = jnp.zeros((16,), _f32)
            return carry
        lax.fori_loop(0, K, zrow, 0)
        for t in range(zr // K):
            pltpu.sync_copy(rows[0], acc.at[pl.ds(s * zr + t * K, K)])
        for j in range(LG):
            iload_wait(j)
            gather(j, j)
        plsc.subcore_barrier()

        def body(i, h):
            b = h % NBUF
            jg = i + LG
            @pl.when(jnp.logical_and(i >= LG, jg < n))
            def _():
                scatter_wait((h - LG) % NI, (b + LG) % NBUF)
            ji = i + LI
            @pl.when(ji < n)
            def _():
                iload(ji, (h + LI) % NI)
            @pl.when(jg < n)
            def _():
                iload_wait((h + LG) % NI)
                gather((h + LG) % NI, (b + LG) % NBUF)
            gather_wait(h, b)
            scatter(h, b)

        def group(g, carry):
            for u in range(NI):
                body(g * NI + u, u)
            return carry
        lax.fori_loop(0, n // NI, group, 0)
        for i in range(NI * (n // NI), n):
            body(jnp.int32(i), i % NI)
        for k in range(NBUF):
            scatter_wait((n - NBUF + k) % NI, (n - NBUF + k) % NBUF)
        plsc.subcore_barrier()
        pltpu.sync_copy(acc.at[pl.ds(s * zr, zr)],
                        out_hbm.at[pl.ds(c * NP + s * zr, zr)])

    return agg


_agg_l1 = _make_agg(feature_split=False)
_agg_l2 = _make_agg(feature_split=True)


_BN = 2000
_NB = N // _BN



def _bn_apply(u, s_scr, q_scr, g_ref, be_ref):
    mu = s_scr[...] * (1.0 / N)
    var = q_scr[...] * (1.0 / N) - mu * mu
    inv = lax.rsqrt(var + 1e-5)
    return jnp.maximum((u - mu) * (inv * g_ref[...]) + be_ref[...], 0.0)


_bf16 = jnp.bfloat16


def _mlp_phase(h, wa_ref, ba_ref, wb_ref, bb_ref, i, u_scr, s_scr, q_scr):
    t = jnp.maximum(
        jnp.dot(h.astype(_bf16), wa_ref[...].astype(_bf16),
                preferred_element_type=_f32) + ba_ref[...], 0.0)
    u = jnp.dot(t.astype(_bf16), wb_ref[...].astype(_bf16),
                preferred_element_type=_f32) + bb_ref[...]
    u_scr[pl.ds(i * _BN, _BN), :] = u
    @pl.when(i == 0)
    def _():
        s_scr[...] = jnp.zeros_like(s_scr)
        q_scr[...] = jnp.zeros_like(q_scr)
    s_scr[...] += jnp.sum(u, axis=0, keepdims=True)
    q_scr[...] += jnp.sum(u * u, axis=0, keepdims=True)


def _layer1(x_ref, agg_ref, wa_ref, ba_ref, wb_ref, bb_ref, g_ref, be_ref,
            o_ref, u_scr, s_scr, q_scr):
    p, i = pl.program_id(0), pl.program_id(1)
    @pl.when(p == 0)
    def _():
        h = x_ref[...] + agg_ref[0] + agg_ref[1]
        _mlp_phase(h, wa_ref, ba_ref, wb_ref, bb_ref, i, u_scr, s_scr, q_scr)
    @pl.when(p == 1)
    def _():
        hb = _bn_apply(u_scr[pl.ds(i * _BN, _BN), :], s_scr, q_scr,
                       g_ref, be_ref)
        o_ref[0] = hb[:, :128]
        o_ref[1] = hb[:, 128:]


def _layer2(hb_ref, agg_ref, wa_ref, ba_ref, wb_ref, bb_ref, g_ref, be_ref,
            wfc_ref, bfc_ref, o_ref, u_scr, s_scr, q_scr):
    p, i = pl.program_id(0), pl.program_id(1)
    @pl.when(p == 0)
    def _():
        h = jnp.concatenate(
            [hb_ref[0] + agg_ref[0], hb_ref[1] + agg_ref[1]], axis=1)
        _mlp_phase(h, wa_ref, ba_ref, wb_ref, bb_ref, i, u_scr, s_scr, q_scr)
    @pl.when(p == 1)
    def _():
        hc = _bn_apply(u_scr[pl.ds(i * _BN, _BN), :], s_scr, q_scr,
                       g_ref, be_ref)
        logits = (jnp.dot(hc, wfc_ref[...], preferred_element_type=_f32)
                  + bfc_ref[...])
        m = jnp.max(logits, axis=1, keepdims=True)
        lse = jnp.log(jnp.sum(jnp.exp(logits - m), axis=1, keepdims=True))
        o_ref[...] = logits - m - lse


def _p0_row_spec(w):
    return pl.BlockSpec((_BN, w), lambda p, i: (i * (1 - p), 0))


def _p0_split_spec():
    return pl.BlockSpec((2, _BN, 128), lambda p, i: (0, i * (1 - p), 0))


def _full_spec(shape):
    return pl.BlockSpec(shape, lambda p, i: tuple(0 for _ in shape))


_SCRATCH = [
    pltpu.VMEM((N, H), _f32),
    pltpu.VMEM((1, H), _f32),
    pltpu.VMEM((1, H), _f32),
]


def kernel(x, edge_index, W1a, b1a, W1b, b1b, g1, be1,
           W2a, b2a, W2b, b2b, g2, be2, Wfc, bfc):
    src = edge_index[0]
    dst = edge_index[1]
    src_both = jnp.concatenate([src, src + N], axis=0)

    agg1 = _agg_l1(src, dst, x).reshape(2, NP, 128)[:, :N]
    hb1 = pl.pallas_call(
        _layer1,
        grid=(2, _NB),
        in_specs=[_p0_row_spec(DIN), _p0_split_spec(),
                  _full_spec((DIN, H)), _full_spec((1, H)),
                  _full_spec((H, H)), _full_spec((1, H)),
                  _full_spec((1, H)), _full_spec((1, H))],
        out_specs=pl.BlockSpec((2, _BN, 128), lambda p, i: (0, i * p, 0)),
        out_shape=jax.ShapeDtypeStruct((2, N, 128), _f32),
        scratch_shapes=_SCRATCH,
    )(x, agg1, W1a, b1a.reshape(1, H), W1b, b1b.reshape(1, H),
      g1.reshape(1, H), be1.reshape(1, H))

    agg2 = _agg_l2(src_both, dst, hb1.reshape(2 * N, 128)
                   ).reshape(2, NP, 128)[:, :N]
    out = pl.pallas_call(
        _layer2,
        grid=(2, _NB),
        in_specs=[_p0_split_spec(), _p0_split_spec(),
                  _full_spec((H, H)), _full_spec((1, H)),
                  _full_spec((H, H)), _full_spec((1, H)),
                  _full_spec((1, H)), _full_spec((1, H)),
                  _full_spec((H, C)), _full_spec((1, C))],
        out_specs=pl.BlockSpec((_BN, C), lambda p, i: (i * p, 0)),
        out_shape=jax.ShapeDtypeStruct((N, C), _f32),
        scratch_shapes=_SCRATCH,
    )(hb1, agg2, W2a, b2a.reshape(1, H), W2b, b2b.reshape(1, H),
      g2.reshape(1, H), be2.reshape(1, H), Wfc, bfc.reshape(1, C))
    return out

# --- scband reference (transcript-rebuilt; emitter-appended) ---
"""Pipeline reference for scband-ginclassifier-24945170055628 (READ-ONLY COPY).

The authoritative reference and input builder live on the scoring server;
editing this copy changes nothing except your own understanding.
"""

import jax, jax.numpy as jnp
import numpy as np

N, E, DIN, H, C = 10000, 320000, 128, 256, 64


def _glorot(k, shape):
    fan_in = shape[0]
    return jax.random.normal(k, shape, dtype=jnp.float32) * (1.0 / np.sqrt(fan_in))


def setup_inputs(seed: int = 0) -> dict:
    key = jax.random.key(seed)
    ks = jax.random.split(key, 16)
    x = jax.random.normal(ks[0], (N, DIN), dtype=jnp.float32)
    edge_index = jax.random.randint(ks[1], (2, E), 0, N, dtype=jnp.int32)
    return {
        'x': x,
        'edge_index': edge_index,
        'W1a': _glorot(ks[2], (DIN, H)), 'b1a': jnp.zeros((H,), jnp.float32),
        'W1b': _glorot(ks[3], (H, H)),   'b1b': jnp.zeros((H,), jnp.float32),
        'g1': jnp.ones((H,), jnp.float32), 'be1': jnp.zeros((H,), jnp.float32),
        'W2a': _glorot(ks[4], (H, H)),   'b2a': jnp.zeros((H,), jnp.float32),
        'W2b': _glorot(ks[5], (H, H)),   'b2b': jnp.zeros((H,), jnp.float32),
        'g2': jnp.ones((H,), jnp.float32), 'be2': jnp.zeros((H,), jnp.float32),
        'Wfc': _glorot(ks[6], (H, C)),   'bfc': jnp.zeros((C,), jnp.float32),
    }


def _gin_conv(x, edge_index, Wa, ba, Wb, bb):
    # GINConv with eps=0: nn((1+eps)*x + sum_{j in N(i)} x_j)
    src = edge_index[0]
    dst = edge_index[1]
    msgs = jnp.take(x, src, axis=0)
    agg = jnp.zeros_like(x).at[dst].add(msgs)
    h = x + agg
    h = jnp.maximum(h @ Wa + ba, 0.0)
    h = h @ Wb + bb
    return h


def _bn(x, gamma, beta, eps=1e-5):
    mean = jnp.mean(x, axis=0, keepdims=True)
    var = jnp.var(x, axis=0, keepdims=True)
    return (x - mean) / jnp.sqrt(var + eps) * gamma + beta


def reference(x, edge_index, W1a, b1a, W1b, b1b, g1, be1, W2a, b2a, W2b, b2b, g2, be2, Wfc, bfc):
    h = _gin_conv(x, edge_index, W1a, b1a, W1b, b1b)
    h = jnp.maximum(_bn(h, g1, be1), 0.0)
    # dropout treated as identity (deterministic / eval)
    h = _gin_conv(h, edge_index, W2a, b2a, W2b, b2b)
    h = jnp.maximum(_bn(h, g2, be2), 0.0)
    logits = h @ Wfc + bfc
    return jax.nn.log_softmax(logits, axis=1)

if __name__ == "__main__":
    import jax
    _d = setup_inputs()
    print(jax.jit(kernel)(*tuple(_d.values())))

</pallas_src>

<mosaic_0001>
#map = affine_map<(d0, d1) -> (0)>
#map1 = affine_map<(d0, d1) -> (0, 0)>
module attributes {stable_mosaic.version = 14 : i64} {
  func.func @agg(%arg0: i32, %arg1: i32, %arg2: memref<640000xi32, #tpu.memory_space<hbm>>, %arg3: memref<320000xi32, #tpu.memory_space<hbm>>, %arg4: memref<20000x128xf32, #tpu.memory_space<hbm>>, %arg5: memref<20480x128xf32, #tpu.memory_space<hbm>>, %arg6: memref<80xi32, #tpu.memory_space<vmem>>, %arg7: memref<80xi32, #tpu.memory_space<vmem>>, %arg8: memref<80xi32, #tpu.memory_space<vmem>>, %arg9: memref<80xi32, #tpu.memory_space<vmem>>, %arg10: memref<80xi32, #tpu.memory_space<vmem>>, %arg11: memref<80xi32, #tpu.memory_space<vmem>>, %arg12: memref<80xi32, #tpu.memory_space<vmem>>, %arg13: memref<80xi32, #tpu.memory_space<vmem>>, %arg14: memref<80xi32, #tpu.memory_space<vmem>>, %arg15: memref<80xi32, #tpu.memory_space<vmem>>, %arg16: memref<80xi32, #tpu.memory_space<vmem>>, %arg17: memref<80xi32, #tpu.memory_space<vmem>>, %arg18: memref<80xi32, #tpu.memory_space<vmem>>, %arg19: memref<80xi32, #tpu.memory_space<vmem>>, %arg20: memref<80xi32, #tpu.memory_space<vmem>>, %arg21: memref<80xi32, #tpu.memory_space<vmem>>, %arg22: memref<80x128xf32, #tpu.memory_space<vmem>>, %arg23: memref<80x128xf32, #tpu.memory_space<vmem>>, %arg24: memref<80x128xf32, #tpu.memory_space<vmem>>, %arg25: memref<80x128xf32, #tpu.memory_space<vmem>>, %arg26: memref<!tpu.dma_semaphore, #tpu.memory_space<semaphore_mem>>, %arg27: memref<!tpu.dma_semaphore, #tpu.memory_space<semaphore_mem>>, %arg28: memref<!tpu.dma_semaphore, #tpu.memory_space<semaphore_mem>>, %arg29: memref<!tpu.dma_semaphore, #tpu.memory_space<semaphore_mem>>, %arg30: memref<!tpu.dma_semaphore, #tpu.memory_space<semaphore_mem>>, %arg31: memref<!tpu.dma_semaphore, #tpu.memory_space<semaphore_mem>>, %arg32: memref<!tpu.dma_semaphore, #tpu.memory_space<semaphore_mem>>, %arg33: memref<!tpu.dma_semaphore, #tpu.memory_space<semaphore_mem>>, %arg34: memref<!tpu.dma_semaphore, #tpu.memory_space<semaphore_mem>>, %arg35: memref<!tpu.dma_semaphore, #tpu.memory_space<semaphore_mem>>, %arg36: memref<!tpu.dma_semaphore, #tpu.memory_space<semaphore_mem>>, %arg37: memref<!tpu.dma_semaphore, #tpu.memory_space<semaphore_mem>>, %arg38: memref<!tpu.dma_semaphore, #tpu.memory_space<semaphore_mem>>, %arg39: memref<!tpu.dma_semaphore, #tpu.memory_space<semaphore_mem>>, %arg40: memref<!tpu.dma_semaphore, #tpu.memory_space<semaphore_mem>>, %arg41: memref<!tpu.dma_semaphore, #tpu.memory_space<semaphore_mem>>, %arg42: memref<10240x128xf32, #tpu.memory_space<vmem_shared>>) attributes {dimension_semantics = [#tpu.dimension_semantics<core_parallel>, #tpu.dimension_semantics<subcore_parallel>], iteration_bounds = array<i64: 2, 16>, scalar_prefetch = 0 : i64, scratch_operands = 37 : i64, tpu.core_type = #tpu.core_type<sc_vector_subcore>, window_params = [{transform_indices = #map}, {transform_indices = #map}, {transform_indices = #map1}, {transform_indices = #map1}]} {
    %mul3A = arith.constant 320000 : i32
    %mul3A_0 = arith.muli %arg0, %mul3A : i32
    %mul3A_1 = arith.constant 20000 : i32
    %mul3A_2 = arith.muli %arg1, %mul3A_1 : i32
    %add3A = arith.addi %mul3A_0, %mul3A_2 : i32
    %mul3A_3 = arith.constant 20000 : i32
    %mul3A_4 = arith.muli %arg1, %mul3A_3 : i32
    %add3A_5 = arith.constant 0 : i32
    %add3A_6 = arith.addi %add3A, %add3A_5 : i32
    %dma_start3A = tpu.memref_slice %arg2[%add3A_6] : memref<640000xi32, #tpu.memory_space<hbm>> -> memref<80xi32, #tpu.memory_space<hbm>>
    %dma_start3A_7 = tpu.memref_slice %arg2[%add3A_6] : memref<640000xi32, #tpu.memory_space<hbm>> -> memref<80xi32, #tpu.memory_space<hbm>>
    tpu.enqueue_dma source(%dma_start3A_7 : memref<80xi32, #tpu.memory_space<hbm>>) target(%arg6 : memref<80xi32, #tpu.memory_space<vmem>>) target_semaphore(%arg26 : memref<!tpu.dma_semaphore, #tpu.memory_space<semaphore_mem>>)
    %add3A_8 = arith.constant 0 : i32
    %add3A_9 = arith.addi %mul3A_4, %add3A_8 : i32
    %dma_start3A_10 = tpu.memref_slice %arg3[%add3A_9] : memref<320000xi32, #tpu.memory_space<hbm>> -> memref<80xi32, #tpu.memory_space<hbm>>
    %dma_start3A_11 = tpu.memref_slice %arg3[%add3A_9] : memref<320000xi32, #tpu.memory_space<hbm>> -> memref<80xi32, #tpu.memory_space<hbm>>
    tpu.enqueue_dma source(%dma_start3A_11 : memref<80xi32, #tpu.memory_space<hbm>>) target(%arg14 : memref<80xi32, #tpu.memory_space<vmem>>) target_semaphore(%arg26 : memref<!tpu.dma_semaphore, #tpu.memory_space<semaphore_mem>>)
    %add3A_12 = arith.constant 80 : i32
    %add3A_13 = arith.addi %add3A, %add3A_12 : i32
    %dma_start3A_14 = tpu.memref_slice %arg2[%add3A_13] : memref<640000xi32, #tpu.memory_space<hbm>> -> memref<80xi32, #tpu.memory_space<hbm>>
    %dma_start3A_15 = tpu.memref_slice %arg2[%add3A_13] : memref<640000xi32, #tpu.memory_space<hbm>> -> memref<80xi32, #tpu.memory_space<hbm>>
    tpu.enqueue_dma source(%dma_start3A_15 : memref<80xi32, #tpu.memory_space<hbm>>) target(%arg7 : memref<80xi32, #tpu.memory_space<vmem>>) target_semaphore(%arg27 : memref<!tpu.dma_semaphore, #tpu.memory_space<semaphore_mem>>)
    %add3A_16 = arith.constant 80 : i32
    %add3A_17 = arith.addi %mul3A_4, %add3A_16 : i32
    %dma_start3A_18 = tpu.memref_slice %arg3[%add3A_17] : memref<320000xi32, #tpu.memory_space<hbm>> -> memref<80xi32, #tpu.memory_space<hbm>>
    %dma_start3A_19 = tpu.memref_slice %arg3[%add3A_17] : memref<320000xi32, #tpu.memory_space<hbm>> -> memref<80xi32, #tpu.memory_space<hbm>>
    tpu.enqueue_dma source(%dma_start3A_19 : memref<80xi32, #tpu.memory_space<hbm>>) target(%arg15 : memref<80xi32, #tpu.memory_space<vmem>>) target_semaphore(%arg27 : memref<!tpu.dma_semaphore, #tpu.memory_space<semaphore_mem>>)
    %add3A_20 = arith.constant 160 : i32
    %add3A_21 = arith.addi %add3A, %add3A_20 : i32
    %dma_start3A_22 = tpu.memref_slice %arg2[%add3A_21] : memref<640000xi32, #tpu.memory_space<hbm>> -> memref<80xi32, #tpu.memory_space<hbm>>
    %dma_start3A_23 = tpu.memref_slice %arg2[%add3A_21] : memref<640000xi32, #tpu.memory_space<hbm>> -> memref<80xi32, #tpu.memory_space<hbm>>
    tpu.enqueue_dma source(%dma_start3A_23 : memref<80xi32, #tpu.memory_space<hbm>>) target(%arg8 : memref<80xi32, #tpu.memory_space<vmem>>) target_semaphore(%arg28 : memref<!tpu.dma_semaphore, #tpu.memory_space<semaphore_mem>>)
    %add3A_24 = arith.constant 160 : i32
    %add3A_25 = arith.addi %mul3A_4, %add3A_24 : i32
    %dma_start3A_26 = tpu.memref_slice %arg3[%add3A_25] : memref<320000xi32, #tpu.memory_space<hbm>> -> memref<80xi32, #tpu.memory_space<hbm>>
    %dma_start3A_27 = tpu.memref_slice %arg3[%add3A_25] : memref<320000xi32, #tpu.memory_space<hbm>> -> memref<80xi32, #tpu.memory_space<hbm>>
    tpu.enqueue_dma source(%dma_start3A_27 : memref<80xi32, #tpu.memory_space<hbm>>) target(%arg16 : memref<80xi32, #tpu.memory_space<vmem>>) target_semaphore(%arg28 : memref<!tpu.dma_semaphore, #tpu.memory_space<semaphore_mem>>)
    %add3A_28 = arith.constant 240 : i32
    %add3A_29 = arith.addi %add3A, %add3A_28 : i32
    %dma_start3A_30 = tpu.memref_slice %arg2[%add3A_29] : memref<640000xi32, #tpu.memory_space<hbm>> -> memref<80xi32, #tpu.memory_space<hbm>>
    %dma_start3A_31 = tpu.memref_slice %arg2[%add3A_29] : memref<640000xi32, #tpu.memory_space<hbm>> -> memref<80xi32, #tpu.memory_space<hbm>>
    tpu.enqueue_dma source(%dma_start3A_31 : memref<80xi32, #tpu.memory_space<hbm>>) target(%arg9 : memref<80xi32, #tpu.memory_space<vmem>>) target_semaphore(%arg29 : memref<!tpu.dma_semaphore, #tpu.memory_space<semaphore_mem>>)
    %add3A_32 = arith.constant 240 : i32
    %add3A_33 = arith.addi %mul3A_4, %add3A_32 : i32
    %dma_start3A_34 = tpu.memref_slice %arg3[%add3A_33] : memref<320000xi32, #tpu.memory_space<hbm>> -> memref<80xi32, #tpu.memory_space<hbm>>
    %dma_start3A_35 = tpu.memref_slice %arg3[%add3A_33] : memref<320000xi32, #tpu.memory_space<hbm>> -> memref<80xi32, #tpu.memory_space<hbm>>
    tpu.enqueue_dma source(%dma_start3A_35 : memref<80xi32, #tpu.memory_space<hbm>>) target(%arg17 : memref<80xi32, #tpu.memory_space<vmem>>) target_semaphore(%arg29 : memref<!tpu.dma_semaphore, #tpu.memory_space<semaphore_mem>>)
    %add3A_36 = arith.constant 320 : i32
    %add3A_37 = arith.addi %add3A, %add3A_36 : i32
    %dma_start3A_38 = tpu.memref_slice %arg2[%add3A_37] : memref<640000xi32, #tpu.memory_space<hbm>> -> memref<80xi32, #tpu.memory_space<hbm>>
    %dma_start3A_39 = tpu.memref_slice %arg2[%add3A_37] : memref<640000xi32, #tpu.memory_space<hbm>> -> memref<80xi32, #tpu.memory_space<hbm>>
    tpu.enqueue_dma source(%dma_start3A_39 : memref<80xi32, #tpu.memory_space<hbm>>) target(%arg10 : memref<80xi32, #tpu.memory_space<vmem>>) target_semaphore(%arg30 : memref<!tpu.dma_semaphore, #tpu.memory_space<semaphore_mem>>)
    %add3A_40 = arith.constant 320 : i32
    %add3A_41 = arith.addi %mul3A_4, %add3A_40 : i32
    %dma_start3A_42 = tpu.memref_slice %arg3[%add3A_41] : memref<320000xi32, #tpu.memory_space<hbm>> -> memref<80xi32, #tpu.memory_space<hbm>>
    %dma_start3A_43 = tpu.memref_slice %arg3[%add3A_41] : memref<320000xi32, #tpu.memory_space<hbm>> -> memref<80xi32, #tpu.memory_space<hbm>>
    tpu.enqueue_dma source(%dma_start3A_43 : memref<80xi32, #tpu.memory_space<hbm>>) target(%arg18 : memref<80xi32, #tpu.memory_space<vmem>>) target_semaphore(%arg30 : memref<!tpu.dma_semaphore, #tpu.memory_space<semaphore_mem>>)
    %scan3A = arith.constant 0 : i32
    %scan3A_44 = arith.constant 0 : i32
    %scan3A_45 = arith.constant 80 : i32
    %scan3A_46 = arith.addi %scan3A_44, %scan3A_45 : i32
    %scan3A_47 = arith.constant 1 : i32
    scf.for %scan3A_185 = %scan3A_44 to %scan3A_46 step %scan3A_47  : i32 {
      %broadcast_in_dim3A = arith.constant 0.000000e+00 : f32
      %broadcast_in_dim3A_186 = vector.broadcast %broadcast_in_dim3A : f32 to vector<16xf32>
      %swap3A = arith.index_cast %scan3A_185 : i32 to index
      %swap3A_187 = arith.constant 0 : index
      %swap3A_188 = tpu.vector_load %arg22[%swap3A, %swap3A_187] {strides = array<i32>} : memref<80x128xf32, #tpu.memory_space<vmem>>, vector<1x16xf32>,
      %swap3A_189 = vector.shape_cast %swap3A_188 : vector<1x16xf32> to vector<16xf32>
      %swap3A_190 = vector.shape_cast %broadcast_in_dim3A_186 : vector<16xf32> to vector<1x16xf32>
      tpu.vector_store %arg22[%swap3A, %swap3A_187], %swap3A_190 {strides = array<i32>} : memref<80x128xf32, #tpu.memory_space<vmem>>, vector<1x16xf32>,
      %broadcast_in_dim3A_191 = arith.constant 0.000000e+00 : f32
      %broadcast_in_dim3A_192 = vector.broadcast %broadcast_in_dim3A_191 : f32 to vector<16xf32>
      %swap3A_193 = arith.index_cast %scan3A_185 : i32 to index
      %swap3A_194 = arith.constant 16 : index
      %swap3A_195 = tpu.vector_load %arg22[%swap3A_193, %swap3A_194] {strides = array<i32>} : memref<80x128xf32, #tpu.memory_space<vmem>>, vector<1x16xf32>,
      %swap3A_196 = vector.shape_cast %swap3A_195 : vector<1x16xf32> to vector<16xf32>
      %swap3A_197 = vector.shape_cast %broadcast_in_dim3A_192 : vector<16xf32> to vector<1x16xf32>
      tpu.vector_store %arg22[%swap3A_193, %swap3A_194], %swap3A_197 {strides = array<i32>} : memref<80x128xf32, #tpu.memory_space<vmem>>, vector<1x16xf32>,
      %broadcast_in_dim3A_198 = arith.constant 0.000000e+00 : f32
      %broadcast_in_dim3A_199 = vector.broadcast %broadcast_in_dim3A_198 : f32 to vector<16xf32>
      %swap3A_200 = arith.index_cast %scan3A_185 : i32 to index
      %swap3A_201 = arith.constant 32 : index
      %swap3A_202 = tpu.vector_load %arg22[%swap3A_200, %swap3A_201] {strides = array<i32>} : memref<80x128xf32, #tpu.memory_space<vmem>>, vector<1x16xf32>,
      %swap3A_203 = vector.shape_cast %swap3A_202 : vector<1x16xf32> to vector<16xf32>
      %swap3A_204 = vector.shape_cast %broadcast_in_dim3A_199 : vector<16xf32> to vector<1x16xf32>
      tpu.vector_store %arg22[%swap3A_200, %swap3A_201], %swap3A_204 {strides = array<i32>} : memref<80x128xf32, #tpu.memory_space<vmem>>, vector<1x16xf32>,
      %broadcast_in_dim3A_205 = arith.constant 0.000000e+00 : f32
      %broadcast_in_dim3A_206 = vector.broadcast %broadcast_in_dim3A_205 : f32 to vector<16xf32>
      %swap3A_207 = arith.index_cast %scan3A_185 : i32 to index
      %swap3A_208 = arith.constant 48 : index
      %swap3A_209 = tpu.vector_load %arg22[%swap3A_207, %swap3A_208] {strides = array<i32>} : memref<80x128xf32, #tpu.memory_space<vmem>>, vector<1x16xf32>,
      %swap3A_210 = vector.shape_cast %swap3A_209 : vector<1x16xf32> to vector<16xf32>
      %swap3A_211 = vector.shape_cast %broadcast_in_dim3A_206 : vector<16xf32> to vector<1x16xf32>
      tpu.vector_store %arg22[%swap3A_207, %swap3A_208], %swap3A_211 {strides = array<i32>} : memref<80x128xf32, #tpu.memory_space<vmem>>, vector<1x16xf32>,
      %broadcast_in_dim3A_212 = arith.constant 0.000000e+00 : f32
      %broadcast_in_dim3A_213 = vector.broadcast %broadcast_in_dim3A_212 : f32 to vector<16xf32>
      %swap3A_214 = arith.index_cast %scan3A_185 : i32 to index
      %swap3A_215 = arith.constant 64 : index
      %swap3A_216 = tpu.vector_load %arg22[%swap3A_214, %swap3A_215] {strides = array<i32>} : memref<80x128xf32, #tpu.memory_space<vmem>>, vector<1x16xf32>,
      %swap3A_217 = vector.shape_cast %swap3A_216 : vector<1x16xf32> to vector<16xf32>
      %swap3A_218 = vector.shape_cast %broadcast_in_dim3A_213 : vector<16xf32> to vector<1x16xf32>
      tpu.vector_store %arg22[%swap3A_214, %swap3A_215], %swap3A_218 {strides = array<i32>} : memref<80x128xf32, #tpu.memory_space<vmem>>, vector<1x16xf32>,
      %broadcast_in_dim3A_219 = arith.constant 0.000000e+00 : f32
      %broadcast_in_dim3A_220 = vector.broadcast %broadcast_in_dim3A_219 : f32 to vector<16xf32>
      %swap3A_221 = arith.index_cast %scan3A_185 : i32 to index
      %swap3A_222 = arith.constant 80 : index
      %swap3A_223 = tpu.vector_load %arg22[%swap3A_221, %swap3A_222] {strides = array<i32>} : memref<80x128xf32, #tpu.memory_space<vmem>>, vector<1x16xf32>,
      %swap3A_224 = vector.shape_cast %swap3A_223 : vector<1x16xf32> to vector<16xf32>
      %swap3A_225 = vector.shape_cast %broadcast_in_dim3A_220 : vector<16xf32> to vector<1x16xf32>
      tpu.vector_store %arg22[%swap3A_221, %swap3A_222], %swap3A_225 {strides = array<i32>} : memref<80x128xf32, #tpu.memory_space<vmem>>, vector<1x16xf32>,
      %broadcast_in_dim3A_226 = arith.constant 0.000000e+00 : f32
      %broadcast_in_dim3A_227 = vector.broadcast %broadcast_in_dim3A_226 : f32 to vector<16xf32>
      %swap3A_228 = arith.index_cast %scan3A_185 : i32 to index
      %swap3A_229 = arith.constant 96 : index
      %swap3A_230 = tpu.vector_load %arg22[%swap3A_228, %swap3A_229] {strides = array<i32>} : memref<80x128xf32, #tpu.memory_space<vmem>>, vector<1x16xf32>,
      %swap3A_231 = vector.shape_cast %swap3A_230 : vector<1x16xf32> to vector<16xf32>
      %swap3A_232 = vector.shape_cast %broadcast_in_dim3A_227 : vector<16xf32> to vector<1x16xf32>
      tpu.vector_store %arg22[%swap3A_228, %swap3A_229], %swap3A_232 {strides = array<i32>} : memref<80x128xf32, #tpu.memory_space<vmem>>, vector<1x16xf32>,
      %broadcast_in_dim3A_233 = arith.constant 0.000000e+00 : f32
      %broadcast_in_dim3A_234 = vector.broadcast %broadcast_in_dim3A_233 : f32 to vector<16xf32>
      %swap3A_235 = arith.index_cast %scan3A_185 : i32 to index
      %swap3A_236 = arith.constant 112 : index
      %swap3A_237 = tpu.vector_load %arg22[%swap3A_235, %swap3A_236] {strides = array<i32>} : memref<80x128xf32, #tpu.memory_space<vmem>>, vector<1x16xf32>,
      %swap3A_238 = vector.shape_cast %swap3A_237 : vector<1x16xf32> to vector<16xf32>
      %swap3A_239 = vector.shape_cast %broadcast_in_dim3A_234 : vector<16xf32> to vector<1x16xf32>
      tpu.vector_store %arg22[%swap3A_235, %swap3A_236], %swap3A_239 {strides = array<i32>} : memref<80x128xf32, #tpu.memory_space<vmem>>, vector<1x16xf32>,
    }
    %scan3A_48 = arith.constant 80 : i32
    %mul3A_49 = arith.constant 640 : i32
    %mul3A_50 = arith.muli %arg1, %mul3A_49 : i32
    %add3A_51 = arith.constant 0 : i32
    %add3A_52 = arith.addi %mul3A_50, %add3A_51 : i32
    "tpu.region"() ({
      %run_scoped3A = tpu.sem_alloc : memref<!tpu.dma_semaphore, #tpu.memory_space<semaphore_mem>>
      %dma_start3A_185 = arith.constant 0 : i32
      %dma_start3A_186 = tpu.memref_slice %arg42[%add3A_52, %dma_start3A_185] : memref<10240x128xf32, #tpu.memory_space<vmem_shared>> -> memref<80x128xf32, #tpu.memory_space<vmem_shared>>
      %dma_start3A_187 = arith.constant 0 : i32
      %dma_start3A_188 = tpu.memref_slice %arg42[%add3A_52, %dma_start3A_187] : memref<10240x128xf32, #tpu.memory_space<vmem_shared>> -> memref<80x128xf32, #tpu.memory_space<vmem_shared>>
      tpu.enqueue_dma source(%arg22 : memref<80x128xf32, #tpu.memory_space<vmem>>) target(%dma_start3A_188 : memref<80x128xf32, #tpu.memory_space<vmem_shared>>) target_semaphore(%run_scoped3A : memref<!tpu.dma_semaphore, #tpu.memory_space<semaphore_mem>>)
      %dma_wait3A_189 = arith.constant 0 : i32
      %dma_wait3A_190 = tpu.memref_slice %arg42[%add3A_52, %dma_wait3A_189] : memref<10240x128xf32, #tpu.memory_space<vmem_shared>> -> memref<80x128xf32, #tpu.memory_space<vmem_shared>>
      %dma_wait3A_191 = arith.constant 0 : i32
      %dma_wait3A_192 = tpu.memref_slice %arg42[%add3A_52, %dma_wait3A_191] : memref<10240x128xf32, #tpu.memory_space<vmem_shared>> -> memref<80x128xf32, #tpu.memory_space<vmem_shared>>
      tpu.wait_dma2 semaphore(%run_scoped3A : memref<!tpu.dma_semaphore, #tpu.memory_space<semaphore_mem>>) src(%arg22 : memref<80x128xf32, #tpu.memory_space<vmem>>) dst(%dma_wait3A_192 : memref<80x128xf32, #tpu.memory_space<vmem_shared>>)
      tpu.yield
    }) : () -> ()
    %mul3A_53 = arith.constant 640 : i32
    %mul3A_54 = arith.muli %arg1, %mul3A_53 : i32
    %add3A_55 = arith.constant 80 : i32
    %add3A_56 = arith.addi %mul3A_54, %add3A_55 : i32
    "tpu.region"() ({
      %run_scoped3A = tpu.sem_alloc : memref<!tpu.dma_semaphore, #tpu.memory_space<semaphore_mem>>
      %dma_start3A_185 = arith.constant 0 : i32
      %dma_start3A_186 = tpu.memref_slice %arg42[%add3A_56, %dma_start3A_185] : memref<10240x128xf32, #tpu.memory_space<vmem_shared>> -> memref<80x128xf32, #tpu.memory_space<vmem_shared>>
      %dma_start3A_187 = arith.constant 0 : i32
      %dma_start3A_188 = tpu.memref_slice %arg42[%add3A_56, %dma_start3A_187] : memref<10240x128xf32, #tpu.memory_space<vmem_shared>> -> memref<80x128xf32, #tpu.memory_space<vmem_shared>>
      tpu.enqueue_dma source(%arg22 : memref<80x128xf32, #tpu.memory_space<vmem>>) target(%dma_start3A_188 : memref<80x128xf32, #tpu.memory_space<vmem_shared>>) target_semaphore(%run_scoped3A : memref<!tpu.dma_semaphore, #tpu.memory_space<semaphore_mem>>)
      %dma_wait3A_189 = arith.constant 0 : i32
      %dma_wait3A_190 = tpu.memref_slice %arg42[%add3A_56, %dma_wait3A_189] : memref<10240x128xf32, #tpu.memory_space<vmem_shared>> -> memref<80x128xf32, #tpu.memory_space<vmem_shared>>
      %dma_wait3A_191 = arith.constant 0 : i32
      %dma_wait3A_192 = tpu.memref_slice %arg42[%add3A_56, %dma_wait3A_191] : memref<10240x128xf32, #tpu.memory_space<vmem_shared>> -> memref<80x128xf32, #tpu.memory_space<vmem_shared>>
      tpu.wait_dma2 semaphore(%run_scoped3A : memref<!tpu.dma_semaphore, #tpu.memory_space<semaphore_mem>>) src(%arg22 : memref<80x128xf32, #tpu.memory_space<vmem>>) dst(%dma_wait3A_192 : memref<80x128xf32, #tpu.memory_space<vmem_shared>>)
      tpu.yield
    }) : () -> ()
    %mul3A_57 = arith.constant 640 : i32
    %mul3A_58 = arith.muli %arg1, %mul3A_57 : i32
    %add3A_59 = arith.constant 160 : i32
    %add3A_60 = arith.addi %mul3A_58, %add3A_59 : i32
    "tpu.region"() ({
      %run_scoped3A = tpu.sem_alloc : memref<!tpu.dma_semaphore, #tpu.memory_space<semaphore_mem>>
      %dma_start3A_185 = arith.constant 0 : i32
      %dma_start3A_186 = tpu.memref_slice %arg42[%add3A_60, %dma_start3A_185] : memref<10240x128xf32, #tpu.memory_space<vmem_shared>> -> memref<80x128xf32, #tpu.memory_space<vmem_shared>>
      %dma_start3A_187 = arith.constant 0 : i32
      %dma_start3A_188 = tpu.memref_slice %arg42[%add3A_60, %dma_start3A_187] : memref<10240x128xf32, #tpu.memory_space<vmem_shared>> -> memref<80x128xf32, #tpu.memory_space<vmem_shared>>
      tpu.enqueue_dma source(%arg22 : memref<80x128xf32, #tpu.memory_space<vmem>>) target(%dma_start3A_188 : memref<80x128xf32, #tpu.memory_space<vmem_shared>>) target_semaphore(%run_scoped3A : memref<!tpu.dma_semaphore, #tpu.memory_space<semaphore_mem>>)
      %dma_wait3A_189 = arith.constant 0 : i32
      %dma_wait3A_190 = tpu.memref_slice %arg42[%add3A_60, %dma_wait3A_189] : memref<10240x128xf32, #tpu.memory_space<vmem_shared>> -> memref<80x128xf32, #tpu.memory_space<vmem_shared>>
      %dma_wait3A_191 = arith.constant 0 : i32
      %dma_wait3A_192 = tpu.memref_slice %arg42[%add3A_60, %dma_wait3A_191] : memref<10240x128xf32, #tpu.memory_space<vmem_shared>> -> memref<80x128xf32, #tpu.memory_space<vmem_shared>>
      tpu.wait_dma2 semaphore(%run_scoped3A : memref<!tpu.dma_semaphore, #tpu.memory_space<semaphore_mem>>) src(%arg22 : memref<80x128xf32, #tpu.memory_space<vmem>>) dst(%dma_wait3A_192 : memref<80x128xf32, #tpu.memory_space<vmem_shared>>)
      tpu.yield
    }) : () -> ()
    %mul3A_61 = arith.constant 640 : i32
    %mul3A_62 = arith.muli %arg1, %mul3A_61 : i32
    %add3A_63 = arith.constant 240 : i32
    %add3A_64 = arith.addi %mul3A_62, %add3A_63 : i32
    "tpu.region"() ({
      %run_scoped3A = tpu.sem_alloc : memref<!tpu.dma_semaphore, #tpu.memory_space<semaphore_mem>>
      %dma_start3A_185 = arith.constant 0 : i32
      %dma_start3A_186 = tpu.memref_slice %arg42[%add3A_64, %dma_start3A_185] : memref<10240x128xf32, #tpu.memory_space<vmem_shared>> -> memref<80x128xf32, #tpu.memory_space<vmem_shared>>
      %dma_start3A_187 = arith.constant 0 : i32
      %dma_start3A_188 = tpu.memref_slice %arg42[%add3A_64, %dma_start3A_187] : memref<10240x128xf32, #tpu.memory_space<vmem_shared>> -> memref<80x128xf32, #tpu.memory_space<vmem_shared>>
      tpu.enqueue_dma source(%arg22 : memref<80x128xf32, #tpu.memory_space<vmem>>) target(%dma_start3A_188 : memref<80x128xf32, #tpu.memory_space<vmem_shared>>) target_semaphore(%run_scoped3A : memref<!tpu.dma_semaphore, #tpu.memory_space<semaphore_mem>>)
      %dma_wait3A_189 = arith.constant 0 : i32
      %dma_wait3A_190 = tpu.memref_slice %arg42[%add3A_64, %dma_wait3A_189] : memref<10240x128xf32, #tpu.memory_space<vmem_shared>> -> memref<80x128xf32, #tpu.memory_space<vmem_shared>>
      %dma_wait3A_191 = arith.constant 0 : i32
      %dma_wait3A_192 = tpu.memref_slice %arg42[%add3A_64, %dma_wait3A_191] : memref<10240x128xf32, #tpu.memory_space<vmem_shared>> -> memref<80x128xf32, #tpu.memory_space<vmem_shared>>
      tpu.wait_dma2 semaphore(%run_scoped3A : memref<!tpu.dma_semaphore, #tpu.memory_space<semaphore_mem>>) src(%arg22 : memref<80x128xf32, #tpu.memory_space<vmem>>) dst(%dma_wait3A_192 : memref<80x128xf32, #tpu.memory_space<vmem_shared>>)
      tpu.yield
    }) : () -> ()
    %mul3A_65 = arith.constant 640 : i32
    %mul3A_66 = arith.muli %arg1, %mul3A_65 : i32
    %add3A_67 = arith.constant 320 : i32
    %add3A_68 = arith.addi %mul3A_66, %add3A_67 : i32
    "tpu.region"() ({
      %run_scoped3A = tpu.sem_alloc : memref<!tpu.dma_semaphore, #tpu.memory_space<semaphore_mem>>
      %dma_start3A_185 = arith.constant 0 : i32
      %dma_start3A_186 = tpu.memref_slice %arg42[%add3A_68, %dma_start3A_185] : memref<10240x128xf32, #tpu.memory_space<vmem_shared>> -> memref<80x128xf32, #tpu.memory_space<vmem_shared>>
      %dma_start3A_187 = arith.constant 0 : i32
      %dma_start3A_188 = tpu.memref_slice %arg42[%add3A_68, %dma_start3A_187] : memref<10240x128xf32, #tpu.memory_space<vmem_shared>> -> memref<80x128xf32, #tpu.memory_space<vmem_shared>>
      tpu.enqueue_dma source(%arg22 : memref<80x128xf32, #tpu.memory_space<vmem>>) target(%dma_start3A_188 : memref<80x128xf32, #tpu.memory_space<vmem_shared>>) target_semaphore(%run_scoped3A : memref<!tpu.dma_semaphore, #tpu.memory_space<semaphore_mem>>)
      %dma_wait3A_189 = arith.constant 0 : i32
      %dma_wait3A_190 = tpu.memref_slice %arg42[%add3A_68, %dma_wait3A_189] : memref<10240x128xf32, #tpu.memory_space<vmem_shared>> -> memref<80x128xf32, #tpu.memory_space<vmem_shared>>
      %dma_wait3A_191 = arith.constant 0 : i32
      %dma_wait3A_192 = tpu.memref_slice %arg42[%add3A_68, %dma_wait3A_191] : memref<10240x128xf32, #tpu.memory_space<vmem_shared>> -> memref<80x128xf32, #tpu.memory_space<vmem_shared>>
      tpu.wait_dma2 semaphore(%run_scoped3A : memref<!tpu.dma_semaphore, #tpu.memory_space<semaphore_mem>>) src(%arg22 : memref<80x128xf32, #tpu.memory_space<vmem>>) dst(%dma_wait3A_192 : memref<80x128xf32, #tpu.memory_space<vmem_shared>>)
      tpu.yield
    }) : () -> ()
    %mul3A_69 = arith.constant 640 : i32
    %mul3A_70 = arith.muli %arg1, %mul3A_69 : i32
    %add3A_71 = arith.constant 400 : i32
    %add3A_72 = arith.addi %mul3A_70, %add3A_71 : i32
    "tpu.region"() ({
      %run_scoped3A = tpu.sem_alloc : memref<!tpu.dma_semaphore, #tpu.memory_space<semaphore_mem>>
      %dma_start3A_185 = arith.constant 0 : i32
      %dma_start3A_186 = tpu.memref_slice %arg42[%add3A_72, %dma_start3A_185] : memref<10240x128xf32, #tpu.memory_space<vmem_shared>> -> memref<80x128xf32, #tpu.memory_space<vmem_shared>>
      %dma_start3A_187 = arith.constant 0 : i32
      %dma_start3A_188 = tpu.memref_slice %arg42[%add3A_72, %dma_start3A_187] : memref<10240x128xf32, #tpu.memory_space<vmem_shared>> -> memref<80x128xf32, #tpu.memory_space<vmem_shared>>
      tpu.enqueue_dma source(%arg22 : memref<80x128xf32, #tpu.memory_space<vmem>>) target(%dma_start3A_188 : memref<80x128xf32, #tpu.memory_space<vmem_shared>>) target_semaphore(%run_scoped3A : memref<!tpu.dma_semaphore, #tpu.memory_space<semaphore_mem>>)
      %dma_wait3A_189 = arith.constant 0 : i32
      %dma_wait3A_190 = tpu.memref_slice %arg42[%add3A_72, %dma_wait3A_189] : memref<10240x128xf32, #tpu.memory_space<vmem_shared>> -> memref<80x128xf32, #tpu.memory_space<vmem_shared>>
      %dma_wait3A_191 = arith.constant 0 : i32
      %dma_wait3A_192 = tpu.memref_slice %arg42[%add3A_72, %dma_wait3A_191] : memref<10240x128xf32, #tpu.memory_space<vmem_shared>> -> memref<80x128xf32, #tpu.memory_space<vmem_shared>>
      tpu.wait_dma2 semaphore(%run_scoped3A : memref<!tpu.dma_semaphore, #tpu.memory_space<semaphore_mem>>) src(%arg22 : memref<80x128xf32, #tpu.memory_space<vmem>>) dst(%dma_wait3A_192 : memref<80x128xf32, #tpu.memory_space<vmem_shared>>)
      tpu.yield
    }) : () -> ()
    %mul3A_73 = arith.constant 640 : i32
    %mul3A_74 = arith.muli %arg1, %mul3A_73 : i32
    %add3A_75 = arith.constant 480 : i32
    %add3A_76 = arith.addi %mul3A_74, %add3A_75 : i32
    "tpu.region"() ({
      %run_scoped3A = tpu.sem_alloc : memref<!tpu.dma_semaphore, #tpu.memory_space<semaphore_mem>>
      %dma_start3A_185 = arith.constant 0 : i32
      %dma_start3A_186 = tpu.memref_slice %arg42[%add3A_76, %dma_start3A_185] : memref<10240x128xf32, #tpu.memory_space<vmem_shared>> -> memref<80x128xf32, #tpu.memory_space<vmem_shared>>
      %dma_start3A_187 = arith.constant 0 : i32
      %dma_start3A_188 = tpu.memref_slice %arg42[%add3A_76, %dma_start3A_187] : memref<10240x128xf32, #tpu.memory_space<vmem_shared>> -> memref<80x128xf32, #tpu.memory_space<vmem_shared>>
      tpu.enqueue_dma source(%arg22 : memref<80x128xf32, #tpu.memory_space<vmem>>) target(%dma_start3A_188 : memref<80x128xf32, #tpu.memory_space<vmem_shared>>) target_semaphore(%run_scoped3A : memref<!tpu.dma_semaphore, #tpu.memory_space<semaphore_mem>>)
      %dma_wait3A_189 = arith.constant 0 : i32
      %dma_wait3A_190 = tpu.memref_slice %arg42[%add3A_76, %dma_wait3A_189] : memref<10240x128xf32, #tpu.memory_space<vmem_shared>> -> memref<80x128xf32, #tpu.memory_space<vmem_shared>>
      %dma_wait3A_191 = arith.constant 0 : i32
      %dma_wait3A_192 = tpu.memref_slice %arg42[%add3A_76, %dma_wait3A_191] : memref<10240x128xf32, #tpu.memory_space<vmem_shared>> -> memref<80x128xf32, #tpu.memory_space<vmem_shared>>
      tpu.wait_dma2 semaphore(%run_scoped3A : memref<!tpu.dma_semaphore, #tpu.memory_space<semaphore_mem>>) src(%arg22 : memref<80x128xf32, #tpu.memory_space<vmem>>) dst(%dma_wait3A_192 : memref<80x128xf32, #tpu.memory_space<vmem_shared>>)
      tpu.yield
    }) : () -> ()
    %mul3A_77 = arith.constant 640 : i32
    %mul3A_78 = arith.muli %arg1, %mul3A_77 : i32
    %add3A_79 = arith.constant 560 : i32
    %add3A_80 = arith.addi %mul3A_78, %add3A_79 : i32
    "tpu.region"() ({
      %run_scoped3A = tpu.sem_alloc : memref<!tpu.dma_semaphore, #tpu.memory_space<semaphore_mem>>
      %dma_start3A_185 = arith.constant 0 : i32
      %dma_start3A_186 = tpu.memref_slice %arg42[%add3A_80, %dma_start3A_185] : memref<10240x128xf32, #tpu.memory_space<vmem_shared>> -> memref<80x128xf32, #tpu.memory_space<vmem_shared>>
      %dma_start3A_187 = arith.constant 0 : i32
      %dma_start3A_188 = tpu.memref_slice %arg42[%add3A_80, %dma_start3A_187] : memref<10240x128xf32, #tpu.memory_space<vmem_shared>> -> memref<80x128xf32, #tpu.memory_space<vmem_shared>>
      tpu.enqueue_dma source(%arg22 : memref<80x128xf32, #tpu.memory_space<vmem>>) target(%dma_start3A_188 : memref<80x128xf32, #tpu.memory_space<vmem_shared>>) target_semaphore(%run_scoped3A : memref<!tpu.dma_semaphore, #tpu.memory_space<semaphore_mem>>)
      %dma_wait3A_189 = arith.constant 0 : i32
      %dma_wait3A_190 = tpu.memref_slice %arg42[%add3A_80, %dma_wait3A_189] : memref<10240x128xf32, #tpu.memory_space<vmem_shared>> -> memref<80x128xf32, #tpu.memory_space<vmem_shared>>
      %dma_wait3A_191 = arith.constant 0 : i32
      %dma_wait3A_192 = tpu.memref_slice %arg42[%add3A_80, %dma_wait3A_191] : memref<10240x128xf32, #tpu.memory_space<vmem_shared>> -> memref<80x128xf32, #tpu.memory_space<vmem_shared>>
      tpu.wait_dma2 semaphore(%run_scoped3A : memref<!tpu.dma_semaphore, #tpu.memory_space<semaphore_mem>>) src(%arg22 : memref<80x128xf32, #tpu.memory_space<vmem>>) dst(%dma_wait3A_192 : memref<80x128xf32, #tpu.memory_space<vmem_shared>>)
      tpu.yield
    }) : () -> ()
    %dma_wait3A = arith.constant 0 : i32
    %dma_wait3A_81 = tpu.memref_slice %arg2[%dma_wait3A] : memref<640000xi32, #tpu.memory_space<hbm>> -> memref<80xi32, #tpu.memory_space<hbm>>
    %dma_wait3A_82 = arith.constant 0 : i32
    %dma_wait3A_83 = tpu.memref_slice %arg2[%dma_wait3A_82] : memref<640000xi32, #tpu.memory_space<hbm>> -> memref<80xi32, #tpu.memory_space<hbm>>
    tpu.wait_dma2 semaphore(%arg26 : memref<!tpu.dma_semaphore, #tpu.memory_space<semaphore_mem>>) src(%dma_wait3A_83 : memref<80xi32, #tpu.memory_space<hbm>>) dst(%arg6 : memref<80xi32, #tpu.memory_space<vmem>>)
    %dma_wait3A_84 = arith.constant 0 : i32
    %dma_wait3A_85 = tpu.memref_slice %arg3[%dma_wait3A_84] : memref<320000xi32, #tpu.memory_space<hbm>> -> memref<80xi32, #tpu.memory_space<hbm>>
    %dma_wait3A_86 = arith.constant 0 : i32
    %dma_wait3A_87 = tpu.memref_slice %arg3[%dma_wait3A_86] : memref<320000xi32, #tpu.memory_space<hbm>> -> memref<80xi32, #tpu.memory_space<hbm>>
    tpu.wait_dma2 semaphore(%arg26 : memref<!tpu.dma_semaphore, #tpu.memory_space<semaphore_mem>>) src(%dma_wait3A_87 : memref<80xi32, #tpu.memory_space<hbm>>) dst(%arg14 : memref<80xi32, #tpu.memory_space<vmem>>)
    %dma_start3A_88 = arith.constant 0 : i32
    %dma_start3A_89 = arith.constant 0 : i32
    %dma_start3A_90 = tpu.memref_slice %arg4[%dma_start3A_88, %dma_start3A_89] : memref<20000x128xf32, #tpu.memory_space<hbm>> -> memref<20000x128xf32, #tpu.memory_space<hbm>>
    tpu.enqueue_indirect_dma source(%dma_start3A_90 : memref<20000x128xf32, #tpu.memory_space<hbm>>) target(%arg22 : memref<80x128xf32, #tpu.memory_space<vmem>>) offsets(%arg6 : memref<80xi32, #tpu.memory_space<vmem>>) semaphore(%arg34 : memref<!tpu.dma_semaphore, #tpu.memory_space<semaphore_mem>>)
    %dma_wait3A_91 = arith.constant 0 : i32
    %dma_wait3A_92 = tpu.memref_slice %arg2[%dma_wait3A_91] : memref<640000xi32, #tpu.memory_space<hbm>> -> memref<80xi32, #tpu.memory_space<hbm>>
    %dma_wait3A_93 = arith.constant 0 : i32
    %dma_wait3A_94 = tpu.memref_slice %arg2[%dma_wait3A_93] : memref<640000xi32, #tpu.memory_space<hbm>> -> memref<80xi32, #tpu.memory_space<hbm>>
    tpu.wait_dma2 semaphore(%arg27 : memref<!tpu.dma_semaphore, #tpu.memory_space<semaphore_mem>>) src(%dma_wait3A_94 : memref<80xi32, #tpu.memory_space<hbm>>) dst(%arg7 : memref<80xi32, #tpu.memory_space<vmem>>)
    %dma_wait3A_95 = arith.constant 0 : i32
    %dma_wait3A_96 = tpu.memref_slice %arg3[%dma_wait3A_95] : memref<320000xi32, #tpu.memory_space<hbm>> -> memref<80xi32, #tpu.memory_space<hbm>>
    %dma_wait3A_97 = arith.constant 0 : i32
    %dma_wait3A_98 = tpu.memref_slice %arg3[%dma_wait3A_97] : memref<320000xi32, #tpu.memory_space<hbm>> -> memref<80xi32, #tpu.memory_space<hbm>>
    tpu.wait_dma2 semaphore(%arg27 : memref<!tpu.dma_semaphore, #tpu.memory_space<semaphore_mem>>) src(%dma_wait3A_98 : memref<80xi32, #tpu.memory_space<hbm>>) dst(%arg15 : memref<80xi32, #tpu.memory_space<vmem>>)
    %dma_start3A_99 = arith.constant 0 : i32
    %dma_start3A_100 = arith.constant 0 : i32
    %dma_start3A_101 = tpu.memref_slice %arg4[%dma_start3A_99, %dma_start3A_100] : memref<20000x128xf32, #tpu.memory_space<hbm>> -> memref<20000x128xf32, #tpu.memory_space<hbm>>
    tpu.enqueue_indirect_dma source(%dma_start3A_101 : memref<20000x128xf32, #tpu.memory_space<hbm>>) target(%arg23 : memref<80x128xf32, #tpu.memory_space<vmem>>) offsets(%arg7 : memref<80xi32, #tpu.memory_space<vmem>>) semaphore(%arg35 : memref<!tpu.dma_semaphore, #tpu.memory_space<semaphore_mem>>)
    %barrier3A = arith.constant 0 : index
    tpu.barrier barrier_id(%barrier3A)
    %scan3A_102 = arith.constant 0 : i32
    %scan3A_103 = arith.constant 0 : i32
    %scan3A_104 = arith.constant 31 : i32
    %scan3A_105 = arith.addi %scan3A_103, %scan3A_104 : i32
    %scan3A_106 = arith.constant 1 : i32
    scf.for %scan3A_185 = %scan3A_103 to %scan3A_105 step %scan3A_106  : i32 {
      %mul3A_186 = arith.constant 8 : i32
      %mul3A_187 = arith.muli %scan3A_185, %mul3A_186 : i32
      %add3A_188 = arith.constant 0 : i32
      %add3A_189 = arith.addi %mul3A_187, %add3A_188 : i32
      %add3A_190 = arith.constant 2 : i32
      %add3A_191 = arith.addi %add3A_189, %add3A_190 : i32
      %ge3A_192 = arith.constant 2 : i32
      %ge3A_193 = arith.cmpi sge, %add3A_189, %ge3A_192 : i32
      %lt3A_194 = arith.constant 250 : i32
      %lt3A_195 = arith.cmpi slt, %add3A_191, %lt3A_194 : i32
      %and3A_196 = arith.andi %ge3A_193, %lt3A_195 : i1
      %convert_element_type3A_197 = arith.extui %and3A_196 : i1 to i32
      %cond3A_198 = arith.constant 0 : i32
      %cond3A_199 = arith.cmpi ne, %convert_element_type3A_197, %cond3A_198 : i32
      scf.if %cond3A_199 {
        %dma_wait3A_442 = arith.constant 0 : i32
        %dma_wait3A_443 = arith.constant 0 : i32
        %dma_wait3A_444 = tpu.memref_slice %arg42[%dma_wait3A_442, %dma_wait3A_443] : memref<10240x128xf32, #tpu.memory_space<vmem_shared>> -> memref<10240x128xf32, #tpu.memory_space<vmem_shared>>
        tpu.wait_indirect_dma semaphore(%arg40 : memref<!tpu.dma_semaphore, #tpu.memory_space<semaphore_mem>>) src(%arg24 : memref<80x128xf32, #tpu.memory_space<vmem>>) dst(%dma_wait3A_444 : memref<10240x128xf32, #tpu.memory_space<vmem_shared>>)
      } else {
      }
      %add3A_200 = arith.constant 5 : i32
      %add3A_201 = arith.addi %add3A_189, %add3A_200 : i32
      %lt3A_202 = arith.constant 250 : i32
      %lt3A_203 = arith.cmpi slt, %add3A_201, %lt3A_202 : i32
      %convert_element_type3A_204 = arith.extui %lt3A_203 : i1 to i32
      %cond3A_205 = arith.constant 0 : i32
      %cond3A_206 = arith.cmpi ne, %convert_element_type3A_204, %cond3A_205 : i32
      scf.if %cond3A_206 {
        %mul3A_442 = arith.constant 80 : i32
        %mul3A_443 = arith.muli %add3A_201, %mul3A_442 : i32
        %add3A_444 = arith.addi %add3A, %mul3A_443 : i32
        %dma_start3A_445 = tpu.memref_slice %arg2[%add3A_444] : memref<640000xi32, #tpu.memory_space<hbm>> -> memref<80xi32, #tpu.memory_space<hbm>>
        %dma_start3A_446 = tpu.memref_slice %arg2[%add3A_444] : memref<640000xi32, #tpu.memory_space<hbm>> -> memref<80xi32, #tpu.memory_space<hbm>>
        tpu.enqueue_dma source(%dma_start3A_446 : memref<80xi32, #tpu.memory_space<hbm>>) target(%arg11 : memref<80xi32, #tpu.memory_space<vmem>>) target_semaphore(%arg31 : memref<!tpu.dma_semaphore, #tpu.memory_space<semaphore_mem>>)
        %mul3A_447 = arith.constant 80 : i32
        %mul3A_448 = arith.muli %add3A_201, %mul3A_447 : i32
        %add3A_449 = arith.addi %mul3A_4, %mul3A_448 : i32
        %dma_start3A_450 = tpu.memref_slice %arg3[%add3A_449] : memref<320000xi32, #tpu.memory_space<hbm>> -> memref<80xi32, #tpu.memory_space<hbm>>
        %dma_start3A_451 = tpu.memref_slice %arg3[%add3A_449] : memref<320000xi32, #tpu.memory_space<hbm>> -> memref<80xi32, #tpu.memory_space<hbm>>
        tpu.enqueue_dma source(%dma_start3A_451 : memref<80xi32, #tpu.memory_space<hbm>>) target(%arg19 : memref<80xi32, #tpu.memory_space<vmem>>) target_semaphore(%arg31 : memref<!tpu.dma_semaphore, #tpu.memory_space<semaphore_mem>>)
      } else {
      }
      %lt3A_207 = arith.constant 250 : i32
      %lt3A_208 = arith.cmpi slt, %add3A_191, %lt3A_207 : i32
      %convert_element_type3A_209 = arith.extui %lt3A_208 : i1 to i32
      %cond3A_210 = arith.constant 0 : i32
      %cond3A_211 = arith.cmpi ne, %convert_element_type3A_209, %cond3A_210 : i32
      scf.if %cond3A_211 {
        %dma_wait3A_442 = arith.constant 0 : i32
        %dma_wait3A_443 = tpu.memref_slice %arg2[%dma_wait3A_442] : memref<640000xi32, #tpu.memory_space<hbm>> -> memref<80xi32, #tpu.memory_space<hbm>>
        %dma_wait3A_444 = arith.constant 0 : i32
        %dma_wait3A_445 = tpu.memref_slice %arg2[%dma_wait3A_444] : memref<640000xi32, #tpu.memory_space<hbm>> -> memref<80xi32, #tpu.memory_space<hbm>>
        tpu.wait_dma2 semaphore(%arg28 : memref<!tpu.dma_semaphore, #tpu.memory_space<semaphore_mem>>) src(%dma_wait3A_445 : memref<80xi32, #tpu.memory_space<hbm>>) dst(%arg8 : memref<80xi32, #tpu.memory_space<vmem>>)
        %dma_wait3A_446 = arith.constant 0 : i32
        %dma_wait3A_447 = tpu.memref_slice %arg3[%dma_wait3A_446] : memref<320000xi32, #tpu.memory_space<hbm>> -> memref<80xi32, #tpu.memory_space<hbm>>
        %dma_wait3A_448 = arith.constant 0 : i32
        %dma_wait3A_449 = tpu.memref_slice %arg3[%dma_wait3A_448] : memref<320000xi32, #tpu.memory_space<hbm>> -> memref<80xi32, #tpu.memory_space<hbm>>
        tpu.wait_dma2 semaphore(%arg28 : memref<!tpu.dma_semaphore, #tpu.memory_space<semaphore_mem>>) src(%dma_wait3A_449 : memref<80xi32, #tpu.memory_space<hbm>>) dst(%arg16 : memref<80xi32, #tpu.memory_space<vmem>>)
        %dma_start3A_450 = arith.constant 0 : i32
        %dma_start3A_451 = arith.constant 0 : i32
        %dma_start3A_452 = tpu.memref_slice %arg4[%dma_start3A_450, %dma_start3A_451] : memref<20000x128xf32, #tpu.memory_space<hbm>> -> memref<20000x128xf32, #tpu.memory_space<hbm>>
        tpu.enqueue_indirect_dma source(%dma_start3A_452 : memref<20000x128xf32, #tpu.memory_space<hbm>>) target(%arg24 : memref<80x128xf32, #tpu.memory_space<vmem>>) offsets(%arg8 : memref<80xi32, #tpu.memory_space<vmem>>) semaphore(%arg36 : memref<!tpu.dma_semaphore, #tpu.memory_space<semaphore_mem>>)
      } else {
      }
      %dma_wait3A_212 = arith.constant 0 : i32
      %dma_wait3A_213 = arith.constant 0 : i32
      %dma_wait3A_214 = tpu.memref_slice %arg4[%dma_wait3A_212, %dma_wait3A_213] : memref<20000x128xf32, #tpu.memory_space<hbm>> -> memref<20000x128xf32, #tpu.memory_space<hbm>>
      tpu.wait_indirect_dma semaphore(%arg34 : memref<!tpu.dma_semaphore, #tpu.memory_space<semaphore_mem>>) src(%dma_wait3A_214 : memref<20000x128xf32, #tpu.memory_space<hbm>>) dst(%arg22 : memref<80x128xf32, #tpu.memory_space<vmem>>)
      %dma_start3A_215 = arith.constant 0 : i32
      %dma_start3A_216 = arith.constant 0 : i32
      %dma_start3A_217 = tpu.memref_slice %arg42[%dma_start3A_215, %dma_start3A_216] : memref<10240x128xf32, #tpu.memory_space<vmem_shared>> -> memref<10240x128xf32, #tpu.memory_space<vmem_shared>>
      tpu.enqueue_indirect_dma source(%arg22 : memref<80x128xf32, #tpu.memory_space<vmem>>) target(%dma_start3A_217 : memref<10240x128xf32, #tpu.memory_space<vmem_shared>>) offsets(%arg14 : memref<80xi32, #tpu.memory_space<vmem>>) semaphore(%arg38 : memref<!tpu.dma_semaphore, #tpu.memory_space<semaphore_mem>>) {add = true}
      %mul3A_218 = arith.constant 8 : i32
      %mul3A_219 = arith.muli %scan3A_185, %mul3A_218 : i32
      %add3A_220 = arith.constant 1 : i32
      %add3A_221 = arith.addi %mul3A_219, %add3A_220 : i32
      %add3A_222 = arith.constant 2 : i32
      %add3A_223 = arith.addi %add3A_221, %add3A_222 : i32
      %ge3A_224 = arith.constant 2 : i32
      %ge3A_225 = arith.cmpi sge, %add3A_221, %ge3A_224 : i32
      %lt3A_226 = arith.constant 250 : i32
      %lt3A_227 = arith.cmpi slt, %add3A_223, %lt3A_226 : i32
      %and3A_228 = arith.andi %ge3A_225, %lt3A_227 : i1
      %convert_element_type3A_229 = arith.extui %and3A_228 : i1 to i32
      %cond3A_230 = arith.constant 0 : i32
      %cond3A_231 = arith.cmpi ne, %convert_element_type3A_229, %cond3A_230 : i32
      scf.if %cond3A_231 {
        %dma_wait3A_442 = arith.constant 0 : i32
        %dma_wait3A_443 = arith.constant 0 : i32
        %dma_wait3A_444 = tpu.memref_slice %arg42[%dma_wait3A_442, %dma_wait3A_443] : memref<10240x128xf32, #tpu.memory_space<vmem_shared>> -> memref<10240x128xf32, #tpu.memory_space<vmem_shared>>
        tpu.wait_indirect_dma semaphore(%arg41 : memref<!tpu.dma_semaphore, #tpu.memory_space<semaphore_mem>>) src(%arg25 : memref<80x128xf32, #tpu.memory_space<vmem>>) dst(%dma_wait3A_444 : memref<10240x128xf32, #tpu.memory_space<vmem_shared>>)
      } else {
      }
      %add3A_232 = arith.constant 5 : i32
      %add3A_233 = arith.addi %add3A_221, %add3A_232 : i32
      %lt3A_234 = arith.constant 250 : i32
      %lt3A_235 = arith.cmpi slt, %add3A_233, %lt3A_234 : i32
      %convert_element_type3A_236 = arith.extui %lt3A_235 : i1 to i32
      %cond3A_237 = arith.constant 0 : i32
      %cond3A_238 = arith.cmpi ne, %convert_element_type3A_236, %cond3A_237 : i32
      scf.if %cond3A_238 {
        %mul3A_442 = arith.constant 80 : i32
        %mul3A_443 = arith.muli %add3A_233, %mul3A_442 : i32
        %add3A_444 = arith.addi %add3A, %mul3A_443 : i32
        %dma_start3A_445 = tpu.memref_slice %arg2[%add3A_444] : memref<640000xi32, #tpu.memory_space<hbm>> -> memref<80xi32, #tpu.memory_space<hbm>>
        %dma_start3A_446 = tpu.memref_slice %arg2[%add3A_444] : memref<640000xi32, #tpu.memory_space<hbm>> -> memref<80xi32, #tpu.memory_space<hbm>>
        tpu.enqueue_dma source(%dma_start3A_446 : memref<80xi32, #tpu.memory_space<hbm>>) target(%arg12 : memref<80xi32, #tpu.memory_space<vmem>>) target_semaphore(%arg32 : memref<!tpu.dma_semaphore, #tpu.memory_space<semaphore_mem>>)
        %mul3A_447 = arith.constant 80 : i32
        %mul3A_448 = arith.muli %add3A_233, %mul3A_447 : i32
        %add3A_449 = arith.addi %mul3A_4, %mul3A_448 : i32
        %dma_start3A_450 = tpu.memref_slice %arg3[%add3A_449] : memref<320000xi32, #tpu.memory_space<hbm>> -> memref<80xi32, #tpu.memory_space<hbm>>
        %dma_start3A_451 = tpu.memref_slice %arg3[%add3A_449] : memref<320000xi32, #tpu.memory_space<hbm>> -> memref<80xi32, #tpu.memory_space<hbm>>
        tpu.enqueue_dma source(%dma_start3A_451 : memref<80xi32, #tpu.memory_space<hbm>>) target(%arg20 : memref<80xi32, #tpu.memory_space<vmem>>) target_semaphore(%arg32 : memref<!tpu.dma_semaphore, #tpu.memory_space<semaphore_mem>>)
      } else {
      }
      %lt3A_239 = arith.constant 250 : i32
      %lt3A_240 = arith.cmpi slt, %add3A_223, %lt3A_239 : i32
      %convert_element_type3A_241 = arith.extui %lt3A_240 : i1 to i32
      %cond3A_242 = arith.constant 0 : i32
      %cond3A_243 = arith.cmpi ne, %convert_element_type3A_241, %cond3A_242 : i32
      scf.if %cond3A_243 {
        %dma_wait3A_442 = arith.constant 0 : i32
        %dma_wait3A_443 = tpu.memref_slice %arg2[%dma_wait3A_442] : memref<640000xi32, #tpu.memory_space<hbm>> -> memref<80xi32, #tpu.memory_space<hbm>>
        %dma_wait3A_444 = arith.constant 0 : i32
        %dma_wait3A_445 = tpu.memref_slice %arg2[%dma_wait3A_444] : memref<640000xi32, #tpu.memory_space<hbm>> -> memref<80xi32, #tpu.memory_space<hbm>>
        tpu.wait_dma2 semaphore(%arg29 : memref<!tpu.dma_semaphore, #tpu.memory_space<semaphore_mem>>) src(%dma_wait3A_445 : memref<80xi32, #tpu.memory_space<hbm>>) dst(%arg9 : memref<80xi32, #tpu.memory_space<vmem>>)
        %dma_wait3A_446 = arith.constant 0 : i32
        %dma_wait3A_447 = tpu.memref_slice %arg3[%dma_wait3A_446] : memref<320000xi32, #tpu.memory_space<hbm>> -> memref<80xi32, #tpu.memory_space<hbm>>
        %dma_wait3A_448 = arith.constant 0 : i32
        %dma_wait3A_449 = tpu.memref_slice %arg3[%dma_wait3A_448] : memref<320000xi32, #tpu.memory_space<hbm>> -> memref<80xi32, #tpu.memory_space<hbm>>
        tpu.wait_dma2 semaphore(%arg29 : memref<!tpu.dma_semaphore, #tpu.memory_space<semaphore_mem>>) src(%dma_wait3A_449 : memref<80xi32, #tpu.memory_space<hbm>>) dst(%arg17 : memref<80xi32, #tpu.memory_space<vmem>>)
        %dma_start3A_450 = arith.constant 0 : i32
        %dma_start3A_451 = arith.constant 0 : i32
        %dma_start3A_452 = tpu.memref_slice %arg4[%dma_start3A_450, %dma_start3A_451] : memref<20000x128xf32, #tpu.memory_space<hbm>> -> memref<20000x128xf32, #tpu.memory_space<hbm>>
        tpu.enqueue_indirect_dma source(%dma_start3A_452 : memref<20000x128xf32, #tpu.memory_space<hbm>>) target(%arg25 : memref<80x128xf32, #tpu.memory_space<vmem>>) offsets(%arg9 : memref<80xi32, #tpu.memory_space<vmem>>) semaphore(%arg37 : memref<!tpu.dma_semaphore, #tpu.memory_space<semaphore_mem>>)
      } else {
      }
      %dma_wait3A_244 = arith.constant 0 : i32
      %dma_wait3A_245 = arith.constant 0 : i32
      %dma_wait3A_246 = tpu.memref_slice %arg4[%dma_wait3A_244, %dma_wait3A_245] : memref<20000x128xf32, #tpu.memory_space<hbm>> -> memref<20000x128xf32, #tpu.memory_space<hbm>>
      tpu.wait_indirect_dma semaphore(%arg35 : memref<!tpu.dma_semaphore, #tpu.memory_space<semaphore_mem>>) src(%dma_wait3A_246 : memref<20000x128xf32, #tpu.memory_space<hbm>>) dst(%arg23 : memref<80x128xf32, #tpu.memory_space<vmem>>)
      %dma_start3A_247 = arith.constant 0 : i32
      %dma_start3A_248 = arith.constant 0 : i32
      %dma_start3A_249 = tpu.memref_slice %arg42[%dma_start3A_247, %dma_start3A_248] : memref<10240x128xf32, #tpu.memory_space<vmem_shared>> -> memref<10240x128xf32, #tpu.memory_space<vmem_shared>>
      tpu.enqueue_indirect_dma source(%arg23 : memref<80x128xf32, #tpu.memory_space<vmem>>) target(%dma_start3A_249 : memref<10240x128xf32, #tpu.memory_space<vmem_shared>>) offsets(%arg15 : memref<80xi32, #tpu.memory_space<vmem>>) semaphore(%arg39 : memref<!tpu.dma_semaphore, #tpu.memory_space<semaphore_mem>>) {add = true}
      %mul3A_250 = arith.constant 8 : i32
      %mul3A_251 = arith.muli %scan3A_185, %mul3A_250 : i32
      %add3A_252 = arith.constant 2 : i32
      %add3A_253 = arith.addi %mul3A_251, %add3A_252 : i32
      %add3A_254 = arith.constant 2 : i32
      %add3A_255 = arith.addi %add3A_253, %add3A_254 : i32
      %ge3A_256 = arith.constant 2 : i32
      %ge3A_257 = arith.cmpi sge, %add3A_253, %ge3A_256 : i32
      %lt3A_258 = arith.constant 250 : i32
      %lt3A_259 = arith.cmpi slt, %add3A_255, %lt3A_258 : i32
      %and3A_260 = arith.andi %ge3A_257, %lt3A_259 : i1
      %convert_element_type3A_261 = arith.extui %and3A_260 : i1 to i32
      %cond3A_262 = arith.constant 0 : i32
      %cond3A_263 = arith.cmpi ne, %convert_element_type3A_261, %cond3A_262 : i32
      scf.if %cond3A_263 {
        %dma_wait3A_442 = arith.constant 0 : i32
        %dma_wait3A_443 = arith.constant 0 : i32
        %dma_wait3A_444 = tpu.memref_slice %arg42[%dma_wait3A_442, %dma_wait3A_443] : memref<10240x128xf32, #tpu.memory_space<vmem_shared>> -> memref<10240x128xf32, #tpu.memory_space<vmem_shared>>
        tpu.wait_indirect_dma semaphore(%arg38 : memref<!tpu.dma_semaphore, #tpu.memory_space<semaphore_mem>>) src(%arg22 : memref<80x128xf32, #tpu.memory_space<vmem>>) dst(%dma_wait3A_444 : memref<10240x128xf32, #tpu.memory_space<vmem_shared>>)
      } else {
      }
      %add3A_264 = arith.constant 5 : i32
      %add3A_265 = arith.addi %add3A_253, %add3A_264 : i32
      %lt3A_266 = arith.constant 250 : i32
      %lt3A_267 = arith.cmpi slt, %add3A_265, %lt3A_266 : i32
      %convert_element_type3A_268 = arith.extui %lt3A_267 : i1 to i32
      %cond3A_269 = arith.constant 0 : i32
      %cond3A_270 = arith.cmpi ne, %convert_element_type3A_268, %cond3A_269 : i32
      scf.if %cond3A_270 {
        %mul3A_442 = arith.constant 80 : i32
        %mul3A_443 = arith.muli %add3A_265, %mul3A_442 : i32
        %add3A_444 = arith.addi %add3A, %mul3A_443 : i32
        %dma_start3A_445 = tpu.memref_slice %arg2[%add3A_444] : memref<640000xi32, #tpu.memory_space<hbm>> -> memref<80xi32, #tpu.memory_space<hbm>>
        %dma_start3A_446 = tpu.memref_slice %arg2[%add3A_444] : memref<640000xi32, #tpu.memory_space<hbm>> -> memref<80xi32, #tpu.memory_space<hbm>>
        tpu.enqueue_dma source(%dma_start3A_446 : memref<80xi32, #tpu.memory_space<hbm>>) target(%arg13 : memref<80xi32, #tpu.memory_space<vmem>>) target_semaphore(%arg33 : memref<!tpu.dma_semaphore, #tpu.memory_space<semaphore_mem>>)
        %mul3A_447 = arith.constant 80 : i32
        %mul3A_448 = arith.muli %add3A_265, %mul3A_447 : i32
        %add3A_449 = arith.addi %mul3A_4, %mul3A_448 : i32
        %dma_start3A_450 = tpu.memref_slice %arg3[%add3A_449] : memref<320000xi32, #tpu.memory_space<hbm>> -> memref<80xi32, #tpu.memory_space<hbm>>
        %dma_start3A_451 = tpu.memref_slice %arg3[%add3A_449] : memref<320000xi32, #tpu.memory_space<hbm>> -> memref<80xi32, #tpu.memory_space<hbm>>
        tpu.enqueue_dma source(%dma_start3A_451 : memref<80xi32, #tpu.memory_space<hbm>>) target(%arg21 : memref<80xi32, #tpu.memory_space<vmem>>) target_semaphore(%arg33 : memref<!tpu.dma_semaphore, #tpu.memory_space<semaphore_mem>>)
      } else {
      }
      %lt3A_271 = arith.constant 250 : i32
      %lt3A_272 = arith.cmpi slt, %add3A_255, %lt3A_271 : i32
      %convert_element_type3A_273 = arith.extui %lt3A_272 : i1 to i32
      %cond3A_274 = arith.constant 0 : i32
      %cond3A_275 = arith.cmpi ne, %convert_element_type3A_273, %cond3A_274 : i32
      scf.if %cond3A_275 {
        %dma_wait3A_442 = arith.constant 0 : i32
        %dma_wait3A_443 = tpu.memref_slice %arg2[%dma_wait3A_442] : memref<640000xi32, #tpu.memory_space<hbm>> -> memref<80xi32, #tpu.memory_space<hbm>>
        %dma_wait3A_444 = arith.constant 0 : i32
        %dma_wait3A_445 = tpu.memref_slice %arg2[%dma_wait3A_444] : memref<640000xi32, #tpu.memory_space<hbm>> -> memref<80xi32, #tpu.memory_space<hbm>>
        tpu.wait_dma2 semaphore(%arg30 : memref<!tpu.dma_semaphore, #tpu.memory_space<semaphore_mem>>) src(%dma_wait3A_445 : memref<80xi32, #tpu.memory_space<hbm>>) dst(%arg10 : memref<80xi32, #tpu.memory_space<vmem>>)
        %dma_wait3A_446 = arith.constant 0 : i32
        %dma_wait3A_447 = tpu.memref_slice %arg3[%dma_wait3A_446] : memref<320000xi32, #tpu.memory_space<hbm>> -> memref<80xi32, #tpu.memory_space<hbm>>
        %dma_wait3A_448 = arith.constant 0 : i32
        %dma_wait3A_449 = tpu.memref_slice %arg3[%dma_wait3A_448] : memref<320000xi32, #tpu.memory_space<hbm>> -> memref<80xi32, #tpu.memory_space<hbm>>
        tpu.wait_dma2 semaphore(%arg30 : memref<!tpu.dma_semaphore, #tpu.memory_space<semaphore_mem>>) src(%dma_wait3A_449 : memref<80xi32, #tpu.memory_space<hbm>>) dst(%arg18 : memref<80xi32, #tpu.memory_space<vmem>>)
        %dma_start3A_450 = arith.constant 0 : i32
        %dma_start3A_451 = arith.constant 0 : i32
        %dma_start3A_452 = tpu.memref_slice %arg4[%dma_start3A_450, %dma_start3A_451] : memref<20000x128xf32, #tpu.memory_space<hbm>> -> memref<20000x128xf32, #tpu.memory_space<hbm>>
        tpu.enqueue_indirect_dma source(%dma_start3A_452 : memref<20000x128xf32, #tpu.memory_space<hbm>>) target(%arg22 : memref<80x128xf32, #tpu.memory_space<vmem>>) offsets(%arg10 : memref<80xi32, #tpu.memory_space<vmem>>) semaphore(%arg34 : memref<!tpu.dma_semaphore, #tpu.memory_space<semaphore_mem>>)
      } else {
      }
      %dma_wait3A_276 = arith.constant 0 : i32
      %dma_wait3A_277 = arith.constant 0 : i32
      %dma_wait3A_278 = tpu.memref_slice %arg4[%dma_wait3A_276, %dma_wait3A_277] : memref<20000x128xf32, #tpu.memory_space<hbm>> -> memref<20000x128xf32, #tpu.memory_space<hbm>>
      tpu.wait_indirect_dma semaphore(%arg36 : memref<!tpu.dma_semaphore, #tpu.memory_space<semaphore_mem>>) src(%dma_wait3A_278 : memref<20000x128xf32, #tpu.memory_space<hbm>>) dst(%arg24 : memref<80x128xf32, #tpu.memory_space<vmem>>)
      %dma_start3A_279 = arith.constant 0 : i32
      %dma_start3A_280 = arith.constant 0 : i32
      %dma_start3A_281 = tpu.memref_slice %arg42[%dma_start3A_279, %dma_start3A_280] : memref<10240x128xf32, #tpu.memory_space<vmem_shared>> -> memref<10240x128xf32, #tpu.memory_space<vmem_shared>>
      tpu.enqueue_indirect_dma source(%arg24 : memref<80x128xf32, #tpu.memory_space<vmem>>) target(%dma_start3A_281 : memref<10240x128xf32, #tpu.memory_space<vmem_shared>>) offsets(%arg16 : memref<80xi32, #tpu.memory_space<vmem>>) semaphore(%arg40 : memref<!tpu.dma_semaphore, #tpu.memory_space<semaphore_mem>>) {add = true}
      %mul3A_282 = arith.constant 8 : i32
      %mul3A_283 = arith.muli %scan3A_185, %mul3A_282 : i32
      %add3A_284 = arith.constant 3 : i32
      %add3A_285 = arith.addi %mul3A_283, %add3A_284 : i32
      %add3A_286 = arith.constant 2 : i32
      %add3A_287 = arith.addi %add3A_285, %add3A_286 : i32
      %ge3A_288 = arith.constant 2 : i32
      %ge3A_289 = arith.cmpi sge, %add3A_285, %ge3A_288 : i32
      %lt3A_290 = arith.constant 250 : i32
      %lt3A_291 = arith.cmpi slt, %add3A_287, %lt3A_290 : i32
      %and3A_292 = arith.andi %ge3A_289, %lt3A_291 : i1
      %convert_element_type3A_293 = arith.extui %and3A_292 : i1 to i32
      %cond3A_294 = arith.constant 0 : i32
      %cond3A_295 = arith.cmpi ne, %convert_element_type3A_293, %cond3A_294 : i32
      scf.if %cond3A_295 {
        %dma_wait3A_442 = arith.constant 0 : i32
        %dma_wait3A_443 = arith.constant 0 : i32
        %dma_wait3A_444 = tpu.memref_slice %arg42[%dma_wait3A_442, %dma_wait3A_443] : memref<10240x128xf32, #tpu.memory_space<vmem_shared>> -> memref<10240x128xf32, #tpu.memory_space<vmem_shared>>
        tpu.wait_indirect_dma semaphore(%arg39 : memref<!tpu.dma_semaphore, #tpu.memory_space<semaphore_mem>>) src(%arg23 : memref<80x128xf32, #tpu.memory_space<vmem>>) dst(%dma_wait3A_444 : memref<10240x128xf32, #tpu.memory_space<vmem_shared>>)
      } else {
      }
      %add3A_296 = arith.constant 5 : i32
      %add3A_297 = arith.addi %add3A_285, %add3A_296 : i32
      %lt3A_298 = arith.constant 250 : i32
      %lt3A_299 = arith.cmpi slt, %add3A_297, %lt3A_298 : i32
      %convert_element_type3A_300 = arith.extui %lt3A_299 : i1 to i32
      %cond3A_301 = arith.constant 0 : i32
      %cond3A_302 = arith.cmpi ne, %convert_element_type3A_300, %cond3A_301 : i32
      scf.if %cond3A_302 {
        %mul3A_442 = arith.constant 80 : i32
        %mul3A_443 = arith.muli %add3A_297, %mul3A_442 : i32
        %add3A_444 = arith.addi %add3A, %mul3A_443 : i32
        %dma_start3A_445 = tpu.memref_slice %arg2[%add3A_444] : memref<640000xi32, #tpu.memory_space<hbm>> -> memref<80xi32, #tpu.memory_space<hbm>>
        %dma_start3A_446 = tpu.memref_slice %arg2[%add3A_444] : memref<640000xi32, #tpu.memory_space<hbm>> -> memref<80xi32, #tpu.memory_space<hbm>>
        tpu.enqueue_dma source(%dma_start3A_446 : memref<80xi32, #tpu.memory_space<hbm>>) target(%arg6 : memref<80xi32, #tpu.memory_space<vmem>>) target_semaphore(%arg26 : memref<!tpu.dma_semaphore, #tpu.memory_space<semaphore_mem>>)
        %mul3A_447 = arith.constant 80 : i32
        %mul3A_448 = arith.muli %add3A_297, %mul3A_447 : i32
        %add3A_449 = arith.addi %mul3A_4, %mul3A_448 : i32
        %dma_start3A_450 = tpu.memref_slice %arg3[%add3A_449] : memref<320000xi32, #tpu.memory_space<hbm>> -> memref<80xi32, #tpu.memory_space<hbm>>
        %dma_start3A_451 = tpu.memref_slice %arg3[%add3A_449] : memref<320000xi32, #tpu.memory_space<hbm>> -> memref<80xi32, #tpu.memory_space<hbm>>
        tpu.enqueue_dma source(%dma_start3A_451 : memref<80xi32, #tpu.memory_space<hbm>>) target(%arg14 : memref<80xi32, #tpu.memory_space<vmem>>) target_semaphore(%arg26 : memref<!tpu.dma_semaphore, #tpu.memory_space<semaphore_mem>>)
      } else {
      }
      %lt3A_303 = arith.constant 250 : i32
      %lt3A_304 = arith.cmpi slt, %add3A_287, %lt3A_303 : i32
      %convert_element_type3A_305 = arith.extui %lt3A_304 : i1 to i32
      %cond3A_306 = arith.constant 0 : i32
      %cond3A_307 = arith.cmpi ne, %convert_element_type3A_305, %cond3A_306 : i32
      scf.if %cond3A_307 {
        %dma_wait3A_442 = arith.constant 0 : i32
        %dma_wait3A_443 = tpu.memref_slice %arg2[%dma_wait3A_442] : memref<640000xi32, #tpu.memory_space<hbm>> -> memref<80xi32, #tpu.memory_space<hbm>>
        %dma_wait3A_444 = arith.constant 0 : i32
        %dma_wait3A_445 = tpu.memref_slice %arg2[%dma_wait3A_444] : memref<640000xi32, #tpu.memory_space<hbm>> -> memref<80xi32, #tpu.memory_space<hbm>>
        tpu.wait_dma2 semaphore(%arg31 : memref<!tpu.dma_semaphore, #tpu.memory_space<semaphore_mem>>) src(%dma_wait3A_445 : memref<80xi32, #tpu.memory_space<hbm>>) dst(%arg11 : memref<80xi32, #tpu.memory_space<vmem>>)
        %dma_wait3A_446 = arith.constant 0 : i32
        %dma_wait3A_447 = tpu.memref_slice %arg3[%dma_wait3A_446] : memref<320000xi32, #tpu.memory_space<hbm>> -> memref<80xi32, #tpu.memory_space<hbm>>
        %dma_wait3A_448 = arith.constant 0 : i32
        %dma_wait3A_449 = tpu.memref_slice %arg3[%dma_wait3A_448] : memref<320000xi32, #tpu.memory_space<hbm>> -> memref<80xi32, #tpu.memory_space<hbm>>
        tpu.wait_dma2 semaphore(%arg31 : memref<!tpu.dma_semaphore, #tpu.memory_space<semaphore_mem>>) src(%dma_wait3A_449 : memref<80xi32, #tpu.memory_space<hbm>>) dst(%arg19 : memref<80xi32, #tpu.memory_space<vmem>>)
        %dma_start3A_450 = arith.constant 0 : i32
        %dma_start3A_451 = arith.constant 0 : i32
        %dma_start3A_452 = tpu.memref_slice %arg4[%dma_start3A_450, %dma_start3A_451] : memref<20000x128xf32, #tpu.memory_space<hbm>> -> memref<20000x128xf32, #tpu.memory_space<hbm>>
        tpu.enqueue_indirect_dma source(%dma_start3A_452 : memref<20000x128xf32, #tpu.memory_space<hbm>>) target(%arg23 : memref<80x128xf32, #tpu.memory_space<vmem>>) offsets(%arg11 : memref<80xi32, #tpu.memory_space<vmem>>) semaphore(%arg35 : memref<!tpu.dma_semaphore, #tpu.memory_space<semaphore_mem>>)
      } else {
      }
      %dma_wait3A_308 = arith.constant 0 : i32
      %dma_wait3A_309 = arith.constant 0 : i32
      %dma_wait3A_310 = tpu.memref_slice %arg4[%dma_wait3A_308, %dma_wait3A_309] : memref<20000x128xf32, #tpu.memory_space<hbm>> -> memref<20000x128xf32, #tpu.memory_space<hbm>>
      tpu.wait_indirect_dma semaphore(%arg37 : memref<!tpu.dma_semaphore, #tpu.memory_space<semaphore_mem>>) src(%dma_wait3A_310 : memref<20000x128xf32, #tpu.memory_space<hbm>>) dst(%arg25 : memref<80x128xf32, #tpu.memory_space<vmem>>)
      %dma_start3A_311 = arith.constant 0 : i32
      %dma_start3A_312 = arith.constant 0 : i32
      %dma_start3A_313 = tpu.memref_slice %arg42[%dma_start3A_311, %dma_start3A_312] : memref<10240x128xf32, #tpu.memory_space<vmem_shared>> -> memref<10240x128xf32, #tpu.memory_space<vmem_shared>>
      tpu.enqueue_indirect_dma source(%arg25 : memref<80x128xf32, #tpu.memory_space<vmem>>) target(%dma_start3A_313 : memref<10240x128xf32, #tpu.memory_space<vmem_shared>>) offsets(%arg17 : memref<80xi32, #tpu.memory_space<vmem>>) semaphore(%arg41 : memref<!tpu.dma_semaphore, #tpu.memory_space<semaphore_mem>>) {add = true}
      %mul3A_314 = arith.constant 8 : i32
      %mul3A_315 = arith.muli %scan3A_185, %mul3A_314 : i32
      %add3A_316 = arith.constant 4 : i32
      %add3A_317 = arith.addi %mul3A_315, %add3A_316 : i32
      %add3A_318 = arith.constant 2 : i32
      %add3A_319 = arith.addi %add3A_317, %add3A_318 : i32
      %ge3A_320 = arith.constant 2 : i32
      %ge3A_321 = arith.cmpi sge, %add3A_317, %ge3A_320 : i32
      %lt3A_322 = arith.constant 250 : i32
      %lt3A_323 = arith.cmpi slt, %add3A_319, %lt3A_322 : i32
      %and3A_324 = arith.andi %ge3A_321, %lt3A_323 : i1
      %convert_element_type3A_325 = arith.extui %and3A_324 : i1 to i32
      %cond3A_326 = arith.constant 0 : i32
      %cond3A_327 = arith.cmpi ne, %convert_element_type3A_325, %cond3A_326 : i32
      scf.if %cond3A_327 {
        %dma_wait3A_442 = arith.constant 0 : i32
        %dma_wait3A_443 = arith.constant 0 : i32
        %dma_wait3A_444 = tpu.memref_slice %arg42[%dma_wait3A_442, %dma_wait3A_443] : memref<10240x128xf32, #tpu.memory_space<vmem_shared>> -> memref<10240x128xf32, #tpu.memory_space<vmem_shared>>
        tpu.wait_indirect_dma semaphore(%arg40 : memref<!tpu.dma_semaphore, #tpu.memory_space<semaphore_mem>>) src(%arg24 : memref<80x128xf32, #tpu.memory_space<vmem>>) dst(%dma_wait3A_444 : memref<10240x128xf32, #tpu.memory_space<vmem_shared>>)
      } else {
      }
      %add3A_328 = arith.constant 5 : i32
      %add3A_329 = arith.addi %add3A_317, %add3A_328 : i32
      %lt3A_330 = arith.constant 250 : i32
      %lt3A_331 = arith.cmpi slt, %add3A_329, %lt3A_330 : i32
      %convert_element_type3A_332 = arith.extui %lt3A_331 : i1 to i32
      %cond3A_333 = arith.constant 0 : i32
      %cond3A_334 = arith.cmpi ne, %convert_element_type3A_332, %cond3A_333 : i32
      scf.if %cond3A_334 {
        %mul3A_442 = arith.constant 80 : i32
        %mul3A_443 = arith.muli %add3A_329, %mul3A_442 : i32
        %add3A_444 = arith.addi %add3A, %mul3A_443 : i32
        %dma_start3A_445 = tpu.memref_slice %arg2[%add3A_444] : memref<640000xi32, #tpu.memory_space<hbm>> -> memref<80xi32, #tpu.memory_space<hbm>>
        %dma_start3A_446 = tpu.memref_slice %arg2[%add3A_444] : memref<640000xi32, #tpu.memory_space<hbm>> -> memref<80xi32, #tpu.memory_space<hbm>>
        tpu.enqueue_dma source(%dma_start3A_446 : memref<80xi32, #tpu.memory_space<hbm>>) target(%arg7 : memref<80xi32, #tpu.memory_space<vmem>>) target_semaphore(%arg27 : memref<!tpu.dma_semaphore, #tpu.memory_space<semaphore_mem>>)
        %mul3A_447 = arith.constant 80 : i32
        %mul3A_448 = arith.muli %add3A_329, %mul3A_447 : i32
        %add3A_449 = arith.addi %mul3A_4, %mul3A_448 : i32
        %dma_start3A_450 = tpu.memref_slice %arg3[%add3A_449] : memref<320000xi32, #tpu.memory_space<hbm>> -> memref<80xi32, #tpu.memory_space<hbm>>
        %dma_start3A_451 = tpu.memref_slice %arg3[%add3A_449] : memref<320000xi32, #tpu.memory_space<hbm>> -> memref<80xi32, #tpu.memory_space<hbm>>
        tpu.enqueue_dma source(%dma_start3A_451 : memref<80xi32, #tpu.memory_space<hbm>>) target(%arg15 : memref<80xi32, #tpu.memory_space<vmem>>) target_semaphore(%arg27 : memref<!tpu.dma_semaphore, #tpu.memory_space<semaphore_mem>>)
      } else {
      }
      %lt3A_335 = arith.constant 250 : i32
      %lt3A_336 = arith.cmpi slt, %add3A_319, %lt3A_335 : i32
      %convert_element_type3A_337 = arith.extui %lt3A_336 : i1 to i32
      %cond3A_338 = arith.constant 0 : i32
      %cond3A_339 = arith.cmpi ne, %convert_element_type3A_337, %cond3A_338 : i32
      scf.if %cond3A_339 {
        %dma_wait3A_442 = arith.constant 0 : i32
        %dma_wait3A_443 = tpu.memref_slice %arg2[%dma_wait3A_442] : memref<640000xi32, #tpu.memory_space<hbm>> -> memref<80xi32, #tpu.memory_space<hbm>>
        %dma_wait3A_444 = arith.constant 0 : i32
        %dma_wait3A_445 = tpu.memref_slice %arg2[%dma_wait3A_444] : memref<640000xi32, #tpu.memory_space<hbm>> -> memref<80xi32, #tpu.memory_space<hbm>>
        tpu.wait_dma2 semaphore(%arg32 : memref<!tpu.dma_semaphore, #tpu.memory_space<semaphore_mem>>) src(%dma_wait3A_445 : memref<80xi32, #tpu.memory_space<hbm>>) dst(%arg12 : memref<80xi32, #tpu.memory_space<vmem>>)
        %dma_wait3A_446 = arith.constant 0 : i32
        %dma_wait3A_447 = tpu.memref_slice %arg3[%dma_wait3A_446] : memref<320000xi32, #tpu.memory_space<hbm>> -> memref<80xi32, #tpu.memory_space<hbm>>
        %dma_wait3A_448 = arith.constant 0 : i32
        %dma_wait3A_449 = tpu.memref_slice %arg3[%dma_wait3A_448] : memref<320000xi32, #tpu.memory_space<hbm>> -> memref<80xi32, #tpu.memory_space<hbm>>
        tpu.wait_dma2 semaphore(%arg32 : memref<!tpu.dma_semaphore, #tpu.memory_space<semaphore_mem>>) src(%dma_wait3A_449 : memref<80xi32, #tpu.memory_space<hbm>>) dst(%arg20 : memref<80xi32, #tpu.memory_space<vmem>>)
        %dma_start3A_450 = arith.constant 0 : i32
        %dma_start3A_451 = arith.constant 0 : i32
        %dma_start3A_452 = tpu.memref_slice %arg4[%dma_start3A_450, %dma_start3A_451] : memref<20000x128xf32, #tpu.memory_space<hbm>> -> memref<20000x128xf32, #tpu.memory_space<hbm>>
        tpu.enqueue_indirect_dma source(%dma_start3A_452 : memref<20000x128xf32, #tpu.memory_space<hbm>>) target(%arg24 : memref<80x128xf32, #tpu.memory_space<vmem>>) offsets(%arg12 : memref<80xi32, #tpu.memory_space<vmem>>) semaphore(%arg36 : memref<!tpu.dma_semaphore, #tpu.memory_space<semaphore_mem>>)
      } else {
      }
      %dma_wait3A_340 = arith.constant 0 : i32
      %dma_wait3A_341 = arith.constant 0 : i32
      %dma_wait3A_342 = tpu.memref_slice %arg4[%dma_wait3A_340, %dma_wait3A_341] : memref<20000x128xf32, #tpu.memory_space<hbm>> -> memref<20000x128xf32, #tpu.memory_space<hbm>>
      tpu.wait_indirect_dma semaphore(%arg34 : memref<!tpu.dma_semaphore, #tpu.memory_space<semaphore_mem>>) src(%dma_wait3A_342 : memref<20000x128xf32, #tpu.memory_space<hbm>>) dst(%arg22 : memref<80x128xf32, #tpu.memory_space<vmem>>)
      %dma_start3A_343 = arith.constant 0 : i32
      %dma_start3A_344 = arith.constant 0 : i32
      %dma_start3A_345 = tpu.memref_slice %arg42[%dma_start3A_343, %dma_start3A_344] : memref<10240x128xf32, #tpu.memory_space<vmem_shared>> -> memref<10240x128xf32, #tpu.memory_space<vmem_shared>>
      tpu.enqueue_indirect_dma source(%arg22 : memref<80x128xf32, #tpu.memory_space<vmem>>) target(%dma_start3A_345 : memref<10240x128xf32, #tpu.memory_space<vmem_shared>>) offsets(%arg18 : memref<80xi32, #tpu.memory_space<vmem>>) semaphore(%arg38 : memref<!tpu.dma_semaphore, #tpu.memory_space<semaphore_mem>>) {add = true}
      %mul3A_346 = arith.constant 8 : i32
      %mul3A_347 = arith.muli %scan3A_185, %mul3A_346 : i32
      %add3A_348 = arith.constant 5 : i32
      %add3A_349 = arith.addi %mul3A_347, %add3A_348 : i32
      %add3A_350 = arith.constant 2 : i32
      %add3A_351 = arith.addi %add3A_349, %add3A_350 : i32
      %ge3A_352 = arith.constant 2 : i32
      %ge3A_353 = arith.cmpi sge, %add3A_349, %ge3A_352 : i32
      %lt3A_354 = arith.constant 250 : i32
      %lt3A_355 = arith.cmpi slt, %add3A_351, %lt3A_354 : i32
      %and3A_356 = arith.andi %ge3A_353, %lt3A_355 : i1
      %convert_element_type3A_357 = arith.extui %and3A_356 : i1 to i32
      %cond3A_358 = arith.constant 0 : i32
      %cond3A_359 = arith.cmpi ne, %convert_element_type3A_357, %cond3A_358 : i32
      scf.if %cond3A_359 {
        %dma_wait3A_442 = arith.constant 0 : i32
        %dma_wait3A_443 = arith.constant 0 : i32
        %dma_wait3A_444 = tpu.memref_slice %arg42[%dma_wait3A_442, %dma_wait3A_443] : memref<10240x128xf32, #tpu.memory_space<vmem_shared>> -> memref<10240x128xf32, #tpu.memory_space<vmem_shared>>
        tpu.wait_indirect_dma semaphore(%arg41 : memref<!tpu.dma_semaphore, #tpu.memory_space<semaphore_mem>>) src(%arg25 : memref<80x128xf32, #tpu.memory_space<vmem>>) dst(%dma_wait3A_444 : memref<10240x128xf32, #tpu.memory_space<vmem_shared>>)
      } else {
      }
      %add3A_360 = arith.constant 5 : i32
      %add3A_361 = arith.addi %add3A_349, %add3A_360 : i32
      %lt3A_362 = arith.constant 250 : i32
      %lt3A_363 = arith.cmpi slt, %add3A_361, %lt3A_362 : i32
      %convert_element_type3A_364 = arith.extui %lt3A_363 : i1 to i32
      %cond3A_365 = arith.constant 0 : i32
      %cond3A_366 = arith.cmpi ne, %convert_element_type3A_364, %cond3A_365 : i32
      scf.if %cond3A_366 {
        %mul3A_442 = arith.constant 80 : i32
        %mul3A_443 = arith.muli %add3A_361, %mul3A_442 : i32
        %add3A_444 = arith.addi %add3A, %mul3A_443 : i32
        %dma_start3A_445 = tpu.memref_slice %arg2[%add3A_444] : memref<640000xi32, #tpu.memory_space<hbm>> -> memref<80xi32, #tpu.memory_space<hbm>>
        %dma_start3A_446 = tpu.memref_slice %arg2[%add3A_444] : memref<640000xi32, #tpu.memory_space<hbm>> -> memref<80xi32, #tpu.memory_space<hbm>>
        tpu.enqueue_dma source(%dma_start3A_446 : memref<80xi32, #tpu.memory_space<hbm>>) target(%arg8 : memref<80xi32, #tpu.memory_space<vmem>>) target_semaphore(%arg28 : memref<!tpu.dma_semaphore, #tpu.memory_space<semaphore_mem>>)
        %mul3A_447 = arith.constant 80 : i32
        %mul3A_448 = arith.muli %add3A_361, %mul3A_447 : i32
        %add3A_449 = arith.addi %mul3A_4, %mul3A_448 : i32
        %dma_start3A_450 = tpu.memref_slice %arg3[%add3A_449] : memref<320000xi32, #tpu.memory_space<hbm>> -> memref<80xi32, #tpu.memory_space<hbm>>
        %dma_start3A_451 = tpu.memref_slice %arg3[%add3A_449] : memref<320000xi32, #tpu.memory_space<hbm>> -> memref<80xi32, #tpu.memory_space<hbm>>
        tpu.enqueue_dma source(%dma_start3A_451 : memref<80xi32, #tpu.memory_space<hbm>>) target(%arg16 : memref<80xi32, #tpu.memory_space<vmem>>) target_semaphore(%arg28 : memref<!tpu.dma_semaphore, #tpu.memory_space<semaphore_mem>>)
      } else {
      }
      %lt3A_367 = arith.constant 250 : i32
      %lt3A_368 = arith.cmpi slt, %add3A_351, %lt3A_367 : i32
      %convert_element_type3A_369 = arith.extui %lt3A_368 : i1 to i32
      %cond3A_370 = arith.constant 0 : i32
      %cond3A_371 = arith.cmpi ne, %convert_element_type3A_369, %cond3A_370 : i32
      scf.if %cond3A_371 {
        %dma_wait3A_442 = arith.constant 0 : i32
        %dma_wait3A_443 = tpu.memref_slice %arg2[%dma_wait3A_442] : memref<640000xi32, #tpu.memory_space<hbm>> -> memref<80xi32, #tpu.memory_space<hbm>>
        %dma_wait3A_444 = arith.constant 0 : i32
        %dma_wait3A_445 = tpu.memref_slice %arg2[%dma_wait3A_444] : memref<640000xi32, #tpu.memory_space<hbm>> -> memref<80xi32, #tpu.memory_space<hbm>>
        tpu.wait_dma2 semaphore(%arg33 : memref<!tpu.dma_semaphore, #tpu.memory_space<semaphore_mem>>) src(%dma_wait3A_445 : memref<80xi32, #tpu.memory_space<hbm>>) dst(%arg13 : memref<80xi32, #tpu.memory_space<vmem>>)
        %dma_wait3A_446 = arith.constant 0 : i32
        %dma_wait3A_447 = tpu.memref_slice %arg3[%dma_wait3A_446] : memref<320000xi32, #tpu.memory_space<hbm>> -> memref<80xi32, #tpu.memory_space<hbm>>
        %dma_wait3A_448 = arith.constant 0 : i32
        %dma_wait3A_449 = tpu.memref_slice %arg3[%dma_wait3A_448] : memref<320000xi32, #tpu.memory_space<hbm>> -> memref<80xi32, #tpu.memory_space<hbm>>
        tpu.wait_dma2 semaphore(%arg33 : memref<!tpu.dma_semaphore, #tpu.memory_space<semaphore_mem>>) src(%dma_wait3A_449 : memref<80xi32, #tpu.memory_space<hbm>>) dst(%arg21 : memref<80xi32, #tpu.memory_space<vmem>>)
        %dma_start3A_450 = arith.constant 0 : i32
        %dma_start3A_451 = arith.constant 0 : i32
        %dma_start3A_452 = tpu.memref_slice %arg4[%dma_start3A_450, %dma_start3A_451] : memref<20000x128xf32, #tpu.memory_space<hbm>> -> memref<20000x128xf32, #tpu.memory_space<hbm>>
        tpu.enqueue_indirect_dma source(%dma_start3A_452 : memref<20000x128xf32, #tpu.memory_space<hbm>>) target(%arg25 : memref<80x128xf32, #tpu.memory_space<vmem>>) offsets(%arg13 : memref<80xi32, #tpu.memory_space<vmem>>) semaphore(%arg37 : memref<!tpu.dma_semaphore, #tpu.memory_space<semaphore_mem>>)
      } else {
      }
      %dma_wait3A_372 = arith.constant 0 : i32
      %dma_wait3A_373 = arith.constant 0 : i32
      %dma_wait3A_374 = tpu.memref_slice %arg4[%dma_wait3A_372, %dma_wait3A_373] : memref<20000x128xf32, #tpu.memory_space<hbm>> -> memref<20000x128xf32, #tpu.memory_space<hbm>>
      tpu.wait_indirect_dma semaphore(%arg35 : memref<!tpu.dma_semaphore, #tpu.memory_space<semaphore_mem>>) src(%dma_wait3A_374 : memref<20000x128xf32, #tpu.memory_space<hbm>>) dst(%arg23 : memref<80x128xf32, #tpu.memory_space<vmem>>)
      %dma_start3A_375 = arith.constant 0 : i32
      %dma_start3A_376 = arith.constant 0 : i32
      %dma_start3A_377 = tpu.memref_slice %arg42[%dma_start3A_375, %dma_start3A_376] : memref<10240x128xf32, #tpu.memory_space<vmem_shared>> -> memref<10240x128xf32, #tpu.memory_space<vmem_shared>>
      tpu.enqueue_indirect_dma source(%arg23 : memref<80x128xf32, #tpu.memory_space<vmem>>) target(%dma_start3A_377 : memref<10240x128xf32, #tpu.memory_space<vmem_shared>>) offsets(%arg19 : memref<80xi32, #tpu.memory_space<vmem>>) semaphore(%arg39 : memref<!tpu.dma_semaphore, #tpu.memory_space<semaphore_mem>>) {add = true}
      %mul3A_378 = arith.constant 8 : i32
      %mul3A_379 = arith.muli %scan3A_185, %mul3A_378 : i32
      %add3A_380 = arith.constant 6 : i32
      %add3A_381 = arith.addi %mul3A_379, %add3A_380 : i32
      %add3A_382 = arith.constant 2 : i32
      %add3A_383 = arith.addi %add3A_381, %add3A_382 : i32
      %ge3A_384 = arith.constant 2 : i32
      %ge3A_385 = arith.cmpi sge, %add3A_381, %ge3A_384 : i32
      %lt3A_386 = arith.constant 250 : i32
      %lt3A_387 = arith.cmpi slt, %add3A_383, %lt3A_386 : i32
      %and3A_388 = arith.andi %ge3A_385, %lt3A_387 : i1
      %convert_element_type3A_389 = arith.extui %and3A_388 : i1 to i32
      %cond3A_390 = arith.constant 0 : i32
      %cond3A_391 = arith.cmpi ne, %convert_element_type3A_389, %cond3A_390 : i32
      scf.if %cond3A_391 {
        %dma_wait3A_442 = arith.constant 0 : i32
        %dma_wait3A_443 = arith.constant 0 : i32
        %dma_wait3A_444 = tpu.memref_slice %arg42[%dma_wait3A_442, %dma_wait3A_443] : memref<10240x128xf32, #tpu.memory_space<vmem_shared>> -> memref<10240x128xf32, #tpu.memory_space<vmem_shared>>
        tpu.wait_indirect_dma semaphore(%arg38 : memref<!tpu.dma_semaphore, #tpu.memory_space<semaphore_mem>>) src(%arg22 : memref<80x128xf32, #tpu.memory_space<vmem>>) dst(%dma_wait3A_444 : memref<10240x128xf32, #tpu.memory_space<vmem_shared>>)
      } else {
      }
      %add3A_392 = arith.constant 5 : i32
      %add3A_393 = arith.addi %add3A_381, %add3A_392 : i32
      %lt3A_394 = arith.constant 250 : i32
      %lt3A_395 = arith.cmpi slt, %add3A_393, %lt3A_394 : i32
      %convert_element_type3A_396 = arith.extui %lt3A_395 : i1 to i32
      %cond3A_397 = arith.constant 0 : i32
      %cond3A_398 = arith.cmpi ne, %convert_element_type3A_396, %cond3A_397 : i32
      scf.if %cond3A_398 {
        %mul3A_442 = arith.constant 80 : i32
        %mul3A_443 = arith.muli %add3A_393, %mul3A_442 : i32
        %add3A_444 = arith.addi %add3A, %mul3A_443 : i32
        %dma_start3A_445 = tpu.memref_slice %arg2[%add3A_444] : memref<640000xi32, #tpu.memory_space<hbm>> -> memref<80xi32, #tpu.memory_space<hbm>>
        %dma_start3A_446 = tpu.memref_slice %arg2[%add3A_444] : memref<640000xi32, #tpu.memory_space<hbm>> -> memref<80xi32, #tpu.memory_space<hbm>>
        tpu.enqueue_dma source(%dma_start3A_446 : memref<80xi32, #tpu.memory_space<hbm>>) target(%arg9 : memref<80xi32, #tpu.memory_space<vmem>>) target_semaphore(%arg29 : memref<!tpu.dma_semaphore, #tpu.memory_space<semaphore_mem>>)
        %mul3A_447 = arith.constant 80 : i32
        %mul3A_448 = arith.muli %add3A_393, %mul3A_447 : i32
        %add3A_449 = arith.addi %mul3A_4, %mul3A_448 : i32
        %dma_start3A_450 = tpu.memref_slice %arg3[%add3A_449] : memref<320000xi32, #tpu.memory_space<hbm>> -> memref<80xi32, #tpu.memory_space<hbm>>
        %dma_start3A_451 = tpu.memref_slice %arg3[%add3A_449] : memref<320000xi32, #tpu.memory_space<hbm>> -> memref<80xi32, #tpu.memory_space<hbm>>
        tpu.enqueue_dma source(%dma_start3A_451 : memref<80xi32, #tpu.memory_space<hbm>>) target(%arg17 : memref<80xi32, #tpu.memory_space<vmem>>) target_semaphore(%arg29 : memref<!tpu.dma_semaphore, #tpu.memory_space<semaphore_mem>>)
      } else {
      }
      %lt3A_399 = arith.constant 250 : i32
      %lt3A_400 = arith.cmpi slt, %add3A_383, %lt3A_399 : i32
      %convert_element_type3A_401 = arith.extui %lt3A_400 : i1 to i32
      %cond3A_402 = arith.constant 0 : i32
      %cond3A_403 = arith.cmpi ne, %convert_element_type3A_401, %cond3A_402 : i32
      scf.if %cond3A_403 {
        %dma_wait3A_442 = arith.constant 0 : i32
        %dma_wait3A_443 = tpu.memref_slice %arg2[%dma_wait3A_442] : memref<640000xi32, #tpu.memory_space<hbm>> -> memref<80xi32, #tpu.memory_space<hbm>>
        %dma_wait3A_444 = arith.constant 0 : i32
        %dma_wait3A_445 = tpu.memref_slice %arg2[%dma_wait3A_444] : memref<640000xi32, #tpu.memory_space<hbm>> -> memref<80xi32, #tpu.memory_space<hbm>>
        tpu.wait_dma2 semaphore(%arg26 : memref<!tpu.dma_semaphore, #tpu.memory_space<semaphore_mem>>) src(%dma_wait3A_445 : memref<80xi32, #tpu.memory_space<hbm>>) dst(%arg6 : memref<80xi32, #tpu.memory_space<vmem>>)
        %dma_wait3A_446 = arith.constant 0 : i32
        %dma_wait3A_447 = tpu.memref_slice %arg3[%dma_wait3A_446] : memref<320000xi32, #tpu.memory_space<hbm>> -> memref<80xi32, #tpu.memory_space<hbm>>
        %dma_wait3A_448 = arith.constant 0 : i32
        %dma_wait3A_449 = tpu.memref_slice %arg3[%dma_wait3A_448] : memref<320000xi32, #tpu.memory_space<hbm>> -> memref<80xi32, #tpu.memory_space<hbm>>
        tpu.wait_dma2 semaphore(%arg26 : memref<!tpu.dma_semaphore, #tpu.memory_space<semaphore_mem>>) src(%dma_wait3A_449 : memref<80xi32, #tpu.memory_space<hbm>>) dst(%arg14 : memref<80xi32, #tpu.memory_space<vmem>>)
        %dma_start3A_450 = arith.constant 0 : i32
        %dma_start3A_451 = arith.constant 0 : i32
        %dma_start3A_452 = tpu.memref_slice %arg4[%dma_start3A_450, %dma_start3A_451] : memref<20000x128xf32, #tpu.memory_space<hbm>> -> memref<20000x128xf32, #tpu.memory_space<hbm>>
        tpu.enqueue_indirect_dma source(%dma_start3A_452 : memref<20000x128xf32, #tpu.memory_space<hbm>>) target(%arg22 : memref<80x128xf32, #tpu.memory_space<vmem>>) offsets(%arg6 : memref<80xi32, #tpu.memory_space<vmem>>) semaphore(%arg34 : memref<!tpu.dma_semaphore, #tpu.memory_space<semaphore_mem>>)
      } else {
      }
      %dma_wait3A_404 = arith.constant 0 : i32
      %dma_wait3A_405 = arith.constant 0 : i32
      %dma_wait3A_406 = tpu.memref_slice %arg4[%dma_wait3A_404, %dma_wait3A_405] : memref<20000x128xf32, #tpu.memory_space<hbm>> -> memref<20000x128xf32, #tpu.memory_space<hbm>>
      tpu.wait_indirect_dma semaphore(%arg36 : memref<!tpu.dma_semaphore, #tpu.memory_space<semaphore_mem>>) src(%dma_wait3A_406 : memref<20000x128xf32, #tpu.memory_space<hbm>>) dst(%arg24 : memref<80x128xf32, #tpu.memory_space<vmem>>)
      %dma_start3A_407 = arith.constant 0 : i32
      %dma_start3A_408 = arith.constant 0 : i32
      %dma_start3A_409 = tpu.memref_slice %arg42[%dma_start3A_407, %dma_start3A_408] : memref<10240x128xf32, #tpu.memory_space<vmem_shared>> -> memref<10240x128xf32, #tpu.memory_space<vmem_shared>>
      tpu.enqueue_indirect_dma source(%arg24 : memref<80x128xf32, #tpu.memory_space<vmem>>) target(%dma_start3A_409 : memref<10240x128xf32, #tpu.memory_space<vmem_shared>>) offsets(%arg20 : memref<80xi32, #tpu.memory_space<vmem>>) semaphore(%arg40 : memref<!tpu.dma_semaphore, #tpu.memory_space<semaphore_mem>>) {add = true}
      %mul3A_410 = arith.constant 8 : i32
      %mul3A_411 = arith.muli %scan3A_185, %mul3A_410 : i32
      %add3A_412 = arith.constant 7 : i32
      %add3A_413 = arith.addi %mul3A_411, %add3A_412 : i32
      %add3A_414 = arith.constant 2 : i32
      %add3A_415 = arith.addi %add3A_413, %add3A_414 : i32
      %ge3A_416 = arith.constant 2 : i32
      %ge3A_417 = arith.cmpi sge, %add3A_413, %ge3A_416 : i32
      %lt3A_418 = arith.constant 250 : i32
      %lt3A_419 = arith.cmpi slt, %add3A_415, %lt3A_418 : i32
      %and3A_420 = arith.andi %ge3A_417, %lt3A_419 : i1
      %convert_element_type3A_421 = arith.extui %and3A_420 : i1 to i32
      %cond3A_422 = arith.constant 0 : i32
      %cond3A_423 = arith.cmpi ne, %convert_element_type3A_421, %cond3A_422 : i32
      scf.if %cond3A_423 {
        %dma_wait3A_442 = arith.constant 0 : i32
        %dma_wait3A_443 = arith.constant 0 : i32
        %dma_wait3A_444 = tpu.memref_slice %arg42[%dma_wait3A_442, %dma_wait3A_443] : memref<10240x128xf32, #tpu.memory_space<vmem_shared>> -> memref<10240x128xf32, #tpu.memory_space<vmem_shared>>
        tpu.wait_indirect_dma semaphore(%arg39 : memref<!tpu.dma_semaphore, #tpu.memory_space<semaphore_mem>>) src(%arg23 : memref<80x128xf32, #tpu.memory_space<vmem>>) dst(%dma_wait3A_444 : memref<10240x128xf32, #tpu.memory_space<vmem_shared>>)
      } else {
      }
      %add3A_424 = arith.constant 5 : i32
      %add3A_425 = arith.addi %add3A_413, %add3A_424 : i32
      %lt3A_426 = arith.constant 250 : i32
      %lt3A_427 = arith.cmpi slt, %add3A_425, %lt3A_426 : i32
      %convert_element_type3A_428 = arith.extui %lt3A_427 : i1 to i32
      %cond3A_429 = arith.constant 0 : i32
      %cond3A_430 = arith.cmpi ne, %convert_element_type3A_428, %cond3A_429 : i32
      scf.if %cond3A_430 {
        %mul3A_442 = arith.constant 80 : i32
        %mul3A_443 = arith.muli %add3A_425, %mul3A_442 : i32
        %add3A_444 = arith.addi %add3A, %mul3A_443 : i32
        %dma_start3A_445 = tpu.memref_slice %arg2[%add3A_444] : memref<640000xi32, #tpu.memory_space<hbm>> -> memref<80xi32, #tpu.memory_space<hbm>>
        %dma_start3A_446 = tpu.memref_slice %arg2[%add3A_444] : memref<640000xi32, #tpu.memory_space<hbm>> -> memref<80xi32, #tpu.memory_space<hbm>>
        tpu.enqueue_dma source(%dma_start3A_446 : memref<80xi32, #tpu.memory_space<hbm>>) target(%arg10 : memref<80xi32, #tpu.memory_space<vmem>>) target_semaphore(%arg30 : memref<!tpu.dma_semaphore, #tpu.memory_space<semaphore_mem>>)
        %mul3A_447 = arith.constant 80 : i32
        %mul3A_448 = arith.muli %add3A_425, %mul3A_447 : i32
        %add3A_449 = arith.addi %mul3A_4, %mul3A_448 : i32
        %dma_start3A_450 = tpu.memref_slice %arg3[%add3A_449] : memref<320000xi32, #tpu.memory_space<hbm>> -> memref<80xi32, #tpu.memory_space<hbm>>
        %dma_start3A_451 = tpu.memref_slice %arg3[%add3A_449] : memref<320000xi32, #tpu.memory_space<hbm>> -> memref<80xi32, #tpu.memory_space<hbm>>
        tpu.enqueue_dma source(%dma_start3A_451 : memref<80xi32, #tpu.memory_space<hbm>>) target(%arg18 : memref<80xi32, #tpu.memory_space<vmem>>) target_semaphore(%arg30 : memref<!tpu.dma_semaphore, #tpu.memory_space<semaphore_mem>>)
      } else {
      }
      %lt3A_431 = arith.constant 250 : i32
      %lt3A_432 = arith.cmpi slt, %add3A_415, %lt3A_431 : i32
      %convert_element_type3A_433 = arith.extui %lt3A_432 : i1 to i32
      %cond3A_434 = arith.constant 0 : i32
      %cond3A_435 = arith.cmpi ne, %convert_element_type3A_433, %cond3A_434 : i32
      scf.if %cond3A_435 {
        %dma_wait3A_442 = arith.constant 0 : i32
        %dma_wait3A_443 = tpu.memref_slice %arg2[%dma_wait3A_442] : memref<640000xi32, #tpu.memory_space<hbm>> -> memref<80xi32, #tpu.memory_space<hbm>>
        %dma_wait3A_444 = arith.constant 0 : i32
        %dma_wait3A_445 = tpu.memref_slice %arg2[%dma_wait3A_444] : memref<640000xi32, #tpu.memory_space<hbm>> -> memref<80xi32, #tpu.memory_space<hbm>>
        tpu.wait_dma2 semaphore(%arg27 : memref<!tpu.dma_semaphore, #tpu.memory_space<semaphore_mem>>) src(%dma_wait3A_445 : memref<80xi32, #tpu.memory_space<hbm>>) dst(%arg7 : memref<80xi32, #tpu.memory_space<vmem>>)
        %dma_wait3A_446 = arith.constant 0 : i32
        %dma_wait3A_447 = tpu.memref_slice %arg3[%dma_wait3A_446] : memref<320000xi32, #tpu.memory_space<hbm>> -> memref<80xi32, #tpu.memory_space<hbm>>
        %dma_wait3A_448 = arith.constant 0 : i32
        %dma_wait3A_449 = tpu.memref_slice %arg3[%dma_wait3A_448] : memref<320000xi32, #tpu.memory_space<hbm>> -> memref<80xi32, #tpu.memory_space<hbm>>
        tpu.wait_dma2 semaphore(%arg27 : memref<!tpu.dma_semaphore, #tpu.memory_space<semaphore_mem>>) src(%dma_wait3A_449 : memref<80xi32, #tpu.memory_space<hbm>>) dst(%arg15 : memref<80xi32, #tpu.memory_space<vmem>>)
        %dma_start3A_450 = arith.constant 0 : i32
        %dma_start3A_451 = arith.constant 0 : i32
        %dma_start3A_452 = tpu.memref_slice %arg4[%dma_start3A_450, %dma_start3A_451] : memref<20000x128xf32, #tpu.memory_space<hbm>> -> memref<20000x128xf32, #tpu.memory_space<hbm>>
        tpu.enqueue_indirect_dma source(%dma_start3A_452 : memref<20000x128xf32, #tpu.memory_space<hbm>>) target(%arg23 : memref<80x128xf32, #tpu.memory_space<vmem>>) offsets(%arg7 : memref<80xi32, #tpu.memory_space<vmem>>) semaphore(%arg35 : memref<!tpu.dma_semaphore, #tpu.memory_space<semaphore_mem>>)
      } else {
      }
      %dma_wait3A_436 = arith.constant 0 : i32
      %dma_wait3A_437 = arith.constant 0 : i32
      %dma_wait3A_438 = tpu.memref_slice %arg4[%dma_wait3A_436, %dma_wait3A_437] : memref<20000x128xf32, #tpu.memory_space<hbm>> -> memref<20000x128xf32, #tpu.memory_space<hbm>>
      tpu.wait_indirect_dma semaphore(%arg37 : memref<!tpu.dma_semaphore, #tpu.memory_space<semaphore_mem>>) src(%dma_wait3A_438 : memref<20000x128xf32, #tpu.memory_space<hbm>>) dst(%arg25 : memref<80x128xf32, #tpu.memory_space<vmem>>)
      %dma_start3A_439 = arith.constant 0 : i32
      %dma_start3A_440 = arith.constant 0 : i32
      %dma_start3A_441 = tpu.memref_slice %arg42[%dma_start3A_439, %dma_start3A_440] : memref<10240x128xf32, #tpu.memory_space<vmem_shared>> -> memref<10240x128xf32, #tpu.memory_space<vmem_shared>>
      tpu.enqueue_indirect_dma source(%arg25 : memref<80x128xf32, #tpu.memory_space<vmem>>) target(%dma_start3A_441 : memref<10240x128xf32, #tpu.memory_space<vmem_shared>>) offsets(%arg21 : memref<80xi32, #tpu.memory_space<vmem>>) semaphore(%arg41 : memref<!tpu.dma_semaphore, #tpu.memory_space<semaphore_mem>>) {add = true}
    }
    %scan3A_107 = arith.constant 31 : i32
    %add3A_108 = arith.constant 248 : i32
    %add3A_109 = arith.constant 2 : i32
    %add3A_110 = arith.addi %add3A_108, %add3A_109 : i32
    %ge3A = arith.constant 248 : i32
    %ge3A_111 = arith.constant 2 : i32
    %ge3A_112 = arith.cmpi sge, %ge3A, %ge3A_111 : i32
    %lt3A = arith.constant 250 : i32
    %lt3A_113 = arith.cmpi slt, %add3A_110, %lt3A : i32
    %and3A = arith.andi %ge3A_112, %lt3A_113 : i1
    %convert_element_type3A = arith.extui %and3A : i1 to i32
    %cond3A = arith.constant 0 : i32
    %cond3A_114 = arith.cmpi ne, %convert_element_type3A, %cond3A : i32
    scf.if %cond3A_114 {
      %dma_wait3A_185 = arith.constant 0 : i32
      %dma_wait3A_186 = arith.constant 0 : i32
      %dma_wait3A_187 = tpu.memref_slice %arg42[%dma_wait3A_185, %dma_wait3A_186] : memref<10240x128xf32, #tpu.memory_space<vmem_shared>> -> memref<10240x128xf32, #tpu.memory_space<vmem_shared>>
      tpu.wait_indirect_dma semaphore(%arg40 : memref<!tpu.dma_semaphore, #tpu.memory_space<semaphore_mem>>) src(%arg24 : memref<80x128xf32, #tpu.memory_space<vmem>>) dst(%dma_wait3A_187 : memref<10240x128xf32, #tpu.memory_space<vmem_shared>>)
    } else {
    }
    %add3A_115 = arith.constant 248 : i32
    %add3A_116 = arith.constant 5 : i32
    %add3A_117 = arith.addi %add3A_115, %add3A_116 : i32
    %lt3A_118 = arith.constant 250 : i32
    %lt3A_119 = arith.cmpi slt, %add3A_117, %lt3A_118 : i32
    %convert_element_type3A_120 = arith.extui %lt3A_119 : i1 to i32
    %cond3A_121 = arith.constant 0 : i32
    %cond3A_122 = arith.cmpi ne, %convert_element_type3A_120, %cond3A_121 : i32
    scf.if %cond3A_122 {
      %mul3A_185 = arith.constant 80 : i32
      %mul3A_186 = arith.muli %add3A_117, %mul3A_185 : i32
      %add3A_187 = arith.addi %add3A, %mul3A_186 : i32
      %dma_start3A_188 = tpu.memref_slice %arg2[%add3A_187] : memref<640000xi32, #tpu.memory_space<hbm>> -> memref<80xi32, #tpu.memory_space<hbm>>
      %dma_start3A_189 = tpu.memref_slice %arg2[%add3A_187] : memref<640000xi32, #tpu.memory_space<hbm>> -> memref<80xi32, #tpu.memory_space<hbm>>
      tpu.enqueue_dma source(%dma_start3A_189 : memref<80xi32, #tpu.memory_space<hbm>>) target(%arg11 : memref<80xi32, #tpu.memory_space<vmem>>) target_semaphore(%arg31 : memref<!tpu.dma_semaphore, #tpu.memory_space<semaphore_mem>>)
      %mul3A_190 = arith.constant 80 : i32
      %mul3A_191 = arith.muli %add3A_117, %mul3A_190 : i32
      %add3A_192 = arith.addi %mul3A_4, %mul3A_191 : i32
      %dma_start3A_193 = tpu.memref_slice %arg3[%add3A_192] : memref<320000xi32, #tpu.memory_space<hbm>> -> memref<80xi32, #tpu.memory_space<hbm>>
      %dma_start3A_194 = tpu.memref_slice %arg3[%add3A_192] : memref<320000xi32, #tpu.memory_space<hbm>> -> memref<80xi32, #tpu.memory_space<hbm>>
      tpu.enqueue_dma source(%dma_start3A_194 : memref<80xi32, #tpu.memory_space<hbm>>) target(%arg19 : memref<80xi32, #tpu.memory_space<vmem>>) target_semaphore(%arg31 : memref<!tpu.dma_semaphore, #tpu.memory_space<semaphore_mem>>)
    } else {
    }
    %lt3A_123 = arith.constant 250 : i32
    %lt3A_124 = arith.cmpi slt, %add3A_110, %lt3A_123 : i32
    %convert_element_type3A_125 = arith.extui %lt3A_124 : i1 to i32
    %cond3A_126 = arith.constant 0 : i32
    %cond3A_127 = arith.cmpi ne, %convert_element_type3A_125, %cond3A_126 : i32
    scf.if %cond3A_127 {
      %dma_wait3A_185 = arith.constant 0 : i32
      %dma_wait3A_186 = tpu.memref_slice %arg2[%dma_wait3A_185] : memref<640000xi32, #tpu.memory_space<hbm>> -> memref<80xi32, #tpu.memory_space<hbm>>
      %dma_wait3A_187 = arith.constant 0 : i32
      %dma_wait3A_188 = tpu.memref_slice %arg2[%dma_wait3A_187] : memref<640000xi32, #tpu.memory_space<hbm>> -> memref<80xi32, #tpu.memory_space<hbm>>
      tpu.wait_dma2 semaphore(%arg28 : memref<!tpu.dma_semaphore, #tpu.memory_space<semaphore_mem>>) src(%dma_wait3A_188 : memref<80xi32, #tpu.memory_space<hbm>>) dst(%arg8 : memref<80xi32, #tpu.memory_space<vmem>>)
      %dma_wait3A_189 = arith.constant 0 : i32
      %dma_wait3A_190 = tpu.memref_slice %arg3[%dma_wait3A_189] : memref<320000xi32, #tpu.memory_space<hbm>> -> memref<80xi32, #tpu.memory_space<hbm>>
      %dma_wait3A_191 = arith.constant 0 : i32
      %dma_wait3A_192 = tpu.memref_slice %arg3[%dma_wait3A_191] : memref<320000xi32, #tpu.memory_space<hbm>> -> memref<80xi32, #tpu.memory_space<hbm>>
      tpu.wait_dma2 semaphore(%arg28 : memref<!tpu.dma_semaphore, #tpu.memory_space<semaphore_mem>>) src(%dma_wait3A_192 : memref<80xi32, #tpu.memory_space<hbm>>) dst(%arg16 : memref<80xi32, #tpu.memory_space<vmem>>)
      %dma_start3A_193 = arith.constant 0 : i32
      %dma_start3A_194 = arith.constant 0 : i32
      %dma_start3A_195 = tpu.memref_slice %arg4[%dma_start3A_193, %dma_start3A_194] : memref<20000x128xf32, #tpu.memory_space<hbm>> -> memref<20000x128xf32, #tpu.memory_space<hbm>>
      tpu.enqueue_indirect_dma source(%dma_start3A_195 : memref<20000x128xf32, #tpu.memory_space<hbm>>) target(%arg24 : memref<80x128xf32, #tpu.memory_space<vmem>>) offsets(%arg8 : memref<80xi32, #tpu.memory_space<vmem>>) semaphore(%arg36 : memref<!tpu.dma_semaphore, #tpu.memory_space<semaphore_mem>>)
    } else {
    }
    %dma_wait3A_128 = arith.constant 0 : i32
    %dma_wait3A_129 = arith.constant 0 : i32
    %dma_wait3A_130 = tpu.memref_slice %arg4[%dma_wait3A_128, %dma_wait3A_129] : memref<20000x128xf32, #tpu.memory_space<hbm>> -> memref<20000x128xf32, #tpu.memory_space<hbm>>
    tpu.wait_indirect_dma semaphore(%arg34 : memref<!tpu.dma_semaphore, #tpu.memory_space<semaphore_mem>>) src(%dma_wait3A_130 : memref<20000x128xf32, #tpu.memory_space<hbm>>) dst(%arg22 : memref<80x128xf32, #tpu.memory_space<vmem>>)
    %dma_start3A_131 = arith.constant 0 : i32
    %dma_start3A_132 = arith.constant 0 : i32
    %dma_start3A_133 = tpu.memref_slice %arg42[%dma_start3A_131, %dma_start3A_132] : memref<10240x128xf32, #tpu.memory_space<vmem_shared>> -> memref<10240x128xf32, #tpu.memory_space<vmem_shared>>
    tpu.enqueue_indirect_dma source(%arg22 : memref<80x128xf32, #tpu.memory_space<vmem>>) target(%dma_start3A_133 : memref<10240x128xf32, #tpu.memory_space<vmem_shared>>) offsets(%arg14 : memref<80xi32, #tpu.memory_space<vmem>>) semaphore(%arg38 : memref<!tpu.dma_semaphore, #tpu.memory_space<semaphore_mem>>) {add = true}
    %add3A_134 = arith.constant 249 : i32
    %add3A_135 = arith.constant 2 : i32
    %add3A_136 = arith.addi %add3A_134, %add3A_135 : i32
    %ge3A_137 = arith.constant 249 : i32
    %ge3A_138 = arith.constant 2 : i32
    %ge3A_139 = arith.cmpi sge, %ge3A_137, %ge3A_138 : i32
    %lt3A_140 = arith.constant 250 : i32
    %lt3A_141 = arith.cmpi slt, %add3A_136, %lt3A_140 : i32
    %and3A_142 = arith.andi %ge3A_139, %lt3A_141 : i1
    %convert_element_type3A_143 = arith.extui %and3A_142 : i1 to i32
    %cond3A_144 = arith.constant 0 : i32
    %cond3A_145 = arith.cmpi ne, %convert_element_type3A_143, %cond3A_144 : i32
    scf.if %cond3A_145 {
      %dma_wait3A_185 = arith.constant 0 : i32
      %dma_wait3A_186 = arith.constant 0 : i32
      %dma_wait3A_187 = tpu.memref_slice %arg42[%dma_wait3A_185, %dma_wait3A_186] : memref<10240x128xf32, #tpu.memory_space<vmem_shared>> -> memref<10240x128xf32, #tpu.memory_space<vmem_shared>>
      tpu.wait_indirect_dma semaphore(%arg41 : memref<!tpu.dma_semaphore, #tpu.memory_space<semaphore_mem>>) src(%arg25 : memref<80x128xf32, #tpu.memory_space<vmem>>) dst(%dma_wait3A_187 : memref<10240x128xf32, #tpu.memory_space<vmem_shared>>)
    } else {
    }
    %add3A_146 = arith.constant 249 : i32
    %add3A_147 = arith.constant 5 : i32
    %add3A_148 = arith.addi %add3A_146, %add3A_147 : i32
    %lt3A_149 = arith.constant 250 : i32
    %lt3A_150 = arith.cmpi slt, %add3A_148, %lt3A_149 : i32
    %convert_element_type3A_151 = arith.extui %lt3A_150 : i1 to i32
    %cond3A_152 = arith.constant 0 : i32
    %cond3A_153 = arith.cmpi ne, %convert_element_type3A_151, %cond3A_152 : i32
    scf.if %cond3A_153 {
      %mul3A_185 = arith.constant 80 : i32
      %mul3A_186 = arith.muli %add3A_148, %mul3A_185 : i32
      %add3A_187 = arith.addi %add3A, %mul3A_186 : i32
      %dma_start3A_188 = tpu.memref_slice %arg2[%add3A_187] : memref<640000xi32, #tpu.memory_space<hbm>> -> memref<80xi32, #tpu.memory_space<hbm>>
      %dma_start3A_189 = tpu.memref_slice %arg2[%add3A_187] : memref<640000xi32, #tpu.memory_space<hbm>> -> memref<80xi32, #tpu.memory_space<hbm>>
      tpu.enqueue_dma source(%dma_start3A_189 : memref<80xi32, #tpu.memory_space<hbm>>) target(%arg12 : memref<80xi32, #tpu.memory_space<vmem>>) target_semaphore(%arg32 : memref<!tpu.dma_semaphore, #tpu.memory_space<semaphore_mem>>)
      %mul3A_190 = arith.constant 80 : i32
      %mul3A_191 = arith.muli %add3A_148, %mul3A_190 : i32
      %add3A_192 = arith.addi %mul3A_4, %mul3A_191 : i32
      %dma_start3A_193 = tpu.memref_slice %arg3[%add3A_192] : memref<320000xi32, #tpu.memory_space<hbm>> -> memref<80xi32, #tpu.memory_space<hbm>>
      %dma_start3A_194 = tpu.memref_slice %arg3[%add3A_192] : memref<320000xi32, #tpu.memory_space<hbm>> -> memref<80xi32, #tpu.memory_space<hbm>>
      tpu.enqueue_dma source(%dma_start3A_194 : memref<80xi32, #tpu.memory_space<hbm>>) target(%arg20 : memref<80xi32, #tpu.memory_space<vmem>>) target_semaphore(%arg32 : memref<!tpu.dma_semaphore, #tpu.memory_space<semaphore_mem>>)
    } else {
    }
    %lt3A_154 = arith.constant 250 : i32
    %lt3A_155 = arith.cmpi slt, %add3A_136, %lt3A_154 : i32
    %convert_element_type3A_156 = arith.extui %lt3A_155 : i1 to i32
    %cond3A_157 = arith.constant 0 : i32
    %cond3A_158 = arith.cmpi ne, %convert_element_type3A_156, %cond3A_157 : i32
    scf.if %cond3A_158 {
      %dma_wait3A_185 = arith.constant 0 : i32
      %dma_wait3A_186 = tpu.memref_slice %arg2[%dma_wait3A_185] : memref<640000xi32, #tpu.memory_space<hbm>> -> memref<80xi32, #tpu.memory_space<hbm>>
      %dma_wait3A_187 = arith.constant 0 : i32
      %dma_wait3A_188 = tpu.memref_slice %arg2[%dma_wait3A_187] : memref<640000xi32, #tpu.memory_space<hbm>> -> memref<80xi32, #tpu.memory_space<hbm>>
      tpu.wait_dma2 semaphore(%arg29 : memref<!tpu.dma_semaphore, #tpu.memory_space<semaphore_mem>>) src(%dma_wait3A_188 : memref<80xi32, #tpu.memory_space<hbm>>) dst(%arg9 : memref<80xi32, #tpu.memory_space<vmem>>)
      %dma_wait3A_189 = arith.constant 0 : i32
      %dma_wait3A_190 = tpu.memref_slice %arg3[%dma_wait3A_189] : memref<320000xi32, #tpu.memory_space<hbm>> -> memref<80xi32, #tpu.memory_space<hbm>>
      %dma_wait3A_191 = arith.constant 0 : i32
      %dma_wait3A_192 = tpu.memref_slice %arg3[%dma_wait3A_191] : memref<320000xi32, #tpu.memory_space<hbm>> -> memref<80xi32, #tpu.memory_space<hbm>>
      tpu.wait_dma2 semaphore(%arg29 : memref<!tpu.dma_semaphore, #tpu.memory_space<semaphore_mem>>) src(%dma_wait3A_192 : memref<80xi32, #tpu.memory_space<hbm>>) dst(%arg17 : memref<80xi32, #tpu.memory_space<vmem>>)
      %dma_start3A_193 = arith.constant 0 : i32
      %dma_start3A_194 = arith.constant 0 : i32
      %dma_start3A_195 = tpu.memref_slice %arg4[%dma_start3A_193, %dma_start3A_194] : memref<20000x128xf32, #tpu.memory_space<hbm>> -> memref<20000x128xf32, #tpu.memory_space<hbm>>
      tpu.enqueue_indirect_dma source(%dma_start3A_195 : memref<20000x128xf32, #tpu.memory_space<hbm>>) target(%arg25 : memref<80x128xf32, #tpu.memory_space<vmem>>) offsets(%arg9 : memref<80xi32, #tpu.memory_space<vmem>>) semaphore(%arg37 : memref<!tpu.dma_semaphore, #tpu.memory_space<semaphore_mem>>)
    } else {
    }
    %dma_wait3A_159 = arith.constant 0 : i32
    %dma_wait3A_160 = arith.constant 0 : i32
    %dma_wait3A_161 = tpu.memref_slice %arg4[%dma_wait3A_159, %dma_wait3A_160] : memref<20000x128xf32, #tpu.memory_space<hbm>> -> memref<20000x128xf32, #tpu.memory_space<hbm>>
    tpu.wait_indirect_dma semaphore(%arg35 : memref<!tpu.dma_semaphore, #tpu.memory_space<semaphore_mem>>) src(%dma_wait3A_161 : memref<20000x128xf32, #tpu.memory_space<hbm>>) dst(%arg23 : memref<80x128xf32, #tpu.memory_space<vmem>>)
    %dma_start3A_162 = arith.constant 0 : i32
    %dma_start3A_163 = arith.constant 0 : i32
    %dma_start3A_164 = tpu.memref_slice %arg42[%dma_start3A_162, %dma_start3A_163] : memref<10240x128xf32, #tpu.memory_space<vmem_shared>> -> memref<10240x128xf32, #tpu.memory_space<vmem_shared>>
    tpu.enqueue_indirect_dma source(%arg23 : memref<80x128xf32, #tpu.memory_space<vmem>>) target(%dma_start3A_164 : memref<10240x128xf32, #tpu.memory_space<vmem_shared>>) offsets(%arg15 : memref<80xi32, #tpu.memory_space<vmem>>) semaphore(%arg39 : memref<!tpu.dma_semaphore, #tpu.memory_space<semaphore_mem>>) {add = true}
    %dma_wait3A_165 = arith.constant 0 : i32
    %dma_wait3A_166 = arith.constant 0 : i32
    %dma_wait3A_167 = tpu.memref_slice %arg42[%dma_wait3A_165, %dma_wait3A_166] : memref<10240x128xf32, #tpu.memory_space<vmem_shared>> -> memref<10240x128xf32, #tpu.memory_space<vmem_shared>>
    tpu.wait_indirect_dma semaphore(%arg40 : memref<!tpu.dma_semaphore, #tpu.memory_space<semaphore_mem>>) src(%arg24 : memref<80x128xf32, #tpu.memory_space<vmem>>) dst(%dma_wait3A_167 : memref<10240x128xf32, #tpu.memory_space<vmem_shared>>)
    %dma_wait3A_168 = arith.constant 0 : i32
    %dma_wait3A_169 = arith.constant 0 : i32
    %dma_wait3A_170 = tpu.memref_slice %arg42[%dma_wait3A_168, %dma_wait3A_169] : memref<10240x128xf32, #tpu.memory_space<vmem_shared>> -> memref<10240x128xf32, #tpu.memory_space<vmem_shared>>
    tpu.wait_indirect_dma semaphore(%arg41 : memref<!tpu.dma_semaphore, #tpu.memory_space<semaphore_mem>>) src(%arg25 : memref<80x128xf32, #tpu.memory_space<vmem>>) dst(%dma_wait3A_170 : memref<10240x128xf32, #tpu.memory_space<vmem_shared>>)
    %dma_wait3A_171 = arith.constant 0 : i32
    %dma_wait3A_172 = arith.constant 0 : i32
    %dma_wait3A_173 = tpu.memref_slice %arg42[%dma_wait3A_171, %dma_wait3A_172] : memref<10240x128xf32, #tpu.memory_space<vmem_shared>> -> memref<10240x128xf32, #tpu.memory_space<vmem_shared>>
    tpu.wait_indirect_dma semaphore(%arg38 : memref<!tpu.dma_semaphore, #tpu.memory_space<semaphore_mem>>) src(%arg22 : memref<80x128xf32, #tpu.memory_space<vmem>>) dst(%dma_wait3A_173 : memref<10240x128xf32, #tpu.memory_space<vmem_shared>>)
    %dma_wait3A_174 = arith.constant 0 : i32
    %dma_wait3A_175 = arith.constant 0 : i32
    %dma_wait3A_176 = tpu.memref_slice %arg42[%dma_wait3A_174, %dma_wait3A_175] : memref<10240x128xf32, #tpu.memory_space<vmem_shared>> -> memref<10240x128xf32, #tpu.memory_space<vmem_shared>>
    tpu.wait_indirect_dma semaphore(%arg39 : memref<!tpu.dma_semaphore, #tpu.memory_space<semaphore_mem>>) src(%arg23 : memref<80x128xf32, #tpu.memory_space<vmem>>) dst(%dma_wait3A_176 : memref<10240x128xf32, #tpu.memory_space<vmem_shared>>)
    %barrier3A_177 = arith.constant 0 : index
    tpu.barrier barrier_id(%barrier3A_177)
    %mul3A_178 = arith.constant 640 : i32
    %mul3A_179 = arith.muli %arg1, %mul3A_178 : i32
    %mul3A_180 = arith.constant 10240 : i32
    %mul3A_181 = arith.muli %arg0, %mul3A_180 : i32
    %mul3A_182 = arith.constant 640 : i32
    %mul3A_183 = arith.muli %arg1, %mul3A_182 : i32
    %add3A_184 = arith.addi %mul3A_181, %mul3A_183 : i32
    "tpu.region"() ({
      %run_scoped3A = tpu.sem_alloc : memref<!tpu.dma_semaphore, #tpu.memory_space<semaphore_mem>>
      %dma_start3A_185 = arith.constant 0 : i32
      %dma_start3A_186 = tpu.memref_slice %arg5[%add3A_184, %dma_start3A_185] : memref<20480x128xf32, #tpu.memory_space<hbm>> -> memref<640x128xf32, #tpu.memory_space<hbm>>
      %dma_start3A_187 = arith.constant 0 : i32
      %dma_start3A_188 = tpu.memref_slice %arg42[%mul3A_179, %dma_start3A_187] : memref<10240x128xf32, #tpu.memory_space<vmem_shared>> -> memref<640x128xf32, #tpu.memory_space<vmem_shared>>
      tpu.enqueue_dma source(%dma_start3A_188 : memref<640x128xf32, #tpu.memory_space<vmem_shared>>) target(%dma_start3A_186 : memref<640x128xf32, #tpu.memory_space<hbm>>) target_semaphore(%run_scoped3A : memref<!tpu.dma_semaphore, #tpu.memory_space<semaphore_mem>>)
      %dma_wait3A_189 = arith.constant 0 : i32
      %dma_wait3A_190 = tpu.memref_slice %arg5[%add3A_184, %dma_wait3A_189] : memref<20480x128xf32, #tpu.memory_space<hbm>> -> memref<640x128xf32, #tpu.memory_space<hbm>>
      %dma_wait3A_191 = arith.constant 0 : i32
      %dma_wait3A_192 = tpu.memref_slice %arg42[%mul3A_179, %dma_wait3A_191] : memref<10240x128xf32, #tpu.memory_space<vmem_shared>> -> memref<640x128xf32, #tpu.memory_space<vmem_shared>>
      tpu.wait_dma2 semaphore(%run_scoped3A : memref<!tpu.dma_semaphore, #tpu.memory_space<semaphore_mem>>) src(%dma_wait3A_192 : memref<640x128xf32, #tpu.memory_space<vmem_shared>>) dst(%dma_wait3A_190 : memref<640x128xf32, #tpu.memory_space<hbm>>)
      tpu.yield
    }) : () -> ()
    return
  }
}

#map = affine_map<(d0, d1) -> (0)>
#map1 = affine_map<(d0, d1) -> (0, 0)>
module attributes {stable_mosaic.version = 14 : i64} {
  func.func @agg(%arg0: i32, %arg1: i32, %arg2: memref<320000xi32, #tpu.memory_space<hbm>>, %arg3: memref<320000xi32, #tpu.memory_space<hbm>>, %arg4: memref<10000x128xf32, #tpu.memory_space<hbm>>, %arg5: memref<20480x128xf32, #tpu.memory_space<hbm>>, %arg6: memref<80xi32, #tpu.memory_space<vmem>>, %arg7: memref<80xi32, #tpu.memory_space<vmem>>, %arg8: memref<80xi32, #tpu.memory_space<vmem>>, %arg9: memref<80xi32, #tpu.memory_space<vmem>>, %arg10: memref<80xi32, #tpu.memory_space<vmem>>, %arg11: memref<80xi32, #tpu.memory_space<vmem>>, %arg12: memref<80xi32, #tpu.memory_space<vmem>>, %arg13: memref<80xi32, #tpu.memory_space<vmem>>, %arg14: memref<80xi32, #tpu.memory_space<vmem>>, %arg15: memref<80xi32, #tpu.memory_space<vmem>>, %arg16: memref<80xi32, #tpu.memory_space<vmem>>, %arg17: memref<80xi32, #tpu.memory_space<vmem>>, %arg18: memref<80xi32, #tpu.memory_space<vmem>>, %arg19: memref<80xi32, #tpu.memory_space<vmem>>, %arg20: memref<80xi32, #tpu.memory_space<vmem>>, %arg21: memref<80xi32, #tpu.memory_space<vmem>>, %arg22: memref<80x128xf32, #tpu.memory_space<vmem>>, %arg23: memref<80x128xf32, #tpu.memory_space<vmem>>, %arg24: memref<80x128xf32, #tpu.memory_space<vmem>>, %arg25: memref<80x128xf32, #tpu.memory_space<vmem>>, %arg26: memref<!tpu.dma_semaphore, #tpu.memory_space<semaphore_mem>>, %arg27: memref<!tpu.dma_semaphore, #tpu.memory_space<semaphore_mem>>, %arg28: memref<!tpu.dma_semaphore, #tpu.memory_space<semaphore_mem>>, %arg29: memref<!tpu.dma_semaphore, #tpu.memory_space<semaphore_mem>>, %arg30: memref<!tpu.dma_semaphore, #tpu.memory_space<semaphore_mem>>, %arg31: memref<!tpu.dma_semaphore, #tpu.memory_space<semaphore_mem>>, %arg32: memref<!tpu.dma_semaphore, #tpu.memory_space<semaphore_mem>>, %arg33: memref<!tpu.dma_semaphore, #tpu.memory_space<semaphore_mem>>, %arg34: memref<!tpu.dma_semaphore, #tpu.memory_space<semaphore_mem>>, %arg35: memref<!tpu.dma_semaphore, #tpu.memory_space<semaphore_mem>>, %arg36: memref<!tpu.dma_semaphore, #tpu.memory_space<semaphore_mem>>, %arg37: memref<!tpu.dma_semaphore, #tpu.memory_space<semaphore_mem>>, %arg38: memref<!tpu.dma_semaphore, #tpu.memory_space<semaphore_mem>>, %arg39: memref<!tpu.dma_semaphore, #tpu.memory_space<semaphore_mem>>, %arg40: memref<!tpu.dma_semaphore, #tpu.memory_space<semaphore_mem>>, %arg41: memref<!tpu.dma_semaphore, #tpu.memory_space<semaphore_mem>>, %arg42: memref<10240x128xf32, #tpu.memory_space<vmem_shared>>) attributes {dimension_semantics = [#tpu.dimension_semantics<core_parallel>, #tpu.dimension_semantics<subcore_parallel>], iteration_bounds = array<i64: 2, 16>, scalar_prefetch = 0 : i64, scratch_operands = 37 : i64, tpu.core_type = #tpu.core_type<sc_vector_subcore>, window_params = [{transform_indices = #map}, {transform_indices = #map}, {transform_indices = #map1}, {transform_indices = #map1}]} {
    %mul3A = arith.constant 2 : i32
    %mul3A_0 = arith.muli %arg1, %mul3A : i32
    %add3A = arith.addi %mul3A_0, %arg0 : i32
    %mul3A_1 = arith.constant 10000 : i32
    %mul3A_2 = arith.muli %add3A, %mul3A_1 : i32
    %add3A_3 = arith.constant 0 : i32
    %add3A_4 = arith.addi %mul3A_2, %add3A_3 : i32
    %dma_start3A = tpu.memref_slice %arg2[%add3A_4] : memref<320000xi32, #tpu.memory_space<hbm>> -> memref<80xi32, #tpu.memory_space<hbm>>
    %dma_start3A_5 = tpu.memref_slice %arg2[%add3A_4] : memref<320000xi32, #tpu.memory_space<hbm>> -> memref<80xi32, #tpu.memory_space<hbm>>
    tpu.enqueue_dma source(%dma_start3A_5 : memref<80xi32, #tpu.memory_space<hbm>>) target(%arg6 : memref<80xi32, #tpu.memory_space<vmem>>) target_semaphore(%arg26 : memref<!tpu.dma_semaphore, #tpu.memory_space<semaphore_mem>>)
    %add3A_6 = arith.constant 0 : i32
    %add3A_7 = arith.addi %mul3A_2, %add3A_6 : i32
    %dma_start3A_8 = tpu.memref_slice %arg3[%add3A_7] : memref<320000xi32, #tpu.memory_space<hbm>> -> memref<80xi32, #tpu.memory_space<hbm>>
    %dma_start3A_9 = tpu.memref_slice %arg3[%add3A_7] : memref<320000xi32, #tpu.memory_space<hbm>> -> memref<80xi32, #tpu.memory_space<hbm>>
    tpu.enqueue_dma source(%dma_start3A_9 : memref<80xi32, #tpu.memory_space<hbm>>) target(%arg14 : memref<80xi32, #tpu.memory_space<vmem>>) target_semaphore(%arg26 : memref<!tpu.dma_semaphore, #tpu.memory_space<semaphore_mem>>)
    %add3A_10 = arith.constant 80 : i32
    %add3A_11 = arith.addi %mul3A_2, %add3A_10 : i32
    %dma_start3A_12 = tpu.memref_slice %arg2[%add3A_11] : memref<320000xi32, #tpu.memory_space<hbm>> -> memref<80xi32, #tpu.memory_space<hbm>>
    %dma_start3A_13 = tpu.memref_slice %arg2[%add3A_11] : memref<320000xi32, #tpu.memory_space<hbm>> -> memref<80xi32, #tpu.memory_space<hbm>>
    tpu.enqueue_dma source(%dma_start3A_13 : memref<80xi32, #tpu.memory_space<hbm>>) target(%arg7 : memref<80xi32, #tpu.memory_space<vmem>>) target_semaphore(%arg27 : memref<!tpu.dma_semaphore, #tpu.memory_space<semaphore_mem>>)
    %add3A_14 = arith.constant 80 : i32
    %add3A_15 = arith.addi %mul3A_2, %add3A_14 : i32
    %dma_start3A_16 = tpu.memref_slice %arg3[%add3A_15] : memref<320000xi32, #tpu.memory_space<hbm>> -> memref<80xi32, #tpu.memory_space<hbm>>
    %dma_start3A_17 = tpu.memref_slice %arg3[%add3A_15] : memref<320000xi32, #tpu.memory_space<hbm>> -> memref<80xi32, #tpu.memory_space<hbm>>
    tpu.enqueue_dma source(%dma_start3A_17 : memref<80xi32, #tpu.memory_space<hbm>>) target(%arg15 : memref<80xi32, #tpu.memory_space<vmem>>) target_semaphore(%arg27 : memref<!tpu.dma_semaphore, #tpu.memory_space<semaphore_mem>>)
    %add3A_18 = arith.constant 160 : i32
    %add3A_19 = arith.addi %mul3A_2, %add3A_18 : i32
    %dma_start3A_20 = tpu.memref_slice %arg2[%add3A_19] : memref<320000xi32, #tpu.memory_space<hbm>> -> memref<80xi32, #tpu.memory_space<hbm>>
    %dma_start3A_21 = tpu.memref_slice %arg2[%add3A_19] : memref<320000xi32, #tpu.memory_space<hbm>> -> memref<80xi32, #tpu.memory_space<hbm>>
    tpu.enqueue_dma source(%dma_start3A_21 : memref<80xi32, #tpu.memory_space<hbm>>) target(%arg8 : memref<80xi32, #tpu.memory_space<vmem>>) target_semaphore(%arg28 : memref<!tpu.dma_semaphore, #tpu.memory_space<semaphore_mem>>)
    %add3A_22 = arith.constant 160 : i32
    %add3A_23 = arith.addi %mul3A_2, %add3A_22 : i32
    %dma_start3A_24 = tpu.memref_slice %arg3[%add3A_23] : memref<320000xi32, #tpu.memory_space<hbm>> -> memref<80xi32, #tpu.memory_space<hbm>>
    %dma_start3A_25 = tpu.memref_slice %arg3[%add3A_23] : memref<320000xi32, #tpu.memory_space<hbm>> -> memref<80xi32, #tpu.memory_space<hbm>>
    tpu.enqueue_dma source(%dma_start3A_25 : memref<80xi32, #tpu.memory_space<hbm>>) target(%arg16 : memref<80xi32, #tpu.memory_space<vmem>>) target_semaphore(%arg28 : memref<!tpu.dma_semaphore, #tpu.memory_space<semaphore_mem>>)
    %add3A_26 = arith.constant 240 : i32
    %add3A_27 = arith.addi %mul3A_2, %add3A_26 : i32
    %dma_start3A_28 = tpu.memref_slice %arg2[%add3A_27] : memref<320000xi32, #tpu.memory_space<hbm>> -> memref<80xi32, #tpu.memory_space<hbm>>
    %dma_start3A_29 = tpu.memref_slice %arg2[%add3A_27] : memref<320000xi32, #tpu.memory_space<hbm>> -> memref<80xi32, #tpu.memory_space<hbm>>
    tpu.enqueue_dma source(%dma_start3A_29 : memref<80xi32, #tpu.memory_space<hbm>>) target(%arg9 : memref<80xi32, #tpu.memory_space<vmem>>) target_semaphore(%arg29 : memref<!tpu.dma_semaphore, #tpu.memory_space<semaphore_mem>>)
    %add3A_30 = arith.constant 240 : i32
    %add3A_31 = arith.addi %mul3A_2, %add3A_30 : i32
    %dma_start3A_32 = tpu.memref_slice %arg3[%add3A_31] : memref<320000xi32, #tpu.memory_space<hbm>> -> memref<80xi32, #tpu.memory_space<hbm>>
    %dma_start3A_33 = tpu.memref_slice %arg3[%add3A_31] : memref<320000xi32, #tpu.memory_space<hbm>> -> memref<80xi32, #tpu.memory_space<hbm>>
    tpu.enqueue_dma source(%dma_start3A_33 : memref<80xi32, #tpu.memory_space<hbm>>) target(%arg17 : memref<80xi32, #tpu.memory_space<vmem>>) target_semaphore(%arg29 : memref<!tpu.dma_semaphore, #tpu.memory_space<semaphore_mem>>)
    %add3A_34 = arith.constant 320 : i32
    %add3A_35 = arith.addi %mul3A_2, %add3A_34 : i32
    %dma_start3A_36 = tpu.memref_slice %arg2[%add3A_35] : memref<320000xi32, #tpu.memory_space<hbm>> -> memref<80xi32, #tpu.memory_space<hbm>>
    %dma_start3A_37 = tpu.memref_slice %arg2[%add3A_35] : memref<320000xi32, #tpu.memory_space<hbm>> -> memref<80xi32, #tpu.memory_space<hbm>>
    tpu.enqueue_dma source(%dma_start3A_37 : memref<80xi32, #tpu.memory_space<hbm>>) target(%arg10 : memref<80xi32, #tpu.memory_space<vmem>>) target_semaphore(%arg30 : memref<!tpu.dma_semaphore, #tpu.memory_space<semaphore_mem>>)
    %add3A_38 = arith.constant 320 : i32
    %add3A_39 = arith.addi %mul3A_2, %add3A_38 : i32
    %dma_start3A_40 = tpu.memref_slice %arg3[%add3A_39] : memref<320000xi32, #tpu.memory_space<hbm>> -> memref<80xi32, #tpu.memory_space<hbm>>
    %dma_start3A_41 = tpu.memref_slice %arg3[%add3A_39] : memref<320000xi32, #tpu.memory_space<hbm>> -> memref<80xi32, #tpu.memory_space<hbm>>
    tpu.enqueue_dma source(%dma_start3A_41 : memref<80xi32, #tpu.memory_space<hbm>>) target(%arg18 : memref<80xi32, #tpu.memory_space<vmem>>) target_semaphore(%arg30 : memref<!tpu.dma_semaphore, #tpu.memory_space<semaphore_mem>>)
    %scan3A = arith.constant 0 : i32
    %scan3A_42 = arith.constant 0 : i32
    %scan3A_43 = arith.constant 80 : i32
    %scan3A_44 = arith.addi %scan3A_42, %scan3A_43 : i32
    %scan3A_45 = arith.constant 1 : i32
    scf.for %scan3A_276 = %scan3A_42 to %scan3A_44 step %scan3A_45  : i32 {
      %broadcast_in_dim3A = arith.constant 0.000000e+00 : f32
      %broadcast_in_dim3A_277 = vector.broadcast %broadcast_in_dim3A : f32 to vector<16xf32>
      %swap3A = arith.index_cast %scan3A_276 : i32 to index
      %swap3A_278 = arith.constant 0 : index
      %swap3A_279 = tpu.vector_load %arg22[%swap3A, %swap3A_278] {strides = array<i32>} : memref<80x128xf32, #tpu.memory_space<vmem>>, vector<1x16xf32>,
      %swap3A_280 = vector.shape_cast %swap3A_279 : vector<1x16xf32> to vector<16xf32>
      %swap3A_281 = vector.shape_cast %broadcast_in_dim3A_277 : vector<16xf32> to vector<1x16xf32>
      tpu.vector_store %arg22[%swap3A, %swap3A_278], %swap3A_281 {strides = array<i32>} : memref<80x128xf32, #tpu.memory_space<vmem>>, vector<1x16xf32>,
      %broadcast_in_dim3A_282 = arith.constant 0.000000e+00 : f32
      %broadcast_in_dim3A_283 = vector.broadcast %broadcast_in_dim3A_282 : f32 to vector<16xf32>
      %swap3A_284 = arith.index_cast %scan3A_276 : i32 to index
      %swap3A_285 = arith.constant 16 : index
      %swap3A_286 = tpu.vector_load %arg22[%swap3A_284, %swap3A_285] {strides = array<i32>} : memref<80x128xf32, #tpu.memory_space<vmem>>, vector<1x16xf32>,
      %swap3A_287 = vector.shape_cast %swap3A_286 : vector<1x16xf32> to vector<16xf32>
      %swap3A_288 = vector.shape_cast %broadcast_in_dim3A_283 : vector<16xf32> to vector<1x16xf32>
      tpu.vector_store %arg22[%swap3A_284, %swap3A_285], %swap3A_288 {strides = array<i32>} : memref<80x128xf32, #tpu.memory_space<vmem>>, vector<1x16xf32>,
      %broadcast_in_dim3A_289 = arith.constant 0.000000e+00 : f32
      %broadcast_in_dim3A_290 = vector.broadcast %broadcast_in_dim3A_289 : f32 to vector<16xf32>
      %swap3A_291 = arith.index_cast %scan3A_276 : i32 to index
      %swap3A_292 = arith.constant 32 : index
      %swap3A_293 = tpu.vector_load %arg22[%swap3A_291, %swap3A_292] {strides = array<i32>} : memref<80x128xf32, #tpu.memory_space<vmem>>, vector<1x16xf32>,
      %swap3A_294 = vector.shape_cast %swap3A_293 : vector<1x16xf32> to vector<16xf32>
      %swap3A_295 = vector.shape_cast %broadcast_in_dim3A_290 : vector<16xf32> to vector<1x16xf32>
      tpu.vector_store %arg22[%swap3A_291, %swap3A_292], %swap3A_295 {strides = array<i32>} : memref<80x128xf32, #tpu.memory_space<vmem>>, vector<1x16xf32>,
      %broadcast_in_dim3A_296 = arith.constant 0.000000e+00 : f32
      %broadcast_in_dim3A_297 = vector.broadcast %broadcast_in_dim3A_296 : f32 to vector<16xf32>
      %swap3A_298 = arith.index_cast %scan3A_276 : i32 to index
      %swap3A_299 = arith.constant 48 : index
      %swap3A_300 = tpu.vector_load %arg22[%swap3A_298, %swap3A_299] {strides = array<i32>} : memref<80x128xf32, #tpu.memory_space<vmem>>, vector<1x16xf32>,
      %swap3A_301 = vector.shape_cast %swap3A_300 : vector<1x16xf32> to vector<16xf32>
      %swap3A_302 = vector.shape_cast %broadcast_in_dim3A_297 : vector<16xf32> to vector<1x16xf32>
      tpu.vector_store %arg22[%swap3A_298, %swap3A_299], %swap3A_302 {strides = array<i32>} : memref<80x128xf32, #tpu.memory_space<vmem>>, vector<1x16xf32>,
      %broadcast_in_dim3A_303 = arith.constant 0.000000e+00 : f32
      %broadcast_in_dim3A_304 = vector.broadcast %broadcast_in_dim3A_303 : f32 to vector<16xf32>
      %swap3A_305 = arith.index_cast %scan3A_276 : i32 to index
      %swap3A_306 = arith.constant 64 : index
      %swap3A_307 = tpu.vector_load %arg22[%swap3A_305, %swap3A_306] {strides = array<i32>} : memref<80x128xf32, #tpu.memory_space<vmem>>, vector<1x16xf32>,
      %swap3A_308 = vector.shape_cast %swap3A_307 : vector<1x16xf32> to vector<16xf32>
      %swap3A_309 = vector.shape_cast %broadcast_in_dim3A_304 : vector<16xf32> to vector<1x16xf32>
      tpu.vector_store %arg22[%swap3A_305, %swap3A_306], %swap3A_309 {strides = array<i32>} : memref<80x128xf32, #tpu.memory_space<vmem>>, vector<1x16xf32>,
      %broadcast_in_dim3A_310 = arith.constant 0.000000e+00 : f32
      %broadcast_in_dim3A_311 = vector.broadcast %broadcast_in_dim3A_310 : f32 to vector<16xf32>
      %swap3A_312 = arith.index_cast %scan3A_276 : i32 to index
      %swap3A_313 = arith.constant 80 : index
      %swap3A_314 = tpu.vector_load %arg22[%swap3A_312, %swap3A_313] {strides = array<i32>} : memref<80x128xf32, #tpu.memory_space<vmem>>, vector<1x16xf32>,
      %swap3A_315 = vector.shape_cast %swap3A_314 : vector<1x16xf32> to vector<16xf32>
      %swap3A_316 = vector.shape_cast %broadcast_in_dim3A_311 : vector<16xf32> to vector<1x16xf32>
      tpu.vector_store %arg22[%swap3A_312, %swap3A_313], %swap3A_316 {strides = array<i32>} : memref<80x128xf32, #tpu.memory_space<vmem>>, vector<1x16xf32>,
      %broadcast_in_dim3A_317 = arith.constant 0.000000e+00 : f32
      %broadcast_in_dim3A_318 = vector.broadcast %broadcast_in_dim3A_317 : f32 to vector<16xf32>
      %swap3A_319 = arith.index_cast %scan3A_276 : i32 to index
      %swap3A_320 = arith.constant 96 : index
      %swap3A_321 = tpu.vector_load %arg22[%swap3A_319, %swap3A_320] {strides = array<i32>} : memref<80x128xf32, #tpu.memory_space<vmem>>, vector<1x16xf32>,
      %swap3A_322 = vector.shape_cast %swap3A_321 : vector<1x16xf32> to vector<16xf32>
      %swap3A_323 = vector.shape_cast %broadcast_in_dim3A_318 : vector<16xf32> to vector<1x16xf32>
      tpu.vector_store %arg22[%swap3A_319, %swap3A_320], %swap3A_323 {strides = array<i32>} : memref<80x128xf32, #tpu.memory_space<vmem>>, vector<1x16xf32>,
      %broadcast_in_dim3A_324 = arith.constant 0.000000e+00 : f32
      %broadcast_in_dim3A_325 = vector.broadcast %broadcast_in_dim3A_324 : f32 to vector<16xf32>
      %swap3A_326 = arith.index_cast %scan3A_276 : i32 to index
      %swap3A_327 = arith.constant 112 : index
      %swap3A_328 = tpu.vector_load %arg22[%swap3A_326, %swap3A_327] {strides = array<i32>} : memref<80x128xf32, #tpu.memory_space<vmem>>, vector<1x16xf32>,
      %swap3A_329 = vector.shape_cast %swap3A_328 : vector<1x16xf32> to vector<16xf32>
      %swap3A_330 = vector.shape_cast %broadcast_in_dim3A_325 : vector<16xf32> to vector<1x16xf32>
      tpu.vector_store %arg22[%swap3A_326, %swap3A_327], %swap3A_330 {strides = array<i32>} : memref<80x128xf32, #tpu.memory_space<vmem>>, vector<1x16xf32>,
    }
    %scan3A_46 = arith.constant 80 : i32
    %mul3A_47 = arith.constant 640 : i32
    %mul3A_48 = arith.muli %arg1, %mul3A_47 : i32
    %add3A_49 = arith.constant 0 : i32
    %add3A_50 = arith.addi %mul3A_48, %add3A_49 : i32
    "tpu.region"() ({
      %run_scoped3A = tpu.sem_alloc : memref<!tpu.dma_semaphore, #tpu.memory_space<semaphore_mem>>
      %dma_start3A_276 = arith.constant 0 : i32
      %dma_start3A_277 = tpu.memref_slice %arg42[%add3A_50, %dma_start3A_276] : memref<10240x128xf32, #tpu.memory_space<vmem_shared>> -> memref<80x128xf32, #tpu.memory_space<vmem_shared>>
      %dma_start3A_278 = arith.constant 0 : i32
      %dma_start3A_279 = tpu.memref_slice %arg42[%add3A_50, %dma_start3A_278] : memref<10240x128xf32, #tpu.memory_space<vmem_shared>> -> memref<80x128xf32, #tpu.memory_space<vmem_shared>>
      tpu.enqueue_dma source(%arg22 : memref<80x128xf32, #tpu.memory_space<vmem>>) target(%dma_start3A_279 : memref<80x128xf32, #tpu.memory_space<vmem_shared>>) target_semaphore(%run_scoped3A : memref<!tpu.dma_semaphore, #tpu.memory_space<semaphore_mem>>)
      %dma_wait3A_280 = arith.constant 0 : i32
      %dma_wait3A_281 = tpu.memref_slice %arg42[%add3A_50, %dma_wait3A_280] : memref<10240x128xf32, #tpu.memory_space<vmem_shared>> -> memref<80x128xf32, #tpu.memory_space<vmem_shared>>
      %dma_wait3A_282 = arith.constant 0 : i32
      %dma_wait3A_283 = tpu.memref_slice %arg42[%add3A_50, %dma_wait3A_282] : memref<10240x128xf32, #tpu.memory_space<vmem_shared>> -> memref<80x128xf32, #tpu.memory_space<vmem_shared>>
      tpu.wait_dma2 semaphore(%run_scoped3A : memref<!tpu.dma_semaphore, #tpu.memory_space<semaphore_mem>>) src(%arg22 : memref<80x128xf32, #tpu.memory_space<vmem>>) dst(%dma_wait3A_283 : memref<80x128xf32, #tpu.memory_space<vmem_shared>>)
      tpu.yield
    }) : () -> ()
    %mul3A_51 = arith.constant 640 : i32
    %mul3A_52 = arith.muli %arg1, %mul3A_51 : i32
    %add3A_53 = arith.constant 80 : i32
    %add3A_54 = arith.addi %mul3A_52, %add3A_53 : i32
    "tpu.region"() ({
      %run_scoped3A = tpu.sem_alloc : memref<!tpu.dma_semaphore, #tpu.memory_space<semaphore_mem>>
      %dma_start3A_276 = arith.constant 0 : i32
      %dma_start3A_277 = tpu.memref_slice %arg42[%add3A_54, %dma_start3A_276] : memref<10240x128xf32, #tpu.memory_space<vmem_shared>> -> memref<80x128xf32, #tpu.memory_space<vmem_shared>>
      %dma_start3A_278 = arith.constant 0 : i32
      %dma_start3A_279 = tpu.memref_slice %arg42[%add3A_54, %dma_start3A_278] : memref<10240x128xf32, #tpu.memory_space<vmem_shared>> -> memref<80x128xf32, #tpu.memory_space<vmem_shared>>
      tpu.enqueue_dma source(%arg22 : memref<80x128xf32, #tpu.memory_space<vmem>>) target(%dma_start3A_279 : memref<80x128xf32, #tpu.memory_space<vmem_shared>>) target_semaphore(%run_scoped3A : memref<!tpu.dma_semaphore, #tpu.memory_space<semaphore_mem>>)
      %dma_wait3A_280 = arith.constant 0 : i32
      %dma_wait3A_281 = tpu.memref_slice %arg42[%add3A_54, %dma_wait3A_280] : memref<10240x128xf32, #tpu.memory_space<vmem_shared>> -> memref<80x128xf32, #tpu.memory_space<vmem_shared>>
      %dma_wait3A_282 = arith.constant 0 : i32
      %dma_wait3A_283 = tpu.memref_slice %arg42[%add3A_54, %dma_wait3A_282] : memref<10240x128xf32, #tpu.memory_space<vmem_shared>> -> memref<80x128xf32, #tpu.memory_space<vmem_shared>>
      tpu.wait_dma2 semaphore(%run_scoped3A : memref<!tpu.dma_semaphore, #tpu.memory_space<semaphore_mem>>) src(%arg22 : memref<80x128xf32, #tpu.memory_space<vmem>>) dst(%dma_wait3A_283 : memref<80x128xf32, #tpu.memory_space<vmem_shared>>)
      tpu.yield
    }) : () -> ()
    %mul3A_55 = arith.constant 640 : i32
    %mul3A_56 = arith.muli %arg1, %mul3A_55 : i32
    %add3A_57 = arith.constant 160 : i32
    %add3A_58 = arith.addi %mul3A_56, %add3A_57 : i32
    "tpu.region"() ({
      %run_scoped3A = tpu.sem_alloc : memref<!tpu.dma_semaphore, #tpu.memory_space<semaphore_mem>>
      %dma_start3A_276 = arith.constant 0 : i32
      %dma_start3A_277 = tpu.memref_slice %arg42[%add3A_58, %dma_start3A_276] : memref<10240x128xf32, #tpu.memory_space<vmem_shared>> -> memref<80x128xf32, #tpu.memory_space<vmem_shared>>
      %dma_start3A_278 = arith.constant 0 : i32
      %dma_start3A_279 = tpu.memref_slice %arg42[%add3A_58, %dma_start3A_278] : memref<10240x128xf32, #tpu.memory_space<vmem_shared>> -> memref<80x128xf32, #tpu.memory_space<vmem_shared>>
      tpu.enqueue_dma source(%arg22 : memref<80x128xf32, #tpu.memory_space<vmem>>) target(%dma_start3A_279 : memref<80x128xf32, #tpu.memory_space<vmem_shared>>) target_semaphore(%run_scoped3A : memref<!tpu.dma_semaphore, #tpu.memory_space<semaphore_mem>>)
      %dma_wait3A_280 = arith.constant 0 : i32
      %dma_wait3A_281 = tpu.memref_slice %arg42[%add3A_58, %dma_wait3A_280] : memref<10240x128xf32, #tpu.memory_space<vmem_shared>> -> memref<80x128xf32, #tpu.memory_space<vmem_shared>>
      %dma_wait3A_282 = arith.constant 0 : i32
      %dma_wait3A_283 = tpu.memref_slice %arg42[%add3A_58, %dma_wait3A_282] : memref<10240x128xf32, #tpu.memory_space<vmem_shared>> -> memref<80x128xf32, #tpu.memory_space<vmem_shared>>
      tpu.wait_dma2 semaphore(%run_scoped3A : memref<!tpu.dma_semaphore, #tpu.memory_space<semaphore_mem>>) src(%arg22 : memref<80x128xf32, #tpu.memory_space<vmem>>) dst(%dma_wait3A_283 : memref<80x128xf32, #tpu.memory_space<vmem_shared>>)
      tpu.yield
    }) : () -> ()
    %mul3A_59 = arith.constant 640 : i32
    %mul3A_60 = arith.muli %arg1, %mul3A_59 : i32
    %add3A_61 = arith.constant 240 : i32
    %add3A_62 = arith.addi %mul3A_60, %add3A_61 : i32
    "tpu.region"() ({
      %run_scoped3A = tpu.sem_alloc : memref<!tpu.dma_semaphore, #tpu.memory_space<semaphore_mem>>
      %dma_start3A_276 = arith.constant 0 : i32
      %dma_start3A_277 = tpu.memref_slice %arg42[%add3A_62, %dma_start3A_276] : memref<10240x128xf32, #tpu.memory_space<vmem_shared>> -> memref<80x128xf32, #tpu.memory_space<vmem_shared>>
      %dma_start3A_278 = arith.constant 0 : i32
      %dma_start3A_279 = tpu.memref_slice %arg42[%add3A_62, %dma_start3A_278] : memref<10240x128xf32, #tpu.memory_space<vmem_shared>> -> memref<80x128xf32, #tpu.memory_space<vmem_shared>>
      tpu.enqueue_dma source(%arg22 : memref<80x128xf32, #tpu.memory_space<vmem>>) target(%dma_start3A_279 : memref<80x128xf32, #tpu.memory_space<vmem_shared>>) target_semaphore(%run_scoped3A : memref<!tpu.dma_semaphore, #tpu.memory_space<semaphore_mem>>)
      %dma_wait3A_280 = arith.constant 0 : i32
      %dma_wait3A_281 = tpu.memref_slice %arg42[%add3A_62, %dma_wait3A_280] : memref<10240x128xf32, #tpu.memory_space<vmem_shared>> -> memref<80x128xf32, #tpu.memory_space<vmem_shared>>
      %dma_wait3A_282 = arith.constant 0 : i32
      %dma_wait3A_283 = tpu.memref_slice %arg42[%add3A_62, %dma_wait3A_282] : memref<10240x128xf32, #tpu.memory_space<vmem_shared>> -> memref<80x128xf32, #tpu.memory_space<vmem_shared>>
      tpu.wait_dma2 semaphore(%run_scoped3A : memref<!tpu.dma_semaphore, #tpu.memory_space<semaphore_mem>>) src(%arg22 : memref<80x128xf32, #tpu.memory_space<vmem>>) dst(%dma_wait3A_283 : memref<80x128xf32, #tpu.memory_space<vmem_shared>>)
      tpu.yield
    }) : () -> ()
    %mul3A_63 = arith.constant 640 : i32
    %mul3A_64 = arith.muli %arg1, %mul3A_63 : i32
    %add3A_65 = arith.constant 320 : i32
    %add3A_66 = arith.addi %mul3A_64, %add3A_65 : i32
    "tpu.region"() ({
      %run_scoped3A = tpu.sem_alloc : memref<!tpu.dma_semaphore, #tpu.memory_space<semaphore_mem>>
      %dma_start3A_276 = arith.constant 0 : i32
      %dma_start3A_277 = tpu.memref_slice %arg42[%add3A_66, %dma_start3A_276] : memref<10240x128xf32, #tpu.memory_space<vmem_shared>> -> memref<80x128xf32, #tpu.memory_space<vmem_shared>>
      %dma_start3A_278 = arith.constant 0 : i32
      %dma_start3A_279 = tpu.memref_slice %arg42[%add3A_66, %dma_start3A_278] : memref<10240x128xf32, #tpu.memory_space<vmem_shared>> -> memref<80x128xf32, #tpu.memory_space<vmem_shared>>
      tpu.enqueue_dma source(%arg22 : memref<80x128xf32, #tpu.memory_space<vmem>>) target(%dma_start3A_279 : memref<80x128xf32, #tpu.memory_space<vmem_shared>>) target_semaphore(%run_scoped3A : memref<!tpu.dma_semaphore, #tpu.memory_space<semaphore_mem>>)
      %dma_wait3A_280 = arith.constant 0 : i32
      %dma_wait3A_281 = tpu.memref_slice %arg42[%add3A_66, %dma_wait3A_280] : memref<10240x128xf32, #tpu.memory_space<vmem_shared>> -> memref<80x128xf32, #tpu.memory_space<vmem_shared>>
      %dma_wait3A_282 = arith.constant 0 : i32
      %dma_wait3A_283 = tpu.memref_slice %arg42[%add3A_66, %dma_wait3A_282] : memref<10240x128xf32, #tpu.memory_space<vmem_shared>> -> memref<80x128xf32, #tpu.memory_space<vmem_shared>>
      tpu.wait_dma2 semaphore(%run_scoped3A : memref<!tpu.dma_semaphore, #tpu.memory_space<semaphore_mem>>) src(%arg22 : memref<80x128xf32, #tpu.memory_space<vmem>>) dst(%dma_wait3A_283 : memref<80x128xf32, #tpu.memory_space<vmem_shared>>)
      tpu.yield
    }) : () -> ()
    %mul3A_67 = arith.constant 640 : i32
    %mul3A_68 = arith.muli %arg1, %mul3A_67 : i32
    %add3A_69 = arith.constant 400 : i32
    %add3A_70 = arith.addi %mul3A_68, %add3A_69 : i32
    "tpu.region"() ({
      %run_scoped3A = tpu.sem_alloc : memref<!tpu.dma_semaphore, #tpu.memory_space<semaphore_mem>>
      %dma_start3A_276 = arith.constant 0 : i32
      %dma_start3A_277 = tpu.memref_slice %arg42[%add3A_70, %dma_start3A_276] : memref<10240x128xf32, #tpu.memory_space<vmem_shared>> -> memref<80x128xf32, #tpu.memory_space<vmem_shared>>
      %dma_start3A_278 = arith.constant 0 : i32
      %dma_start3A_279 = tpu.memref_slice %arg42[%add3A_70, %dma_start3A_278] : memref<10240x128xf32, #tpu.memory_space<vmem_shared>> -> memref<80x128xf32, #tpu.memory_space<vmem_shared>>
      tpu.enqueue_dma source(%arg22 : memref<80x128xf32, #tpu.memory_space<vmem>>) target(%dma_start3A_279 : memref<80x128xf32, #tpu.memory_space<vmem_shared>>) target_semaphore(%run_scoped3A : memref<!tpu.dma_semaphore, #tpu.memory_space<semaphore_mem>>)
      %dma_wait3A_280 = arith.constant 0 : i32
      %dma_wait3A_281 = tpu.memref_slice %arg42[%add3A_70, %dma_wait3A_280] : memref<10240x128xf32, #tpu.memory_space<vmem_shared>> -> memref<80x128xf32, #tpu.memory_space<vmem_shared>>
      %dma_wait3A_282 = arith.constant 0 : i32
      %dma_wait3A_283 = tpu.memref_slice %arg42[%add3A_70, %dma_wait3A_282] : memref<10240x128xf32, #tpu.memory_space<vmem_shared>> -> memref<80x128xf32, #tpu.memory_space<vmem_shared>>
      tpu.wait_dma2 semaphore(%run_scoped3A : memref<!tpu.dma_semaphore, #tpu.memory_space<semaphore_mem>>) src(%arg22 : memref<80x128xf32, #tpu.memory_space<vmem>>) dst(%dma_wait3A_283 : memref<80x128xf32, #tpu.memory_space<vmem_shared>>)
      tpu.yield
    }) : () -> ()
    %mul3A_71 = arith.constant 640 : i32
    %mul3A_72 = arith.muli %arg1, %mul3A_71 : i32
    %add3A_73 = arith.constant 480 : i32
    %add3A_74 = arith.addi %mul3A_72, %add3A_73 : i32
    "tpu.region"() ({
      %run_scoped3A = tpu.sem_alloc : memref<!tpu.dma_semaphore, #tpu.memory_space<semaphore_mem>>
      %dma_start3A_276 = arith.constant 0 : i32
      %dma_start3A_277 = tpu.memref_slice %arg42[%add3A_74, %dma_start3A_276] : memref<10240x128xf32, #tpu.memory_space<vmem_shared>> -> memref<80x128xf32, #tpu.memory_space<vmem_shared>>
      %dma_start3A_278 = arith.constant 0 : i32
      %dma_start3A_279 = tpu.memref_slice %arg42[%add3A_74, %dma_start3A_278] : memref<10240x128xf32, #tpu.memory_space<vmem_shared>> -> memref<80x128xf32, #tpu.memory_space<vmem_shared>>
      tpu.enqueue_dma source(%arg22 : memref<80x128xf32, #tpu.memory_space<vmem>>) target(%dma_start3A_279 : memref<80x128xf32, #tpu.memory_space<vmem_shared>>) target_semaphore(%run_scoped3A : memref<!tpu.dma_semaphore, #tpu.memory_space<semaphore_mem>>)
      %dma_wait3A_280 = arith.constant 0 : i32
      %dma_wait3A_281 = tpu.memref_slice %arg42[%add3A_74, %dma_wait3A_280] : memref<10240x128xf32, #tpu.memory_space<vmem_shared>> -> memref<80x128xf32, #tpu.memory_space<vmem_shared>>
      %dma_wait3A_282 = arith.constant 0 : i32
      %dma_wait3A_283 = tpu.memref_slice %arg42[%add3A_74, %dma_wait3A_282] : memref<10240x128xf32, #tpu.memory_space<vmem_shared>> -> memref<80x128xf32, #tpu.memory_space<vmem_shared>>
      tpu.wait_dma2 semaphore(%run_scoped3A : memref<!tpu.dma_semaphore, #tpu.memory_space<semaphore_mem>>) src(%arg22 : memref<80x128xf32, #tpu.memory_space<vmem>>) dst(%dma_wait3A_283 : memref<80x128xf32, #tpu.memory_space<vmem_shared>>)
      tpu.yield
    }) : () -> ()
    %mul3A_75 = arith.constant 640 : i32
    %mul3A_76 = arith.muli %arg1, %mul3A_75 : i32
    %add3A_77 = arith.constant 560 : i32
    %add3A_78 = arith.addi %mul3A_76, %add3A_77 : i32
    "tpu.region"() ({
      %run_scoped3A = tpu.sem_alloc : memref<!tpu.dma_semaphore, #tpu.memory_space<semaphore_mem>>
      %dma_start3A_276 = arith.constant 0 : i32
      %dma_start3A_277 = tpu.memref_slice %arg42[%add3A_78, %dma_start3A_276] : memref<10240x128xf32, #tpu.memory_space<vmem_shared>> -> memref<80x128xf32, #tpu.memory_space<vmem_shared>>
      %dma_start3A_278 = arith.constant 0 : i32
      %dma_start3A_279 = tpu.memref_slice %arg42[%add3A_78, %dma_start3A_278] : memref<10240x128xf32, #tpu.memory_space<vmem_shared>> -> memref<80x128xf32, #tpu.memory_space<vmem_shared>>
      tpu.enqueue_dma source(%arg22 : memref<80x128xf32, #tpu.memory_space<vmem>>) target(%dma_start3A_279 : memref<80x128xf32, #tpu.memory_space<vmem_shared>>) target_semaphore(%run_scoped3A : memref<!tpu.dma_semaphore, #tpu.memory_space<semaphore_mem>>)
      %dma_wait3A_280 = arith.constant 0 : i32
      %dma_wait3A_281 = tpu.memref_slice %arg42[%add3A_78, %dma_wait3A_280] : memref<10240x128xf32, #tpu.memory_space<vmem_shared>> -> memref<80x128xf32, #tpu.memory_space<vmem_shared>>
      %dma_wait3A_282 = arith.constant 0 : i32
      %dma_wait3A_283 = tpu.memref_slice %arg42[%add3A_78, %dma_wait3A_282] : memref<10240x128xf32, #tpu.memory_space<vmem_shared>> -> memref<80x128xf32, #tpu.memory_space<vmem_shared>>
      tpu.wait_dma2 semaphore(%run_scoped3A : memref<!tpu.dma_semaphore, #tpu.memory_space<semaphore_mem>>) src(%arg22 : memref<80x128xf32, #tpu.memory_space<vmem>>) dst(%dma_wait3A_283 : memref<80x128xf32, #tpu.memory_space<vmem_shared>>)
      tpu.yield
    }) : () -> ()
    %dma_wait3A = arith.constant 0 : i32
    %dma_wait3A_79 = tpu.memref_slice %arg2[%dma_wait3A] : memref<320000xi32, #tpu.memory_space<hbm>> -> memref<80xi32, #tpu.memory_space<hbm>>
    %dma_wait3A_80 = arith.constant 0 : i32
    %dma_wait3A_81 = tpu.memref_slice %arg2[%dma_wait3A_80] : memref<320000xi32, #tpu.memory_space<hbm>> -> memref<80xi32, #tpu.memory_space<hbm>>
    tpu.wait_dma2 semaphore(%arg26 : memref<!tpu.dma_semaphore, #tpu.memory_space<semaphore_mem>>) src(%dma_wait3A_81 : memref<80xi32, #tpu.memory_space<hbm>>) dst(%arg6 : memref<80xi32, #tpu.memory_space<vmem>>)
    %dma_wait3A_82 = arith.constant 0 : i32
    %dma_wait3A_83 = tpu.memref_slice %arg3[%dma_wait3A_82] : memref<320000xi32, #tpu.memory_space<hbm>> -> memref<80xi32, #tpu.memory_space<hbm>>
    %dma_wait3A_84 = arith.constant 0 : i32
    %dma_wait3A_85 = tpu.memref_slice %arg3[%dma_wait3A_84] : memref<320000xi32, #tpu.memory_space<hbm>> -> memref<80xi32, #tpu.memory_space<hbm>>
    tpu.wait_dma2 semaphore(%arg26 : memref<!tpu.dma_semaphore, #tpu.memory_space<semaphore_mem>>) src(%dma_wait3A_85 : memref<80xi32, #tpu.memory_space<hbm>>) dst(%arg14 : memref<80xi32, #tpu.memory_space<vmem>>)
    %dma_start3A_86 = arith.constant 0 : i32
    %dma_start3A_87 = arith.constant 0 : i32
    %dma_start3A_88 = tpu.memref_slice %arg4[%dma_start3A_86, %dma_start3A_87] : memref<10000x128xf32, #tpu.memory_space<hbm>> -> memref<10000x128xf32, #tpu.memory_space<hbm>>
    tpu.enqueue_indirect_dma source(%dma_start3A_88 : memref<10000x128xf32, #tpu.memory_space<hbm>>) target(%arg22 : memref<80x128xf32, #tpu.memory_space<vmem>>) offsets(%arg6 : memref<80xi32, #tpu.memory_space<vmem>>) semaphore(%arg34 : memref<!tpu.dma_semaphore, #tpu.memory_space<semaphore_mem>>)
    %dma_wait3A_89 = arith.constant 0 : i32
    %dma_wait3A_90 = tpu.memref_slice %arg2[%dma_wait3A_89] : memref<320000xi32, #tpu.memory_space<hbm>> -> memref<80xi32, #tpu.memory_space<hbm>>
    %dma_wait3A_91 = arith.constant 0 : i32
    %dma_wait3A_92 = tpu.memref_slice %arg2[%dma_wait3A_91] : memref<320000xi32, #tpu.memory_space<hbm>> -> memref<80xi32, #tpu.memory_space<hbm>>
    tpu.wait_dma2 semaphore(%arg27 : memref<!tpu.dma_semaphore, #tpu.memory_space<semaphore_mem>>) src(%dma_wait3A_92 : memref<80xi32, #tpu.memory_space<hbm>>) dst(%arg7 : memref<80xi32, #tpu.memory_space<vmem>>)
    %dma_wait3A_93 = arith.constant 0 : i32
    %dma_wait3A_94 = tpu.memref_slice %arg3[%dma_wait3A_93] : memref<320000xi32, #tpu.memory_space<hbm>> -> memref<80xi32, #tpu.memory_space<hbm>>
    %dma_wait3A_95 = arith.constant 0 : i32
    %dma_wait3A_96 = tpu.memref_slice %arg3[%dma_wait3A_95] : memref<320000xi32, #tpu.memory_space<hbm>> -> memref<80xi32, #tpu.memory_space<hbm>>
    tpu.wait_dma2 semaphore(%arg27 : memref<!tpu.dma_semaphore, #tpu.memory_space<semaphore_mem>>) src(%dma_wait3A_96 : memref<80xi32, #tpu.memory_space<hbm>>) dst(%arg15 : memref<80xi32, #tpu.memory_space<vmem>>)
    %dma_start3A_97 = arith.constant 0 : i32
    %dma_start3A_98 = arith.constant 0 : i32
    %dma_start3A_99 = tpu.memref_slice %arg4[%dma_start3A_97, %dma_start3A_98] : memref<10000x128xf32, #tpu.memory_space<hbm>> -> memref<10000x128xf32, #tpu.memory_space<hbm>>
    tpu.enqueue_indirect_dma source(%dma_start3A_99 : memref<10000x128xf32, #tpu.memory_space<hbm>>) target(%arg23 : memref<80x128xf32, #tpu.memory_space<vmem>>) offsets(%arg7 : memref<80xi32, #tpu.memory_space<vmem>>) semaphore(%arg35 : memref<!tpu.dma_semaphore, #tpu.memory_space<semaphore_mem>>)
    %barrier3A = arith.constant 0 : index
    tpu.barrier barrier_id(%barrier3A)
    %scan3A_100 = arith.constant 0 : i32
    %scan3A_101 = arith.constant 0 : i32
    %scan3A_102 = arith.constant 15 : i32
    %scan3A_103 = arith.addi %scan3A_101, %scan3A_102 : i32
    %scan3A_104 = arith.constant 1 : i32
    scf.for %scan3A_276 = %scan3A_101 to %scan3A_103 step %scan3A_104  : i32 {
      %mul3A_277 = arith.constant 8 : i32
      %mul3A_278 = arith.muli %scan3A_276, %mul3A_277 : i32
      %add3A_279 = arith.constant 0 : i32
      %add3A_280 = arith.addi %mul3A_278, %add3A_279 : i32
      %add3A_281 = arith.constant 2 : i32
      %add3A_282 = arith.addi %add3A_280, %add3A_281 : i32
      %ge3A_283 = arith.constant 2 : i32
      %ge3A_284 = arith.cmpi sge, %add3A_280, %ge3A_283 : i32
      %lt3A_285 = arith.constant 125 : i32
      %lt3A_286 = arith.cmpi slt, %add3A_282, %lt3A_285 : i32
      %and3A_287 = arith.andi %ge3A_284, %lt3A_286 : i1
      %convert_element_type3A_288 = arith.extui %and3A_287 : i1 to i32
      %cond3A_289 = arith.constant 0 : i32
      %cond3A_290 = arith.cmpi ne, %convert_element_type3A_288, %cond3A_289 : i32
      scf.if %cond3A_290 {
        %dma_wait3A_533 = arith.constant 0 : i32
        %dma_wait3A_534 = arith.constant 0 : i32
        %dma_wait3A_535 = tpu.memref_slice %arg42[%dma_wait3A_533, %dma_wait3A_534] : memref<10240x128xf32, #tpu.memory_space<vmem_shared>> -> memref<10240x128xf32, #tpu.memory_space<vmem_shared>>
        tpu.wait_indirect_dma semaphore(%arg40 : memref<!tpu.dma_semaphore, #tpu.memory_space<semaphore_mem>>) src(%arg24 : memref<80x128xf32, #tpu.memory_space<vmem>>) dst(%dma_wait3A_535 : memref<10240x128xf32, #tpu.memory_space<vmem_shared>>)
      } else {
      }
      %add3A_291 = arith.constant 5 : i32
      %add3A_292 = arith.addi %add3A_280, %add3A_291 : i32
      %lt3A_293 = arith.constant 125 : i32
      %lt3A_294 = arith.cmpi slt, %add3A_292, %lt3A_293 : i32
      %convert_element_type3A_295 = arith.extui %lt3A_294 : i1 to i32
      %cond3A_296 = arith.constant 0 : i32
      %cond3A_297 = arith.cmpi ne, %convert_element_type3A_295, %cond3A_296 : i32
      scf.if %cond3A_297 {
        %mul3A_533 = arith.constant 80 : i32
        %mul3A_534 = arith.muli %add3A_292, %mul3A_533 : i32
        %add3A_535 = arith.addi %mul3A_2, %mul3A_534 : i32
        %dma_start3A_536 = tpu.memref_slice %arg2[%add3A_535] : memref<320000xi32, #tpu.memory_space<hbm>> -> memref<80xi32, #tpu.memory_space<hbm>>
        %dma_start3A_537 = tpu.memref_slice %arg2[%add3A_535] : memref<320000xi32, #tpu.memory_space<hbm>> -> memref<80xi32, #tpu.memory_space<hbm>>
        tpu.enqueue_dma source(%dma_start3A_537 : memref<80xi32, #tpu.memory_space<hbm>>) target(%arg11 : memref<80xi32, #tpu.memory_space<vmem>>) target_semaphore(%arg31 : memref<!tpu.dma_semaphore, #tpu.memory_space<semaphore_mem>>)
        %mul3A_538 = arith.constant 80 : i32
        %mul3A_539 = arith.muli %add3A_292, %mul3A_538 : i32
        %add3A_540 = arith.addi %mul3A_2, %mul3A_539 : i32
        %dma_start3A_541 = tpu.memref_slice %arg3[%add3A_540] : memref<320000xi32, #tpu.memory_space<hbm>> -> memref<80xi32, #tpu.memory_space<hbm>>
        %dma_start3A_542 = tpu.memref_slice %arg3[%add3A_540] : memref<320000xi32, #tpu.memory_space<hbm>> -> memref<80xi32, #tpu.memory_space<hbm>>
        tpu.enqueue_dma source(%dma_start3A_542 : memref<80xi32, #tpu.memory_space<hbm>>) target(%arg19 : memref<80xi32, #tpu.memory_space<vmem>>) target_semaphore(%arg31 : memref<!tpu.dma_semaphore, #tpu.memory_space<semaphore_mem>>)
      } else {
      }
      %lt3A_298 = arith.constant 125 : i32
      %lt3A_299 = arith.cmpi slt, %add3A_282, %lt3A_298 : i32
      %convert_element_type3A_300 = arith.extui %lt3A_299 : i1 to i32
      %cond3A_301 = arith.constant 0 : i32
      %cond3A_302 = arith.cmpi ne, %convert_element_type3A_300, %cond3A_301 : i32
      scf.if %cond3A_302 {
        %dma_wait3A_533 = arith.constant 0 : i32
        %dma_wait3A_534 = tpu.memref_slice %arg2[%dma_wait3A_533] : memref<320000xi32, #tpu.memory_space<hbm>> -> memref<80xi32, #tpu.memory_space<hbm>>
        %dma_wait3A_535 = arith.constant 0 : i32
        %dma_wait3A_536 = tpu.memref_slice %arg2[%dma_wait3A_535] : memref<320000xi32, #tpu.memory_space<hbm>> -> memref<80xi32, #tpu.memory_space<hbm>>
        tpu.wait_dma2 semaphore(%arg28 : memref<!tpu.dma_semaphore, #tpu.memory_space<semaphore_mem>>) src(%dma_wait3A_536 : memref<80xi32, #tpu.memory_space<hbm>>) dst(%arg8 : memref<80xi32, #tpu.memory_space<vmem>>)
        %dma_wait3A_537 = arith.constant 0 : i32
        %dma_wait3A_538 = tpu.memref_slice %arg3[%dma_wait3A_537] : memref<320000xi32, #tpu.memory_space<hbm>> -> memref<80xi32, #tpu.memory_space<hbm>>
        %dma_wait3A_539 = arith.constant 0 : i32
        %dma_wait3A_540 = tpu.memref_slice %arg3[%dma_wait3A_539] : memref<320000xi32, #tpu.memory_space<hbm>> -> memref<80xi32, #tpu.memory_space<hbm>>
        tpu.wait_dma2 semaphore(%arg28 : memref<!tpu.dma_semaphore, #tpu.memory_space<semaphore_mem>>) src(%dma_wait3A_540 : memref<80xi32, #tpu.memory_space<hbm>>) dst(%arg16 : memref<80xi32, #tpu.memory_space<vmem>>)
        %dma_start3A_541 = arith.constant 0 : i32
        %dma_start3A_542 = arith.constant 0 : i32
        %dma_start3A_543 = tpu.memref_slice %arg4[%dma_start3A_541, %dma_start3A_542] : memref<10000x128xf32, #tpu.memory_space<hbm>> -> memref<10000x128xf32, #tpu.memory_space<hbm>>
        tpu.enqueue_indirect_dma source(%dma_start3A_543 : memref<10000x128xf32, #tpu.memory_space<hbm>>) target(%arg24 : memref<80x128xf32, #tpu.memory_space<vmem>>) offsets(%arg8 : memref<80xi32, #tpu.memory_space<vmem>>) semaphore(%arg36 : memref<!tpu.dma_semaphore, #tpu.memory_space<semaphore_mem>>)
      } else {
      }
      %dma_wait3A_303 = arith.constant 0 : i32
      %dma_wait3A_304 = arith.constant 0 : i32
      %dma_wait3A_305 = tpu.memref_slice %arg4[%dma_wait3A_303, %dma_wait3A_304] : memref<10000x128xf32, #tpu.memory_space<hbm>> -> memref<10000x128xf32, #tpu.memory_space<hbm>>
      tpu.wait_indirect_dma semaphore(%arg34 : memref<!tpu.dma_semaphore, #tpu.memory_space<semaphore_mem>>) src(%dma_wait3A_305 : memref<10000x128xf32, #tpu.memory_space<hbm>>) dst(%arg22 : memref<80x128xf32, #tpu.memory_space<vmem>>)
      %dma_start3A_306 = arith.constant 0 : i32
      %dma_start3A_307 = arith.constant 0 : i32
      %dma_start3A_308 = tpu.memref_slice %arg42[%dma_start3A_306, %dma_start3A_307] : memref<10240x128xf32, #tpu.memory_space<vmem_shared>> -> memref<10240x128xf32, #tpu.memory_space<vmem_shared>>
      tpu.enqueue_indirect_dma source(%arg22 : memref<80x128xf32, #tpu.memory_space<vmem>>) target(%dma_start3A_308 : memref<10240x128xf32, #tpu.memory_space<vmem_shared>>) offsets(%arg14 : memref<80xi32, #tpu.memory_space<vmem>>) semaphore(%arg38 : memref<!tpu.dma_semaphore, #tpu.memory_space<semaphore_mem>>) {add = true}
      %mul3A_309 = arith.constant 8 : i32
      %mul3A_310 = arith.muli %scan3A_276, %mul3A_309 : i32
      %add3A_311 = arith.constant 1 : i32
      %add3A_312 = arith.addi %mul3A_310, %add3A_311 : i32
      %add3A_313 = arith.constant 2 : i32
      %add3A_314 = arith.addi %add3A_312, %add3A_313 : i32
      %ge3A_315 = arith.constant 2 : i32
      %ge3A_316 = arith.cmpi sge, %add3A_312, %ge3A_315 : i32
      %lt3A_317 = arith.constant 125 : i32
      %lt3A_318 = arith.cmpi slt, %add3A_314, %lt3A_317 : i32
      %and3A_319 = arith.andi %ge3A_316, %lt3A_318 : i1
      %convert_element_type3A_320 = arith.extui %and3A_319 : i1 to i32
      %cond3A_321 = arith.constant 0 : i32
      %cond3A_322 = arith.cmpi ne, %convert_element_type3A_320, %cond3A_321 : i32
      scf.if %cond3A_322 {
        %dma_wait3A_533 = arith.constant 0 : i32
        %dma_wait3A_534 = arith.constant 0 : i32
        %dma_wait3A_535 = tpu.memref_slice %arg42[%dma_wait3A_533, %dma_wait3A_534] : memref<10240x128xf32, #tpu.memory_space<vmem_shared>> -> memref<10240x128xf32, #tpu.memory_space<vmem_shared>>
        tpu.wait_indirect_dma semaphore(%arg41 : memref<!tpu.dma_semaphore, #tpu.memory_space<semaphore_mem>>) src(%arg25 : memref<80x128xf32, #tpu.memory_space<vmem>>) dst(%dma_wait3A_535 : memref<10240x128xf32, #tpu.memory_space<vmem_shared>>)
      } else {
      }
      %add3A_323 = arith.constant 5 : i32
      %add3A_324 = arith.addi %add3A_312, %add3A_323 : i32
      %lt3A_325 = arith.constant 125 : i32
      %lt3A_326 = arith.cmpi slt, %add3A_324, %lt3A_325 : i32
      %convert_element_type3A_327 = arith.extui %lt3A_326 : i1 to i32
      %cond3A_328 = arith.constant 0 : i32
      %cond3A_329 = arith.cmpi ne, %convert_element_type3A_327, %cond3A_328 : i32
      scf.if %cond3A_329 {
        %mul3A_533 = arith.constant 80 : i32
        %mul3A_534 = arith.muli %add3A_324, %mul3A_533 : i32
        %add3A_535 = arith.addi %mul3A_2, %mul3A_534 : i32
        %dma_start3A_536 = tpu.memref_slice %arg2[%add3A_535] : memref<320000xi32, #tpu.memory_space<hbm>> -> memref<80xi32, #tpu.memory_space<hbm>>
        %dma_start3A_537 = tpu.memref_slice %arg2[%add3A_535] : memref<320000xi32, #tpu.memory_space<hbm>> -> memref<80xi32, #tpu.memory_space<hbm>>
        tpu.enqueue_dma source(%dma_start3A_537 : memref<80xi32, #tpu.memory_space<hbm>>) target(%arg12 : memref<80xi32, #tpu.memory_space<vmem>>) target_semaphore(%arg32 : memref<!tpu.dma_semaphore, #tpu.memory_space<semaphore_mem>>)
        %mul3A_538 = arith.constant 80 : i32
        %mul3A_539 = arith.muli %add3A_324, %mul3A_538 : i32
        %add3A_540 = arith.addi %mul3A_2, %mul3A_539 : i32
        %dma_start3A_541 = tpu.memref_slice %arg3[%add3A_540] : memref<320000xi32, #tpu.memory_space<hbm>> -> memref<80xi32, #tpu.memory_space<hbm>>
        %dma_start3A_542 = tpu.memref_slice %arg3[%add3A_540] : memref<320000xi32, #tpu.memory_space<hbm>> -> memref<80xi32, #tpu.memory_space<hbm>>
        tpu.enqueue_dma source(%dma_start3A_542 : memref<80xi32, #tpu.memory_space<hbm>>) target(%arg20 : memref<80xi32, #tpu.memory_space<vmem>>) target_semaphore(%arg32 : memref<!tpu.dma_semaphore, #tpu.memory_space<semaphore_mem>>)
      } else {
      }
      %lt3A_330 = arith.constant 125 : i32
      %lt3A_331 = arith.cmpi slt, %add3A_314, %lt3A_330 : i32
      %convert_element_type3A_332 = arith.extui %lt3A_331 : i1 to i32
      %cond3A_333 = arith.constant 0 : i32
      %cond3A_334 = arith.cmpi ne, %convert_element_type3A_332, %cond3A_333 : i32
      scf.if %cond3A_334 {
        %dma_wait3A_533 = arith.constant 0 : i32
        %dma_wait3A_534 = tpu.memref_slice %arg2[%dma_wait3A_533] : memref<320000xi32, #tpu.memory_space<hbm>> -> memref<80xi32, #tpu.memory_space<hbm>>
        %dma_wait3A_535 = arith.constant 0 : i32
        %dma_wait3A_536 = tpu.memref_slice %arg2[%dma_wait3A_535] : memref<320000xi32, #tpu.memory_space<hbm>> -> memref<80xi32, #tpu.memory_space<hbm>>
        tpu.wait_dma2 semaphore(%arg29 : memref<!tpu.dma_semaphore, #tpu.memory_space<semaphore_mem>>) src(%dma_wait3A_536 : memref<80xi32, #tpu.memory_space<hbm>>) dst(%arg9 : memref<80xi32, #tpu.memory_space<vmem>>)
        %dma_wait3A_537 = arith.constant 0 : i32
        %dma_wait3A_538 = tpu.memref_slice %arg3[%dma_wait3A_537] : memref<320000xi32, #tpu.memory_space<hbm>> -> memref<80xi32, #tpu.memory_space<hbm>>
        %dma_wait3A_539 = arith.constant 0 : i32
        %dma_wait3A_540 = tpu.memref_slice %arg3[%dma_wait3A_539] : memref<320000xi32, #tpu.memory_space<hbm>> -> memref<80xi32, #tpu.memory_space<hbm>>
        tpu.wait_dma2 semaphore(%arg29 : memref<!tpu.dma_semaphore, #tpu.memory_space<semaphore_mem>>) src(%dma_wait3A_540 : memref<80xi32, #tpu.memory_space<hbm>>) dst(%arg17 : memref<80xi32, #tpu.memory_space<vmem>>)
        %dma_start3A_541 = arith.constant 0 : i32
        %dma_start3A_542 = arith.constant 0 : i32
        %dma_start3A_543 = tpu.memref_slice %arg4[%dma_start3A_541, %dma_start3A_542] : memref<10000x128xf32, #tpu.memory_space<hbm>> -> memref<10000x128xf32, #tpu.memory_space<hbm>>
        tpu.enqueue_indirect_dma source(%dma_start3A_543 : memref<10000x128xf32, #tpu.memory_space<hbm>>) target(%arg25 : memref<80x128xf32, #tpu.memory_space<vmem>>) offsets(%arg9 : memref<80xi32, #tpu.memory_space<vmem>>) semaphore(%arg37 : memref<!tpu.dma_semaphore, #tpu.memory_space<semaphore_mem>>)
      } else {
      }
      %dma_wait3A_335 = arith.constant 0 : i32
      %dma_wait3A_336 = arith.constant 0 : i32
      %dma_wait3A_337 = tpu.memref_slice %arg4[%dma_wait3A_335, %dma_wait3A_336] : memref<10000x128xf32, #tpu.memory_space<hbm>> -> memref<10000x128xf32, #tpu.memory_space<hbm>>
      tpu.wait_indirect_dma semaphore(%arg35 : memref<!tpu.dma_semaphore, #tpu.memory_space<semaphore_mem>>) src(%dma_wait3A_337 : memref<10000x128xf32, #tpu.memory_space<hbm>>) dst(%arg23 : memref<80x128xf32, #tpu.memory_space<vmem>>)
      %dma_start3A_338 = arith.constant 0 : i32
      %dma_start3A_339 = arith.constant 0 : i32
      %dma_start3A_340 = tpu.memref_slice %arg42[%dma_start3A_338, %dma_start3A_339] : memref<10240x128xf32, #tpu.memory_space<vmem_shared>> -> memref<10240x128xf32, #tpu.memory_space<vmem_shared>>
      tpu.enqueue_indirect_dma source(%arg23 : memref<80x128xf32, #tpu.memory_space<vmem>>) target(%dma_start3A_340 : memref<10240x128xf32, #tpu.memory_space<vmem_shared>>) offsets(%arg15 : memref<80xi32, #tpu.memory_space<vmem>>) semaphore(%arg39 : memref<!tpu.dma_semaphore, #tpu.memory_space<semaphore_mem>>) {add = true}
      %mul3A_341 = arith.constant 8 : i32
      %mul3A_342 = arith.muli %scan3A_276, %mul3A_341 : i32
      %add3A_343 = arith.constant 2 : i32
      %add3A_344 = arith.addi %mul3A_342, %add3A_343 : i32
      %add3A_345 = arith.constant 2 : i32
      %add3A_346 = arith.addi %add3A_344, %add3A_345 : i32
      %ge3A_347 = arith.constant 2 : i32
      %ge3A_348 = arith.cmpi sge, %add3A_344, %ge3A_347 : i32
      %lt3A_349 = arith.constant 125 : i32
      %lt3A_350 = arith.cmpi slt, %add3A_346, %lt3A_349 : i32
      %and3A_351 = arith.andi %ge3A_348, %lt3A_350 : i1
      %convert_element_type3A_352 = arith.extui %and3A_351 : i1 to i32
      %cond3A_353 = arith.constant 0 : i32
      %cond3A_354 = arith.cmpi ne, %convert_element_type3A_352, %cond3A_353 : i32
      scf.if %cond3A_354 {
        %dma_wait3A_533 = arith.constant 0 : i32
        %dma_wait3A_534 = arith.constant 0 : i32
        %dma_wait3A_535 = tpu.memref_slice %arg42[%dma_wait3A_533, %dma_wait3A_534] : memref<10240x128xf32, #tpu.memory_space<vmem_shared>> -> memref<10240x128xf32, #tpu.memory_space<vmem_shared>>
        tpu.wait_indirect_dma semaphore(%arg38 : memref<!tpu.dma_semaphore, #tpu.memory_space<semaphore_mem>>) src(%arg22 : memref<80x128xf32, #tpu.memory_space<vmem>>) dst(%dma_wait3A_535 : memref<10240x128xf32, #tpu.memory_space<vmem_shared>>)
      } else {
      }
      %add3A_355 = arith.constant 5 : i32
      %add3A_356 = arith.addi %add3A_344, %add3A_355 : i32
      %lt3A_357 = arith.constant 125 : i32
      %lt3A_358 = arith.cmpi slt, %add3A_356, %lt3A_357 : i32
      %convert_element_type3A_359 = arith.extui %lt3A_358 : i1 to i32
      %cond3A_360 = arith.constant 0 : i32
      %cond3A_361 = arith.cmpi ne, %convert_element_type3A_359, %cond3A_360 : i32
      scf.if %cond3A_361 {
        %mul3A_533 = arith.constant 80 : i32
        %mul3A_534 = arith.muli %add3A_356, %mul3A_533 : i32
        %add3A_535 = arith.addi %mul3A_2, %mul3A_534 : i32
        %dma_start3A_536 = tpu.memref_slice %arg2[%add3A_535] : memref<320000xi32, #tpu.memory_space<hbm>> -> memref<80xi32, #tpu.memory_space<hbm>>
        %dma_start3A_537 = tpu.memref_slice %arg2[%add3A_535] : memref<320000xi32, #tpu.memory_space<hbm>> -> memref<80xi32, #tpu.memory_space<hbm>>
        tpu.enqueue_dma source(%dma_start3A_537 : memref<80xi32, #tpu.memory_space<hbm>>) target(%arg13 : memref<80xi32, #tpu.memory_space<vmem>>) target_semaphore(%arg33 : memref<!tpu.dma_semaphore, #tpu.memory_space<semaphore_mem>>)
        %mul3A_538 = arith.constant 80 : i32
        %mul3A_539 = arith.muli %add3A_356, %mul3A_538 : i32
        %add3A_540 = arith.addi %mul3A_2, %mul3A_539 : i32
        %dma_start3A_541 = tpu.memref_slice %arg3[%add3A_540] : memref<320000xi32, #tpu.memory_space<hbm>> -> memref<80xi32, #tpu.memory_space<hbm>>
        %dma_start3A_542 = tpu.memref_slice %arg3[%add3A_540] : memref<320000xi32, #tpu.memory_space<hbm>> -> memref<80xi32, #tpu.memory_space<hbm>>
        tpu.enqueue_dma source(%dma_start3A_542 : memref<80xi32, #tpu.memory_space<hbm>>) target(%arg21 : memref<80xi32, #tpu.memory_space<vmem>>) target_semaphore(%arg33 : memref<!tpu.dma_semaphore, #tpu.memory_space<semaphore_mem>>)
      } else {
      }
      %lt3A_362 = arith.constant 125 : i32
      %lt3A_363 = arith.cmpi slt, %add3A_346, %lt3A_362 : i32
      %convert_element_type3A_364 = arith.extui %lt3A_363 : i1 to i32
      %cond3A_365 = arith.constant 0 : i32
      %cond3A_366 = arith.cmpi ne, %convert_element_type3A_364, %cond3A_365 : i32
      scf.if %cond3A_366 {
        %dma_wait3A_533 = arith.constant 0 : i32
        %dma_wait3A_534 = tpu.memref_slice %arg2[%dma_wait3A_533] : memref<320000xi32, #tpu.memory_space<hbm>> -> memref<80xi32, #tpu.memory_space<hbm>>
        %dma_wait3A_535 = arith.constant 0 : i32
        %dma_wait3A_536 = tpu.memref_slice %arg2[%dma_wait3A_535] : memref<320000xi32, #tpu.memory_space<hbm>> -> memref<80xi32, #tpu.memory_space<hbm>>
        tpu.wait_dma2 semaphore(%arg30 : memref<!tpu.dma_semaphore, #tpu.memory_space<semaphore_mem>>) src(%dma_wait3A_536 : memref<80xi32, #tpu.memory_space<hbm>>) dst(%arg10 : memref<80xi32, #tpu.memory_space<vmem>>)
        %dma_wait3A_537 = arith.constant 0 : i32
        %dma_wait3A_538 = tpu.memref_slice %arg3[%dma_wait3A_537] : memref<320000xi32, #tpu.memory_space<hbm>> -> memref<80xi32, #tpu.memory_space<hbm>>
        %dma_wait3A_539 = arith.constant 0 : i32
        %dma_wait3A_540 = tpu.memref_slice %arg3[%dma_wait3A_539] : memref<320000xi32, #tpu.memory_space<hbm>> -> memref<80xi32, #tpu.memory_space<hbm>>
        tpu.wait_dma2 semaphore(%arg30 : memref<!tpu.dma_semaphore, #tpu.memory_space<semaphore_mem>>) src(%dma_wait3A_540 : memref<80xi32, #tpu.memory_space<hbm>>) dst(%arg18 : memref<80xi32, #tpu.memory_space<vmem>>)
        %dma_start3A_541 = arith.constant 0 : i32
        %dma_start3A_542 = arith.constant 0 : i32
        %dma_start3A_543 = tpu.memref_slice %arg4[%dma_start3A_541, %dma_start3A_542] : memref<10000x128xf32, #tpu.memory_space<hbm>> -> memref<10000x128xf32, #tpu.memory_space<hbm>>
        tpu.enqueue_indirect_dma source(%dma_start3A_543 : memref<10000x128xf32, #tpu.memory_space<hbm>>) target(%arg22 : memref<80x128xf32, #tpu.memory_space<vmem>>) offsets(%arg10 : memref<80xi32, #tpu.memory_space<vmem>>) semaphore(%arg34 : memref<!tpu.dma_semaphore, #tpu.memory_space<semaphore_mem>>)
      } else {
      }
      %dma_wait3A_367 = arith.constant 0 : i32
      %dma_wait3A_368 = arith.constant 0 : i32
      %dma_wait3A_369 = tpu.memref_slice %arg4[%dma_wait3A_367, %dma_wait3A_368] : memref<10000x128xf32, #tpu.memory_space<hbm>> -> memref<10000x128xf32, #tpu.memory_space<hbm>>
      tpu.wait_indirect_dma semaphore(%arg36 : memref<!tpu.dma_semaphore, #tpu.memory_space<semaphore_mem>>) src(%dma_wait3A_369 : memref<10000x128xf32, #tpu.memory_space<hbm>>) dst(%arg24 : memref<80x128xf32, #tpu.memory_space<vmem>>)
      %dma_start3A_370 = arith.constant 0 : i32
      %dma_start3A_371 = arith.constant 0 : i32
      %dma_start3A_372 = tpu.memref_slice %arg42[%dma_start3A_370, %dma_start3A_371] : memref<10240x128xf32, #tpu.memory_space<vmem_shared>> -> memref<10240x128xf32, #tpu.memory_space<vmem_shared>>
      tpu.enqueue_indirect_dma source(%arg24 : memref<80x128xf32, #tpu.memory_space<vmem>>) target(%dma_start3A_372 : memref<10240x128xf32, #tpu.memory_space<vmem_shared>>) offsets(%arg16 : memref<80xi32, #tpu.memory_space<vmem>>) semaphore(%arg40 : memref<!tpu.dma_semaphore, #tpu.memory_space<semaphore_mem>>) {add = true}
      %mul3A_373 = arith.constant 8 : i32
      %mul3A_374 = arith.muli %scan3A_276, %mul3A_373 : i32
      %add3A_375 = arith.constant 3 : i32
      %add3A_376 = arith.addi %mul3A_374, %add3A_375 : i32
      %add3A_377 = arith.constant 2 : i32
      %add3A_378 = arith.addi %add3A_376, %add3A_377 : i32
      %ge3A_379 = arith.constant 2 : i32
      %ge3A_380 = arith.cmpi sge, %add3A_376, %ge3A_379 : i32
      %lt3A_381 = arith.constant 125 : i32
      %lt3A_382 = arith.cmpi slt, %add3A_378, %lt3A_381 : i32
      %and3A_383 = arith.andi %ge3A_380, %lt3A_382 : i1
      %convert_element_type3A_384 = arith.extui %and3A_383 : i1 to i32
      %cond3A_385 = arith.constant 0 : i32
      %cond3A_386 = arith.cmpi ne, %convert_element_type3A_384, %cond3A_385 : i32
      scf.if %cond3A_386 {
        %dma_wait3A_533 = arith.constant 0 : i32
        %dma_wait3A_534 = arith.constant 0 : i32
        %dma_wait3A_535 = tpu.memref_slice %arg42[%dma_wait3A_533, %dma_wait3A_534] : memref<10240x128xf32, #tpu.memory_space<vmem_shared>> -> memref<10240x128xf32, #tpu.memory_space<vmem_shared>>
        tpu.wait_indirect_dma semaphore(%arg39 : memref<!tpu.dma_semaphore, #tpu.memory_space<semaphore_mem>>) src(%arg23 : memref<80x128xf32, #tpu.memory_space<vmem>>) dst(%dma_wait3A_535 : memref<10240x128xf32, #tpu.memory_space<vmem_shared>>)
      } else {
      }
      %add3A_387 = arith.constant 5 : i32
      %add3A_388 = arith.addi %add3A_376, %add3A_387 : i32
      %lt3A_389 = arith.constant 125 : i32
      %lt3A_390 = arith.cmpi slt, %add3A_388, %lt3A_389 : i32
      %convert_element_type3A_391 = arith.extui %lt3A_390 : i1 to i32
      %cond3A_392 = arith.constant 0 : i32
      %cond3A_393 = arith.cmpi ne, %convert_element_type3A_391, %cond3A_392 : i32
      scf.if %cond3A_393 {
        %mul3A_533 = arith.constant 80 : i32
        %mul3A_534 = arith.muli %add3A_388, %mul3A_533 : i32
        %add3A_535 = arith.addi %mul3A_2, %mul3A_534 : i32
        %dma_start3A_536 = tpu.memref_slice %arg2[%add3A_535] : memref<320000xi32, #tpu.memory_space<hbm>> -> memref<80xi32, #tpu.memory_space<hbm>>
        %dma_start3A_537 = tpu.memref_slice %arg2[%add3A_535] : memref<320000xi32, #tpu.memory_space<hbm>> -> memref<80xi32, #tpu.memory_space<hbm>>
        tpu.enqueue_dma source(%dma_start3A_537 : memref<80xi32, #tpu.memory_space<hbm>>) target(%arg6 : memref<80xi32, #tpu.memory_space<vmem>>) target_semaphore(%arg26 : memref<!tpu.dma_semaphore, #tpu.memory_space<semaphore_mem>>)
        %mul3A_538 = arith.constant 80 : i32
        %mul3A_539 = arith.muli %add3A_388, %mul3A_538 : i32
        %add3A_540 = arith.addi %mul3A_2, %mul3A_539 : i32
        %dma_start3A_541 = tpu.memref_slice %arg3[%add3A_540] : memref<320000xi32, #tpu.memory_space<hbm>> -> memref<80xi32, #tpu.memory_space<hbm>>
        %dma_start3A_542 = tpu.memref_slice %arg3[%add3A_540] : memref<320000xi32, #tpu.memory_space<hbm>> -> memref<80xi32, #tpu.memory_space<hbm>>
        tpu.enqueue_dma source(%dma_start3A_542 : memref<80xi32, #tpu.memory_space<hbm>>) target(%arg14 : memref<80xi32, #tpu.memory_space<vmem>>) target_semaphore(%arg26 : memref<!tpu.dma_semaphore, #tpu.memory_space<semaphore_mem>>)
      } else {
      }
      %lt3A_394 = arith.constant 125 : i32
      %lt3A_395 = arith.cmpi slt, %add3A_378, %lt3A_394 : i32
      %convert_element_type3A_396 = arith.extui %lt3A_395 : i1 to i32
      %cond3A_397 = arith.constant 0 : i32
      %cond3A_398 = arith.cmpi ne, %convert_element_type3A_396, %cond3A_397 : i32
      scf.if %cond3A_398 {
        %dma_wait3A_533 = arith.constant 0 : i32
        %dma_wait3A_534 = tpu.memref_slice %arg2[%dma_wait3A_533] : memref<320000xi32, #tpu.memory_space<hbm>> -> memref<80xi32, #tpu.memory_space<hbm>>
        %dma_wait3A_535 = arith.constant 0 : i32
        %dma_wait3A_536 = tpu.memref_slice %arg2[%dma_wait3A_535] : memref<320000xi32, #tpu.memory_space<hbm>> -> memref<80xi32, #tpu.memory_space<hbm>>
        tpu.wait_dma2 semaphore(%arg31 : memref<!tpu.dma_semaphore, #tpu.memory_space<semaphore_mem>>) src(%dma_wait3A_536 : memref<80xi32, #tpu.memory_space<hbm>>) dst(%arg11 : memref<80xi32, #tpu.memory_space<vmem>>)
        %dma_wait3A_537 = arith.constant 0 : i32
        %dma_wait3A_538 = tpu.memref_slice %arg3[%dma_wait3A_537] : memref<320000xi32, #tpu.memory_space<hbm>> -> memref<80xi32, #tpu.memory_space<hbm>>
        %dma_wait3A_539 = arith.constant 0 : i32
        %dma_wait3A_540 = tpu.memref_slice %arg3[%dma_wait3A_539] : memref<320000xi32, #tpu.memory_space<hbm>> -> memref<80xi32, #tpu.memory_space<hbm>>
        tpu.wait_dma2 semaphore(%arg31 : memref<!tpu.dma_semaphore, #tpu.memory_space<semaphore_mem>>) src(%dma_wait3A_540 : memref<80xi32, #tpu.memory_space<hbm>>) dst(%arg19 : memref<80xi32, #tpu.memory_space<vmem>>)
        %dma_start3A_541 = arith.constant 0 : i32
        %dma_start3A_542 = arith.constant 0 : i32
        %dma_start3A_543 = tpu.memref_slice %arg4[%dma_start3A_541, %dma_start3A_542] : memref<10000x128xf32, #tpu.memory_space<hbm>> -> memref<10000x128xf32, #tpu.memory_space<hbm>>
        tpu.enqueue_indirect_dma source(%dma_start3A_543 : memref<10000x128xf32, #tpu.memory_space<hbm>>) target(%arg23 : memref<80x128xf32, #tpu.memory_space<vmem>>) offsets(%arg11 : memref<80xi32, #tpu.memory_space<vmem>>) semaphore(%arg35 : memref<!tpu.dma_semaphore, #tpu.memory_space<semaphore_mem>>)
      } else {
      }
      %dma_wait3A_399 = arith.constant 0 : i32
      %dma_wait3A_400 = arith.constant 0 : i32
      %dma_wait3A_401 = tpu.memref_slice %arg4[%dma_wait3A_399, %dma_wait3A_400] : memref<10000x128xf32, #tpu.memory_space<hbm>> -> memref<10000x128xf32, #tpu.memory_space<hbm>>
      tpu.wait_indirect_dma semaphore(%arg37 : memref<!tpu.dma_semaphore, #tpu.memory_space<semaphore_mem>>) src(%dma_wait3A_401 : memref<10000x128xf32, #tpu.memory_space<hbm>>) dst(%arg25 : memref<80x128xf32, #tpu.memory_space<vmem>>)
      %dma_start3A_402 = arith.constant 0 : i32
      %dma_start3A_403 = arith.constant 0 : i32
      %dma_start3A_404 = tpu.memref_slice %arg42[%dma_start3A_402, %dma_start3A_403] : memref<10240x128xf32, #tpu.memory_space<vmem_shared>> -> memref<10240x128xf32, #tpu.memory_space<vmem_shared>>
      tpu.enqueue_indirect_dma source(%arg25 : memref<80x128xf32, #tpu.memory_space<vmem>>) target(%dma_start3A_404 : memref<10240x128xf32, #tpu.memory_space<vmem_shared>>) offsets(%arg17 : memref<80xi32, #tpu.memory_space<vmem>>) semaphore(%arg41 : memref<!tpu.dma_semaphore, #tpu.memory_space<semaphore_mem>>) {add = true}
      %mul3A_405 = arith.constant 8 : i32
      %mul3A_406 = arith.muli %scan3A_276, %mul3A_405 : i32
      %add3A_407 = arith.constant 4 : i32
      %add3A_408 = arith.addi %mul3A_406, %add3A_407 : i32
      %add3A_409 = arith.constant 2 : i32
      %add3A_410 = arith.addi %add3A_408, %add3A_409 : i32
      %ge3A_411 = arith.constant 2 : i32
      %ge3A_412 = arith.cmpi sge, %add3A_408, %ge3A_411 : i32
      %lt3A_413 = arith.constant 125 : i32
      %lt3A_414 = arith.cmpi slt, %add3A_410, %lt3A_413 : i32
      %and3A_415 = arith.andi %ge3A_412, %lt3A_414 : i1
      %convert_element_type3A_416 = arith.extui %and3A_415 : i1 to i32
      %cond3A_417 = arith.constant 0 : i32
      %cond3A_418 = arith.cmpi ne, %convert_element_type3A_416, %cond3A_417 : i32
      scf.if %cond3A_418 {
        %dma_wait3A_533 = arith.constant 0 : i32
        %dma_wait3A_534 = arith.constant 0 : i32
        %dma_wait3A_535 = tpu.memref_slice %arg42[%dma_wait3A_533, %dma_wait3A_534] : memref<10240x128xf32, #tpu.memory_space<vmem_shared>> -> memref<10240x128xf32, #tpu.memory_space<vmem_shared>>
        tpu.wait_indirect_dma semaphore(%arg40 : memref<!tpu.dma_semaphore, #tpu.memory_space<semaphore_mem>>) src(%arg24 : memref<80x128xf32, #tpu.memory_space<vmem>>) dst(%dma_wait3A_535 : memref<10240x128xf32, #tpu.memory_space<vmem_shared>>)
      } else {
      }
      %add3A_419 = arith.constant 5 : i32
      %add3A_420 = arith.addi %add3A_408, %add3A_419 : i32
      %lt3A_421 = arith.constant 125 : i32
      %lt3A_422 = arith.cmpi slt, %add3A_420, %lt3A_421 : i32
      %convert_element_type3A_423 = arith.extui %lt3A_422 : i1 to i32
      %cond3A_424 = arith.constant 0 : i32
      %cond3A_425 = arith.cmpi ne, %convert_element_type3A_423, %cond3A_424 : i32
      scf.if %cond3A_425 {
        %mul3A_533 = arith.constant 80 : i32
        %mul3A_534 = arith.muli %add3A_420, %mul3A_533 : i32
        %add3A_535 = arith.addi %mul3A_2, %mul3A_534 : i32
        %dma_start3A_536 = tpu.memref_slice %arg2[%add3A_535] : memref<320000xi32, #tpu.memory_space<hbm>> -> memref<80xi32, #tpu.memory_space<hbm>>
        %dma_start3A_537 = tpu.memref_slice %arg2[%add3A_535] : memref<320000xi32, #tpu.memory_space<hbm>> -> memref<80xi32, #tpu.memory_space<hbm>>
        tpu.enqueue_dma source(%dma_start3A_537 : memref<80xi32, #tpu.memory_space<hbm>>) target(%arg7 : memref<80xi32, #tpu.memory_space<vmem>>) target_semaphore(%arg27 : memref<!tpu.dma_semaphore, #tpu.memory_space<semaphore_mem>>)
        %mul3A_538 = arith.constant 80 : i32
        %mul3A_539 = arith.muli %add3A_420, %mul3A_538 : i32
        %add3A_540 = arith.addi %mul3A_2, %mul3A_539 : i32
        %dma_start3A_541 = tpu.memref_slice %arg3[%add3A_540] : memref<320000xi32, #tpu.memory_space<hbm>> -> memref<80xi32, #tpu.memory_space<hbm>>
        %dma_start3A_542 = tpu.memref_slice %arg3[%add3A_540] : memref<320000xi32, #tpu.memory_space<hbm>> -> memref<80xi32, #tpu.memory_space<hbm>>
        tpu.enqueue_dma source(%dma_start3A_542 : memref<80xi32, #tpu.memory_space<hbm>>) target(%arg15 : memref<80xi32, #tpu.memory_space<vmem>>) target_semaphore(%arg27 : memref<!tpu.dma_semaphore, #tpu.memory_space<semaphore_mem>>)
      } else {
      }
      %lt3A_426 = arith.constant 125 : i32
      %lt3A_427 = arith.cmpi slt, %add3A_410, %lt3A_426 : i32
      %convert_element_type3A_428 = arith.extui %lt3A_427 : i1 to i32
      %cond3A_429 = arith.constant 0 : i32
      %cond3A_430 = arith.cmpi ne, %convert_element_type3A_428, %cond3A_429 : i32
      scf.if %cond3A_430 {
        %dma_wait3A_533 = arith.constant 0 : i32
        %dma_wait3A_534 = tpu.memref_slice %arg2[%dma_wait3A_533] : memref<320000xi32, #tpu.memory_space<hbm>> -> memref<80xi32, #tpu.memory_space<hbm>>
        %dma_wait3A_535 = arith.constant 0 : i32
        %dma_wait3A_536 = tpu.memref_slice %arg2[%dma_wait3A_535] : memref<320000xi32, #tpu.memory_space<hbm>> -> memref<80xi32, #tpu.memory_space<hbm>>
        tpu.wait_dma2 semaphore(%arg32 : memref<!tpu.dma_semaphore, #tpu.memory_space<semaphore_mem>>) src(%dma_wait3A_536 : memref<80xi32, #tpu.memory_space<hbm>>) dst(%arg12 : memref<80xi32, #tpu.memory_space<vmem>>)
        %dma_wait3A_537 = arith.constant 0 : i32
        %dma_wait3A_538 = tpu.memref_slice %arg3[%dma_wait3A_537] : memref<320000xi32, #tpu.memory_space<hbm>> -> memref<80xi32, #tpu.memory_space<hbm>>
        %dma_wait3A_539 = arith.constant 0 : i32
        %dma_wait3A_540 = tpu.memref_slice %arg3[%dma_wait3A_539] : memref<320000xi32, #tpu.memory_space<hbm>> -> memref<80xi32, #tpu.memory_space<hbm>>
        tpu.wait_dma2 semaphore(%arg32 : memref<!tpu.dma_semaphore, #tpu.memory_space<semaphore_mem>>) src(%dma_wait3A_540 : memref<80xi32, #tpu.memory_space<hbm>>) dst(%arg20 : memref<80xi32, #tpu.memory_space<vmem>>)
        %dma_start3A_541 = arith.constant 0 : i32
        %dma_start3A_542 = arith.constant 0 : i32
        %dma_start3A_543 = tpu.memref_slice %arg4[%dma_start3A_541, %dma_start3A_542] : memref<10000x128xf32, #tpu.memory_space<hbm>> -> memref<10000x128xf32, #tpu.memory_space<hbm>>
        tpu.enqueue_indirect_dma source(%dma_start3A_543 : memref<10000x128xf32, #tpu.memory_space<hbm>>) target(%arg24 : memref<80x128xf32, #tpu.memory_space<vmem>>) offsets(%arg12 : memref<80xi32, #tpu.memory_space<vmem>>) semaphore(%arg36 : memref<!tpu.dma_semaphore, #tpu.memory_space<semaphore_mem>>)
      } else {
      }
      %dma_wait3A_431 = arith.constant 0 : i32
      %dma_wait3A_432 = arith.constant 0 : i32
      %dma_wait3A_433 = tpu.memref_slice %arg4[%dma_wait3A_431, %dma_wait3A_432] : memref<10000x128xf32, #tpu.memory_space<hbm>> -> memref<10000x128xf32, #tpu.memory_space<hbm>>
      tpu.wait_indirect_dma semaphore(%arg34 : memref<!tpu.dma_semaphore, #tpu.memory_space<semaphore_mem>>) src(%dma_wait3A_433 : memref<10000x128xf32, #tpu.memory_space<hbm>>) dst(%arg22 : memref<80x128xf32, #tpu.memory_space<vmem>>)
      %dma_start3A_434 = arith.constant 0 : i32
      %dma_start3A_435 = arith.constant 0 : i32
      %dma_start3A_436 = tpu.memref_slice %arg42[%dma_start3A_434, %dma_start3A_435] : memref<10240x128xf32, #tpu.memory_space<vmem_shared>> -> memref<10240x128xf32, #tpu.memory_space<vmem_shared>>
      tpu.enqueue_indirect_dma source(%arg22 : memref<80x128xf32, #tpu.memory_space<vmem>>) target(%dma_start3A_436 : memref<10240x128xf32, #tpu.memory_space<vmem_shared>>) offsets(%arg18 : memref<80xi32, #tpu.memory_space<vmem>>) semaphore(%arg38 : memref<!tpu.dma_semaphore, #tpu.memory_space<semaphore_mem>>) {add = true}
      %mul3A_437 = arith.constant 8 : i32
      %mul3A_438 = arith.muli %scan3A_276, %mul3A_437 : i32
      %add3A_439 = arith.constant 5 : i32
      %add3A_440 = arith.addi %mul3A_438, %add3A_439 : i32
      %add3A_441 = arith.constant 2 : i32
      %add3A_442 = arith.addi %add3A_440, %add3A_441 : i32
      %ge3A_443 = arith.constant 2 : i32
      %ge3A_444 = arith.cmpi sge, %add3A_440, %ge3A_443 : i32
      %lt3A_445 = arith.constant 125 : i32
      %lt3A_446 = arith.cmpi slt, %add3A_442, %lt3A_445 : i32
      %and3A_447 = arith.andi %ge3A_444, %lt3A_446 : i1
      %convert_element_type3A_448 = arith.extui %and3A_447 : i1 to i32
      %cond3A_449 = arith.constant 0 : i32
      %cond3A_450 = arith.cmpi ne, %convert_element_type3A_448, %cond3A_449 : i32
      scf.if %cond3A_450 {
        %dma_wait3A_533 = arith.constant 0 : i32
        %dma_wait3A_534 = arith.constant 0 : i32
        %dma_wait3A_535 = tpu.memref_slice %arg42[%dma_wait3A_533, %dma_wait3A_534] : memref<10240x128xf32, #tpu.memory_space<vmem_shared>> -> memref<10240x128xf32, #tpu.memory_space<vmem_shared>>
        tpu.wait_indirect_dma semaphore(%arg41 : memref<!tpu.dma_semaphore, #tpu.memory_space<semaphore_mem>>) src(%arg25 : memref<80x128xf32, #tpu.memory_space<vmem>>) dst(%dma_wait3A_535 : memref<10240x128xf32, #tpu.memory_space<vmem_shared>>)
      } else {
      }
      %add3A_451 = arith.constant 5 : i32
      %add3A_452 = arith.addi %add3A_440, %add3A_451 : i32
      %lt3A_453 = arith.constant 125 : i32
      %lt3A_454 = arith.cmpi slt, %add3A_452, %lt3A_453 : i32
      %convert_element_type3A_455 = arith.extui %lt3A_454 : i1 to i32
      %cond3A_456 = arith.constant 0 : i32
      %cond3A_457 = arith.cmpi ne, %convert_element_type3A_455, %cond3A_456 : i32
      scf.if %cond3A_457 {
        %mul3A_533 = arith.constant 80 : i32
        %mul3A_534 = arith.muli %add3A_452, %mul3A_533 : i32
        %add3A_535 = arith.addi %mul3A_2, %mul3A_534 : i32
        %dma_start3A_536 = tpu.memref_slice %arg2[%add3A_535] : memref<320000xi32, #tpu.memory_space<hbm>> -> memref<80xi32, #tpu.memory_space<hbm>>
        %dma_start3A_537 = tpu.memref_slice %arg2[%add3A_535] : memref<320000xi32, #tpu.memory_space<hbm>> -> memref<80xi32, #tpu.memory_space<hbm>>
        tpu.enqueue_dma source(%dma_start3A_537 : memref<80xi32, #tpu.memory_space<hbm>>) target(%arg8 : memref<80xi32, #tpu.memory_space<vmem>>) target_semaphore(%arg28 : memref<!tpu.dma_semaphore, #tpu.memory_space<semaphore_mem>>)
        %mul3A_538 = arith.constant 80 : i32
        %mul3A_539 = arith.muli %add3A_452, %mul3A_538 : i32
        %add3A_540 = arith.addi %mul3A_2, %mul3A_539 : i32
        %dma_start3A_541 = tpu.memref_slice %arg3[%add3A_540] : memref<320000xi32, #tpu.memory_space<hbm>> -> memref<80xi32, #tpu.memory_space<hbm>>
        %dma_start3A_542 = tpu.memref_slice %arg3[%add3A_540] : memref<320000xi32, #tpu.memory_space<hbm>> -> memref<80xi32, #tpu.memory_space<hbm>>
        tpu.enqueue_dma source(%dma_start3A_542 : memref<80xi32, #tpu.memory_space<hbm>>) target(%arg16 : memref<80xi32, #tpu.memory_space<vmem>>) target_semaphore(%arg28 : memref<!tpu.dma_semaphore, #tpu.memory_space<semaphore_mem>>)
      } else {
      }
      %lt3A_458 = arith.constant 125 : i32
      %lt3A_459 = arith.cmpi slt, %add3A_442, %lt3A_458 : i32
      %convert_element_type3A_460 = arith.extui %lt3A_459 : i1 to i32
      %cond3A_461 = arith.constant 0 : i32
      %cond3A_462 = arith.cmpi ne, %convert_element_type3A_460, %cond3A_461 : i32
      scf.if %cond3A_462 {
        %dma_wait3A_533 = arith.constant 0 : i32
        %dma_wait3A_534 = tpu.memref_slice %arg2[%dma_wait3A_533] : memref<320000xi32, #tpu.memory_space<hbm>> -> memref<80xi32, #tpu.memory_space<hbm>>
        %dma_wait3A_535 = arith.constant 0 : i32
        %dma_wait3A_536 = tpu.memref_slice %arg2[%dma_wait3A_535] : memref<320000xi32, #tpu.memory_space<hbm>> -> memref<80xi32, #tpu.memory_space<hbm>>
        tpu.wait_dma2 semaphore(%arg33 : memref<!tpu.dma_semaphore, #tpu.memory_space<semaphore_mem>>) src(%dma_wait3A_536 : memref<80xi32, #tpu.memory_space<hbm>>) dst(%arg13 : memref<80xi32, #tpu.memory_space<vmem>>)
        %dma_wait3A_537 = arith.constant 0 : i32
        %dma_wait3A_538 = tpu.memref_slice %arg3[%dma_wait3A_537] : memref<320000xi32, #tpu.memory_space<hbm>> -> memref<80xi32, #tpu.memory_space<hbm>>
        %dma_wait3A_539 = arith.constant 0 : i32
        %dma_wait3A_540 = tpu.memref_slice %arg3[%dma_wait3A_539] : memref<320000xi32, #tpu.memory_space<hbm>> -> memref<80xi32, #tpu.memory_space<hbm>>
        tpu.wait_dma2 semaphore(%arg33 : memref<!tpu.dma_semaphore, #tpu.memory_space<semaphore_mem>>) src(%dma_wait3A_540 : memref<80xi32, #tpu.memory_space<hbm>>) dst(%arg21 : memref<80xi32, #tpu.memory_space<vmem>>)
        %dma_start3A_541 = arith.constant 0 : i32
        %dma_start3A_542 = arith.constant 0 : i32
        %dma_start3A_543 = tpu.memref_slice %arg4[%dma_start3A_541, %dma_start3A_542] : memref<10000x128xf32, #tpu.memory_space<hbm>> -> memref<10000x128xf32, #tpu.memory_space<hbm>>
        tpu.enqueue_indirect_dma source(%dma_start3A_543 : memref<10000x128xf32, #tpu.memory_space<hbm>>) target(%arg25 : memref<80x128xf32, #tpu.memory_space<vmem>>) offsets(%arg13 : memref<80xi32, #tpu.memory_space<vmem>>) semaphore(%arg37 : memref<!tpu.dma_semaphore, #tpu.memory_space<semaphore_mem>>)
      } else {
      }
      %dma_wait3A_463 = arith.constant 0 : i32
      %dma_wait3A_464 = arith.constant 0 : i32
      %dma_wait3A_465 = tpu.memref_slice %arg4[%dma_wait3A_463, %dma_wait3A_464] : memref<10000x128xf32, #tpu.memory_space<hbm>> -> memref<10000x128xf32, #tpu.memory_space<hbm>>
      tpu.wait_indirect_dma semaphore(%arg35 : memref<!tpu.dma_semaphore, #tpu.memory_space<semaphore_mem>>) src(%dma_wait3A_465 : memref<10000x128xf32, #tpu.memory_space<hbm>>) dst(%arg23 : memref<80x128xf32, #tpu.memory_space<vmem>>)
      %dma_start3A_466 = arith.constant 0 : i32
      %dma_start3A_467 = arith.constant 0 : i32
      %dma_start3A_468 = tpu.memref_slice %arg42[%dma_start3A_466, %dma_start3A_467] : memref<10240x128xf32, #tpu.memory_space<vmem_shared>> -> memref<10240x128xf32, #tpu.memory_space<vmem_shared>>
      tpu.enqueue_indirect_dma source(%arg23 : memref<80x128xf32, #tpu.memory_space<vmem>>) target(%dma_start3A_468 : memref<10240x128xf32, #tpu.memory_space<vmem_shared>>) offsets(%arg19 : memref<80xi32, #tpu.memory_space<vmem>>) semaphore(%arg39 : memref<!tpu.dma_semaphore, #tpu.memory_space<semaphore_mem>>) {add = true}
      %mul3A_469 = arith.constant 8 : i32
      %mul3A_470 = arith.muli %scan3A_276, %mul3A_469 : i32
      %add3A_471 = arith.constant 6 : i32
      %add3A_472 = arith.addi %mul3A_470, %add3A_471 : i32
      %add3A_473 = arith.constant 2 : i32
      %add3A_474 = arith.addi %add3A_472, %add3A_473 : i32
      %ge3A_475 = arith.constant 2 : i32
      %ge3A_476 = arith.cmpi sge, %add3A_472, %ge3A_475 : i32
      %lt3A_477 = arith.constant 125 : i32
      %lt3A_478 = arith.cmpi slt, %add3A_474, %lt3A_477 : i32
      %and3A_479 = arith.andi %ge3A_476, %lt3A_478 : i1
      %convert_element_type3A_480 = arith.extui %and3A_479 : i1 to i32
      %cond3A_481 = arith.constant 0 : i32
      %cond3A_482 = arith.cmpi ne, %convert_element_type3A_480, %cond3A_481 : i32
      scf.if %cond3A_482 {
        %dma_wait3A_533 = arith.constant 0 : i32
        %dma_wait3A_534 = arith.constant 0 : i32
        %dma_wait3A_535 = tpu.memref_slice %arg42[%dma_wait3A_533, %dma_wait3A_534] : memref<10240x128xf32, #tpu.memory_space<vmem_shared>> -> memref<10240x128xf32, #tpu.memory_space<vmem_shared>>
        tpu.wait_indirect_dma semaphore(%arg38 : memref<!tpu.dma_semaphore, #tpu.memory_space<semaphore_mem>>) src(%arg22 : memref<80x128xf32, #tpu.memory_space<vmem>>) dst(%dma_wait3A_535 : memref<10240x128xf32, #tpu.memory_space<vmem_shared>>)
      } else {
      }
      %add3A_483 = arith.constant 5 : i32
      %add3A_484 = arith.addi %add3A_472, %add3A_483 : i32
      %lt3A_485 = arith.constant 125 : i32
      %lt3A_486 = arith.cmpi slt, %add3A_484, %lt3A_485 : i32
      %convert_element_type3A_487 = arith.extui %lt3A_486 : i1 to i32
      %cond3A_488 = arith.constant 0 : i32
      %cond3A_489 = arith.cmpi ne, %convert_element_type3A_487, %cond3A_488 : i32
      scf.if %cond3A_489 {
        %mul3A_533 = arith.constant 80 : i32
        %mul3A_534 = arith.muli %add3A_484, %mul3A_533 : i32
        %add3A_535 = arith.addi %mul3A_2, %mul3A_534 : i32
        %dma_start3A_536 = tpu.memref_slice %arg2[%add3A_535] : memref<320000xi32, #tpu.memory_space<hbm>> -> memref<80xi32, #tpu.memory_space<hbm>>
        %dma_start3A_537 = tpu.memref_slice %arg2[%add3A_535] : memref<320000xi32, #tpu.memory_space<hbm>> -> memref<80xi32, #tpu.memory_space<hbm>>
        tpu.enqueue_dma source(%dma_start3A_537 : memref<80xi32, #tpu.memory_space<hbm>>) target(%arg9 : memref<80xi32, #tpu.memory_space<vmem>>) target_semaphore(%arg29 : memref<!tpu.dma_semaphore, #tpu.memory_space<semaphore_mem>>)
        %mul3A_538 = arith.constant 80 : i32
        %mul3A_539 = arith.muli %add3A_484, %mul3A_538 : i32
        %add3A_540 = arith.addi %mul3A_2, %mul3A_539 : i32
        %dma_start3A_541 = tpu.memref_slice %arg3[%add3A_540] : memref<320000xi32, #tpu.memory_space<hbm>> -> memref<80xi32, #tpu.memory_space<hbm>>
        %dma_start3A_542 = tpu.memref_slice %arg3[%add3A_540] : memref<320000xi32, #tpu.memory_space<hbm>> -> memref<80xi32, #tpu.memory_space<hbm>>
        tpu.enqueue_dma source(%dma_start3A_542 : memref<80xi32, #tpu.memory_space<hbm>>) target(%arg17 : memref<80xi32, #tpu.memory_space<vmem>>) target_semaphore(%arg29 : memref<!tpu.dma_semaphore, #tpu.memory_space<semaphore_mem>>)
      } else {
      }
      %lt3A_490 = arith.constant 125 : i32
      %lt3A_491 = arith.cmpi slt, %add3A_474, %lt3A_490 : i32
      %convert_element_type3A_492 = arith.extui %lt3A_491 : i1 to i32
      %cond3A_493 = arith.constant 0 : i32
      %cond3A_494 = arith.cmpi ne, %convert_element_type3A_492, %cond3A_493 : i32
      scf.if %cond3A_494 {
        %dma_wait3A_533 = arith.constant 0 : i32
        %dma_wait3A_534 = tpu.memref_slice %arg2[%dma_wait3A_533] : memref<320000xi32, #tpu.memory_space<hbm>> -> memref<80xi32, #tpu.memory_space<hbm>>
        %dma_wait3A_535 = arith.constant 0 : i32
        %dma_wait3A_536 = tpu.memref_slice %arg2[%dma_wait3A_535] : memref<320000xi32, #tpu.memory_space<hbm>> -> memref<80xi32, #tpu.memory_space<hbm>>
        tpu.wait_dma2 semaphore(%arg26 : memref<!tpu.dma_semaphore, #tpu.memory_space<semaphore_mem>>) src(%dma_wait3A_536 : memref<80xi32, #tpu.memory_space<hbm>>) dst(%arg6 : memref<80xi32, #tpu.memory_space<vmem>>)
        %dma_wait3A_537 = arith.constant 0 : i32
        %dma_wait3A_538 = tpu.memref_slice %arg3[%dma_wait3A_537] : memref<320000xi32, #tpu.memory_space<hbm>> -> memref<80xi32, #tpu.memory_space<hbm>>
        %dma_wait3A_539 = arith.constant 0 : i32
        %dma_wait3A_540 = tpu.memref_slice %arg3[%dma_wait3A_539] : memref<320000xi32, #tpu.memory_space<hbm>> -> memref<80xi32, #tpu.memory_space<hbm>>
        tpu.wait_dma2 semaphore(%arg26 : memref<!tpu.dma_semaphore, #tpu.memory_space<semaphore_mem>>) src(%dma_wait3A_540 : memref<80xi32, #tpu.memory_space<hbm>>) dst(%arg14 : memref<80xi32, #tpu.memory_space<vmem>>)
        %dma_start3A_541 = arith.constant 0 : i32
        %dma_start3A_542 = arith.constant 0 : i32
        %dma_start3A_543 = tpu.memref_slice %arg4[%dma_start3A_541, %dma_start3A_542] : memref<10000x128xf32, #tpu.memory_space<hbm>> -> memref<10000x128xf32, #tpu.memory_space<hbm>>
        tpu.enqueue_indirect_dma source(%dma_start3A_543 : memref<10000x128xf32, #tpu.memory_space<hbm>>) target(%arg22 : memref<80x128xf32, #tpu.memory_space<vmem>>) offsets(%arg6 : memref<80xi32, #tpu.memory_space<vmem>>) semaphore(%arg34 : memref<!tpu.dma_semaphore, #tpu.memory_space<semaphore_mem>>)
      } else {
      }
      %dma_wait3A_495 = arith.constant 0 : i32
      %dma_wait3A_496 = arith.constant 0 : i32
      %dma_wait3A_497 = tpu.memref_slice %arg4[%dma_wait3A_495, %dma_wait3A_496] : memref<10000x128xf32, #tpu.memory_space<hbm>> -> memref<10000x128xf32, #tpu.memory_space<hbm>>
      tpu.wait_indirect_dma semaphore(%arg36 : memref<!tpu.dma_semaphore, #tpu.memory_space<semaphore_mem>>) src(%dma_wait3A_497 : memref<10000x128xf32, #tpu.memory_space<hbm>>) dst(%arg24 : memref<80x128xf32, #tpu.memory_space<vmem>>)
      %dma_start3A_498 = arith.constant 0 : i32
      %dma_start3A_499 = arith.constant 0 : i32
      %dma_start3A_500 = tpu.memref_slice %arg42[%dma_start3A_498, %dma_start3A_499] : memref<10240x128xf32, #tpu.memory_space<vmem_shared>> -> memref<10240x128xf32, #tpu.memory_space<vmem_shared>>
      tpu.enqueue_indirect_dma source(%arg24 : memref<80x128xf32, #tpu.memory_space<vmem>>) target(%dma_start3A_500 : memref<10240x128xf32, #tpu.memory_space<vmem_shared>>) offsets(%arg20 : memref<80xi32, #tpu.memory_space<vmem>>) semaphore(%arg40 : memref<!tpu.dma_semaphore, #tpu.memory_space<semaphore_mem>>) {add = true}
      %mul3A_501 = arith.constant 8 : i32
      %mul3A_502 = arith.muli %scan3A_276, %mul3A_501 : i32
      %add3A_503 = arith.constant 7 : i32
      %add3A_504 = arith.addi %mul3A_502, %add3A_503 : i32
      %add3A_505 = arith.constant 2 : i32
      %add3A_506 = arith.addi %add3A_504, %add3A_505 : i32
      %ge3A_507 = arith.constant 2 : i32
      %ge3A_508 = arith.cmpi sge, %add3A_504, %ge3A_507 : i32
      %lt3A_509 = arith.constant 125 : i32
      %lt3A_510 = arith.cmpi slt, %add3A_506, %lt3A_509 : i32
      %and3A_511 = arith.andi %ge3A_508, %lt3A_510 : i1
      %convert_element_type3A_512 = arith.extui %and3A_511 : i1 to i32
      %cond3A_513 = arith.constant 0 : i32
      %cond3A_514 = arith.cmpi ne, %convert_element_type3A_512, %cond3A_513 : i32
      scf.if %cond3A_514 {
        %dma_wait3A_533 = arith.constant 0 : i32
        %dma_wait3A_534 = arith.constant 0 : i32
        %dma_wait3A_535 = tpu.memref_slice %arg42[%dma_wait3A_533, %dma_wait3A_534] : memref<10240x128xf32, #tpu.memory_space<vmem_shared>> -> memref<10240x128xf32, #tpu.memory_space<vmem_shared>>
        tpu.wait_indirect_dma semaphore(%arg39 : memref<!tpu.dma_semaphore, #tpu.memory_space<semaphore_mem>>) src(%arg23 : memref<80x128xf32, #tpu.memory_space<vmem>>) dst(%dma_wait3A_535 : memref<10240x128xf32, #tpu.memory_space<vmem_shared>>)
      } else {
      }
      %add3A_515 = arith.constant 5 : i32
      %add3A_516 = arith.addi %add3A_504, %add3A_515 : i32
      %lt3A_517 = arith.constant 125 : i32
      %lt3A_518 = arith.cmpi slt, %add3A_516, %lt3A_517 : i32
      %convert_element_type3A_519 = arith.extui %lt3A_518 : i1 to i32
      %cond3A_520 = arith.constant 0 : i32
      %cond3A_521 = arith.cmpi ne, %convert_element_type3A_519, %cond3A_520 : i32
      scf.if %cond3A_521 {
        %mul3A_533 = arith.constant 80 : i32
        %mul3A_534 = arith.muli %add3A_516, %mul3A_533 : i32
        %add3A_535 = arith.addi %mul3A_2, %mul3A_534 : i32
        %dma_start3A_536 = tpu.memref_slice %arg2[%add3A_535] : memref<320000xi32, #tpu.memory_space<hbm>> -> memref<80xi32, #tpu.memory_space<hbm>>
        %dma_start3A_537 = tpu.memref_slice %arg2[%add3A_535] : memref<320000xi32, #tpu.memory_space<hbm>> -> memref<80xi32, #tpu.memory_space<hbm>>
        tpu.enqueue_dma source(%dma_start3A_537 : memref<80xi32, #tpu.memory_space<hbm>>) target(%arg10 : memref<80xi32, #tpu.memory_space<vmem>>) target_semaphore(%arg30 : memref<!tpu.dma_semaphore, #tpu.memory_space<semaphore_mem>>)
        %mul3A_538 = arith.constant 80 : i32
        %mul3A_539 = arith.muli %add3A_516, %mul3A_538 : i32
        %add3A_540 = arith.addi %mul3A_2, %mul3A_539 : i32
        %dma_start3A_541 = tpu.memref_slice %arg3[%add3A_540] : memref<320000xi32, #tpu.memory_space<hbm>> -> memref<80xi32, #tpu.memory_space<hbm>>
        %dma_start3A_542 = tpu.memref_slice %arg3[%add3A_540] : memref<320000xi32, #tpu.memory_space<hbm>> -> memref<80xi32, #tpu.memory_space<hbm>>
        tpu.enqueue_dma source(%dma_start3A_542 : memref<80xi32, #tpu.memory_space<hbm>>) target(%arg18 : memref<80xi32, #tpu.memory_space<vmem>>) target_semaphore(%arg30 : memref<!tpu.dma_semaphore, #tpu.memory_space<semaphore_mem>>)
      } else {
      }
      %lt3A_522 = arith.constant 125 : i32
      %lt3A_523 = arith.cmpi slt, %add3A_506, %lt3A_522 : i32
      %convert_element_type3A_524 = arith.extui %lt3A_523 : i1 to i32
      %cond3A_525 = arith.constant 0 : i32
      %cond3A_526 = arith.cmpi ne, %convert_element_type3A_524, %cond3A_525 : i32
      scf.if %cond3A_526 {
        %dma_wait3A_533 = arith.constant 0 : i32
        %dma_wait3A_534 = tpu.memref_slice %arg2[%dma_wait3A_533] : memref<320000xi32, #tpu.memory_space<hbm>> -> memref<80xi32, #tpu.memory_space<hbm>>
        %dma_wait3A_535 = arith.constant 0 : i32
        %dma_wait3A_536 = tpu.memref_slice %arg2[%dma_wait3A_535] : memref<320000xi32, #tpu.memory_space<hbm>> -> memref<80xi32, #tpu.memory_space<hbm>>
        tpu.wait_dma2 semaphore(%arg27 : memref<!tpu.dma_semaphore, #tpu.memory_space<semaphore_mem>>) src(%dma_wait3A_536 : memref<80xi32, #tpu.memory_space<hbm>>) dst(%arg7 : memref<80xi32, #tpu.memory_space<vmem>>)
        %dma_wait3A_537 = arith.constant 0 : i32
        %dma_wait3A_538 = tpu.memref_slice %arg3[%dma_wait3A_537] : memref<320000xi32, #tpu.memory_space<hbm>> -> memref<80xi32, #tpu.memory_space<hbm>>
        %dma_wait3A_539 = arith.constant 0 : i32
        %dma_wait3A_540 = tpu.memref_slice %arg3[%dma_wait3A_539] : memref<320000xi32, #tpu.memory_space<hbm>> -> memref<80xi32, #tpu.memory_space<hbm>>
        tpu.wait_dma2 semaphore(%arg27 : memref<!tpu.dma_semaphore, #tpu.memory_space<semaphore_mem>>) src(%dma_wait3A_540 : memref<80xi32, #tpu.memory_space<hbm>>) dst(%arg15 : memref<80xi32, #tpu.memory_space<vmem>>)
        %dma_start3A_541 = arith.constant 0 : i32
        %dma_start3A_542 = arith.constant 0 : i32
        %dma_start3A_543 = tpu.memref_slice %arg4[%dma_start3A_541, %dma_start3A_542] : memref<10000x128xf32, #tpu.memory_space<hbm>> -> memref<10000x128xf32, #tpu.memory_space<hbm>>
        tpu.enqueue_indirect_dma source(%dma_start3A_543 : memref<10000x128xf32, #tpu.memory_space<hbm>>) target(%arg23 : memref<80x128xf32, #tpu.memory_space<vmem>>) offsets(%arg7 : memref<80xi32, #tpu.memory_space<vmem>>) semaphore(%arg35 : memref<!tpu.dma_semaphore, #tpu.memory_space<semaphore_mem>>)
      } else {
      }
      %dma_wait3A_527 = arith.constant 0 : i32
      %dma_wait3A_528 = arith.constant 0 : i32
      %dma_wait3A_529 = tpu.memref_slice %arg4[%dma_wait3A_527, %dma_wait3A_528] : memref<10000x128xf32, #tpu.memory_space<hbm>> -> memref<10000x128xf32, #tpu.memory_space<hbm>>
      tpu.wait_indirect_dma semaphore(%arg37 : memref<!tpu.dma_semaphore, #tpu.memory_space<semaphore_mem>>) src(%dma_wait3A_529 : memref<10000x128xf32, #tpu.memory_space<hbm>>) dst(%arg25 : memref<80x128xf32, #tpu.memory_space<vmem>>)
      %dma_start3A_530 = arith.constant 0 : i32
      %dma_start3A_531 = arith.constant 0 : i32
      %dma_start3A_532 = tpu.memref_slice %arg42[%dma_start3A_530, %dma_start3A_531] : memref<10240x128xf32, #tpu.memory_space<vmem_shared>> -> memref<10240x128xf32, #tpu.memory_space<vmem_shared>>
      tpu.enqueue_indirect_dma source(%arg25 : memref<80x128xf32, #tpu.memory_space<vmem>>) target(%dma_start3A_532 : memref<10240x128xf32, #tpu.memory_space<vmem_shared>>) offsets(%arg21 : memref<80xi32, #tpu.memory_space<vmem>>) semaphore(%arg41 : memref<!tpu.dma_semaphore, #tpu.memory_space<semaphore_mem>>) {add = true}
    }
    %scan3A_105 = arith.constant 15 : i32
    %add3A_106 = arith.constant 120 : i32
    %add3A_107 = arith.constant 2 : i32
    %add3A_108 = arith.addi %add3A_106, %add3A_107 : i32
    %ge3A = arith.constant 120 : i32
    %ge3A_109 = arith.constant 2 : i32
    %ge3A_110 = arith.cmpi sge, %ge3A, %ge3A_109 : i32
    %lt3A = arith.constant 125 : i32
    %lt3A_111 = arith.cmpi slt, %add3A_108, %lt3A : i32
    %and3A = arith.andi %ge3A_110, %lt3A_111 : i1
    %convert_element_type3A = arith.extui %and3A : i1 to i32
    %cond3A = arith.constant 0 : i32
    %cond3A_112 = arith.cmpi ne, %convert_element_type3A, %cond3A : i32
    scf.if %cond3A_112 {
      %dma_wait3A_276 = arith.constant 0 : i32
      %dma_wait3A_277 = arith.constant 0 : i32
      %dma_wait3A_278 = tpu.memref_slice %arg42[%dma_wait3A_276, %dma_wait3A_277] : memref<10240x128xf32, #tpu.memory_space<vmem_shared>> -> memref<10240x128xf32, #tpu.memory_space<vmem_shared>>
      tpu.wait_indirect_dma semaphore(%arg40 : memref<!tpu.dma_semaphore, #tpu.memory_space<semaphore_mem>>) src(%arg24 : memref<80x128xf32, #tpu.memory_space<vmem>>) dst(%dma_wait3A_278 : memref<10240x128xf32, #tpu.memory_space<vmem_shared>>)
    } else {
    }
    %add3A_113 = arith.constant 120 : i32
    %add3A_114 = arith.constant 5 : i32
    %add3A_115 = arith.addi %add3A_113, %add3A_114 : i32
    %lt3A_116 = arith.constant 125 : i32
    %lt3A_117 = arith.cmpi slt, %add3A_115, %lt3A_116 : i32
    %convert_element_type3A_118 = arith.extui %lt3A_117 : i1 to i32
    %cond3A_119 = arith.constant 0 : i32
    %cond3A_120 = arith.cmpi ne, %convert_element_type3A_118, %cond3A_119 : i32
    scf.if %cond3A_120 {
      %mul3A_276 = arith.constant 80 : i32
      %mul3A_277 = arith.muli %add3A_115, %mul3A_276 : i32
      %add3A_278 = arith.addi %mul3A_2, %mul3A_277 : i32
      %dma_start3A_279 = tpu.memref_slice %arg2[%add3A_278] : memref<320000xi32, #tpu.memory_space<hbm>> -> memref<80xi32, #tpu.memory_space<hbm>>
      %dma_start3A_280 = tpu.memref_slice %arg2[%add3A_278] : memref<320000xi32, #tpu.memory_space<hbm>> -> memref<80xi32, #tpu.memory_space<hbm>>
      tpu.enqueue_dma source(%dma_start3A_280 : memref<80xi32, #tpu.memory_space<hbm>>) target(%arg11 : memref<80xi32, #tpu.memory_space<vmem>>) target_semaphore(%arg31 : memref<!tpu.dma_semaphore, #tpu.memory_space<semaphore_mem>>)
      %mul3A_281 = arith.constant 80 : i32
      %mul3A_282 = arith.muli %add3A_115, %mul3A_281 : i32
      %add3A_283 = arith.addi %mul3A_2, %mul3A_282 : i32
      %dma_start3A_284 = tpu.memref_slice %arg3[%add3A_283] : memref<320000xi32, #tpu.memory_space<hbm>> -> memref<80xi32, #tpu.memory_space<hbm>>
      %dma_start3A_285 = tpu.memref_slice %arg3[%add3A_283] : memref<320000xi32, #tpu.memory_space<hbm>> -> memref<80xi32, #tpu.memory_space<hbm>>
      tpu.enqueue_dma source(%dma_start3A_285 : memref<80xi32, #tpu.memory_space<hbm>>) target(%arg19 : memref<80xi32, #tpu.memory_space<vmem>>) target_semaphore(%arg31 : memref<!tpu.dma_semaphore, #tpu.memory_space<semaphore_mem>>)
    } else {
    }
    %lt3A_121 = arith.constant 125 : i32
    %lt3A_122 = arith.cmpi slt, %add3A_108, %lt3A_121 : i32
    %convert_element_type3A_123 = arith.extui %lt3A_122 : i1 to i32
    %cond3A_124 = arith.constant 0 : i32
    %cond3A_125 = arith.cmpi ne, %convert_element_type3A_123, %cond3A_124 : i32
    scf.if %cond3A_125 {
      %dma_wait3A_276 = arith.constant 0 : i32
      %dma_wait3A_277 = tpu.memref_slice %arg2[%dma_wait3A_276] : memref<320000xi32, #tpu.memory_space<hbm>> -> memref<80xi32, #tpu.memory_space<hbm>>
      %dma_wait3A_278 = arith.constant 0 : i32
      %dma_wait3A_279 = tpu.memref_slice %arg2[%dma_wait3A_278] : memref<320000xi32, #tpu.memory_space<hbm>> -> memref<80xi32, #tpu.memory_space<hbm>>
      tpu.wait_dma2 semaphore(%arg28 : memref<!tpu.dma_semaphore, #tpu.memory_space<semaphore_mem>>) src(%dma_wait3A_279 : memref<80xi32, #tpu.memory_space<hbm>>) dst(%arg8 : memref<80xi32, #tpu.memory_space<vmem>>)
      %dma_wait3A_280 = arith.constant 0 : i32
      %dma_wait3A_281 = tpu.memref_slice %arg3[%dma_wait3A_280] : memref<320000xi32, #tpu.memory_space<hbm>> -> memref<80xi32, #tpu.memory_space<hbm>>
      %dma_wait3A_282 = arith.constant 0 : i32
      %dma_wait3A_283 = tpu.memref_slice %arg3[%dma_wait3A_282] : memref<320000xi32, #tpu.memory_space<hbm>> -> memref<80xi32, #tpu.memory_space<hbm>>
      tpu.wait_dma2 semaphore(%arg28 : memref<!tpu.dma_semaphore, #tpu.memory_space<semaphore_mem>>) src(%dma_wait3A_283 : memref<80xi32, #tpu.memory_space<hbm>>) dst(%arg16 : memref<80xi32, #tpu.memory_space<vmem>>)
      %dma_start3A_284 = arith.constant 0 : i32
      %dma_start3A_285 = arith.constant 0 : i32
      %dma_start3A_286 = tpu.memref_slice %arg4[%dma_start3A_284, %dma_start3A_285] : memref<10000x128xf32, #tpu.memory_space<hbm>> -> memref<10000x128xf32, #tpu.memory_space<hbm>>
      tpu.enqueue_indirect_dma source(%dma_start3A_286 : memref<10000x128xf32, #tpu.memory_space<hbm>>) target(%arg24 : memref<80x128xf32, #tpu.memory_space<vmem>>) offsets(%arg8 : memref<80xi32, #tpu.memory_space<vmem>>) semaphore(%arg36 : memref<!tpu.dma_semaphore, #tpu.memory_space<semaphore_mem>>)
    } else {
    }
    %dma_wait3A_126 = arith.constant 0 : i32
    %dma_wait3A_127 = arith.constant 0 : i32
    %dma_wait3A_128 = tpu.memref_slice %arg4[%dma_wait3A_126, %dma_wait3A_127] : memref<10000x128xf32, #tpu.memory_space<hbm>> -> memref<10000x128xf32, #tpu.memory_space<hbm>>
    tpu.wait_indirect_dma semaphore(%arg34 : memref<!tpu.dma_semaphore, #tpu.memory_space<semaphore_mem>>) src(%dma_wait3A_128 : memref<10000x128xf32, #tpu.memory_space<hbm>>) dst(%arg22 : memref<80x128xf32, #tpu.memory_space<vmem>>)
    %dma_start3A_129 = arith.constant 0 : i32
    %dma_start3A_130 = arith.constant 0 : i32
    %dma_start3A_131 = tpu.memref_slice %arg42[%dma_start3A_129, %dma_start3A_130] : memref<10240x128xf32, #tpu.memory_space<vmem_shared>> -> memref<10240x128xf32, #tpu.memory_space<vmem_shared>>
    tpu.enqueue_indirect_dma source(%arg22 : memref<80x128xf32, #tpu.memory_space<vmem>>) target(%dma_start3A_131 : memref<10240x128xf32, #tpu.memory_space<vmem_shared>>) offsets(%arg14 : memref<80xi32, #tpu.memory_space<vmem>>) semaphore(%arg38 : memref<!tpu.dma_semaphore, #tpu.memory_space<semaphore_mem>>) {add = true}
    %add3A_132 = arith.constant 121 : i32
    %add3A_133 = arith.constant 2 : i32
    %add3A_134 = arith.addi %add3A_132, %add3A_133 : i32
    %ge3A_135 = arith.constant 121 : i32
    %ge3A_136 = arith.constant 2 : i32
    %ge3A_137 = arith.cmpi sge, %ge3A_135, %ge3A_136 : i32
    %lt3A_138 = arith.constant 125 : i32
    %lt3A_139 = arith.cmpi slt, %add3A_134, %lt3A_138 : i32
    %and3A_140 = arith.andi %ge3A_137, %lt3A_139 : i1
    %convert_element_type3A_141 = arith.extui %and3A_140 : i1 to i32
    %cond3A_142 = arith.constant 0 : i32
    %cond3A_143 = arith.cmpi ne, %convert_element_type3A_141, %cond3A_142 : i32
    scf.if %cond3A_143 {
      %dma_wait3A_276 = arith.constant 0 : i32
      %dma_wait3A_277 = arith.constant 0 : i32
      %dma_wait3A_278 = tpu.memref_slice %arg42[%dma_wait3A_276, %dma_wait3A_277] : memref<10240x128xf32, #tpu.memory_space<vmem_shared>> -> memref<10240x128xf32, #tpu.memory_space<vmem_shared>>
      tpu.wait_indirect_dma semaphore(%arg41 : memref<!tpu.dma_semaphore, #tpu.memory_space<semaphore_mem>>) src(%arg25 : memref<80x128xf32, #tpu.memory_space<vmem>>) dst(%dma_wait3A_278 : memref<10240x128xf32, #tpu.memory_space<vmem_shared>>)
    } else {
    }
    %add3A_144 = arith.constant 121 : i32
    %add3A_145 = arith.constant 5 : i32
    %add3A_146 = arith.addi %add3A_144, %add3A_145 : i32
    %lt3A_147 = arith.constant 125 : i32
    %lt3A_148 = arith.cmpi slt, %add3A_146, %lt3A_147 : i32
    %convert_element_type3A_149 = arith.extui %lt3A_148 : i1 to i32
    %cond3A_150 = arith.constant 0 : i32
    %cond3A_151 = arith.cmpi ne, %convert_element_type3A_149, %cond3A_150 : i32
    scf.if %cond3A_151 {
      %mul3A_276 = arith.constant 80 : i32
      %mul3A_277 = arith.muli %add3A_146, %mul3A_276 : i32
      %add3A_278 = arith.addi %mul3A_2, %mul3A_277 : i32
      %dma_start3A_279 = tpu.memref_slice %arg2[%add3A_278] : memref<320000xi32, #tpu.memory_space<hbm>> -> memref<80xi32, #tpu.memory_space<hbm>>
      %dma_start3A_280 = tpu.memref_slice %arg2[%add3A_278] : memref<320000xi32, #tpu.memory_space<hbm>> -> memref<80xi32, #tpu.memory_space<hbm>>
      tpu.enqueue_dma source(%dma_start3A_280 : memref<80xi32, #tpu.memory_space<hbm>>) target(%arg12 : memref<80xi32, #tpu.memory_space<vmem>>) target_semaphore(%arg32 : memref<!tpu.dma_semaphore, #tpu.memory_space<semaphore_mem>>)
      %mul3A_281 = arith.constant 80 : i32
      %mul3A_282 = arith.muli %add3A_146, %mul3A_281 : i32
      %add3A_283 = arith.addi %mul3A_2, %mul3A_282 : i32
      %dma_start3A_284 = tpu.memref_slice %arg3[%add3A_283] : memref<320000xi32, #tpu.memory_space<hbm>> -> memref<80xi32, #tpu.memory_space<hbm>>
      %dma_start3A_285 = tpu.memref_slice %arg3[%add3A_283] : memref<320000xi32, #tpu.memory_space<hbm>> -> memref<80xi32, #tpu.memory_space<hbm>>
      tpu.enqueue_dma source(%dma_start3A_285 : memref<80xi32, #tpu.memory_space<hbm>>) target(%arg20 : memref<80xi32, #tpu.memory_space<vmem>>) target_semaphore(%arg32 : memref<!tpu.dma_semaphore, #tpu.memory_space<semaphore_mem>>)
    } else {
    }
    %lt3A_152 = arith.constant 125 : i32
    %lt3A_153 = arith.cmpi slt, %add3A_134, %lt3A_152 : i32
    %convert_element_type3A_154 = arith.extui %lt3A_153 : i1 to i32
    %cond3A_155 = arith.constant 0 : i32
    %cond3A_156 = arith.cmpi ne, %convert_element_type3A_154, %cond3A_155 : i32
    scf.if %cond3A_156 {
      %dma_wait3A_276 = arith.constant 0 : i32
      %dma_wait3A_277 = tpu.memref_slice %arg2[%dma_wait3A_276] : memref<320000xi32, #tpu.memory_space<hbm>> -> memref<80xi32, #tpu.memory_space<hbm>>
      %dma_wait3A_278 = arith.constant 0 : i32
      %dma_wait3A_279 = tpu.memref_slice %arg2[%dma_wait3A_278] : memref<320000xi32, #tpu.memory_space<hbm>> -> memref<80xi32, #tpu.memory_space<hbm>>
      tpu.wait_dma2 semaphore(%arg29 : memref<!tpu.dma_semaphore, #tpu.memory_space<semaphore_mem>>) src(%dma_wait3A_279 : memref<80xi32, #tpu.memory_space<hbm>>) dst(%arg9 : memref<80xi32, #tpu.memory_space<vmem>>)
      %dma_wait3A_280 = arith.constant 0 : i32
      %dma_wait3A_281 = tpu.memref_slice %arg3[%dma_wait3A_280] : memref<320000xi32, #tpu.memory_space<hbm>> -> memref<80xi32, #tpu.memory_space<hbm>>
      %dma_wait3A_282 = arith.constant 0 : i32
      %dma_wait3A_283 = tpu.memref_slice %arg3[%dma_wait3A_282] : memref<320000xi32, #tpu.memory_space<hbm>> -> memref<80xi32, #tpu.memory_space<hbm>>
      tpu.wait_dma2 semaphore(%arg29 : memref<!tpu.dma_semaphore, #tpu.memory_space<semaphore_mem>>) src(%dma_wait3A_283 : memref<80xi32, #tpu.memory_space<hbm>>) dst(%arg17 : memref<80xi32, #tpu.memory_space<vmem>>)
      %dma_start3A_284 = arith.constant 0 : i32
      %dma_start3A_285 = arith.constant 0 : i32
      %dma_start3A_286 = tpu.memref_slice %arg4[%dma_start3A_284, %dma_start3A_285] : memref<10000x128xf32, #tpu.memory_space<hbm>> -> memref<10000x128xf32, #tpu.memory_space<hbm>>
      tpu.enqueue_indirect_dma source(%dma_start3A_286 : memref<10000x128xf32, #tpu.memory_space<hbm>>) target(%arg25 : memref<80x128xf32, #tpu.memory_space<vmem>>) offsets(%arg9 : memref<80xi32, #tpu.memory_space<vmem>>) semaphore(%arg37 : memref<!tpu.dma_semaphore, #tpu.memory_space<semaphore_mem>>)
    } else {
    }
    %dma_wait3A_157 = arith.constant 0 : i32
    %dma_wait3A_158 = arith.constant 0 : i32
    %dma_wait3A_159 = tpu.memref_slice %arg4[%dma_wait3A_157, %dma_wait3A_158] : memref<10000x128xf32, #tpu.memory_space<hbm>> -> memref<10000x128xf32, #tpu.memory_space<hbm>>
    tpu.wait_indirect_dma semaphore(%arg35 : memref<!tpu.dma_semaphore, #tpu.memory_space<semaphore_mem>>) src(%dma_wait3A_159 : memref<10000x128xf32, #tpu.memory_space<hbm>>) dst(%arg23 : memref<80x128xf32, #tpu.memory_space<vmem>>)
    %dma_start3A_160 = arith.constant 0 : i32
    %dma_start3A_161 = arith.constant 0 : i32
    %dma_start3A_162 = tpu.memref_slice %arg42[%dma_start3A_160, %dma_start3A_161] : memref<10240x128xf32, #tpu.memory_space<vmem_shared>> -> memref<10240x128xf32, #tpu.memory_space<vmem_shared>>
    tpu.enqueue_indirect_dma source(%arg23 : memref<80x128xf32, #tpu.memory_space<vmem>>) target(%dma_start3A_162 : memref<10240x128xf32, #tpu.memory_space<vmem_shared>>) offsets(%arg15 : memref<80xi32, #tpu.memory_space<vmem>>) semaphore(%arg39 : memref<!tpu.dma_semaphore, #tpu.memory_space<semaphore_mem>>) {add = true}
    %add3A_163 = arith.constant 122 : i32
    %add3A_164 = arith.constant 2 : i32
    %add3A_165 = arith.addi %add3A_163, %add3A_164 : i32
    %ge3A_166 = arith.constant 122 : i32
    %ge3A_167 = arith.constant 2 : i32
    %ge3A_168 = arith.cmpi sge, %ge3A_166, %ge3A_167 : i32
    %lt3A_169 = arith.constant 125 : i32
    %lt3A_170 = arith.cmpi slt, %add3A_165, %lt3A_169 : i32
    %and3A_171 = arith.andi %ge3A_168, %lt3A_170 : i1
    %convert_element_type3A_172 = arith.extui %and3A_171 : i1 to i32
    %cond3A_173 = arith.constant 0 : i32
    %cond3A_174 = arith.cmpi ne, %convert_element_type3A_172, %cond3A_173 : i32
    scf.if %cond3A_174 {
      %dma_wait3A_276 = arith.constant 0 : i32
      %dma_wait3A_277 = arith.constant 0 : i32
      %dma_wait3A_278 = tpu.memref_slice %arg42[%dma_wait3A_276, %dma_wait3A_277] : memref<10240x128xf32, #tpu.memory_space<vmem_shared>> -> memref<10240x128xf32, #tpu.memory_space<vmem_shared>>
      tpu.wait_indirect_dma semaphore(%arg38 : memref<!tpu.dma_semaphore, #tpu.memory_space<semaphore_mem>>) src(%arg22 : memref<80x128xf32, #tpu.memory_space<vmem>>) dst(%dma_wait3A_278 : memref<10240x128xf32, #tpu.memory_space<vmem_shared>>)
    } else {
    }
    %add3A_175 = arith.constant 122 : i32
    %add3A_176 = arith.constant 5 : i32
    %add3A_177 = arith.addi %add3A_175, %add3A_176 : i32
    %lt3A_178 = arith.constant 125 : i32
    %lt3A_179 = arith.cmpi slt, %add3A_177, %lt3A_178 : i32
    %convert_element_type3A_180 = arith.extui %lt3A_179 : i1 to i32
    %cond3A_181 = arith.constant 0 : i32
    %cond3A_182 = arith.cmpi ne, %convert_element_type3A_180, %cond3A_181 : i32
    scf.if %cond3A_182 {
      %mul3A_276 = arith.constant 80 : i32
      %mul3A_277 = arith.muli %add3A_177, %mul3A_276 : i32
      %add3A_278 = arith.addi %mul3A_2, %mul3A_277 : i32
      %dma_start3A_279 = tpu.memref_slice %arg2[%add3A_278] : memref<320000xi32, #tpu.memory_space<hbm>> -> memref<80xi32, #tpu.memory_space<hbm>>
      %dma_start3A_280 = tpu.memref_slice %arg2[%add3A_278] : memref<320000xi32, #tpu.memory_space<hbm>> -> memref<80xi32, #tpu.memory_space<hbm>>
      tpu.enqueue_dma source(%dma_start3A_280 : memref<80xi32, #tpu.memory_space<hbm>>) target(%arg13 : memref<80xi32, #tpu.memory_space<vmem>>) target_semaphore(%arg33 : memref<!tpu.dma_semaphore, #tpu.memory_space<semaphore_mem>>)
      %mul3A_281 = arith.constant 80 : i32
      %mul3A_282 = arith.muli %add3A_177, %mul3A_281 : i32
      %add3A_283 = arith.addi %mul3A_2, %mul3A_282 : i32
      %dma_start3A_284 = tpu.memref_slice %arg3[%add3A_283] : memref<320000xi32, #tpu.memory_space<hbm>> -> memref<80xi32, #tpu.memory_space<hbm>>
      %dma_start3A_285 = tpu.memref_slice %arg3[%add3A_283] : memref<320000xi32, #tpu.memory_space<hbm>> -> memref<80xi32, #tpu.memory_space<hbm>>
      tpu.enqueue_dma source(%dma_start3A_285 : memref<80xi32, #tpu.memory_space<hbm>>) target(%arg21 : memref<80xi32, #tpu.memory_space<vmem>>) target_semaphore(%arg33 : memref<!tpu.dma_semaphore, #tpu.memory_space<semaphore_mem>>)
    } else {
    }
    %lt3A_183 = arith.constant 125 : i32
    %lt3A_184 = arith.cmpi slt, %add3A_165, %lt3A_183 : i32
    %convert_element_type3A_185 = arith.extui %lt3A_184 : i1 to i32
    %cond3A_186 = arith.constant 0 : i32
    %cond3A_187 = arith.cmpi ne, %convert_element_type3A_185, %cond3A_186 : i32
    scf.if %cond3A_187 {
      %dma_wait3A_276 = arith.constant 0 : i32
      %dma_wait3A_277 = tpu.memref_slice %arg2[%dma_wait3A_276] : memref<320000xi32, #tpu.memory_space<hbm>> -> memref<80xi32, #tpu.memory_space<hbm>>
      %dma_wait3A_278 = arith.constant 0 : i32
      %dma_wait3A_279 = tpu.memref_slice %arg2[%dma_wait3A_278] : memref<320000xi32, #tpu.memory_space<hbm>> -> memref<80xi32, #tpu.memory_space<hbm>>
      tpu.wait_dma2 semaphore(%arg30 : memref<!tpu.dma_semaphore, #tpu.memory_space<semaphore_mem>>) src(%dma_wait3A_279 : memref<80xi32, #tpu.memory_space<hbm>>) dst(%arg10 : memref<80xi32, #tpu.memory_space<vmem>>)
      %dma_wait3A_280 = arith.constant 0 : i32
      %dma_wait3A_281 = tpu.memref_slice %arg3[%dma_wait3A_280] : memref<320000xi32, #tpu.memory_space<hbm>> -> memref<80xi32, #tpu.memory_space<hbm>>
      %dma_wait3A_282 = arith.constant 0 : i32
      %dma_wait3A_283 = tpu.memref_slice %arg3[%dma_wait3A_282] : memref<320000xi32, #tpu.memory_space<hbm>> -> memref<80xi32, #tpu.memory_space<hbm>>
      tpu.wait_dma2 semaphore(%arg30 : memref<!tpu.dma_semaphore, #tpu.memory_space<semaphore_mem>>) src(%dma_wait3A_283 : memref<80xi32, #tpu.memory_space<hbm>>) dst(%arg18 : memref<80xi32, #tpu.memory_space<vmem>>)
      %dma_start3A_284 = arith.constant 0 : i32
      %dma_start3A_285 = arith.constant 0 : i32
      %dma_start3A_286 = tpu.memref_slice %arg4[%dma_start3A_284, %dma_start3A_285] : memref<10000x128xf32, #tpu.memory_space<hbm>> -> memref<10000x128xf32, #tpu.memory_space<hbm>>
      tpu.enqueue_indirect_dma source(%dma_start3A_286 : memref<10000x128xf32, #tpu.memory_space<hbm>>) target(%arg22 : memref<80x128xf32, #tpu.memory_space<vmem>>) offsets(%arg10 : memref<80xi32, #tpu.memory_space<vmem>>) semaphore(%arg34 : memref<!tpu.dma_semaphore, #tpu.memory_space<semaphore_mem>>)
    } else {
    }
    %dma_wait3A_188 = arith.constant 0 : i32
    %dma_wait3A_189 = arith.constant 0 : i32
    %dma_wait3A_190 = tpu.memref_slice %arg4[%dma_wait3A_188, %dma_wait3A_189] : memref<10000x128xf32, #tpu.memory_space<hbm>> -> memref<10000x128xf32, #tpu.memory_space<hbm>>
    tpu.wait_indirect_dma semaphore(%arg36 : memref<!tpu.dma_semaphore, #tpu.memory_space<semaphore_mem>>) src(%dma_wait3A_190 : memref<10000x128xf32, #tpu.memory_space<hbm>>) dst(%arg24 : memref<80x128xf32, #tpu.memory_space<vmem>>)
    %dma_start3A_191 = arith.constant 0 : i32
    %dma_start3A_192 = arith.constant 0 : i32
    %dma_start3A_193 = tpu.memref_slice %arg42[%dma_start3A_191, %dma_start3A_192] : memref<10240x128xf32, #tpu.memory_space<vmem_shared>> -> memref<10240x128xf32, #tpu.memory_space<vmem_shared>>
    tpu.enqueue_indirect_dma source(%arg24 : memref<80x128xf32, #tpu.memory_space<vmem>>) target(%dma_start3A_193 : memref<10240x128xf32, #tpu.memory_space<vmem_shared>>) offsets(%arg16 : memref<80xi32, #tpu.memory_space<vmem>>) semaphore(%arg40 : memref<!tpu.dma_semaphore, #tpu.memory_space<semaphore_mem>>) {add = true}
    %add3A_194 = arith.constant 123 : i32
    %add3A_195 = arith.constant 2 : i32
    %add3A_196 = arith.addi %add3A_194, %add3A_195 : i32
    %ge3A_197 = arith.constant 123 : i32
    %ge3A_198 = arith.constant 2 : i32
    %ge3A_199 = arith.cmpi sge, %ge3A_197, %ge3A_198 : i32
    %lt3A_200 = arith.constant 125 : i32
    %lt3A_201 = arith.cmpi slt, %add3A_196, %lt3A_200 : i32
    %and3A_202 = arith.andi %ge3A_199, %lt3A_201 : i1
    %convert_element_type3A_203 = arith.extui %and3A_202 : i1 to i32
    %cond3A_204 = arith.constant 0 : i32
    %cond3A_205 = arith.cmpi ne, %convert_element_type3A_203, %cond3A_204 : i32
    scf.if %cond3A_205 {
      %dma_wait3A_276 = arith.constant 0 : i32
      %dma_wait3A_277 = arith.constant 0 : i32
      %dma_wait3A_278 = tpu.memref_slice %arg42[%dma_wait3A_276, %dma_wait3A_277] : memref<10240x128xf32, #tpu.memory_space<vmem_shared>> -> memref<10240x128xf32, #tpu.memory_space<vmem_shared>>
      tpu.wait_indirect_dma semaphore(%arg39 : memref<!tpu.dma_semaphore, #tpu.memory_space<semaphore_mem>>) src(%arg23 : memref<80x128xf32, #tpu.memory_space<vmem>>) dst(%dma_wait3A_278 : memref<10240x128xf32, #tpu.memory_space<vmem_shared>>)
    } else {
    }
    %add3A_206 = arith.constant 123 : i32
    %add3A_207 = arith.constant 5 : i32
    %add3A_208 = arith.addi %add3A_206, %add3A_207 : i32
    %lt3A_209 = arith.constant 125 : i32
    %lt3A_210 = arith.cmpi slt, %add3A_208, %lt3A_209 : i32
    %convert_element_type3A_211 = arith.extui %lt3A_210 : i1 to i32
    %cond3A_212 = arith.constant 0 : i32
    %cond3A_213 = arith.cmpi ne, %convert_element_type3A_211, %cond3A_212 : i32
    scf.if %cond3A_213 {
      %mul3A_276 = arith.constant 80 : i32
      %mul3A_277 = arith.muli %add3A_208, %mul3A_276 : i32
      %add3A_278 = arith.addi %mul3A_2, %mul3A_277 : i32
      %dma_start3A_279 = tpu.memref_slice %arg2[%add3A_278] : memref<320000xi32, #tpu.memory_space<hbm>> -> memref<80xi32, #tpu.memory_space<hbm>>
      %dma_start3A_280 = tpu.memref_slice %arg2[%add3A_278] : memref<320000xi32, #tpu.memory_space<hbm>> -> memref<80xi32, #tpu.memory_space<hbm>>
      tpu.enqueue_dma source(%dma_start3A_280 : memref<80xi32, #tpu.memory_space<hbm>>) target(%arg6 : memref<80xi32, #tpu.memory_space<vmem>>) target_semaphore(%arg26 : memref<!tpu.dma_semaphore, #tpu.memory_space<semaphore_mem>>)
      %mul3A_281 = arith.constant 80 : i32
      %mul3A_282 = arith.muli %add3A_208, %mul3A_281 : i32
      %add3A_283 = arith.addi %mul3A_2, %mul3A_282 : i32
      %dma_start3A_284 = tpu.memref_slice %arg3[%add3A_283] : memref<320000xi32, #tpu.memory_space<hbm>> -> memref<80xi32, #tpu.memory_space<hbm>>
      %dma_start3A_285 = tpu.memref_slice %arg3[%add3A_283] : memref<320000xi32, #tpu.memory_space<hbm>> -> memref<80xi32, #tpu.memory_space<hbm>>
      tpu.enqueue_dma source(%dma_start3A_285 : memref<80xi32, #tpu.memory_space<hbm>>) target(%arg14 : memref<80xi32, #tpu.memory_space<vmem>>) target_semaphore(%arg26 : memref<!tpu.dma_semaphore, #tpu.memory_space<semaphore_mem>>)
    } else {
    }
    %lt3A_214 = arith.constant 125 : i32
    %lt3A_215 = arith.cmpi slt, %add3A_196, %lt3A_214 : i32
    %convert_element_type3A_216 = arith.extui %lt3A_215 : i1 to i32
    %cond3A_217 = arith.constant 0 : i32
    %cond3A_218 = arith.cmpi ne, %convert_element_type3A_216, %cond3A_217 : i32
    scf.if %cond3A_218 {
      %dma_wait3A_276 = arith.constant 0 : i32
      %dma_wait3A_277 = tpu.memref_slice %arg2[%dma_wait3A_276] : memref<320000xi32, #tpu.memory_space<hbm>> -> memref<80xi32, #tpu.memory_space<hbm>>
      %dma_wait3A_278 = arith.constant 0 : i32
      %dma_wait3A_279 = tpu.memref_slice %arg2[%dma_wait3A_278] : memref<320000xi32, #tpu.memory_space<hbm>> -> memref<80xi32, #tpu.memory_space<hbm>>
      tpu.wait_dma2 semaphore(%arg31 : memref<!tpu.dma_semaphore, #tpu.memory_space<semaphore_mem>>) src(%dma_wait3A_279 : memref<80xi32, #tpu.memory_space<hbm>>) dst(%arg11 : memref<80xi32, #tpu.memory_space<vmem>>)
      %dma_wait3A_280 = arith.constant 0 : i32
      %dma_wait3A_281 = tpu.memref_slice %arg3[%dma_wait3A_280] : memref<320000xi32, #tpu.memory_space<hbm>> -> memref<80xi32, #tpu.memory_space<hbm>>
      %dma_wait3A_282 = arith.constant 0 : i32
      %dma_wait3A_283 = tpu.memref_slice %arg3[%dma_wait3A_282] : memref<320000xi32, #tpu.memory_space<hbm>> -> memref<80xi32, #tpu.memory_space<hbm>>
      tpu.wait_dma2 semaphore(%arg31 : memref<!tpu.dma_semaphore, #tpu.memory_space<semaphore_mem>>) src(%dma_wait3A_283 : memref<80xi32, #tpu.memory_space<hbm>>) dst(%arg19 : memref<80xi32, #tpu.memory_space<vmem>>)
      %dma_start3A_284 = arith.constant 0 : i32
      %dma_start3A_285 = arith.constant 0 : i32
      %dma_start3A_286 = tpu.memref_slice %arg4[%dma_start3A_284, %dma_start3A_285] : memref<10000x128xf32, #tpu.memory_space<hbm>> -> memref<10000x128xf32, #tpu.memory_space<hbm>>
      tpu.enqueue_indirect_dma source(%dma_start3A_286 : memref<10000x128xf32, #tpu.memory_space<hbm>>) target(%arg23 : memref<80x128xf32, #tpu.memory_space<vmem>>) offsets(%arg11 : memref<80xi32, #tpu.memory_space<vmem>>) semaphore(%arg35 : memref<!tpu.dma_semaphore, #tpu.memory_space<semaphore_mem>>)
    } else {
    }
    %dma_wait3A_219 = arith.constant 0 : i32
    %dma_wait3A_220 = arith.constant 0 : i32
    %dma_wait3A_221 = tpu.memref_slice %arg4[%dma_wait3A_219, %dma_wait3A_220] : memref<10000x128xf32, #tpu.memory_space<hbm>> -> memref<10000x128xf32, #tpu.memory_space<hbm>>
    tpu.wait_indirect_dma semaphore(%arg37 : memref<!tpu.dma_semaphore, #tpu.memory_space<semaphore_mem>>) src(%dma_wait3A_221 : memref<10000x128xf32, #tpu.memory_space<hbm>>) dst(%arg25 : memref<80x128xf32, #tpu.memory_space<vmem>>)
    %dma_start3A_222 = arith.constant 0 : i32
    %dma_start3A_223 = arith.constant 0 : i32
    %dma_start3A_224 = tpu.memref_slice %arg42[%dma_start3A_222, %dma_start3A_223] : memref<10240x128xf32, #tpu.memory_space<vmem_shared>> -> memref<10240x128xf32, #tpu.memory_space<vmem_shared>>
    tpu.enqueue_indirect_dma source(%arg25 : memref<80x128xf32, #tpu.memory_space<vmem>>) target(%dma_start3A_224 : memref<10240x128xf32, #tpu.memory_space<vmem_shared>>) offsets(%arg17 : memref<80xi32, #tpu.memory_space<vmem>>) semaphore(%arg41 : memref<!tpu.dma_semaphore, #tpu.memory_space<semaphore_mem>>) {add = true}
    %add3A_225 = arith.constant 124 : i32
    %add3A_226 = arith.constant 2 : i32
    %add3A_227 = arith.addi %add3A_225, %add3A_226 : i32
    %ge3A_228 = arith.constant 124 : i32
    %ge3A_229 = arith.constant 2 : i32
    %ge3A_230 = arith.cmpi sge, %ge3A_228, %ge3A_229 : i32
    %lt3A_231 = arith.constant 125 : i32
    %lt3A_232 = arith.cmpi slt, %add3A_227, %lt3A_231 : i32
    %and3A_233 = arith.andi %ge3A_230, %lt3A_232 : i1
    %convert_element_type3A_234 = arith.extui %and3A_233 : i1 to i32
    %cond3A_235 = arith.constant 0 : i32
    %cond3A_236 = arith.cmpi ne, %convert_element_type3A_234, %cond3A_235 : i32
    scf.if %cond3A_236 {
      %dma_wait3A_276 = arith.constant 0 : i32
      %dma_wait3A_277 = arith.constant 0 : i32
      %dma_wait3A_278 = tpu.memref_slice %arg42[%dma_wait3A_276, %dma_wait3A_277] : memref<10240x128xf32, #tpu.memory_space<vmem_shared>> -> memref<10240x128xf32, #tpu.memory_space<vmem_shared>>
      tpu.wait_indirect_dma semaphore(%arg40 : memref<!tpu.dma_semaphore, #tpu.memory_space<semaphore_mem>>) src(%arg24 : memref<80x128xf32, #tpu.memory_space<vmem>>) dst(%dma_wait3A_278 : memref<10240x128xf32, #tpu.memory_space<vmem_shared>>)
    } else {
    }
    %add3A_237 = arith.constant 124 : i32
    %add3A_238 = arith.constant 5 : i32
    %add3A_239 = arith.addi %add3A_237, %add3A_238 : i32
    %lt3A_240 = arith.constant 125 : i32
    %lt3A_241 = arith.cmpi slt, %add3A_239, %lt3A_240 : i32
    %convert_element_type3A_242 = arith.extui %lt3A_241 : i1 to i32
    %cond3A_243 = arith.constant 0 : i32
    %cond3A_244 = arith.cmpi ne, %convert_element_type3A_242, %cond3A_243 : i32
    scf.if %cond3A_244 {
      %mul3A_276 = arith.constant 80 : i32
      %mul3A_277 = arith.muli %add3A_239, %mul3A_276 : i32
      %add3A_278 = arith.addi %mul3A_2, %mul3A_277 : i32
      %dma_start3A_279 = tpu.memref_slice %arg2[%add3A_278] : memref<320000xi32, #tpu.memory_space<hbm>> -> memref<80xi32, #tpu.memory_space<hbm>>
      %dma_start3A_280 = tpu.memref_slice %arg2[%add3A_278] : memref<320000xi32, #tpu.memory_space<hbm>> -> memref<80xi32, #tpu.memory_space<hbm>>
      tpu.enqueue_dma source(%dma_start3A_280 : memref<80xi32, #tpu.memory_space<hbm>>) target(%arg7 : memref<80xi32, #tpu.memory_space<vmem>>) target_semaphore(%arg27 : memref<!tpu.dma_semaphore, #tpu.memory_space<semaphore_mem>>)
      %mul3A_281 = arith.constant 80 : i32
      %mul3A_282 = arith.muli %add3A_239, %mul3A_281 : i32
      %add3A_283 = arith.addi %mul3A_2, %mul3A_282 : i32
      %dma_start3A_284 = tpu.memref_slice %arg3[%add3A_283] : memref<320000xi32, #tpu.memory_space<hbm>> -> memref<80xi32, #tpu.memory_space<hbm>>
      %dma_start3A_285 = tpu.memref_slice %arg3[%add3A_283] : memref<320000xi32, #tpu.memory_space<hbm>> -> memref<80xi32, #tpu.memory_space<hbm>>
      tpu.enqueue_dma source(%dma_start3A_285 : memref<80xi32, #tpu.memory_space<hbm>>) target(%arg15 : memref<80xi32, #tpu.memory_space<vmem>>) target_semaphore(%arg27 : memref<!tpu.dma_semaphore, #tpu.memory_space<semaphore_mem>>)
    } else {
    }
    %lt3A_245 = arith.constant 125 : i32
    %lt3A_246 = arith.cmpi slt, %add3A_227, %lt3A_245 : i32
    %convert_element_type3A_247 = arith.extui %lt3A_246 : i1 to i32
    %cond3A_248 = arith.constant 0 : i32
    %cond3A_249 = arith.cmpi ne, %convert_element_type3A_247, %cond3A_248 : i32
    scf.if %cond3A_249 {
      %dma_wait3A_276 = arith.constant 0 : i32
      %dma_wait3A_277 = tpu.memref_slice %arg2[%dma_wait3A_276] : memref<320000xi32, #tpu.memory_space<hbm>> -> memref<80xi32, #tpu.memory_space<hbm>>
      %dma_wait3A_278 = arith.constant 0 : i32
      %dma_wait3A_279 = tpu.memref_slice %arg2[%dma_wait3A_278] : memref<320000xi32, #tpu.memory_space<hbm>> -> memref<80xi32, #tpu.memory_space<hbm>>
      tpu.wait_dma2 semaphore(%arg32 : memref<!tpu.dma_semaphore, #tpu.memory_space<semaphore_mem>>) src(%dma_wait3A_279 : memref<80xi32, #tpu.memory_space<hbm>>) dst(%arg12 : memref<80xi32, #tpu.memory_space<vmem>>)
      %dma_wait3A_280 = arith.constant 0 : i32
      %dma_wait3A_281 = tpu.memref_slice %arg3[%dma_wait3A_280] : memref<320000xi32, #tpu.memory_space<hbm>> -> memref<80xi32, #tpu.memory_space<hbm>>
      %dma_wait3A_282 = arith.constant 0 : i32
      %dma_wait3A_283 = tpu.memref_slice %arg3[%dma_wait3A_282] : memref<320000xi32, #tpu.memory_space<hbm>> -> memref<80xi32, #tpu.memory_space<hbm>>
      tpu.wait_dma2 semaphore(%arg32 : memref<!tpu.dma_semaphore, #tpu.memory_space<semaphore_mem>>) src(%dma_wait3A_283 : memref<80xi32, #tpu.memory_space<hbm>>) dst(%arg20 : memref<80xi32, #tpu.memory_space<vmem>>)
      %dma_start3A_284 = arith.constant 0 : i32
      %dma_start3A_285 = arith.constant 0 : i32
      %dma_start3A_286 = tpu.memref_slice %arg4[%dma_start3A_284, %dma_start3A_285] : memref<10000x128xf32, #tpu.memory_space<hbm>> -> memref<10000x128xf32, #tpu.memory_space<hbm>>
      tpu.enqueue_indirect_dma source(%dma_start3A_286 : memref<10000x128xf32, #tpu.memory_space<hbm>>) target(%arg24 : memref<80x128xf32, #tpu.memory_space<vmem>>) offsets(%arg12 : memref<80xi32, #tpu.memory_space<vmem>>) semaphore(%arg36 : memref<!tpu.dma_semaphore, #tpu.memory_space<semaphore_mem>>)
    } else {
    }
    %dma_wait3A_250 = arith.constant 0 : i32
    %dma_wait3A_251 = arith.constant 0 : i32
    %dma_wait3A_252 = tpu.memref_slice %arg4[%dma_wait3A_250, %dma_wait3A_251] : memref<10000x128xf32, #tpu.memory_space<hbm>> -> memref<10000x128xf32, #tpu.memory_space<hbm>>
    tpu.wait_indirect_dma semaphore(%arg34 : memref<!tpu.dma_semaphore, #tpu.memory_space<semaphore_mem>>) src(%dma_wait3A_252 : memref<10000x128xf32, #tpu.memory_space<hbm>>) dst(%arg22 : memref<80x128xf32, #tpu.memory_space<vmem>>)
    %dma_start3A_253 = arith.constant 0 : i32
    %dma_start3A_254 = arith.constant 0 : i32
    %dma_start3A_255 = tpu.memref_slice %arg42[%dma_start3A_253, %dma_start3A_254] : memref<10240x128xf32, #tpu.memory_space<vmem_shared>> -> memref<10240x128xf32, #tpu.memory_space<vmem_shared>>
    tpu.enqueue_indirect_dma source(%arg22 : memref<80x128xf32, #tpu.memory_space<vmem>>) target(%dma_start3A_255 : memref<10240x128xf32, #tpu.memory_space<vmem_shared>>) offsets(%arg18 : memref<80xi32, #tpu.memory_space<vmem>>) semaphore(%arg38 : memref<!tpu.dma_semaphore, #tpu.memory_space<semaphore_mem>>) {add = true}
    %dma_wait3A_256 = arith.constant 0 : i32
    %dma_wait3A_257 = arith.constant 0 : i32
    %dma_wait3A_258 = tpu.memref_slice %arg42[%dma_wait3A_256, %dma_wait3A_257] : memref<10240x128xf32, #tpu.memory_space<vmem_shared>> -> memref<10240x128xf32, #tpu.memory_space<vmem_shared>>
    tpu.wait_indirect_dma semaphore(%arg39 : memref<!tpu.dma_semaphore, #tpu.memory_space<semaphore_mem>>) src(%arg23 : memref<80x128xf32, #tpu.memory_space<vmem>>) dst(%dma_wait3A_258 : memref<10240x128xf32, #tpu.memory_space<vmem_shared>>)
    %dma_wait3A_259 = arith.constant 0 : i32
    %dma_wait3A_260 = arith.constant 0 : i32
    %dma_wait3A_261 = tpu.memref_slice %arg42[%dma_wait3A_259, %dma_wait3A_260] : memref<10240x128xf32, #tpu.memory_space<vmem_shared>> -> memref<10240x128xf32, #tpu.memory_space<vmem_shared>>
    tpu.wait_indirect_dma semaphore(%arg40 : memref<!tpu.dma_semaphore, #tpu.memory_space<semaphore_mem>>) src(%arg24 : memref<80x128xf32, #tpu.memory_space<vmem>>) dst(%dma_wait3A_261 : memref<10240x128xf32, #tpu.memory_space<vmem_shared>>)
    %dma_wait3A_262 = arith.constant 0 : i32
    %dma_wait3A_263 = arith.constant 0 : i32
    %dma_wait3A_264 = tpu.memref_slice %arg42[%dma_wait3A_262, %dma_wait3A_263] : memref<10240x128xf32, #tpu.memory_space<vmem_shared>> -> memref<10240x128xf32, #tpu.memory_space<vmem_shared>>
    tpu.wait_indirect_dma semaphore(%arg41 : memref<!tpu.dma_semaphore, #tpu.memory_space<semaphore_mem>>) src(%arg25 : memref<80x128xf32, #tpu.memory_space<vmem>>) dst(%dma_wait3A_264 : memref<10240x128xf32, #tpu.memory_space<vmem_shared>>)
    %dma_wait3A_265 = arith.constant 0 : i32
    %dma_wait3A_266 = arith.constant 0 : i32
    %dma_wait3A_267 = tpu.memref_slice %arg42[%dma_wait3A_265, %dma_wait3A_266] : memref<10240x128xf32, #tpu.memory_space<vmem_shared>> -> memref<10240x128xf32, #tpu.memory_space<vmem_shared>>
    tpu.wait_indirect_dma semaphore(%arg38 : memref<!tpu.dma_semaphore, #tpu.memory_space<semaphore_mem>>) src(%arg22 : memref<80x128xf32, #tpu.memory_space<vmem>>) dst(%dma_wait3A_267 : memref<10240x128xf32, #tpu.memory_space<vmem_shared>>)
    %barrier3A_268 = arith.constant 0 : index
    tpu.barrier barrier_id(%barrier3A_268)
    %mul3A_269 = arith.constant 640 : i32
    %mul3A_270 = arith.muli %arg1, %mul3A_269 : i32
    %mul3A_271 = arith.constant 10240 : i32
    %mul3A_272 = arith.muli %arg0, %mul3A_271 : i32
    %mul3A_273 = arith.constant 640 : i32
    %mul3A_274 = arith.muli %arg1, %mul3A_273 : i32
    %add3A_275 = arith.addi %mul3A_272, %mul3A_274 : i32
    "tpu.region"() ({
      %run_scoped3A = tpu.sem_alloc : memref<!tpu.dma_semaphore, #tpu.memory_space<semaphore_mem>>
      %dma_start3A_276 = arith.constant 0 : i32
      %dma_start3A_277 = tpu.memref_slice %arg5[%add3A_275, %dma_start3A_276] : memref<20480x128xf32, #tpu.memory_space<hbm>> -> memref<640x128xf32, #tpu.memory_space<hbm>>
      %dma_start3A_278 = arith.constant 0 : i32
      %dma_start3A_279 = tpu.memref_slice %arg42[%mul3A_270, %dma_start3A_278] : memref<10240x128xf32, #tpu.memory_space<vmem_shared>> -> memref<640x128xf32, #tpu.memory_space<vmem_shared>>
      tpu.enqueue_dma source(%dma_start3A_279 : memref<640x128xf32, #tpu.memory_space<vmem_shared>>) target(%dma_start3A_277 : memref<640x128xf32, #tpu.memory_space<hbm>>) target_semaphore(%run_scoped3A : memref<!tpu.dma_semaphore, #tpu.memory_space<semaphore_mem>>)
      %dma_wait3A_280 = arith.constant 0 : i32
      %dma_wait3A_281 = tpu.memref_slice %arg5[%add3A_275, %dma_wait3A_280] : memref<20480x128xf32, #tpu.memory_space<hbm>> -> memref<640x128xf32, #tpu.memory_space<hbm>>
      %dma_wait3A_282 = arith.constant 0 : i32
      %dma_wait3A_283 = tpu.memref_slice %arg42[%mul3A_270, %dma_wait3A_282] : memref<10240x128xf32, #tpu.memory_space<vmem_shared>> -> memref<640x128xf32, #tpu.memory_space<vmem_shared>>
      tpu.wait_dma2 semaphore(%run_scoped3A : memref<!tpu.dma_semaphore, #tpu.memory_space<semaphore_mem>>) src(%dma_wait3A_283 : memref<640x128xf32, #tpu.memory_space<vmem_shared>>) dst(%dma_wait3A_281 : memref<640x128xf32, #tpu.memory_space<hbm>>)
      tpu.yield
    }) : () -> ()
    return
  }
}

module attributes {stable_mosaic.version = 14 : i64} {
  func.func @_layer1(%arg0: i32, %arg1: i32, %arg2: memref<2000x128xf32, #tpu.memory_space<vmem>>, %arg3: memref<2x2000x128xf32, #tpu.memory_space<vmem>>, %arg4: memref<128x256xf32, #tpu.memory_space<vmem>>, %arg5: memref<1x256xf32, #tpu.memory_space<vmem>>, %arg6: memref<256x256xf32, #tpu.memory_space<vmem>>, %arg7: memref<1x256xf32, #tpu.memory_space<vmem>>, %arg8: memref<1x256xf32, #tpu.memory_space<vmem>>, %arg9: memref<1x256xf32, #tpu.memory_space<vmem>>, %arg10: memref<2x2000x128xf32, #tpu.memory_space<vmem>>, %arg11: memref<10000x256xf32, #tpu.memory_space<vmem>>, %arg12: memref<1x256xf32, #tpu.memory_space<vmem>>, %arg13: memref<1x256xf32, #tpu.memory_space<vmem>>) attributes {dimension_semantics = [#tpu.dimension_semantics<arbitrary>, #tpu.dimension_semantics<arbitrary>], iteration_bounds = array<i64: 2, 5>, scalar_prefetch = 0 : i64, scratch_operands = 3 : i64, tpu.core_type = #tpu.core_type<tc>, window_params = [{transform_indices = @transform_0, window_bounds = array<i64: 2000, 128>}, {transform_indices = @transform_1, window_bounds = array<i64: 2, 2000, 128>}, {pipeline_mode = #tpu.pipeline_mode<synchronous>, transform_indices = @transform_2, window_bounds = array<i64: 128, 256>}, {pipeline_mode = #tpu.pipeline_mode<synchronous>, transform_indices = @transform_3, window_bounds = array<i64: 1, 256>}, {pipeline_mode = #tpu.pipeline_mode<synchronous>, transform_indices = @transform_4, window_bounds = array<i64: 256, 256>}, {pipeline_mode = #tpu.pipeline_mode<synchronous>, transform_indices = @transform_5, window_bounds = array<i64: 1, 256>}, {pipeline_mode = #tpu.pipeline_mode<synchronous>, transform_indices = @transform_6, window_bounds = array<i64: 1, 256>}, {pipeline_mode = #tpu.pipeline_mode<synchronous>, transform_indices = @transform_7, window_bounds = array<i64: 1, 256>}, {transform_indices = @transform_8, window_bounds = array<i64: 2, 2000, 128>}]} {
    %eq3A = arith.constant 0 : i32
    %eq3A_0 = arith.cmpi eq, %arg0, %eq3A : i32
    %convert_element_type3A = arith.extui %eq3A_0 : i1 to i32
    %cond3A = arith.constant 0 : i32
    %cond3A_1 = arith.cmpi ne, %convert_element_type3A, %cond3A : i32
    scf.if %cond3A_1 {
      %get3A = arith.constant 0 : index
      %get3A_7 = arith.constant 0 : index
      %get3A_8 = vector.load %arg2[%get3A, %get3A_7] : memref<2000x128xf32, #tpu.memory_space<vmem>>, vector<2000x128xf32>
      %get3A_9 = arith.constant 0 : index
      %get3A_10 = arith.constant 0 : index
      %get3A_11 = arith.constant 0 : index
      %get3A_12 = vector.load %arg3[%get3A_9, %get3A_10, %get3A_11] : memref<2x2000x128xf32, #tpu.memory_space<vmem>>, vector<1x2000x128xf32>
      %get3A_13 = vector.shape_cast %get3A_12 : vector<1x2000x128xf32> to vector<2000x128xf32>
      %add3A = arith.addf %get3A_8, %get3A_13 : vector<2000x128xf32>
      %get3A_14 = arith.constant 1 : index
      %get3A_15 = arith.constant 0 : index
      %get3A_16 = arith.constant 0 : index
      %get3A_17 = vector.load %arg3[%get3A_14, %get3A_15, %get3A_16] : memref<2x2000x128xf32, #tpu.memory_space<vmem>>, vector<1x2000x128xf32>
      %get3A_18 = vector.shape_cast %get3A_17 : vector<1x2000x128xf32> to vector<2000x128xf32>
      %add3A_19 = arith.addf %add3A, %get3A_18 : vector<2000x128xf32>
      %convert_element_type3A_20 = arith.truncf %add3A_19 : vector<2000x128xf32> to vector<2000x128xbf16>
      %get3A_21 = arith.constant 0 : index
      %get3A_22 = arith.constant 0 : index
      %get3A_23 = vector.load %arg4[%get3A_21, %get3A_22] : memref<128x256xf32, #tpu.memory_space<vmem>>, vector<128x256xf32>
      %convert_element_type3A_24 = arith.truncf %get3A_23 : vector<128x256xf32> to vector<128x256xbf16>
      %dot_general3A = arith.constant dense<0.000000e+00> : vector<2000x256xf32>
      %dot_general3A_25 = tpu.matmul %convert_element_type3A_20, %convert_element_type3A_24, %dot_general3A {dimension_numbers = #tpu.dot_dimension_numbers<[1], [0], [0], [1], [0, 0, 1, 1], [], []>, transpose_lhs_hint = false} : vector<2000x128xbf16>, vector<128x256xbf16>, vector<2000x256xf32> -> vector<2000x256xf32>
      %get3A_26 = arith.constant 0 : index
      %get3A_27 = arith.constant 0 : index
      %get3A_28 = vector.load %arg5[%get3A_26, %get3A_27] : memref<1x256xf32, #tpu.memory_space<vmem>>, vector<1x256xf32>
      %add3A_29 = vector.broadcast %get3A_28 : vector<1x256xf32> to vector<2000x256xf32>
      %add3A_30 = arith.addf %dot_general3A_25, %add3A_29 : vector<2000x256xf32>
      %max3A = arith.constant 0.000000e+00 : f32
      %max3A_31 = vector.broadcast %max3A : f32 to vector<2000x256xf32>
      %max3A_32 = arith.maximumf %add3A_30, %max3A_31 : vector<2000x256xf32>
      %convert_element_type3A_33 = arith.truncf %max3A_32 : vector<2000x256xf32> to vector<2000x256xbf16>
      %get3A_34 = arith.constant 0 : index
      %get3A_35 = arith.constant 0 : index
      %get3A_36 = vector.load %arg6[%get3A_34, %get3A_35] : memref<256x256xf32, #tpu.memory_space<vmem>>, vector<256x256xf32>
      %convert_element_type3A_37 = arith.truncf %get3A_36 : vector<256x256xf32> to vector<256x256xbf16>
      %dot_general3A_38 = arith.constant dense<0.000000e+00> : vector<2000x256xf32>
      %dot_general3A_39 = tpu.matmul %convert_element_type3A_33, %convert_element_type3A_37, %dot_general3A_38 {dimension_numbers = #tpu.dot_dimension_numbers<[1], [0], [0], [1], [0, 0, 1, 1], [], []>, transpose_lhs_hint = false} : vector<2000x256xbf16>, vector<256x256xbf16>, vector<2000x256xf32> -> vector<2000x256xf32>
      %get3A_40 = arith.constant 0 : index
      %get3A_41 = arith.constant 0 : index
      %get3A_42 = vector.load %arg7[%get3A_40, %get3A_41] : memref<1x256xf32, #tpu.memory_space<vmem>>, vector<1x256xf32>
      %add3A_43 = vector.broadcast %get3A_42 : vector<1x256xf32> to vector<2000x256xf32>
      %add3A_44 = arith.addf %dot_general3A_39, %add3A_43 : vector<2000x256xf32>
      %mul3A = arith.constant 2000 : i32
      %mul3A_45 = arith.muli %arg1, %mul3A : i32
      %swap3A = arith.index_cast %mul3A_45 : i32 to index
      %swap3A_46 = arith.constant 0 : index
      %swap3A_47 = vector.load %arg11[%swap3A, %swap3A_46] : memref<10000x256xf32, #tpu.memory_space<vmem>>, vector<2000x256xf32>
      tpu.vector_store %arg11[%swap3A, %swap3A_46], %add3A_44 {strides = array<i32>} : memref<10000x256xf32, #tpu.memory_space<vmem>>, vector<2000x256xf32>,
      %eq3A_48 = arith.constant 0 : i32
      %eq3A_49 = arith.cmpi eq, %arg1, %eq3A_48 : i32
      %convert_element_type3A_50 = arith.extui %eq3A_49 : i1 to i32
      %cond3A_51 = arith.constant 0 : i32
      %cond3A_52 = arith.cmpi ne, %convert_element_type3A_50, %cond3A_51 : i32
      scf.if %cond3A_52 {
        %broadcast_in_dim3A_72 = arith.constant 0.000000e+00 : f32
        %broadcast_in_dim3A_73 = vector.broadcast %broadcast_in_dim3A_72 : f32 to vector<1x256xf32>
        %swap3A_74 = arith.constant 0 : index
        %swap3A_75 = arith.constant 0 : index
        %swap3A_76 = vector.load %arg12[%swap3A_74, %swap3A_75] : memref<1x256xf32, #tpu.memory_space<vmem>>, vector<1x256xf32>
        tpu.vector_store %arg12[%swap3A_74, %swap3A_75], %broadcast_in_dim3A_73 {strides = array<i32>} : memref<1x256xf32, #tpu.memory_space<vmem>>, vector<1x256xf32>,
        %broadcast_in_dim3A_77 = arith.constant 0.000000e+00 : f32
        %broadcast_in_dim3A_78 = vector.broadcast %broadcast_in_dim3A_77 : f32 to vector<1x256xf32>
        %swap3A_79 = arith.constant 0 : index
        %swap3A_80 = arith.constant 0 : index
        %swap3A_81 = vector.load %arg13[%swap3A_79, %swap3A_80] : memref<1x256xf32, #tpu.memory_space<vmem>>, vector<1x256xf32>
        tpu.vector_store %arg13[%swap3A_79, %swap3A_80], %broadcast_in_dim3A_78 {strides = array<i32>} : memref<1x256xf32, #tpu.memory_space<vmem>>, vector<1x256xf32>,
      } else {
      }
      %get3A_53 = arith.constant 0 : index
      %get3A_54 = arith.constant 0 : index
      %get3A_55 = vector.load %arg12[%get3A_53, %get3A_54] : memref<1x256xf32, #tpu.memory_space<vmem>>, vector<1x256xf32>
      %reduce_sum3A = arith.constant dense<0.000000e+00> : vector<256xf32>
      %reduce_sum3A_56 = vector.multi_reduction <add>, %add3A_44, %reduce_sum3A [0] : vector<2000x256xf32> to vector<256xf32>
      %broadcast_in_dim3A = vector.shape_cast %reduce_sum3A_56 : vector<256xf32> to vector<1x256xf32>
      %add3A_57 = arith.addf %get3A_55, %broadcast_in_dim3A : vector<1x256xf32>
      %swap3A_58 = arith.constant 0 : index
      %swap3A_59 = arith.constant 0 : index
      %swap3A_60 = vector.load %arg12[%swap3A_58, %swap3A_59] : memref<1x256xf32, #tpu.memory_space<vmem>>, vector<1x256xf32>
      tpu.vector_store %arg12[%swap3A_58, %swap3A_59], %add3A_57 {strides = array<i32>} : memref<1x256xf32, #tpu.memory_space<vmem>>, vector<1x256xf32>,
      %get3A_61 = arith.constant 0 : index
      %get3A_62 = arith.constant 0 : index
      %get3A_63 = vector.load %arg13[%get3A_61, %get3A_62] : memref<1x256xf32, #tpu.memory_space<vmem>>, vector<1x256xf32>
      %mul3A_64 = arith.mulf %add3A_44, %add3A_44 : vector<2000x256xf32>
      %reduce_sum3A_65 = arith.constant dense<0.000000e+00> : vector<256xf32>
      %reduce_sum3A_66 = vector.multi_reduction <add>, %mul3A_64, %reduce_sum3A_65 [0] : vector<2000x256xf32> to vector<256xf32>
      %broadcast_in_dim3A_67 = vector.shape_cast %reduce_sum3A_66 : vector<256xf32> to vector<1x256xf32>
      %add3A_68 = arith.addf %get3A_63, %broadcast_in_dim3A_67 : vector<1x256xf32>
      %swap3A_69 = arith.constant 0 : index
      %swap3A_70 = arith.constant 0 : index
      %swap3A_71 = vector.load %arg13[%swap3A_69, %swap3A_70] : memref<1x256xf32, #tpu.memory_space<vmem>>, vector<1x256xf32>
      tpu.vector_store %arg13[%swap3A_69, %swap3A_70], %add3A_68 {strides = array<i32>} : memref<1x256xf32, #tpu.memory_space<vmem>>, vector<1x256xf32>,
    } else {
    }
    %eq3A_2 = arith.constant 1 : i32
    %eq3A_3 = arith.cmpi eq, %arg0, %eq3A_2 : i32
    %convert_element_type3A_4 = arith.extui %eq3A_3 : i1 to i32
    %cond3A_5 = arith.constant 0 : i32
    %cond3A_6 = arith.cmpi ne, %convert_element_type3A_4, %cond3A_5 : i32
    scf.if %cond3A_6 {
      %mul3A = arith.constant 2000 : i32
      %mul3A_7 = arith.muli %arg1, %mul3A : i32
      %get3A = arith.index_cast %mul3A_7 : i32 to index
      %get3A_8 = arith.constant 0 : index
      %get3A_9 = vector.load %arg11[%get3A, %get3A_8] : memref<10000x256xf32, #tpu.memory_space<vmem>>, vector<2000x256xf32>
      %get3A_10 = arith.constant 0 : index
      %get3A_11 = arith.constant 0 : index
      %get3A_12 = vector.load %arg12[%get3A_10, %get3A_11] : memref<1x256xf32, #tpu.memory_space<vmem>>, vector<1x256xf32>
      %mul3A_13 = arith.constant 9.99999974E-5 : f32
      %mul3A_14 = vector.broadcast %mul3A_13 : f32 to vector<1x256xf32>
      %mul3A_15 = arith.mulf %get3A_12, %mul3A_14 : vector<1x256xf32>
      %get3A_16 = arith.constant 0 : index
      %get3A_17 = arith.constant 0 : index
      %get3A_18 = vector.load %arg13[%get3A_16, %get3A_17] : memref<1x256xf32, #tpu.memory_space<vmem>>, vector<1x256xf32>
      %mul3A_19 = arith.constant 9.99999974E-5 : f32
      %mul3A_20 = vector.broadcast %mul3A_19 : f32 to vector<1x256xf32>
      %mul3A_21 = arith.mulf %get3A_18, %mul3A_20 : vector<1x256xf32>
      %mul3A_22 = arith.mulf %mul3A_15, %mul3A_15 : vector<1x256xf32>
      %sub3A = arith.subf %mul3A_21, %mul3A_22 : vector<1x256xf32>
      %add3A = arith.constant 9.99999974E-6 : f32
      %add3A_23 = vector.broadcast %add3A : f32 to vector<1x256xf32>
      %add3A_24 = arith.addf %sub3A, %add3A_23 : vector<1x256xf32>
      %rsqrt3A = math.rsqrt %add3A_24 : vector<1x256xf32>
      %sub3A_25 = vector.broadcast %mul3A_15 : vector<1x256xf32> to vector<2000x256xf32>
      %sub3A_26 = arith.subf %get3A_9, %sub3A_25 : vector<2000x256xf32>
      %get3A_27 = arith.constant 0 : index
      %get3A_28 = arith.constant 0 : index
      %get3A_29 = vector.load %arg8[%get3A_27, %get3A_28] : memref<1x256xf32, #tpu.memory_space<vmem>>, vector<1x256xf32>
      %mul3A_30 = arith.mulf %rsqrt3A, %get3A_29 : vector<1x256xf32>
      %mul3A_31 = vector.broadcast %mul3A_30 : vector<1x256xf32> to vector<2000x256xf32>
      %mul3A_32 = arith.mulf %sub3A_26, %mul3A_31 : vector<2000x256xf32>
      %get3A_33 = arith.constant 0 : index
      %get3A_34 = arith.constant 0 : index
      %get3A_35 = vector.load %arg9[%get3A_33, %get3A_34] : memref<1x256xf32, #tpu.memory_space<vmem>>, vector<1x256xf32>
      %add3A_36 = vector.broadcast %get3A_35 : vector<1x256xf32> to vector<2000x256xf32>
      %add3A_37 = arith.addf %mul3A_32, %add3A_36 : vector<2000x256xf32>
      %max3A = arith.constant 0.000000e+00 : f32
      %max3A_38 = vector.broadcast %max3A : f32 to vector<2000x256xf32>
      %max3A_39 = arith.maximumf %add3A_37, %max3A_38 : vector<2000x256xf32>
      %slice3A = vector.extract_strided_slice %max3A_39 {offsets = [0, 0], sizes = [2000, 128], strides = [1, 1]} : vector<2000x256xf32> to vector<2000x128xf32>
      %swap3A = arith.constant 0 : index
      %swap3A_40 = arith.constant 0 : index
      %swap3A_41 = arith.constant 0 : index
      %swap3A_42 = vector.load %arg10[%swap3A, %swap3A_40, %swap3A_41] : memref<2x2000x128xf32, #tpu.memory_space<vmem>>, vector<1x2000x128xf32>
      %swap3A_43 = vector.shape_cast %swap3A_42 : vector<1x2000x128xf32> to vector<2000x128xf32>
      %swap3A_44 = vector.shape_cast %slice3A : vector<2000x128xf32> to vector<1x2000x128xf32>
      tpu.vector_store %arg10[%swap3A, %swap3A_40, %swap3A_41], %swap3A_44 {strides = array<i32>} : memref<2x2000x128xf32, #tpu.memory_space<vmem>>, vector<1x2000x128xf32>,
      %slice3A_45 = vector.extract_strided_slice %max3A_39 {offsets = [0, 128], sizes = [2000, 128], strides = [1, 1]} : vector<2000x256xf32> to vector<2000x128xf32>
      %swap3A_46 = arith.constant 1 : index
      %swap3A_47 = arith.constant 0 : index
      %swap3A_48 = arith.constant 0 : index
      %swap3A_49 = vector.load %arg10[%swap3A_46, %swap3A_47, %swap3A_48] : memref<2x2000x128xf32, #tpu.memory_space<vmem>>, vector<1x2000x128xf32>
      %swap3A_50 = vector.shape_cast %swap3A_49 : vector<1x2000x128xf32> to vector<2000x128xf32>
      %swap3A_51 = vector.shape_cast %slice3A_45 : vector<2000x128xf32> to vector<1x2000x128xf32>
      tpu.vector_store %arg10[%swap3A_46, %swap3A_47, %swap3A_48], %swap3A_51 {strides = array<i32>} : memref<2x2000x128xf32, #tpu.memory_space<vmem>>, vector<1x2000x128xf32>,
    } else {
    }
    return
  }
  func.func @transform_0(%arg0: i32, %arg1: i32) -> (i32, i32) {
    %sub3A = arith.constant 1 : i32
    %sub3A_0 = arith.subi %sub3A, %arg0 : i32
    %mul3A = arith.muli %arg1, %sub3A_0 : i32
    %c0_i32 = arith.constant 0 : i32
    %c0_i32_1 = arith.constant 0 : i32
    return %mul3A, %c0_i32 : i32, i32
  }
  func.func @transform_1(%arg0: i32, %arg1: i32) -> (i32, i32, i32) {
    %sub3A = arith.constant 1 : i32
    %sub3A_0 = arith.subi %sub3A, %arg0 : i32
    %mul3A = arith.muli %arg1, %sub3A_0 : i32
    %c0_i32 = arith.constant 0 : i32
    %c0_i32_1 = arith.constant 0 : i32
    %c0_i32_2 = arith.constant 0 : i32
    return %c0_i32, %mul3A, %c0_i32_1 : i32, i32, i32
  }
  func.func @transform_2(%arg0: i32, %arg1: i32) -> (i32, i32) {
    %c0_i32 = arith.constant 0 : i32
    %c0_i32_0 = arith.constant 0 : i32
    %c0_i32_1 = arith.constant 0 : i32
    return %c0_i32, %c0_i32_0 : i32, i32
  }
  func.func @transform_3(%arg0: i32, %arg1: i32) -> (i32, i32) {
    %c0_i32 = arith.constant 0 : i32
    %c0_i32_0 = arith.constant 0 : i32
    %c0_i32_1 = arith.constant 0 : i32
    return %c0_i32, %c0_i32_0 : i32, i32
  }
  func.func @transform_4(%arg0: i32, %arg1: i32) -> (i32, i32) {
    %c0_i32 = arith.constant 0 : i32
    %c0_i32_0 = arith.constant 0 : i32
    %c0_i32_1 = arith.constant 0 : i32
    return %c0_i32, %c0_i32_0 : i32, i32
  }
  func.func @transform_5(%arg0: i32, %arg1: i32) -> (i32, i32) {
    %c0_i32 = arith.constant 0 : i32
    %c0_i32_0 = arith.constant 0 : i32
    %c0_i32_1 = arith.constant 0 : i32
    return %c0_i32, %c0_i32_0 : i32, i32
  }
  func.func @transform_6(%arg0: i32, %arg1: i32) -> (i32, i32) {
    %c0_i32 = arith.constant 0 : i32
    %c0_i32_0 = arith.constant 0 : i32
    %c0_i32_1 = arith.constant 0 : i32
    return %c0_i32, %c0_i32_0 : i32, i32
  }
  func.func @transform_7(%arg0: i32, %arg1: i32) -> (i32, i32) {
    %c0_i32 = arith.constant 0 : i32
    %c0_i32_0 = arith.constant 0 : i32
    %c0_i32_1 = arith.constant 0 : i32
    return %c0_i32, %c0_i32_0 : i32, i32
  }
  func.func @transform_8(%arg0: i32, %arg1: i32) -> (i32, i32, i32) {
    %mul3A = arith.muli %arg1, %arg0 : i32
    %c0_i32 = arith.constant 0 : i32
    %c0_i32_0 = arith.constant 0 : i32
    %c0_i32_1 = arith.constant 0 : i32
    return %c0_i32, %mul3A, %c0_i32_0 : i32, i32, i32
  }
}

module attributes {stable_mosaic.version = 14 : i64} {
  func.func @_layer2(%arg0: i32, %arg1: i32, %arg2: memref<2x2000x128xf32, #tpu.memory_space<vmem>>, %arg3: memref<2x2000x128xf32, #tpu.memory_space<vmem>>, %arg4: memref<256x256xf32, #tpu.memory_space<vmem>>, %arg5: memref<1x256xf32, #tpu.memory_space<vmem>>, %arg6: memref<256x256xf32, #tpu.memory_space<vmem>>, %arg7: memref<1x256xf32, #tpu.memory_space<vmem>>, %arg8: memref<1x256xf32, #tpu.memory_space<vmem>>, %arg9: memref<1x256xf32, #tpu.memory_space<vmem>>, %arg10: memref<256x64xf32, #tpu.memory_space<vmem>>, %arg11: memref<1x64xf32, #tpu.memory_space<vmem>>, %arg12: memref<2000x64xf32, #tpu.memory_space<vmem>>, %arg13: memref<10000x256xf32, #tpu.memory_space<vmem>>, %arg14: memref<1x256xf32, #tpu.memory_space<vmem>>, %arg15: memref<1x256xf32, #tpu.memory_space<vmem>>) attributes {dimension_semantics = [#tpu.dimension_semantics<arbitrary>, #tpu.dimension_semantics<arbitrary>], iteration_bounds = array<i64: 2, 5>, scalar_prefetch = 0 : i64, scratch_operands = 3 : i64, tpu.core_type = #tpu.core_type<tc>, window_params = [{transform_indices = @transform_0, window_bounds = array<i64: 2, 2000, 128>}, {transform_indices = @transform_1, window_bounds = array<i64: 2, 2000, 128>}, {pipeline_mode = #tpu.pipeline_mode<synchronous>, transform_indices = @transform_2, window_bounds = array<i64: 256, 256>}, {pipeline_mode = #tpu.pipeline_mode<synchronous>, transform_indices = @transform_3, window_bounds = array<i64: 1, 256>}, {pipeline_mode = #tpu.pipeline_mode<synchronous>, transform_indices = @transform_4, window_bounds = array<i64: 256, 256>}, {pipeline_mode = #tpu.pipeline_mode<synchronous>, transform_indices = @transform_5, window_bounds = array<i64: 1, 256>}, {pipeline_mode = #tpu.pipeline_mode<synchronous>, transform_indices = @transform_6, window_bounds = array<i64: 1, 256>}, {pipeline_mode = #tpu.pipeline_mode<synchronous>, transform_indices = @transform_7, window_bounds = array<i64: 1, 256>}, {pipeline_mode = #tpu.pipeline_mode<synchronous>, transform_indices = @transform_8, window_bounds = array<i64: 256, 64>}, {pipeline_mode = #tpu.pipeline_mode<synchronous>, transform_indices = @transform_9, window_bounds = array<i64: 1, 64>}, {transform_indices = @transform_10, window_bounds = array<i64: 2000, 64>}]} {
    %eq3A = arith.constant 0 : i32
    %eq3A_0 = arith.cmpi eq, %arg0, %eq3A : i32
    %convert_element_type3A = arith.extui %eq3A_0 : i1 to i32
    %cond3A = arith.constant 0 : i32
    %cond3A_1 = arith.cmpi ne, %convert_element_type3A, %cond3A : i32
    scf.if %cond3A_1 {
      %get3A = arith.constant 0 : index
      %get3A_7 = arith.constant 0 : index
      %get3A_8 = arith.constant 0 : index
      %get3A_9 = vector.load %arg2[%get3A, %get3A_7, %get3A_8] : memref<2x2000x128xf32, #tpu.memory_space<vmem>>, vector<1x2000x128xf32>
      %get3A_10 = vector.shape_cast %get3A_9 : vector<1x2000x128xf32> to vector<2000x128xf32>
      %get3A_11 = arith.constant 0 : index
      %get3A_12 = arith.constant 0 : index
      %get3A_13 = arith.constant 0 : index
      %get3A_14 = vector.load %arg3[%get3A_11, %get3A_12, %get3A_13] : memref<2x2000x128xf32, #tpu.memory_space<vmem>>, vector<1x2000x128xf32>
      %get3A_15 = vector.shape_cast %get3A_14 : vector<1x2000x128xf32> to vector<2000x128xf32>
      %add3A = arith.addf %get3A_10, %get3A_15 : vector<2000x128xf32>
      %get3A_16 = arith.constant 1 : index
      %get3A_17 = arith.constant 0 : index
      %get3A_18 = arith.constant 0 : index
      %get3A_19 = vector.load %arg2[%get3A_16, %get3A_17, %get3A_18] : memref<2x2000x128xf32, #tpu.memory_space<vmem>>, vector<1x2000x128xf32>
      %get3A_20 = vector.shape_cast %get3A_19 : vector<1x2000x128xf32> to vector<2000x128xf32>
      %get3A_21 = arith.constant 1 : index
      %get3A_22 = arith.constant 0 : index
      %get3A_23 = arith.constant 0 : index
      %get3A_24 = vector.load %arg3[%get3A_21, %get3A_22, %get3A_23] : memref<2x2000x128xf32, #tpu.memory_space<vmem>>, vector<1x2000x128xf32>
      %get3A_25 = vector.shape_cast %get3A_24 : vector<1x2000x128xf32> to vector<2000x128xf32>
      %add3A_26 = arith.addf %get3A_20, %get3A_25 : vector<2000x128xf32>
      %concatenate3A = tpu.concatenate %add3A, %add3A_26 in 1 : vector<2000x128xf32>, vector<2000x128xf32> -> vector<2000x256xf32>
      %convert_element_type3A_27 = arith.truncf %concatenate3A : vector<2000x256xf32> to vector<2000x256xbf16>
      %get3A_28 = arith.constant 0 : index
      %get3A_29 = arith.constant 0 : index
      %get3A_30 = vector.load %arg4[%get3A_28, %get3A_29] : memref<256x256xf32, #tpu.memory_space<vmem>>, vector<256x256xf32>
      %convert_element_type3A_31 = arith.truncf %get3A_30 : vector<256x256xf32> to vector<256x256xbf16>
      %dot_general3A = arith.constant dense<0.000000e+00> : vector<2000x256xf32>
      %dot_general3A_32 = tpu.matmul %convert_element_type3A_27, %convert_element_type3A_31, %dot_general3A {dimension_numbers = #tpu.dot_dimension_numbers<[1], [0], [0], [1], [0, 0, 1, 1], [], []>, transpose_lhs_hint = false} : vector<2000x256xbf16>, vector<256x256xbf16>, vector<2000x256xf32> -> vector<2000x256xf32>
      %get3A_33 = arith.constant 0 : index
      %get3A_34 = arith.constant 0 : index
      %get3A_35 = vector.load %arg5[%get3A_33, %get3A_34] : memref<1x256xf32, #tpu.memory_space<vmem>>, vector<1x256xf32>
      %add3A_36 = vector.broadcast %get3A_35 : vector<1x256xf32> to vector<2000x256xf32>
      %add3A_37 = arith.addf %dot_general3A_32, %add3A_36 : vector<2000x256xf32>
      %max3A = arith.constant 0.000000e+00 : f32
      %max3A_38 = vector.broadcast %max3A : f32 to vector<2000x256xf32>
      %max3A_39 = arith.maximumf %add3A_37, %max3A_38 : vector<2000x256xf32>
      %convert_element_type3A_40 = arith.truncf %max3A_39 : vector<2000x256xf32> to vector<2000x256xbf16>
      %get3A_41 = arith.constant 0 : index
      %get3A_42 = arith.constant 0 : index
      %get3A_43 = vector.load %arg6[%get3A_41, %get3A_42] : memref<256x256xf32, #tpu.memory_space<vmem>>, vector<256x256xf32>
      %convert_element_type3A_44 = arith.truncf %get3A_43 : vector<256x256xf32> to vector<256x256xbf16>
      %dot_general3A_45 = arith.constant dense<0.000000e+00> : vector<2000x256xf32>
      %dot_general3A_46 = tpu.matmul %convert_element_type3A_40, %convert_element_type3A_44, %dot_general3A_45 {dimension_numbers = #tpu.dot_dimension_numbers<[1], [0], [0], [1], [0, 0, 1, 1], [], []>, transpose_lhs_hint = false} : vector<2000x256xbf16>, vector<256x256xbf16>, vector<2000x256xf32> -> vector<2000x256xf32>
      %get3A_47 = arith.constant 0 : index
      %get3A_48 = arith.constant 0 : index
      %get3A_49 = vector.load %arg7[%get3A_47, %get3A_48] : memref<1x256xf32, #tpu.memory_space<vmem>>, vector<1x256xf32>
      %add3A_50 = vector.broadcast %get3A_49 : vector<1x256xf32> to vector<2000x256xf32>
      %add3A_51 = arith.addf %dot_general3A_46, %add3A_50 : vector<2000x256xf32>
      %mul3A = arith.constant 2000 : i32
      %mul3A_52 = arith.muli %arg1, %mul3A : i32
      %swap3A = arith.index_cast %mul3A_52 : i32 to index
      %swap3A_53 = arith.constant 0 : index
      %swap3A_54 = vector.load %arg13[%swap3A, %swap3A_53] : memref<10000x256xf32, #tpu.memory_space<vmem>>, vector<2000x256xf32>
      tpu.vector_store %arg13[%swap3A, %swap3A_53], %add3A_51 {strides = array<i32>} : memref<10000x256xf32, #tpu.memory_space<vmem>>, vector<2000x256xf32>,
      %eq3A_55 = arith.constant 0 : i32
      %eq3A_56 = arith.cmpi eq, %arg1, %eq3A_55 : i32
      %convert_element_type3A_57 = arith.extui %eq3A_56 : i1 to i32
      %cond3A_58 = arith.constant 0 : i32
      %cond3A_59 = arith.cmpi ne, %convert_element_type3A_57, %cond3A_58 : i32
      scf.if %cond3A_59 {
        %broadcast_in_dim3A_79 = arith.constant 0.000000e+00 : f32
        %broadcast_in_dim3A_80 = vector.broadcast %broadcast_in_dim3A_79 : f32 to vector<1x256xf32>
        %swap3A_81 = arith.constant 0 : index
        %swap3A_82 = arith.constant 0 : index
        %swap3A_83 = vector.load %arg14[%swap3A_81, %swap3A_82] : memref<1x256xf32, #tpu.memory_space<vmem>>, vector<1x256xf32>
        tpu.vector_store %arg14[%swap3A_81, %swap3A_82], %broadcast_in_dim3A_80 {strides = array<i32>} : memref<1x256xf32, #tpu.memory_space<vmem>>, vector<1x256xf32>,
        %broadcast_in_dim3A_84 = arith.constant 0.000000e+00 : f32
        %broadcast_in_dim3A_85 = vector.broadcast %broadcast_in_dim3A_84 : f32 to vector<1x256xf32>
        %swap3A_86 = arith.constant 0 : index
        %swap3A_87 = arith.constant 0 : index
        %swap3A_88 = vector.load %arg15[%swap3A_86, %swap3A_87] : memref<1x256xf32, #tpu.memory_space<vmem>>, vector<1x256xf32>
        tpu.vector_store %arg15[%swap3A_86, %swap3A_87], %broadcast_in_dim3A_85 {strides = array<i32>} : memref<1x256xf32, #tpu.memory_space<vmem>>, vector<1x256xf32>,
      } else {
      }
      %get3A_60 = arith.constant 0 : index
      %get3A_61 = arith.constant 0 : index
      %get3A_62 = vector.load %arg14[%get3A_60, %get3A_61] : memref<1x256xf32, #tpu.memory_space<vmem>>, vector<1x256xf32>
      %reduce_sum3A = arith.constant dense<0.000000e+00> : vector<256xf32>
      %reduce_sum3A_63 = vector.multi_reduction <add>, %add3A_51, %reduce_sum3A [0] : vector<2000x256xf32> to vector<256xf32>
      %broadcast_in_dim3A = vector.shape_cast %reduce_sum3A_63 : vector<256xf32> to vector<1x256xf32>
      %add3A_64 = arith.addf %get3A_62, %broadcast_in_dim3A : vector<1x256xf32>
      %swap3A_65 = arith.constant 0 : index
      %swap3A_66 = arith.constant 0 : index
      %swap3A_67 = vector.load %arg14[%swap3A_65, %swap3A_66] : memref<1x256xf32, #tpu.memory_space<vmem>>, vector<1x256xf32>
      tpu.vector_store %arg14[%swap3A_65, %swap3A_66], %add3A_64 {strides = array<i32>} : memref<1x256xf32, #tpu.memory_space<vmem>>, vector<1x256xf32>,
      %get3A_68 = arith.constant 0 : index
      %get3A_69 = arith.constant 0 : index
      %get3A_70 = vector.load %arg15[%get3A_68, %get3A_69] : memref<1x256xf32, #tpu.memory_space<vmem>>, vector<1x256xf32>
      %mul3A_71 = arith.mulf %add3A_51, %add3A_51 : vector<2000x256xf32>
      %reduce_sum3A_72 = arith.constant dense<0.000000e+00> : vector<256xf32>
      %reduce_sum3A_73 = vector.multi_reduction <add>, %mul3A_71, %reduce_sum3A_72 [0] : vector<2000x256xf32> to vector<256xf32>
      %broadcast_in_dim3A_74 = vector.shape_cast %reduce_sum3A_73 : vector<256xf32> to vector<1x256xf32>
      %add3A_75 = arith.addf %get3A_70, %broadcast_in_dim3A_74 : vector<1x256xf32>
      %swap3A_76 = arith.constant 0 : index
      %swap3A_77 = arith.constant 0 : index
      %swap3A_78 = vector.load %arg15[%swap3A_76, %swap3A_77] : memref<1x256xf32, #tpu.memory_space<vmem>>, vector<1x256xf32>
      tpu.vector_store %arg15[%swap3A_76, %swap3A_77], %add3A_75 {strides = array<i32>} : memref<1x256xf32, #tpu.memory_space<vmem>>, vector<1x256xf32>,
    } else {
    }
    %eq3A_2 = arith.constant 1 : i32
    %eq3A_3 = arith.cmpi eq, %arg0, %eq3A_2 : i32
    %convert_element_type3A_4 = arith.extui %eq3A_3 : i1 to i32
    %cond3A_5 = arith.constant 0 : i32
    %cond3A_6 = arith.cmpi ne, %convert_element_type3A_4, %cond3A_5 : i32
    scf.if %cond3A_6 {
      %mul3A = arith.constant 2000 : i32
      %mul3A_7 = arith.muli %arg1, %mul3A : i32
      %get3A = arith.index_cast %mul3A_7 : i32 to index
      %get3A_8 = arith.constant 0 : index
      %get3A_9 = vector.load %arg13[%get3A, %get3A_8] : memref<10000x256xf32, #tpu.memory_space<vmem>>, vector<2000x256xf32>
      %get3A_10 = arith.constant 0 : index
      %get3A_11 = arith.constant 0 : index
      %get3A_12 = vector.load %arg14[%get3A_10, %get3A_11] : memref<1x256xf32, #tpu.memory_space<vmem>>, vector<1x256xf32>
      %mul3A_13 = arith.constant 9.99999974E-5 : f32
      %mul3A_14 = vector.broadcast %mul3A_13 : f32 to vector<1x256xf32>
      %mul3A_15 = arith.mulf %get3A_12, %mul3A_14 : vector<1x256xf32>
      %get3A_16 = arith.constant 0 : index
      %get3A_17 = arith.constant 0 : index
      %get3A_18 = vector.load %arg15[%get3A_16, %get3A_17] : memref<1x256xf32, #tpu.memory_space<vmem>>, vector<1x256xf32>
      %mul3A_19 = arith.constant 9.99999974E-5 : f32
      %mul3A_20 = vector.broadcast %mul3A_19 : f32 to vector<1x256xf32>
      %mul3A_21 = arith.mulf %get3A_18, %mul3A_20 : vector<1x256xf32>
      %mul3A_22 = arith.mulf %mul3A_15, %mul3A_15 : vector<1x256xf32>
      %sub3A = arith.subf %mul3A_21, %mul3A_22 : vector<1x256xf32>
      %add3A = arith.constant 9.99999974E-6 : f32
      %add3A_23 = vector.broadcast %add3A : f32 to vector<1x256xf32>
      %add3A_24 = arith.addf %sub3A, %add3A_23 : vector<1x256xf32>
      %rsqrt3A = math.rsqrt %add3A_24 : vector<1x256xf32>
      %sub3A_25 = vector.broadcast %mul3A_15 : vector<1x256xf32> to vector<2000x256xf32>
      %sub3A_26 = arith.subf %get3A_9, %sub3A_25 : vector<2000x256xf32>
      %get3A_27 = arith.constant 0 : index
      %get3A_28 = arith.constant 0 : index
      %get3A_29 = vector.load %arg8[%get3A_27, %get3A_28] : memref<1x256xf32, #tpu.memory_space<vmem>>, vector<1x256xf32>
      %mul3A_30 = arith.mulf %rsqrt3A, %get3A_29 : vector<1x256xf32>
      %mul3A_31 = vector.broadcast %mul3A_30 : vector<1x256xf32> to vector<2000x256xf32>
      %mul3A_32 = arith.mulf %sub3A_26, %mul3A_31 : vector<2000x256xf32>
      %get3A_33 = arith.constant 0 : index
      %get3A_34 = arith.constant 0 : index
      %get3A_35 = vector.load %arg9[%get3A_33, %get3A_34] : memref<1x256xf32, #tpu.memory_space<vmem>>, vector<1x256xf32>
      %add3A_36 = vector.broadcast %get3A_35 : vector<1x256xf32> to vector<2000x256xf32>
      %add3A_37 = arith.addf %mul3A_32, %add3A_36 : vector<2000x256xf32>
      %max3A = arith.constant 0.000000e+00 : f32
      %max3A_38 = vector.broadcast %max3A : f32 to vector<2000x256xf32>
      %max3A_39 = arith.maximumf %add3A_37, %max3A_38 : vector<2000x256xf32>
      %get3A_40 = arith.constant 0 : index
      %get3A_41 = arith.constant 0 : index
      %get3A_42 = vector.load %arg10[%get3A_40, %get3A_41] : memref<256x64xf32, #tpu.memory_space<vmem>>, vector<256x64xf32>
      %dot_general3A = arith.constant dense<0.000000e+00> : vector<2000x64xf32>
      %dot_general3A_43 = tpu.matmul %max3A_39, %get3A_42, %dot_general3A {dimension_numbers = #tpu.dot_dimension_numbers<[1], [0], [0], [1], [0, 0, 1, 1], [], []>, transpose_lhs_hint = false} : vector<2000x256xf32>, vector<256x64xf32>, vector<2000x64xf32> -> vector<2000x64xf32>
      %get3A_44 = arith.constant 0 : index
      %get3A_45 = arith.constant 0 : index
      %get3A_46 = vector.load %arg11[%get3A_44, %get3A_45] : memref<1x64xf32, #tpu.memory_space<vmem>>, vector<1x64xf32>
      %add3A_47 = vector.broadcast %get3A_46 : vector<1x64xf32> to vector<2000x64xf32>
      %add3A_48 = arith.addf %dot_general3A_43, %add3A_47 : vector<2000x64xf32>
      %reduce_max3A = arith.constant dense<0xFF800000> : vector<2000xf32>
      %reduce_max3A_49 = vector.multi_reduction <maximumf>, %add3A_48, %reduce_max3A [1] : vector<2000x64xf32> to vector<2000xf32>
      %broadcast_in_dim3A = vector.shape_cast %reduce_max3A_49 : vector<2000xf32> to vector<2000x1xf32>
      %sub3A_50 = vector.broadcast %broadcast_in_dim3A : vector<2000x1xf32> to vector<2000x64xf32>
      %sub3A_51 = arith.subf %add3A_48, %sub3A_50 : vector<2000x64xf32>
      %exp3A = math.exp %sub3A_51 : vector<2000x64xf32>
      %reduce_sum3A = arith.constant dense<0.000000e+00> : vector<2000xf32>
      %reduce_sum3A_52 = vector.multi_reduction <add>, %exp3A, %reduce_sum3A [1] : vector<2000x64xf32> to vector<2000xf32>
      %broadcast_in_dim3A_53 = vector.shape_cast %reduce_sum3A_52 : vector<2000xf32> to vector<2000x1xf32>
      %log3A = math.log %broadcast_in_dim3A_53 : vector<2000x1xf32>
      %sub3A_54 = vector.broadcast %broadcast_in_dim3A : vector<2000x1xf32> to vector<2000x64xf32>
      %sub3A_55 = arith.subf %add3A_48, %sub3A_54 : vector<2000x64xf32>
      %sub3A_56 = vector.broadcast %log3A : vector<2000x1xf32> to vector<2000x64xf32>
      %sub3A_57 = arith.subf %sub3A_55, %sub3A_56 : vector<2000x64xf32>
      %swap3A = arith.constant 0 : index
      %swap3A_58 = arith.constant 0 : index
      %swap3A_59 = vector.load %arg12[%swap3A, %swap3A_58] : memref<2000x64xf32, #tpu.memory_space<vmem>>, vector<2000x64xf32>
      tpu.vector_store %arg12[%swap3A, %swap3A_58], %sub3A_57 {strides = array<i32>} : memref<2000x64xf32, #tpu.memory_space<vmem>>, vector<2000x64xf32>,
    } else {
    }
    return
  }
  func.func @transform_0(%arg0: i32, %arg1: i32) -> (i32, i32, i32) {
    %sub3A = arith.constant 1 : i32
    %sub3A_0 = arith.subi %sub3A, %arg0 : i32
    %mul3A = arith.muli %arg1, %sub3A_0 : i32
    %c0_i32 = arith.constant 0 : i32
    %c0_i32_1 = arith.constant 0 : i32
    %c0_i32_2 = arith.constant 0 : i32
    return %c0_i32, %mul3A, %c0_i32_1 : i32, i32, i32
  }
  func.func @transform_1(%arg0: i32, %arg1: i32) -> (i32, i32, i32) {
    %sub3A = arith.constant 1 : i32
    %sub3A_0 = arith.subi %sub3A, %arg0 : i32
    %mul3A = arith.muli %arg1, %sub3A_0 : i32
    %c0_i32 = arith.constant 0 : i32
    %c0_i32_1 = arith.constant 0 : i32
    %c0_i32_2 = arith.constant 0 : i32
    return %c0_i32, %mul3A, %c0_i32_1 : i32, i32, i32
  }
  func.func @transform_2(%arg0: i32, %arg1: i32) -> (i32, i32) {
    %c0_i32 = arith.constant 0 : i32
    %c0_i32_0 = arith.constant 0 : i32
    %c0_i32_1 = arith.constant 0 : i32
    return %c0_i32, %c0_i32_0 : i32, i32
  }
  func.func @transform_3(%arg0: i32, %arg1: i32) -> (i32, i32) {
    %c0_i32 = arith.constant 0 : i32
    %c0_i32_0 = arith.constant 0 : i32
    %c0_i32_1 = arith.constant 0 : i32
    return %c0_i32, %c0_i32_0 : i32, i32
  }
  func.func @transform_4(%arg0: i32, %arg1: i32) -> (i32, i32) {
    %c0_i32 = arith.constant 0 : i32
    %c0_i32_0 = arith.constant 0 : i32
    %c0_i32_1 = arith.constant 0 : i32
    return %c0_i32, %c0_i32_0 : i32, i32
  }
  func.func @transform_5(%arg0: i32, %arg1: i32) -> (i32, i32) {
    %c0_i32 = arith.constant 0 : i32
    %c0_i32_0 = arith.constant 0 : i32
    %c0_i32_1 = arith.constant 0 : i32
    return %c0_i32, %c0_i32_0 : i32, i32
  }
  func.func @transform_6(%arg0: i32, %arg1: i32) -> (i32, i32) {
    %c0_i32 = arith.constant 0 : i32
    %c0_i32_0 = arith.constant 0 : i32
    %c0_i32_1 = arith.constant 0 : i32
    return %c0_i32, %c0_i32_0 : i32, i32
  }
  func.func @transform_7(%arg0: i32, %arg1: i32) -> (i32, i32) {
    %c0_i32 = arith.constant 0 : i32
    %c0_i32_0 = arith.constant 0 : i32
    %c0_i32_1 = arith.constant 0 : i32
    return %c0_i32, %c0_i32_0 : i32, i32
  }
  func.func @transform_8(%arg0: i32, %arg1: i32) -> (i32, i32) {
    %c0_i32 = arith.constant 0 : i32
    %c0_i32_0 = arith.constant 0 : i32
    %c0_i32_1 = arith.constant 0 : i32
    return %c0_i32, %c0_i32_0 : i32, i32
  }
  func.func @transform_9(%arg0: i32, %arg1: i32) -> (i32, i32) {
    %c0_i32 = arith.constant 0 : i32
    %c0_i32_0 = arith.constant 0 : i32
    %c0_i32_1 = arith.constant 0 : i32
    return %c0_i32, %c0_i32_0 : i32, i32
  }
  func.func @transform_10(%arg0: i32, %arg1: i32) -> (i32, i32) {
    %mul3A = arith.muli %arg1, %arg0 : i32
    %c0_i32 = arith.constant 0 : i32
    %c0_i32_0 = arith.constant 0 : i32
    return %mul3A, %c0_i32 : i32, i32
  }
}

</mosaic_0001>

<sc_bundles>
// kernel: kernel.6.cloned.1.call-start
scs
__scs_entry_jumppad:
0x0: {  	(pc) =	sbr.rel $0x88, $3  }
0x1: {  	(tag) =	ssettag $0x0;
	lr =	simm.s32 $0x1  }
0x2: {  	[smem:$0x3F91] =	sst lr;
	_ =	strace $0xD0000000  }
0x3: {  	_ = 	snop  }
0x4: {  	_ = 	snop  }
0x5: {  	_ = 	snop  }
0x6: {  	_ = 	snop  }
0x7: {  	_ = 	snop  }
__scs_overlays_trampoline_lowered:
0x8: {  	[smem:$0x3FA0] =	sst s0  }
0x9: {  	[smem:$0x3FA1] =	sst s1  }
0xa: {  	[smem:$0x3FA2] =	sst s2  }
0xb: {  	[smem:$0x3FA3] =	sst s3  }
0xc: {  	[smem:$0x3FA4] =	sst s4  }
0xd: {  	[smem:$0x3FA5] =	sst s5  }
0xe: {  	[smem:$0x3FA6] =	sst s6  }
0xf: {  	[smem:$0x3FA7] =	sst s7  }
0x10: {  	[smem:$0x3FA8] =	sst s8  }
0x11: {  	[smem:$0x3FA9] =	sst s9;
	s0 =	simm.s32 @!p0 $0x0  }
0x12: {  	s1 =	sld [smem:$0x3F8F];
	s0 =	simm.s32 @p0 $0x1  }
0x13: {  	[smem:$0x3FAA] =	sst s0;
	s0 =	simm.s32 @!p1 $0x0  }
0x14: {  	s2 =	sld [smem:$0x3F8E];
	s0 =	simm.s32 @p1 $0x1  }
0x15: {  	[smem:$0x3FAB] =	sst s0;
	s0 =	simm.s32 @!p2 $0x0  }
0x16: {  	s3 =	sld [smem:$0x3FDB];
	s0 =	simm.s32 @p2 $0x1  }
0x17: {  	s4 =	simm.s32 $0x1BF5;
	[smem:$0x3FAD] =	sst s0  }
0x18: {  	s0 =	sld [smem:$0x3F90];
	_ =	swait.ge [sflag:s4], $0x0  }
0x19: {  	s7 =	sld [smem:$0x3F91]  }
0x1a: {  	s8 =	sadd.s32 $0xFFFFE003, lr  }
0x1b: {  	s9 =	sadd.s32 $0xFFFFFEF7, lr;
	s5 =	simm.s32 $0xFFFFFFFF;
	p2 =	slt.u32 s8, $0xFFFFF086  }
0x1c: {  	p1 =	slt.u32 s9, $0xF7A;
	s5 =	simm.s32 @!p2 $0x0  }
0x1d: {  	s5 =	simm.s32 @p1 $0x1;
	p0 =	seq.s32 s7, s2  }
0x1e: {  	s7 =	smul.u32 @!p0 $0xF7A, s2;
	p2 =	seq.s32 @!p0 s5, $0x0  }
0x1f: {  	s9 =	smul.u32 $0xF7A, s1;
	s8 =	simm.s32 @!p0 $0x1BF5;
	p2 =	por !p2, p0  }
0x20: {  	[sflag:s8] =	ssyncset.s32 @!p0 $0xFFFFF086;
	s6 =	sadd.s32 @!p0 s3, s7;
	s7 =	simm.s32 @!p0 $0x108  }
0x21: {  	s3 =	sadd.s32 s3, s9;
	s6 =	sadd.s32 @!p0 $0x88, s6;
	s7 =	simm.s32 @p2 $0x1082  }
0x22: {  	[simem:s7], [sflag:s8] =	dma.local @!p0 [hbm:s6], $0xF7A  }
0x23: {  	s9 =	sor.u32 $0xD0000000, s2;
	s6 =	simm.s32 $0x108;
	_ =	swait.ge @!p0 [sflag:s8], $0x0  }
0x24: {  	s3 =	sadd.s32 $0x88, s3;
	s6 =	simm.s32 @!p1 $0x1082;
	[sflag:s4] =	ssyncset.s32 $0xFFFFF086  }
0x25: {  	[simem:s6], [sflag:s4] =	dma.local [hbm:s3], $0xF7A  }
0x26: {  	[smem:$0x3F91] =	sst s1;
	(tag) =	ssettag s2;
	_ =	strace s9  }
0x27: {  	s1 =	sld [smem:$0x3FA1]  }
0x28: {  	s2 =	sld [smem:$0x3FA2]  }
0x29: {  	s4 =	sld [smem:$0x3FA4]  }
0x2a: {  	p0 =	seq.s32 s5, $0x0;
	s5 =	sld [smem:$0x3FA5]  }
0x2b: {  	s6 =	sld [smem:$0x3FA6]  }
0x2c: {  	s7 =	sld [smem:$0x3FA7]  }
0x2d: {  	s3 =	simm.s32 $0x108;
	s8 =	sld [smem:$0x3FA8]  }
0x2e: {  	s3 =	simm.s32 @!p0 $0x1082;
	s9 =	sld [smem:$0x3FA9]  }
0x2f: {  	lr =	sadd.s32 s0, s3;
	s0 =	sld [smem:$0x3FA0]  }
0x30: {  	s3 =	sld [smem:$0x3FA3]  }
0x31: {  	[smem:$0x3FAC] =	sst s10  }
0x32: {  	s10 =	sld [smem:$0x3FAA];
	_ =	sdelay $0x3  }
0x33: {  	p0 =	seq.s32 s10, $0x1;
	s10 =	sld [smem:$0x3FAC];
	_ =	sdelay $0x3  }
0x34: {  	[smem:$0x3FAC] =	sst s10  }
0x35: {  	s10 =	sld [smem:$0x3FAB];
	_ =	sdelay $0x3  }
0x36: {  	p1 =	seq.s32 s10, $0x1;
	s10 =	sld [smem:$0x3FAC];
	_ =	sdelay $0x3  }
0x37: {  	[smem:$0x3FAC] =	sst s10  }
0x38: {  	s10 =	sld [smem:$0x3FAD]  }
0x39: {  	_ = 	snop;
	(pc) =	sbr.ind lr, $3  }
0x3a: {  	_ = 	snop  }
0x3b: {  	_ = 	snop  }
0x3c: {  	p2 =	seq.s32 s10, $0x1;
	s10 =	sld [smem:$0x3FAC]  }
0x3d: {  	_ =	shalt  }
0x3e: {  	_ =	shalt  }
0x3f: {  	_ =	shalt  }
0x40: {  	_ =	shalt  }
0x41: {  	_ =	shalt  }
0x42: {  	_ =	shalt  }
0x43: {  	_ =	shalt  }
0x44: {  	_ =	shalt  }
0x45: {  	_ =	shalt  }
0x46: {  	_ =	shalt  }
0x47: {  	_ =	shalt  }
0x48: {  	_ =	shalt  }
0x49: {  	_ =	shalt  }
0x4a: {  	_ =	shalt  }
0x4b: {  	_ =	shalt  }
0x4c: {  	_ =	shalt  }
0x4d: {  	_ =	shalt  }
0x4e: {  	_ =	shalt  }
0x4f: {  	_ =	shalt  }
0x50: {  	_ =	shalt  }
0x51: {  	_ =	shalt  }
0x52: {  	_ =	shalt  }
0x53: {  	_ =	shalt  }
0x54: {  	_ =	shalt  }
0x55: {  	_ =	shalt  }
0x56: {  	_ =	shalt  }
0x57: {  	_ =	shalt  }
0x58: {  	_ =	shalt  }
0x59: {  	_ =	shalt  }
0x5a: {  	_ =	shalt  }
0x5b: {  	_ =	shalt  }
0x5c: {  	_ =	shalt  }
0x5d: {  	_ =	shalt  }
0x5e: {  	_ =	shalt  }
0x5f: {  	_ =	shalt  }
0x60: {  	_ =	shalt  }
0x61: {  	_ =	shalt  }
0x62: {  	_ =	shalt  }
0x63: {  	_ =	shalt  }
0x64: {  	_ =	shalt  }
0x65: {  	_ =	shalt  }
0x66: {  	_ =	shalt  }
0x67: {  	_ =	shalt  }
0x68: {  	_ =	shalt  }
0x69: {  	_ =	shalt  }
0x6a: {  	_ =	shalt  }
0x6b: {  	_ =	shalt  }
0x6c: {  	_ =	shalt  }
0x6d: {  	_ =	shalt  }
0x6e: {  	_ =	shalt  }
0x6f: {  	_ =	shalt  }
0x70: {  	_ =	shalt  }
0x71: {  	_ =	shalt  }
0x72: {  	_ =	shalt  }
0x73: {  	_ =	shalt  }
0x74: {  	_ =	shalt  }
0x75: {  	_ =	shalt  }
0x76: {  	_ =	shalt  }
0x77: {  	_ =	shalt  }
0x78: {  	_ =	shalt  }
0x79: {  	_ =	shalt  }
0x7a: {  	_ =	shalt  }
0x7b: {  	_ =	shalt  }
0x7c: {  	_ =	shalt  }
0x7d: {  	_ =	shalt  }
0x7e: {  	_ =	shalt  }
0x7f: {  	_ =	shalt  }
0x80: {  	_ =	shalt  }
0x81: {  	_ =	shalt  }
0x82: {  	_ =	shalt  }
0x83: {  	_ =	shalt  }
0x84: {  	_ =	shalt  }
0x85: {  	_ =	shalt  }
0x86: {  	_ =	shalt  }
0x87: {  	_ =	shalt  }
.Lfunc_end0:
.L_simem_size_0:
called_computation_lowered:
.L_overlay_start_0:
0x88: {  	s2 =	sld [smem:$0x3FD9]  }
0x89: {  	s3 =	sld [smem:$0x3FFE];
	_ =	sdelay $0x1  }
0x8a: {  	s1 =	srdreg.scid  }
0x8b: {  	s0 =	sand.u32 $0x1, s1  }
0x8c: {  	s17 =	sshll.u32 s0, $0xA;
	s2 =	sadd.s32 s3, s2  }
0x8d: {  	s2 =	sadd.s32 s2, s17  }
0x8e: {  	[smem:$0x3FB8] =	sst s2  }
0x8f: {  	_ = 	snop  }
0x90: {  	s2 =	sld [smem:$0x3FC9];
	(tm) =	ssettm $0x1  }
0x91: {  	s18 =	sld [smem:$0x3FFB];
	_ =	sdelay $0x3  }
0x92: {  	_ =	strace s18  }
0x93: {  	s3 =	sld [smem:$0x3FFC];
	_ =	sdelay $0x3  }
0x94: {  	_ =	strace s3  }
0x95: {  	s3 =	sld [smem:$0x3FFD];
	_ =	sdelay $0x3  }
0x96: {  	_ =	strace s3  }
0x97: {  	_ =	strace $0x8FFFFFFF  }
0x98: {  	s19 =	sld [smem:$0x3FDB];
	_ =	sdelay $0x1  }
0x99: {  	s4 =	simm.s32 $_scs_section_size  }
0x9a: {  	s5 =	simm.s32 $_size__tile_overlayer_lowered;
	s6 =	simm.s32 $_tile_overlayer_lowered  }
0x9b: {  	s22 =	simm.s32 $0x1BFF;
	s21 =	sshll.u32 s6, $0x1;
	s3 =	sadd.s32 s4, s19  }
0x9c: {  	s7 =	simm.s32 $0x0;
	s20 =	sshll.u32 s5, $0x1;
	s5 =	sadd.s32 s21, s3  }
0x9d: {  	[timem:s7], [sflag:s22] =	dma.local [hbm:s5], s20  }
0x9e: {  	_ =	swait.ge [sflag:s22], s20  }
0x9f: {  	s4 =	ssub.s32 $0x0, s20;
	[sflag:s22] =	ssyncset.done $0x0  }
0xa0: {  	[sflag:s22] =	ssyncadd.s32 s4;
	_ =	sdelay $0x1  }
0xa1: {  	s23 =	simm.s32 $0x1B8B  }
0xa2: {  	_ =	swait.ge [sflag:s23], $0x1  }
0xa3: {  	[sflag:s23] =	ssyncset.done $0x0  }
0xa4: {  	s25 =	simm.s32 $0x1B8E;
	s24 =	sld [smem:$0x3FFE];
	[sflag:s23] =	ssyncadd.s32 $0xFFFFFFFF  }
0xa5: {  	s26 =	simm.s32 $execute0_lowered;
	[smem:$0x3FD2] =	sst s25  }
0xa6: {  	s5 =	sshll.u32 s26, $0x1;
	_ =	strace $0x80000046;
	[dreg:$0x1] =	wrdreg $0xFFFFFFFF  }
0xa7: {  	s28 =	simm.s32 $_size_execute0_lowered;
	s3 =	sadd.s32 s3, s5;
	[dreg:$0x0] =	wrdreg $0x0  }
0xa8: {  	s5 =	sshll.u32 s28, $0x1;
	[dreg:$0x2] =	wrdreg s3  }
0xa9: {  	[dreg:$0x3] =	wrdreg s5  }
0xaa: {  	[dreg:$0x4] =	wrdreg $0xC0  }
0xab: {  	_ =	task [dreg:s7], $0x5FFFF  }
0xac: {  	[dreg:$0x1] =	wrdreg $0xFFFFFFFF  }
0xad: {  	[dreg:$0x0] =	wrdreg $0x60  }
0xae: {  	[dreg:$0x2] =	wrdreg s24  }
0xaf: {  	[dreg:$0x3] =	wrdreg s2  }
0xb0: {  	[dreg:$0x4] =	wrdreg $0xA8000  }
0xb1: {  	[dreg:$0x5] =	wrdreg $0x9  }
0xb2: {  	_ =	task.clear_ibuf [dreg:s7], $0x6FFFF;
	_ =	strace $0x90000046  }
0xb3: {  	s29 =	simm.s32 $0x9;
	_ =	strace $0x80000048  }
0xb4: {  	_ =	swait.ge [sflag:s29], $0x1  }
0xb5: {  	[sflag:s29] =	ssyncadd.s32 $0xFFFFFFFF  }
0xb6: {  	_ =	strace $0x90000048  }
0xb7: {  	_ =	sfence  }
0xb8: {  	s30 =	sld [smem:$0x0];
	_ =	sdelay $0x2  }
0xb9: {  	s31 =	sshll.u32 s1, $0xD;
	s1 =	sshrl.u32 s1, $0x2  }
0xba: {  	s3 =	sand.u32 $0x4000, s31;
	s1 =	sadd.s32 s1, s30  }
0xbb: {  	s0 =	sor.u32 s3, s0;
	s1 =	sshll.u32 s1, $0x11  }
0xbc: {  	s0 =	sor.u32 s1, s0  }
0xbd: {  	s0 =	sadd.s32 $0x8F2B, s0  }
0xbe: {  	[sflag:s0] =	ssyncadd.remote.s32 $0x1  }
0xbf: {  	_ =	sfence.sel $0xFFFF  }
0xc0: {  	[dreg:$0x0] =	wrdreg $0xFFFFFFFF;
	(pc) =	sbr.abs _section_cstart, $3  }
0xc1: {  	[dreg:$0x1] =	wrdreg $0xFFFFFFFF  }
0xc2: {  	_ =	task.clear_ibuf [dreg:s7], $0x2FFFF;
	_ =	strace $0x9FFFFFFF  }
0xc3: {  	(tm) =	ssettm $0x7FFFFFFF  }
tec
execute0_lowered:
.L_overlay_start_1:
0x0: {  	(tag) =	ssettag $0x1  }
0x1: {  	s0 =	rddreg [dreg:$0x0]  }
0x2: {  	s3 =	rddreg [dreg:$0x1]  }
0x3: {  	s1 =	rddreg [dreg:$0x2];
	s9 =	stileid.u32  }
0x4: {  	s20 =	simm.s32 $0x0;
	s2 =	srdreg.scid;
	s17 =	smul.u32 $0x2800, s9  }
0x5: {  	s5 =	sand.u32 $0x1, s2;
	s6 =	sshll.u32 s9, $0x1;
	s24 =	smul.u32 $0x50000, s9  }
0x6: {  	[smem:$0x7FF] =	sst s20;
	s13 =	sadd.s32 $0x3400, s0;
	s9 =	smul.u32 $0x4E20, s9  }
0x7: {  	s4 =	sadd.s32 $0xD200, s0;
	s7 =	smul.u32 $0x28000, s5;
	s6 =	sor.u32 s5, s6  }
0x8: {  	_ =	strace $0x80000047;
	[dreg:$0x13] =	wrdreg s4;
	s18 =	ssub.s32 $0x2, s5  }
0x9: {  	s5 =	smul.u32 $0x2710, s5;
	[dreg:$0x12] =	wrdreg s13;
	s31 =	sshrl.u32 s24, $0x2  }
0xa: {  	s6 =	smul.u32 $0x2710, s6;
	s19 =	sshrl.u32 s18, $0x1;
	s12 =	sadd.s32 s31, s1  }
0xb: {  	s2 =	sadd.s32 s17, s7;
	s11 =	sadd.s32 $0x2800, s12;
	[dreg:$0x1e] =	wrdreg s12  }
0xc: {  	s6 =	sshrl.u32 s6, $0x3;
	s15 =	sadd.s32 $0x5000, s12;
	[smem:$0x7F4] =	sst s11  }
0xd: {  	s5 =	sadd.s32 s5, s9;
	s21 =	sadd.s32 s13, s6;
	[smem:$0x7F5] =	sst s15  }
0xe: {  	s0 =	sadd.s32 s2, s0;
	s8 =	sadd.s32 s4, s6;
	[dreg:$0x15] =	wrdreg s21  }
0xf: {  	s22 =	sadd.s32 $0xA, s6;
	s0 =	sadd.s32 $0x17000, s0;
	[dreg:$0x16] =	wrdreg s8  }
0x10: {  	s2 =	ssub.s32 s18, s19;
	s23 =	sadd.s32 s13, s22;
	[smem:$0x7F9] =	sst s0  }
0x11: {  	s25 =	sadd.s32 $0x14, s6;
	s7 =	sadd.s32 s4, s22;
	[dreg:$0x17] =	wrdreg s23  }
0x12: {  	s26 =	sadd.s32 $0x1E, s6;
	s10 =	sadd.s32 s13, s25;
	[dreg:$0x18] =	wrdreg s7  }
0x13: {  	s17 =	sadd.s32 $0x320, s5;
	s29 =	sadd.s32 s13, s26;
	[dreg:$0x19] =	wrdreg s10  }
0x14: {  	s6 =	sadd.s32 $0x28, s6;
	s30 =	sadd.s32 s4, s26;
	[dreg:$0x1b] =	wrdreg s29  }
0x15: {  	s31 =	sadd.s32 $0x230, s5;
	s9 =	sadd.s32 s13, s6;
	[dreg:$0x1c] =	wrdreg s30  }
0x16: {  	s18 =	sshrl.u32 s17, $0x3;
	s6 =	sadd.s32 s4, s6;
	[dreg:$0x1d] =	wrdreg s9  }
0x17: {  	s11 =	sadd.s32 $0x1E0, s5;
	s19 =	sadd.s32 s18, s4;
	[dreg:$0x1f] =	wrdreg s6  }
0x18: {  	s21 =	sadd.s32 $0x370, s5;
	s22 =	sadd.s32 s18, s13;
	[dreg:$0x6] =	wrdreg s19  }
0x19: {  	s15 =	sshrl.u32 s11, $0x3;
	s7 =	sadd.s32 s4, s25;
	[dreg:$0x7] =	wrdreg s22  }
0x1a: {  	s23 =	sshrl.u32 s21, $0x3;
	s21 =	sadd.s32 $0x7800, s12;
	[dreg:$0x1a] =	wrdreg s7  }
0x1b: {  	s17 =	sadd.s32 $0x190, s5;
	s18 =	sadd.s32 s15, s13;
	[smem:$0x7F6] =	sst s21  }
0x1c: {  	s9 =	sshrl.u32 s31, $0x3;
	s31 =	sadd.s32 $0x11800, s12;
	[dreg:$0xf] =	wrdreg s18  }
0x1d: {  	s10 =	sadd.s32 $0x2D0, s5;
	s24 =	sadd.s32 s23, s4;
	[smem:$0x7FD] =	sst s31  }
0x1e: {  	s19 =	sshrl.u32 s17, $0x3;
	s26 =	sadd.s32 s23, s13;
	[dreg:$0x8] =	wrdreg s24  }
0x1f: {  	s14 =	sshrl.u32 s10, $0x3;
	s10 =	sadd.s32 s9, s4;
	[dreg:$0x9] =	wrdreg s26  }
0x20: {  	s28 =	simm.s32 $0x11;
	s22 =	sadd.s32 s19, s4;
	[dreg:$0xc] =	wrdreg s10  }
0x21: {  	s25 =	sadd.s32 $0x3C0, s5;
	s23 =	sadd.s32 $0xA000, s12;
	[dreg:$0x10] =	wrdreg s22  }
0x22: {  	s29 =	sshrl.u32 s25, $0x3;
	s25 =	sadd.s32 $0xC800, s12;
	[smem:$0x7F7] =	sst s23  }
0x23: {  	s8 =	simm.s32 $0x400;
	s16 =	sadd.s32 s14, s4;
	[smem:$0x7F8] =	sst s25  }
0x24: {  	s0 =	simm.s32 $0x200;
	s6 =	sadd.s32 s14, s13;
	[dreg:$0x4] =	wrdreg s16  }
0x25: {  	s11 =	simm.s32 $0x0;
	s30 =	sadd.s32 s29, s4;
	[dreg:$0x5] =	wrdreg s6  }
0x26: {  	s17 =	simm.s32 $0x580;
	s7 =	sadd.s32 s29, s13;
	[dreg:$0xa] =	wrdreg s30  }
0x27: {  	s18 =	simm.s32 $0x500;
	s14 =	sadd.s32 s9, s13;
	[dreg:$0xb] =	wrdreg s7  }
0x28: {  	s21 =	simm.s32 $0x600;
	s24 =	sadd.s32 s19, s13;
	[dreg:$0xd] =	wrdreg s14  }
0x29: {  	s26 =	smax.u32 s2, $0x1;
	s29 =	sadd.s32 $0x280, s5;
	[dreg:$0x11] =	wrdreg s24  }
0x2a: {  	s19 =	simm.s32 $0x80;
	s10 =	simm.s32 $0x100;
	[smem:$0x7FA] =	sst s26  }
0x2b: {  	s23 =	simm.s32 $0x180;
	s16 =	sadd.s32 s15, s4;
	[smem:$0x7FB] =	sst s29  }
0x2c: {  	s13 =	simm.s32 $0x9;
	s30 =	sadd.s32 $0xF000, s12;
	[dreg:$0xe] =	wrdreg s16  }
0x2d: {  	v0 =	vimm.f32 $0.0e+00;
	s4 =	simm.s32 $0x480;
	s14 =	simm.s32 $0x50;
	[smem:$0x7FC] =	sst s30  }
.LBB2_1:
0x2e: {  	[smem:$0x7F3] =	sst s11  }
0x2f: {  	s5 =	rddreg [dreg:$0x15]  }
0x30: {  	s15 =	rddreg [dreg:$0x16]  }
0x31: {  	[tilespmem:s20], [sflag:$0x1] =	stream.linear.gather [hbm4b:s5+s20], $0x50, $0x38;
	[tilespmem:$0x1E800] =	vst v63  }
0x32: {  	s16 =	rddreg [dreg:$0x17]  }
0x33: {  	[tilespmem:s8], [sflag:$0x1] =	stream.linear.gather [hbm4b:s15+s20], $0x50, $0x38;
	[tilespmem:$0x1E800] =	vst v63  }
0x34: {  	s22 =	rddreg [dreg:$0x18]  }
0x35: {  	[tilespmem:s19], [sflag:$0x2] =	stream.linear.gather [hbm4b:s16+s20], $0x50, $0x38;
	[tilespmem:$0x1E800] =	vst v63  }
0x36: {  	s24 =	rddreg [dreg:$0x19]  }
0x37: {  	[tilespmem:s4], [sflag:$0x2] =	stream.linear.gather [hbm4b:s22+s20], $0x50, $0x38;
	[tilespmem:$0x1E800] =	vst v63  }
0x38: {  	s25 =	rddreg [dreg:$0x1a]  }
0x39: {  	[tilespmem:s10], [sflag:$0x3] =	stream.linear.gather [hbm4b:s24+s20], $0x50, $0x38;
	[tilespmem:$0x1E800] =	vst v63  }
0x3a: {  	s26 =	rddreg [dreg:$0x1b]  }
0x3b: {  	[tilespmem:s18], [sflag:$0x3] =	stream.linear.gather [hbm4b:s25+s20], $0x50, $0x38;
	[tilespmem:$0x1E800] =	vst v63  }
0x3c: {  	s29 =	rddreg [dreg:$0x1c]  }
0x3d: {  	[tilespmem:s23], [sflag:$0x4] =	stream.linear.gather [hbm4b:s26+s20], $0x50, $0x38;
	[tilespmem:$0x1E800] =	vst v63  }
0x3e: {  	s30 =	rddreg [dreg:$0x1d]  }
0x3f: {  	[tilespmem:s17], [sflag:$0x4] =	stream.linear.gather [hbm4b:s29+s20], $0x50, $0x38;
	[tilespmem:$0x1E800] =	vst v63  }
0x40: {  	s31 =	rddreg [dreg:$0x1f];
	s11 =	simm.s32 $0x580  }
0x41: {  	[tilespmem:s0], [sflag:$0x5] =	stream.linear.gather [hbm4b:s30+s20], $0x50, $0x38;
	[tilespmem:$0x1E800] =	vst v63  }
0x42: {  	s10 =	simm.s32 $0x0;
	s18 =	simm.s32 $0x200;
	s17 =	simm.s32 $0x200  }
0x43: {  	[tilespmem:s21], [sflag:$0x5] =	stream.linear.gather [hbm4b:s31+s20], $0x50, $0x38;
	[tilespmem:$0x1E800] =	vst v63  }
.LBB2_2:
0x44: {  	p0 =	sne.s32 s18, $0x9E00;
	[tilespmem:s10+$0x870] =	vst v0  }
0x45: {  	[tilespmem:s10+$0x800] =	vst v0  }
0x46: {  	[tilespmem:s10+$0x810] =	vst v0  }
.Ltmp0:
0x47: {  	[tilespmem:s10+$0x820] =	vst v0;
	(pc) =	sbr.rel @p0 .LBB2_2-.Ltmp0, $4  }
0x48: {  	[tilespmem:s10+$0x830] =	vst v0  }
0x49: {  	[tilespmem:s10+$0x840] =	vst v0  }
0x4a: {  	[tilespmem:s10+$0x850] =	vst v0  }
0x4b: {  	[tilespmem:s10+$0x860] =	vst v0;
	s10 =	sshra.s32 s18, $0x2;
	s18 =	sadd.s32 $0x200, s18  }
0x4c: {  	[tilespmem:s10+$0x870] =	vst v0  }
0x4d: {  	[tilespmem:s10+$0x800] =	vst v0  }
0x4e: {  	[tilespmem:s10+$0x810] =	vst v0  }
0x4f: {  	[tilespmem:s10+$0x820] =	vst v0  }
0x50: {  	[tilespmem:s10+$0x830] =	vst v0  }
0x51: {  	[tilespmem:s10+$0x840] =	vst v0  }
0x52: {  	[tilespmem:s10+$0x850] =	vst v0  }
0x53: {  	[tilespmem:s10+$0x860] =	vst v0;
	s31 =	simm.s32 $0x800  }
0x54: {  	[spmem:s12] =	stream.linear.scatter [tilespmem:s31], [sflag:$0x11], $0x2800, $0x38;
	[tilespmem:$0x1E800] =	vst v63  }
0x55: {  	_ =	swait.ge [sflag:s28], $0x2800  }
0x56: {  	s5 =	sld [smem:$0x7F4]  }
0x57: {  	[sflag:s28] =	ssyncset.done $0x0  }
0x58: {  	[sflag:s28] =	ssyncadd.s32 $0xFFFFD800  }
0x59: {  	[spmem:s5] =	stream.linear.scatter [tilespmem:s31], [sflag:$0x11], $0x2800, $0x38;
	[tilespmem:$0x1E800] =	vst v63  }
0x5a: {  	_ =	swait.ge [sflag:s28], $0x2800  }
0x5b: {  	s23 =	sld [smem:$0x7F5]  }
0x5c: {  	[sflag:s28] =	ssyncset.done $0x0  }
0x5d: {  	[sflag:s28] =	ssyncadd.s32 $0xFFFFD800  }
0x5e: {  	[spmem:s23] =	stream.linear.scatter [tilespmem:s31], [sflag:$0x11], $0x2800, $0x38;
	[tilespmem:$0x1E800] =	vst v63  }
0x5f: {  	_ =	swait.ge [sflag:s28], $0x2800  }
0x60: {  	s24 =	sld [smem:$0x7F6]  }
0x61: {  	[sflag:s28] =	ssyncset.done $0x0  }
0x62: {  	[sflag:s28] =	ssyncadd.s32 $0xFFFFD800  }
0x63: {  	[spmem:s24] =	stream.linear.scatter [tilespmem:s31], [sflag:$0x11], $0x2800, $0x38;
	[tilespmem:$0x1E800] =	vst v63  }
0x64: {  	_ =	swait.ge [sflag:s28], $0x2800  }
0x65: {  	s25 =	sld [smem:$0x7F7]  }
0x66: {  	[sflag:s28] =	ssyncset.done $0x0  }
0x67: {  	[sflag:s28] =	ssyncadd.s32 $0xFFFFD800  }
0x68: {  	[spmem:s25] =	stream.linear.scatter [tilespmem:s31], [sflag:$0x11], $0x2800, $0x38;
	[tilespmem:$0x1E800] =	vst v63  }
0x69: {  	_ =	swait.ge [sflag:s28], $0x2800  }
0x6a: {  	s26 =	sld [smem:$0x7F8]  }
0x6b: {  	[sflag:s28] =	ssyncset.done $0x0  }
0x6c: {  	[sflag:s28] =	ssyncadd.s32 $0xFFFFD800  }
0x6d: {  	[spmem:s26] =	stream.linear.scatter [tilespmem:s31], [sflag:$0x11], $0x2800, $0x38;
	[tilespmem:$0x1E800] =	vst v63  }
0x6e: {  	_ =	swait.ge [sflag:s28], $0x2800  }
0x6f: {  	s29 =	sld [smem:$0x7FC]  }
0x70: {  	[sflag:s28] =	ssyncset.done $0x0  }
0x71: {  	[sflag:s28] =	ssyncadd.s32 $0xFFFFD800  }
0x72: {  	[spmem:s29] =	stream.linear.scatter [tilespmem:s31], [sflag:$0x11], $0x2800, $0x38;
	[tilespmem:$0x1E800] =	vst v63  }
0x73: {  	_ =	swait.ge [sflag:s28], $0x2800  }
0x74: {  	s30 =	sld [smem:$0x7FD]  }
0x75: {  	[sflag:s28] =	ssyncset.done $0x0  }
0x76: {  	[sflag:s28] =	ssyncadd.s32 $0xFFFFD800  }
0x77: {  	[spmem:s30] =	stream.linear.scatter [tilespmem:s31], [sflag:$0x11], $0x2800, $0x38;
	[tilespmem:$0x1E800] =	vst v63  }
0x78: {  	_ =	swait.ge [sflag:s28], $0x2800  }
0x79: {  	[sflag:s28] =	ssyncset.done $0x0  }
0x7a: {  	s15 =	simm.s32 $0x1;
	[sflag:s28] =	ssyncadd.s32 $0xFFFFD800  }
0x7b: {  	_ =	swait.ge [sflag:s15], $0x50  }
0x7c: {  	[sflag:s15] =	ssyncset.done $0x0  }
0x7d: {  	[sflag:s15] =	ssyncadd.s32 $0xFFFFFFB0  }
0x7e: {  	_ =	swait.ge [sflag:s15], $0x50  }
0x7f: {  	[sflag:s15] =	ssyncset.done $0x0  }
0x80: {  	s0 =	simm.s32 $0x0;
	s2 =	simm.s32 $0x2;
	[sflag:s15] =	ssyncadd.s32 $0xFFFFFFB0  }
0x81: {  	[tilespmem:s31], [sflag:$0x9] =	stream.indirect.gather [hbm4b:s3+s14], $0x80, s0, s14, $0xb8;
	[tilespmem:$0x1E800] =	vst v63  }
0x82: {  	_ =	swait.ge [sflag:s2], $0x50  }
0x83: {  	[sflag:s2] =	ssyncset.done $0x0  }
0x84: {  	[sflag:s2] =	ssyncadd.s32 $0xFFFFFFB0  }
0x85: {  	_ =	swait.ge [sflag:s2], $0x50  }
0x86: {  	[sflag:s2] =	ssyncset.done $0x0  }
0x87: {  	p0 =	por $0x1, $0x1;
	s12 =	simm.s32 $0x3000;
	[sflag:s2] =	ssyncadd.s32 $0xFFFFFFB0  }
0x88: {  	[tilespmem:s12], [sflag:$0xA] =	stream.indirect.gather [hbm4b:s3+s14], $0x80, s19, s14, $0xb8;
	[tilespmem:$0x1E800] =	vst v63  }
0x89: {  	s10 =	simm.s32 @!p0 $0xF;
	[bflag:$0x0] =	sbarrier.arrive $0xFFFF  }
0x8a: {  	_ =	swait.ge @!p0 [sflag:s10], $0x2800  }
0x8b: {  	s6 =	simm.s32 $0x280;
	s18 =	rddreg [dreg:$0x11];
	[sflag:s10] =	ssyncset.done @!p0 $0x0  }
0x8c: {  	s5 =	rddreg [dreg:$0x10];
	[sflag:s10] =	ssyncadd.s32 @!p0 $0xFFFFD800;
	s7 =	sadd.s32 $0x0, s18  }
0x8d: {  	[tilespmem:s6], [sflag:$0x6] =	stream.linear.gather [hbm4b:s7+s20], $0x50, $0x38;
	[tilespmem:$0x1E800] =	vst v63  }
0x8e: {  	s23 =	simm.s32 $0x680;
	s0 =	simm.s32 $0x3;
	s9 =	sadd.s32 $0x0, s5  }
0x8f: {  	[tilespmem:s23], [sflag:$0x6] =	stream.linear.gather [hbm4b:s9+s20], $0x50, $0x38;
	[tilespmem:$0x1E800] =	vst v63  }
0x90: {  	_ =	swait.ge [sflag:s0], $0x50  }
0x91: {  	[sflag:s0] =	ssyncset.done $0x0  }
0x92: {  	[sflag:s0] =	ssyncadd.s32 $0xFFFFFFB0  }
0x93: {  	_ =	swait.ge [sflag:s0], $0x50  }
0x94: {  	[sflag:s0] =	ssyncset.done $0x0  }
0x95: {  	s28 =	simm.s32 $0x5800;
	s2 =	simm.s32 $0x100;
	[sflag:s0] =	ssyncadd.s32 $0xFFFFFFB0  }
0x96: {  	[tilespmem:s28], [sflag:$0xB] =	stream.indirect.gather [hbm4b:s3+s14], $0x80, s2, s14, $0xb8;
	[tilespmem:$0x1E800] =	vst v63  }
0x97: {  	_ =	swait.ge [sflag:s13], $0x2800  }
0x98: {  	[sflag:s13] =	ssyncset.done $0x0  }
0x99: {  	s10 =	simm.s32 @!p0 $0x10;
	[sflag:s13] =	ssyncadd.s32 $0xFFFFD800  }
0x9a: {  	[spmem:s1] =	stream.indirect.scatter.add.f32 [tilespmem:s31], [sflag:$0xD], $0x80, s8, s14, $0xb8;
	[tilespmem:$0x1E800] =	vst v63  }
0x9b: {  	_ =	swait.ge @!p0 [sflag:s10], $0x2800  }
0x9c: {  	s9 =	simm.s32 $0x300;
	s13 =	rddreg [dreg:$0xf];
	[sflag:s10] =	ssyncset.done @!p0 $0x0  }
0x9d: {  	s16 =	rddreg [dreg:$0xe];
	[sflag:s10] =	ssyncadd.s32 @!p0 $0xFFFFD800;
	s21 =	sadd.s32 $0x0, s13  }
0x9e: {  	[tilespmem:s9], [sflag:$0x7] =	stream.linear.gather [hbm4b:s21+s20], $0x50, $0x38;
	[tilespmem:$0x1E800] =	vst v63  }
0x9f: {  	s24 =	simm.s32 $0x700;
	s25 =	simm.s32 $0x4;
	s22 =	sadd.s32 $0x0, s16  }
0xa0: {  	[tilespmem:s24], [sflag:$0x7] =	stream.linear.gather [hbm4b:s22+s20], $0x50, $0x38;
	[tilespmem:$0x1E800] =	vst v63  }
0xa1: {  	_ =	swait.ge [sflag:s25], $0x50  }
0xa2: {  	[sflag:s25] =	ssyncset.done $0x0  }
0xa3: {  	[sflag:s25] =	ssyncadd.s32 $0xFFFFFFB0  }
0xa4: {  	_ =	swait.ge [sflag:s25], $0x50  }
0xa5: {  	[sflag:s25] =	ssyncset.done $0x0  }
0xa6: {  	s29 =	simm.s32 $0x180;
	s13 =	simm.s32 $0x8000;
	[sflag:s25] =	ssyncadd.s32 $0xFFFFFFB0  }
0xa7: {  	[tilespmem:s13], [sflag:$0xC] =	stream.indirect.gather [hbm4b:s3+s14], $0x80, s29, s14, $0xb8;
	[tilespmem:$0x1E800] =	vst v63  }
0xa8: {  	s29 =	simm.s32 $0xA  }
0xa9: {  	_ =	swait.ge [sflag:s29], $0x2800  }
0xaa: {  	[sflag:s29] =	ssyncset.done $0x0  }
0xab: {  	s19 =	simm.s32 $0xD;
	[sflag:s29] =	ssyncadd.s32 $0xFFFFD800  }
0xac: {  	[spmem:s1] =	stream.indirect.scatter.add.f32 [tilespmem:s12], [sflag:$0xE], $0x80, s4, s14, $0xb8;
	[tilespmem:$0x1E800] =	vst v63  }
0xad: {  	_ =	swait.ge [sflag:s19], $0x2800  }
0xae: {  	s21 =	simm.s32 $0x380;
	s30 =	rddreg [dreg:$0xd];
	[sflag:s19] =	ssyncset.done $0x0  }
0xaf: {  	s0 =	rddreg [dreg:$0xc];
	[sflag:s19] =	ssyncadd.s32 $0xFFFFD800;
	s10 =	sadd.s32 $0x0, s30  }
0xb0: {  	[tilespmem:s21], [sflag:$0x8] =	stream.linear.gather [hbm4b:s10+s20], $0x50, $0x38;
	[tilespmem:$0x1E800] =	vst v63  }
0xb1: {  	s7 =	simm.s32 $0x780;
	s16 =	simm.s32 $0x5;
	s5 =	sadd.s32 $0x0, s0  }
0xb2: {  	[tilespmem:s7], [sflag:$0x8] =	stream.linear.gather [hbm4b:s5+s20], $0x50, $0x38;
	[tilespmem:$0x1E800] =	vst v63  }
0xb3: {  	_ =	swait.ge [sflag:s16], $0x50  }
0xb4: {  	[sflag:s16] =	ssyncset.done $0x0  }
0xb5: {  	[sflag:s16] =	ssyncadd.s32 $0xFFFFFFB0  }
0xb6: {  	_ =	swait.ge [sflag:s16], $0x50  }
0xb7: {  	[sflag:s16] =	ssyncset.done $0x0  }
0xb8: {  	s30 =	simm.s32 $0xB;
	[sflag:s16] =	ssyncadd.s32 $0xFFFFFFB0  }
0xb9: {  	[tilespmem:s31], [sflag:$0x9] =	stream.indirect.gather [hbm4b:s3+s14], $0x80, s17, s14, $0xb8;
	[tilespmem:$0x1E800] =	vst v63  }
0xba: {  	_ =	swait.ge [sflag:s30], $0x2800  }
0xbb: {  	[sflag:s30] =	ssyncset.done $0x0  }
0xbc: {  	s25 =	simm.s32 $0x500;
	s16 =	simm.s32 $0xE;
	[sflag:s30] =	ssyncadd.s32 $0xFFFFD800  }
0xbd: {  	[spmem:s1] =	stream.indirect.scatter.add.f32 [tilespmem:s28], [sflag:$0xF], $0x80, s25, s14, $0xb8;
	[tilespmem:$0x1E800] =	vst v63  }
0xbe: {  	_ =	swait.ge [sflag:s16], $0x2800  }
0xbf: {  	s5 =	sld [smem:$0x7FB];
	_ =	sdelay $0x2  }
0xc0: {  	[sflag:s16] =	ssyncset.done $0x0;
	s18 =	rddreg [dreg:$0x12];
	s10 =	sshrl.u32 s5, $0x3  }
0xc1: {  	[sflag:s16] =	ssyncadd.s32 $0xFFFFD800;
	s7 =	sadd.s32 s18, s10;
	s18 =	rddreg [dreg:$0x13]  }
0xc2: {  	[tilespmem:s20], [sflag:$0x1] =	stream.linear.gather [hbm4b:s7+s20], $0x50, $0x38;
	[tilespmem:$0x1E800] =	vst v63  }
0xc3: {  	s10 =	sadd.s32 s18, s10;
	s7 =	simm.s32 $0x6  }
0xc4: {  	[tilespmem:s8], [sflag:$0x1] =	stream.linear.gather [hbm4b:s10+s20], $0x50, $0x38;
	[tilespmem:$0x1E800] =	vst v63  }
0xc5: {  	_ =	swait.ge [sflag:s7], $0x50  }
0xc6: {  	[sflag:s7] =	ssyncset.done $0x0  }
0xc7: {  	[sflag:s7] =	ssyncadd.s32 $0xFFFFFFB0  }
0xc8: {  	_ =	swait.ge [sflag:s7], $0x50  }
0xc9: {  	[sflag:s7] =	ssyncset.done $0x0  }
0xca: {  	[sflag:s7] =	ssyncadd.s32 $0xFFFFFFB0;
	s7 =	simm.s32 $0xC  }
0xcb: {  	[tilespmem:s12], [sflag:$0xA] =	stream.indirect.gather [hbm4b:s3+s14], $0x80, s6, s14, $0xb8;
	[tilespmem:$0x1E800] =	vst v63  }
0xcc: {  	_ =	swait.ge [sflag:s7], $0x2800  }
0xcd: {  	[sflag:s7] =	ssyncset.done $0x0  }
0xce: {  	s10 =	simm.s32 $0xF;
	[sflag:s7] =	ssyncadd.s32 $0xFFFFD800  }
0xcf: {  	[spmem:s1] =	stream.indirect.scatter.add.f32 [tilespmem:s13], [sflag:$0x10], $0x80, s11, s14, $0xb8;
	[tilespmem:$0x1E800] =	vst v63  }
0xd0: {  	_ =	swait.ge [sflag:s10], $0x2800  }
0xd1: {  	s26 =	simm.s32 $0x80;
	s18 =	rddreg [dreg:$0x5];
	[sflag:s10] =	ssyncset.done $0x0  }
0xd2: {  	s0 =	rddreg [dreg:$0x4];
	[sflag:s10] =	ssyncadd.s32 $0xFFFFD800;
	s10 =	sadd.s32 $0x0, s18  }
0xd3: {  	[tilespmem:s26], [sflag:$0x2] =	stream.linear.gather [hbm4b:s10+s20], $0x50, $0x38;
	[tilespmem:$0x1E800] =	vst v63  }
0xd4: {  	s7 =	sadd.s32 $0x0, s0;
	s18 =	simm.s32 $0x7  }
0xd5: {  	[tilespmem:s4], [sflag:$0x2] =	stream.linear.gather [hbm4b:s7+s20], $0x50, $0x38;
	[tilespmem:$0x1E800] =	vst v63  }
0xd6: {  	_ =	swait.ge [sflag:s18], $0x50  }
0xd7: {  	[sflag:s18] =	ssyncset.done $0x0  }
0xd8: {  	[sflag:s18] =	ssyncadd.s32 $0xFFFFFFB0  }
0xd9: {  	_ =	swait.ge [sflag:s18], $0x50  }
0xda: {  	[sflag:s18] =	ssyncset.done $0x0  }
0xdb: {  	s22 =	simm.s32 $0x9;
	[sflag:s18] =	ssyncadd.s32 $0xFFFFFFB0  }
0xdc: {  	[tilespmem:s28], [sflag:$0xB] =	stream.indirect.gather [hbm4b:s3+s14], $0x80, s9, s14, $0xb8;
	[tilespmem:$0x1E800] =	vst v63  }
0xdd: {  	_ =	swait.ge [sflag:s22], $0x2800  }
0xde: {  	s6 =	smov.u32 s1;
	[sflag:s22] =	ssyncset.done $0x0  }
0xdf: {  	s4 =	simm.s32 $0x600;
	s28 =	simm.s32 $0x10;
	[sflag:s22] =	ssyncadd.s32 $0xFFFFD800  }
0xe0: {  	[spmem:s6] =	stream.indirect.scatter.add.f32 [tilespmem:s31], [sflag:$0xD], $0x80, s4, s14, $0xb8;
	[tilespmem:$0x1E800] =	vst v63  }
0xe1: {  	_ =	swait.ge [sflag:s28], $0x2800  }
0xe2: {  	s0 =	rddreg [dreg:$0x7];
	[sflag:s28] =	ssyncset.done $0x0  }
0xe3: {  	s7 =	rddreg [dreg:$0x6];
	[sflag:s28] =	ssyncadd.s32 $0xFFFFD800;
	s10 =	sadd.s32 $0x0, s0  }
0xe4: {  	[tilespmem:s2], [sflag:$0x3] =	stream.linear.gather [hbm4b:s10+s20], $0x50, $0x38;
	[tilespmem:$0x1E800] =	vst v63  }
0xe5: {  	s18 =	simm.s32 $0x8;
	s9 =	sadd.s32 $0x0, s7  }
0xe6: {  	[tilespmem:s25], [sflag:$0x3] =	stream.linear.gather [hbm4b:s9+s20], $0x50, $0x38;
	[tilespmem:$0x1E800] =	vst v63  }
0xe7: {  	_ =	swait.ge [sflag:s18], $0x50  }
0xe8: {  	[sflag:s18] =	ssyncset.done $0x0  }
0xe9: {  	[sflag:s18] =	ssyncadd.s32 $0xFFFFFFB0  }
0xea: {  	_ =	swait.ge [sflag:s18], $0x50  }
0xeb: {  	[sflag:s18] =	ssyncset.done $0x0  }
0xec: {  	[sflag:s18] =	ssyncadd.s32 $0xFFFFFFB0  }
0xed: {  	[tilespmem:s13], [sflag:$0xC] =	stream.indirect.gather [hbm4b:s3+s14], $0x80, s21, s14, $0xb8;
	[tilespmem:$0x1E800] =	vst v63  }
0xee: {  	_ =	swait.ge [sflag:s29], $0x2800  }
0xef: {  	[sflag:s29] =	ssyncset.done $0x0  }
0xf0: {  	[sflag:s29] =	ssyncadd.s32 $0xFFFFD800  }
0xf1: {  	[spmem:s6] =	stream.indirect.scatter.add.f32 [tilespmem:s12], [sflag:$0xE], $0x80, s23, s14, $0xb8;
	[tilespmem:$0x1E800] =	vst v63  }
0xf2: {  	_ =	swait.ge [sflag:s19], $0x2800  }
0xf3: {  	s8 =	simm.s32 $0x180;
	s21 =	rddreg [dreg:$0x9];
	[sflag:s19] =	ssyncset.done $0x0  }
0xf4: {  	s22 =	rddreg [dreg:$0x8];
	[sflag:s19] =	ssyncadd.s32 $0xFFFFD800;
	s10 =	sadd.s32 $0x0, s21  }
0xf5: {  	[tilespmem:s8], [sflag:$0x4] =	stream.linear.gather [hbm4b:s10+s20], $0x50, $0x38;
	[tilespmem:$0x1E800] =	vst v63  }
0xf6: {  	s23 =	sadd.s32 $0x0, s22  }
0xf7: {  	[tilespmem:s11], [sflag:$0x4] =	stream.linear.gather [hbm4b:s23+s20], $0x50, $0x38;
	[tilespmem:$0x1E800] =	vst v63  }
0xf8: {  	_ =	swait.ge [sflag:s15], $0x50  }
0xf9: {  	[sflag:s15] =	ssyncset.done $0x0  }
0xfa: {  	[sflag:s15] =	ssyncadd.s32 $0xFFFFFFB0  }
0xfb: {  	_ =	swait.ge [sflag:s15], $0x50  }
0xfc: {  	[sflag:s15] =	ssyncset.done $0x0  }
0xfd: {  	[sflag:s15] =	ssyncadd.s32 $0xFFFFFFB0  }
0xfe: {  	[tilespmem:s31], [sflag:$0x9] =	stream.indirect.gather [hbm4b:s3+s14], $0x80, s20, s14, $0xb8;
	[tilespmem:$0x1E800] =	vst v63  }
0xff: {  	_ =	swait.ge [sflag:s30], $0x2800  }
0x100: {  	[sflag:s30] =	ssyncset.done $0x0  }
0x101: {  	s25 =	simm.s32 $0x5800;
	[sflag:s30] =	ssyncadd.s32 $0xFFFFD800  }
0x102: {  	[spmem:s6] =	stream.indirect.scatter.add.f32 [tilespmem:s25], [sflag:$0xF], $0x80, s24, s14, $0xb8;
	[tilespmem:$0x1E800] =	vst v63  }
0x103: {  	_ =	swait.ge [sflag:s16], $0x2800  }
0x104: {  	s28 =	rddreg [dreg:$0xb];
	[sflag:s16] =	ssyncset.done $0x0  }
0x105: {  	s29 =	rddreg [dreg:$0xa];
	[sflag:s16] =	ssyncadd.s32 $0xFFFFD800;
	s10 =	sadd.s32 $0x0, s28  }
0x106: {  	[tilespmem:s17], [sflag:$0x5] =	stream.linear.gather [hbm4b:s10+s20], $0x50, $0x38;
	[tilespmem:$0x1E800] =	vst v63  }
0x107: {  	s30 =	simm.s32 $0x2;
	s31 =	sadd.s32 $0x0, s29  }
0x108: {  	[tilespmem:s4], [sflag:$0x5] =	stream.linear.gather [hbm4b:s31+s20], $0x50, $0x38;
	[tilespmem:$0x1E800] =	vst v63  }
0x109: {  	_ =	swait.ge [sflag:s30], $0x50  }
0x10a: {  	[sflag:s30] =	ssyncset.done $0x0  }
0x10b: {  	[sflag:s30] =	ssyncadd.s32 $0xFFFFFFB0  }
0x10c: {  	_ =	swait.ge [sflag:s30], $0x50  }
0x10d: {  	[sflag:s30] =	ssyncset.done $0x0  }
0x10e: {  	s7 =	simm.s32 $0xC;
	[sflag:s30] =	ssyncadd.s32 $0xFFFFFFB0  }
0x10f: {  	[tilespmem:s12], [sflag:$0xA] =	stream.indirect.gather [hbm4b:s3+s14], $0x80, s26, s14, $0xb8;
	[tilespmem:$0x1E800] =	vst v63  }
0x110: {  	p1 =	por $0x0, $0x0;
	s18 =	sadd.s32 $0x280, s5;
	_ =	swait.ge [sflag:s7], $0x2800  }
0x111: {  	s19 =	simm.s32 $0xA0;
	s10 =	simm.s32 $0x50;
	[sflag:s7] =	ssyncset.done $0x0  }
.LBB2_4:
0x112: {  	s24 =	simm.s32 @!p1 $0xF;
	[sflag:s7] =	ssyncadd.s32 $0xFFFFD800;
	s0 =	smov.u32 s19  }
0x113: {  	s13 =	simm.s32 $0x8000;
	s16 =	simm.s32 $0x780;
	[dreg:$0x14] =	wrdreg s0  }
0x114: {  	[spmem:s6] =	stream.indirect.scatter.add.f32 [tilespmem:s13], [sflag:$0x10], $0x80, s16, s14, $0xb8;
	[tilespmem:$0x1E800] =	vst v63  }
0x115: {  	_ =	swait.ge @!p1 [sflag:s24], $0x2800  }
0x116: {  	s30 =	simm.s32 $0x280;
	[sflag:s24] =	ssyncset.done @!p1 $0x0;
	s12 =	rddreg [dreg:$0x11]  }
0x117: {  	s25 =	rddreg [dreg:$0x10];
	[sflag:s24] =	ssyncadd.s32 @!p1 $0xFFFFD800;
	s12 =	sadd.s32 s10, s12  }
0x118: {  	[tilespmem:s30], [sflag:$0x6] =	stream.linear.gather [hbm4b:s12+s20], $0x50, $0x38;
	[tilespmem:$0x1E800] =	vst v63  }
0x119: {  	s29 =	simm.s32 $0x680;
	s5 =	simm.s32 $0x3;
	s26 =	sadd.s32 s10, s25  }
0x11a: {  	[tilespmem:s29], [sflag:$0x6] =	stream.linear.gather [hbm4b:s26+s20], $0x50, $0x38;
	[tilespmem:$0x1E800] =	vst v63  }
0x11b: {  	_ =	swait.ge [sflag:s5], $0x50  }
0x11c: {  	[sflag:s5] =	ssyncset.done $0x0  }
0x11d: {  	[sflag:s5] =	ssyncadd.s32 $0xFFFFFFB0  }
0x11e: {  	_ =	swait.ge [sflag:s5], $0x50  }
0x11f: {  	s17 =	simm.s32 $0x5800;
	[sflag:s5] =	ssyncset.done $0x0  }
0x120: {  	s1 =	simm.s32 $0x100;
	s22 =	simm.s32 $0x9;
	[sflag:s5] =	ssyncadd.s32 $0xFFFFFFB0  }
0x121: {  	[tilespmem:s17], [sflag:$0xB] =	stream.indirect.gather [hbm4b:s3+s14], $0x80, s1, s14, $0xb8;
	[tilespmem:$0x1E800] =	vst v63  }
0x122: {  	_ =	swait.ge [sflag:s22], $0x2800  }
0x123: {  	s28 =	simm.s32 $0x800;
	[sflag:s22] =	ssyncset.done $0x0  }
0x124: {  	s2 =	simm.s32 $0x400;
	s12 =	simm.s32 @!p1 $0x10;
	[sflag:s22] =	ssyncadd.s32 $0xFFFFD800  }
0x125: {  	[spmem:s6] =	stream.indirect.scatter.add.f32 [tilespmem:s28], [sflag:$0xD], $0x80, s2, s14, $0xb8;
	[tilespmem:$0x1E800] =	vst v63  }
0x126: {  	s9 =	simm.s32 $0x300;
	_ =	swait.ge @!p1 [sflag:s12], $0x2800  }
0x127: {  	s21 =	simm.s32 $0x4;
	s31 =	rddreg [dreg:$0xf];
	[sflag:s12] =	ssyncset.done @!p1 $0x0  }
0x128: {  	s0 =	rddreg [dreg:$0xe];
	[sflag:s12] =	ssyncadd.s32 @!p1 $0xFFFFD800;
	s4 =	sadd.s32 s10, s31  }
0x129: {  	[tilespmem:s9], [sflag:$0x7] =	stream.linear.gather [hbm4b:s4+s20], $0x50, $0x38;
	[tilespmem:$0x1E800] =	vst v63  }
0x12a: {  	s24 =	simm.s32 $0x700;
	s15 =	rddreg [dreg:$0x12];
	s5 =	sadd.s32 s10, s0  }
0x12b: {  	[tilespmem:s24], [sflag:$0x7] =	stream.linear.gather [hbm4b:s5+s20], $0x50, $0x38;
	[tilespmem:$0x1E800] =	vst v63  }
0x12c: {  	s8 =	rddreg [dreg:$0x13];
	_ =	swait.ge [sflag:s21], $0x50  }
0x12d: {  	[sflag:s21] =	ssyncset.done $0x0  }
0x12e: {  	[sflag:s21] =	ssyncadd.s32 $0xFFFFFFB0  }
0x12f: {  	_ =	swait.ge [sflag:s21], $0x50  }
0x130: {  	[sflag:s21] =	ssyncset.done $0x0  }
0x131: {  	s23 =	simm.s32 $0x180;
	s29 =	simm.s32 $0xA;
	[sflag:s21] =	ssyncadd.s32 $0xFFFFFFB0  }
0x132: {  	[tilespmem:s13], [sflag:$0xC] =	stream.indirect.gather [hbm4b:s3+s14], $0x80, s23, s14, $0xb8;
	[tilespmem:$0x1E800] =	vst v63  }
0x133: {  	_ =	swait.ge [sflag:s29], $0x2800  }
0x134: {  	s11 =	simm.s32 $0x3000;
	[sflag:s29] =	ssyncset.done $0x0  }
0x135: {  	s26 =	simm.s32 $0xD;
	s0 =	simm.s32 $0x480;
	[sflag:s29] =	ssyncadd.s32 $0xFFFFD800  }
0x136: {  	[spmem:s6] =	stream.indirect.scatter.add.f32 [tilespmem:s11], [sflag:$0xE], $0x80, s0, s14, $0xb8;
	[tilespmem:$0x1E800] =	vst v63  }
0x137: {  	_ =	swait.ge [sflag:s26], $0x2800  }
0x138: {  	s21 =	simm.s32 $0x380;
	s25 =	rddreg [dreg:$0xd];
	[sflag:s26] =	ssyncset.done $0x0  }
0x139: {  	s31 =	rddreg [dreg:$0xc];
	[sflag:s26] =	ssyncadd.s32 $0xFFFFD800;
	s5 =	sadd.s32 s10, s25  }
0x13a: {  	[tilespmem:s21], [sflag:$0x8] =	stream.linear.gather [hbm4b:s5+s20], $0x50, $0x38;
	[tilespmem:$0x1E800] =	vst v63  }
0x13b: {  	s12 =	simm.s32 $0x5;
	s4 =	sadd.s32 s10, s31  }
0x13c: {  	[tilespmem:s16], [sflag:$0x8] =	stream.linear.gather [hbm4b:s4+s20], $0x50, $0x38;
	[tilespmem:$0x1E800] =	vst v63  }
0x13d: {  	_ =	swait.ge [sflag:s12], $0x50  }
0x13e: {  	[sflag:s12] =	ssyncset.done $0x0  }
0x13f: {  	[sflag:s12] =	ssyncadd.s32 $0xFFFFFFB0  }
0x140: {  	_ =	swait.ge [sflag:s12], $0x50  }
0x141: {  	[sflag:s12] =	ssyncset.done $0x0  }
0x142: {  	s31 =	simm.s32 $0x200;
	s4 =	simm.s32 $0xB;
	[sflag:s12] =	ssyncadd.s32 $0xFFFFFFB0  }
0x143: {  	[tilespmem:s28], [sflag:$0x9] =	stream.indirect.gather [hbm4b:s3+s14], $0x80, s31, s14, $0xb8;
	[tilespmem:$0x1E800] =	vst v63  }
0x144: {  	_ =	swait.ge [sflag:s4], $0x2800  }
0x145: {  	[sflag:s4] =	ssyncset.done $0x0  }
0x146: {  	s25 =	simm.s32 $0x500;
	s16 =	simm.s32 $0xE;
	[sflag:s4] =	ssyncadd.s32 $0xFFFFD800  }
0x147: {  	[spmem:s6] =	stream.indirect.scatter.add.f32 [tilespmem:s17], [sflag:$0xF], $0x80, s25, s14, $0xb8;
	[tilespmem:$0x1E800] =	vst v63  }
0x148: {  	_ =	swait.ge [sflag:s16], $0x2800  }
0x149: {  	s5 =	sshrl.u32 s18, $0x3;
	[sflag:s16] =	ssyncset.done $0x0  }
0x14a: {  	s15 =	sadd.s32 s15, s5;
	[sflag:s16] =	ssyncadd.s32 $0xFFFFD800  }
0x14b: {  	[tilespmem:s20], [sflag:$0x1] =	stream.linear.gather [hbm4b:s15+s20], $0x50, $0x38;
	[tilespmem:$0x1E800] =	vst v63  }
0x14c: {  	s5 =	sadd.s32 s8, s5;
	s8 =	simm.s32 $0x6  }
0x14d: {  	[tilespmem:s2], [sflag:$0x1] =	stream.linear.gather [hbm4b:s5+s20], $0x50, $0x38;
	[tilespmem:$0x1E800] =	vst v63  }
0x14e: {  	_ =	swait.ge [sflag:s8], $0x50  }
0x14f: {  	[sflag:s8] =	ssyncset.done $0x0  }
0x150: {  	[sflag:s8] =	ssyncadd.s32 $0xFFFFFFB0  }
0x151: {  	_ =	swait.ge [sflag:s8], $0x50  }
0x152: {  	[sflag:s8] =	ssyncset.done $0x0  }
0x153: {  	s7 =	simm.s32 $0xC;
	[sflag:s8] =	ssyncadd.s32 $0xFFFFFFB0  }
0x154: {  	[tilespmem:s11], [sflag:$0xA] =	stream.indirect.gather [hbm4b:s3+s14], $0x80, s30, s14, $0xb8;
	[tilespmem:$0x1E800] =	vst v63  }
0x155: {  	_ =	swait.ge [sflag:s7], $0x2800  }
0x156: {  	[sflag:s7] =	ssyncset.done $0x0  }
0x157: {  	s12 =	simm.s32 $0xF;
	s30 =	simm.s32 $0x580;
	[sflag:s7] =	ssyncadd.s32 $0xFFFFD800  }
0x158: {  	[spmem:s6] =	stream.indirect.scatter.add.f32 [tilespmem:s13], [sflag:$0x10], $0x80, s30, s14, $0xb8;
	[tilespmem:$0x1E800] =	vst v63  }
0x159: {  	_ =	swait.ge [sflag:s12], $0x2800  }
0x15a: {  	s15 =	rddreg [dreg:$0x5]  }
0x15b: {  	[sflag:s12] =	ssyncset.done $0x0;
	s2 =	rddreg [dreg:$0x4]  }
0x15c: {  	[sflag:s12] =	ssyncadd.s32 $0xFFFFD800;
	s5 =	sadd.s32 s10, s15;
	s15 =	simm.s32 $0x80  }
0x15d: {  	[tilespmem:s15], [sflag:$0x2] =	stream.linear.gather [hbm4b:s5+s20], $0x50, $0x38;
	[tilespmem:$0x1E800] =	vst v63  }
0x15e: {  	s8 =	simm.s32 $0x7;
	s7 =	sadd.s32 s10, s2  }
0x15f: {  	[tilespmem:s0], [sflag:$0x2] =	stream.linear.gather [hbm4b:s7+s20], $0x50, $0x38;
	[tilespmem:$0x1E800] =	vst v63  }
0x160: {  	_ =	swait.ge [sflag:s8], $0x50  }
0x161: {  	[sflag:s8] =	ssyncset.done $0x0  }
0x162: {  	[sflag:s8] =	ssyncadd.s32 $0xFFFFFFB0  }
0x163: {  	_ =	swait.ge [sflag:s8], $0x50  }
0x164: {  	[sflag:s8] =	ssyncset.done $0x0  }
0x165: {  	s11 =	simm.s32 $0x5800;
	[sflag:s8] =	ssyncadd.s32 $0xFFFFFFB0  }
0x166: {  	[tilespmem:s11], [sflag:$0xB] =	stream.indirect.gather [hbm4b:s3+s14], $0x80, s9, s14, $0xb8;
	[tilespmem:$0x1E800] =	vst v63  }
0x167: {  	_ =	swait.ge [sflag:s22], $0x2800  }
0x168: {  	[sflag:s22] =	ssyncset.done $0x0  }
0x169: {  	s12 =	simm.s32 $0x10;
	s9 =	simm.s32 $0x600;
	[sflag:s22] =	ssyncadd.s32 $0xFFFFD800  }
0x16a: {  	[spmem:s6] =	stream.indirect.scatter.add.f32 [tilespmem:s28], [sflag:$0xD], $0x80, s9, s14, $0xb8;
	[tilespmem:$0x1E800] =	vst v63  }
0x16b: {  	_ =	swait.ge [sflag:s12], $0x2800  }
0x16c: {  	s0 =	rddreg [dreg:$0x7];
	[sflag:s12] =	ssyncset.done $0x0  }
0x16d: {  	s2 =	rddreg [dreg:$0x6];
	[sflag:s12] =	ssyncadd.s32 $0xFFFFD800;
	s5 =	sadd.s32 s10, s0  }
0x16e: {  	[tilespmem:s1], [sflag:$0x3] =	stream.linear.gather [hbm4b:s5+s20], $0x50, $0x38;
	[tilespmem:$0x1E800] =	vst v63  }
0x16f: {  	s9 =	simm.s32 $0x8;
	s8 =	sadd.s32 s10, s2  }
0x170: {  	[tilespmem:s25], [sflag:$0x3] =	stream.linear.gather [hbm4b:s8+s20], $0x50, $0x38;
	[tilespmem:$0x1E800] =	vst v63  }
0x171: {  	_ =	swait.ge [sflag:s9], $0x50  }
0x172: {  	[sflag:s9] =	ssyncset.done $0x0  }
0x173: {  	[sflag:s9] =	ssyncadd.s32 $0xFFFFFFB0  }
0x174: {  	_ =	swait.ge [sflag:s9], $0x50  }
0x175: {  	[sflag:s9] =	ssyncset.done $0x0  }
0x176: {  	[sflag:s9] =	ssyncadd.s32 $0xFFFFFFB0  }
0x177: {  	[tilespmem:s13], [sflag:$0xC] =	stream.indirect.gather [hbm4b:s3+s14], $0x80, s21, s14, $0xb8;
	[tilespmem:$0x1E800] =	vst v63  }
0x178: {  	_ =	swait.ge [sflag:s29], $0x2800  }
0x179: {  	[sflag:s29] =	ssyncset.done $0x0  }
0x17a: {  	s28 =	simm.s32 $0x3000;
	s12 =	simm.s32 $0x680;
	[sflag:s29] =	ssyncadd.s32 $0xFFFFD800  }
0x17b: {  	[spmem:s6] =	stream.indirect.scatter.add.f32 [tilespmem:s28], [sflag:$0xE], $0x80, s12, s14, $0xb8;
	[tilespmem:$0x1E800] =	vst v63  }
0x17c: {  	_ =	swait.ge [sflag:s26], $0x2800  }
0x17d: {  	s13 =	rddreg [dreg:$0x9];
	[sflag:s26] =	ssyncset.done $0x0  }
0x17e: {  	s21 =	rddreg [dreg:$0x8];
	[sflag:s26] =	ssyncadd.s32 $0xFFFFD800;
	s5 =	sadd.s32 s10, s13  }
0x17f: {  	[tilespmem:s23], [sflag:$0x4] =	stream.linear.gather [hbm4b:s5+s20], $0x50, $0x38;
	[tilespmem:$0x1E800] =	vst v63  }
0x180: {  	s25 =	simm.s32 $0x1;
	s23 =	sadd.s32 s10, s21  }
0x181: {  	[tilespmem:s30], [sflag:$0x4] =	stream.linear.gather [hbm4b:s23+s20], $0x50, $0x38;
	[tilespmem:$0x1E800] =	vst v63  }
0x182: {  	_ =	swait.ge [sflag:s25], $0x50  }
0x183: {  	[sflag:s25] =	ssyncset.done $0x0  }
0x184: {  	[sflag:s25] =	ssyncadd.s32 $0xFFFFFFB0  }
0x185: {  	_ =	swait.ge [sflag:s25], $0x50  }
0x186: {  	[sflag:s25] =	ssyncset.done $0x0  }
0x187: {  	s22 =	simm.s32 $0x800;
	[sflag:s25] =	ssyncadd.s32 $0xFFFFFFB0  }
0x188: {  	[tilespmem:s22], [sflag:$0x9] =	stream.indirect.gather [hbm4b:s3+s14], $0x80, s20, s14, $0xb8;
	[tilespmem:$0x1E800] =	vst v63  }
0x189: {  	_ =	swait.ge [sflag:s4], $0x2800  }
0x18a: {  	[sflag:s4] =	ssyncset.done $0x0  }
0x18b: {  	[sflag:s4] =	ssyncadd.s32 $0xFFFFD800  }
0x18c: {  	[spmem:s6] =	stream.indirect.scatter.add.f32 [tilespmem:s11], [sflag:$0xF], $0x80, s24, s14, $0xb8;
	[tilespmem:$0x1E800] =	vst v63  }
0x18d: {  	_ =	swait.ge [sflag:s16], $0x2800  }
0x18e: {  	s26 =	rddreg [dreg:$0xb];
	[sflag:s16] =	ssyncset.done $0x0  }
0x18f: {  	s29 =	rddreg [dreg:$0xa];
	[sflag:s16] =	ssyncadd.s32 $0xFFFFD800;
	s5 =	sadd.s32 s10, s26  }
0x190: {  	[tilespmem:s31], [sflag:$0x5] =	stream.linear.gather [hbm4b:s5+s20], $0x50, $0x38;
	[tilespmem:$0x1E800] =	vst v63  }
0x191: {  	s17 =	simm.s32 $0x2;
	s23 =	simm.s32 $0x600;
	s30 =	sadd.s32 s10, s29  }
0x192: {  	[tilespmem:s23], [sflag:$0x5] =	stream.linear.gather [hbm4b:s30+s20], $0x50, $0x38;
	[tilespmem:$0x1E800] =	vst v63  }
0x193: {  	s31 =	rddreg [dreg:$0x14];
	_ =	swait.ge [sflag:s17], $0x50  }
0x194: {  	[sflag:s17] =	ssyncset.done $0x0  }
0x195: {  	s19 =	sadd.s32 $0x50, s19;
	[sflag:s17] =	ssyncadd.s32 $0xFFFFFFB0  }
0x196: {  	p0 =	sne.s32 s19, $0x4B0;
	_ =	swait.ge [sflag:s17], $0x50  }
.Ltmp1:
0x197: {  	[sflag:s17] =	ssyncset.done $0x0;
	(pc) =	sbr.rel @p0 .LBB2_4-.Ltmp1, $4  }
0x198: {  	s7 =	simm.s32 $0xC;
	[sflag:s17] =	ssyncadd.s32 $0xFFFFFFB0  }
0x199: {  	[tilespmem:s28], [sflag:$0xA] =	stream.indirect.gather [hbm4b:s3+s14], $0x80, s15, s14, $0xb8;
	[tilespmem:$0x1E800] =	vst v63  }
0x19a: {  	s10 =	smov.u32 s31;
	_ =	swait.ge [sflag:s7], $0x2800  }
0x19b: {  	s18 =	sadd.s32 $0x280, s18;
	p1 =	seq.s32 s10, $0x0;
	[sflag:s7] =	ssyncset.done $0x0  }
0x19c: {  	s5 =	simm.s32 @!p1 $0xF  }
0x19d: {  	[sflag:s7] =	ssyncadd.s32 $0xFFFFD800;
	s2 =	simm.s32 $0x8000;
	s0 =	simm.s32 $0x780  }
0x19e: {  	[spmem:s6] =	stream.indirect.scatter.add.f32 [tilespmem:s2], [sflag:$0x10], $0x80, s0, s14, $0xb8;
	[tilespmem:$0x1E800] =	vst v63  }
0x19f: {  	_ =	swait.ge @!p1 [sflag:s5], $0x2800  }
0x1a0: {  	s15 =	simm.s32 $0x280;
	s12 =	rddreg [dreg:$0x11];
	[sflag:s5] =	ssyncset.done @!p1 $0x0  }
0x1a1: {  	s19 =	rddreg [dreg:$0x10];
	[sflag:s5] =	ssyncadd.s32 @!p1 $0xFFFFD800;
	s30 =	sadd.s32 s10, s12  }
0x1a2: {  	[tilespmem:s15], [sflag:$0x6] =	stream.linear.gather [hbm4b:s30+s20], $0x50, $0x38;
	[tilespmem:$0x1E800] =	vst v63  }
0x1a3: {  	s1 =	simm.s32 $0x680;
	s31 =	sadd.s32 s10, s19;
	s30 =	simm.s32 $0x3  }
0x1a4: {  	[tilespmem:s1], [sflag:$0x6] =	stream.linear.gather [hbm4b:s31+s20], $0x50, $0x38;
	[tilespmem:$0x1E800] =	vst v63  }
0x1a5: {  	_ =	swait.ge [sflag:s30], $0x50  }
0x1a6: {  	[sflag:s30] =	ssyncset.done $0x0  }
0x1a7: {  	[sflag:s30] =	ssyncadd.s32 $0xFFFFFFB0  }
0x1a8: {  	_ =	swait.ge [sflag:s30], $0x50  }
0x1a9: {  	[sflag:s30] =	ssyncset.done $0x0  }
0x1aa: {  	s4 =	simm.s32 $0x100;
	s26 =	simm.s32 $0x9;
	[sflag:s30] =	ssyncadd.s32 $0xFFFFFFB0  }
0x1ab: {  	[tilespmem:s11], [sflag:$0xB] =	stream.indirect.gather [hbm4b:s3+s14], $0x80, s4, s14, $0xb8;
	[tilespmem:$0x1E800] =	vst v63  }
0x1ac: {  	_ =	swait.ge [sflag:s26], $0x2800  }
0x1ad: {  	[sflag:s26] =	ssyncset.done $0x0  }
0x1ae: {  	s5 =	simm.s32 @!p1 $0x10;
	s1 =	simm.s32 $0x400;
	[sflag:s26] =	ssyncadd.s32 $0xFFFFD800  }
0x1af: {  	[spmem:s6] =	stream.indirect.scatter.add.f32 [tilespmem:s22], [sflag:$0xD], $0x80, s1, s14, $0xb8;
	[tilespmem:$0x1E800] =	vst v63  }
0x1b0: {  	_ =	swait.ge @!p1 [sflag:s5], $0x2800  }
0x1b1: {  	s9 =	simm.s32 $0x300;
	s7 =	rddreg [dreg:$0xf];
	[sflag:s5] =	ssyncset.done @!p1 $0x0  }
0x1b2: {  	s8 =	rddreg [dreg:$0xe];
	[sflag:s5] =	ssyncadd.s32 @!p1 $0xFFFFD800;
	s16 =	sadd.s32 s10, s7  }
0x1b3: {  	[tilespmem:s9], [sflag:$0x7] =	stream.linear.gather [hbm4b:s16+s20], $0x50, $0x38;
	[tilespmem:$0x1E800] =	vst v63  }
0x1b4: {  	s21 =	simm.s32 $0x700;
	s19 =	sadd.s32 s10, s8  }
0x1b5: {  	[tilespmem:s21], [sflag:$0x7] =	stream.linear.gather [hbm4b:s19+s20], $0x50, $0x38;
	[tilespmem:$0x1E800] =	vst v63  }
0x1b6: {  	s19 =	simm.s32 $0x4  }
0x1b7: {  	_ =	swait.ge [sflag:s19], $0x50  }
0x1b8: {  	[sflag:s19] =	ssyncset.done $0x0  }
0x1b9: {  	[sflag:s19] =	ssyncadd.s32 $0xFFFFFFB0  }
0x1ba: {  	_ =	swait.ge [sflag:s19], $0x50  }
0x1bb: {  	[sflag:s19] =	ssyncset.done $0x0  }
0x1bc: {  	s24 =	simm.s32 $0x180;
	s29 =	simm.s32 $0xA;
	[sflag:s19] =	ssyncadd.s32 $0xFFFFFFB0  }
0x1bd: {  	[tilespmem:s2], [sflag:$0xC] =	stream.indirect.gather [hbm4b:s3+s14], $0x80, s24, s14, $0xb8;
	[tilespmem:$0x1E800] =	vst v63  }
0x1be: {  	_ =	swait.ge [sflag:s29], $0x2800  }
0x1bf: {  	[sflag:s29] =	ssyncset.done $0x0  }
0x1c0: {  	s25 =	simm.s32 $0x480;
	s7 =	simm.s32 $0xD;
	[sflag:s29] =	ssyncadd.s32 $0xFFFFD800  }
0x1c1: {  	[spmem:s6] =	stream.indirect.scatter.add.f32 [tilespmem:s28], [sflag:$0xE], $0x80, s25, s14, $0xb8;
	[tilespmem:$0x1E800] =	vst v63  }
0x1c2: {  	_ =	swait.ge [sflag:s7], $0x2800  }
0x1c3: {  	s21 =	simm.s32 $0x380;
	s31 =	rddreg [dreg:$0xd];
	[sflag:s7] =	ssyncset.done $0x0  }
0x1c4: {  	s8 =	rddreg [dreg:$0xc];
	[sflag:s7] =	ssyncadd.s32 $0xFFFFD800;
	s5 =	sadd.s32 s10, s31  }
0x1c5: {  	[tilespmem:s21], [sflag:$0x8] =	stream.linear.gather [hbm4b:s5+s20], $0x50, $0x38;
	[tilespmem:$0x1E800] =	vst v63  }
0x1c6: {  	s0 =	simm.s32 $0x780;
	s16 =	sadd.s32 s10, s8;
	s31 =	simm.s32 $0x5  }
0x1c7: {  	[tilespmem:s0], [sflag:$0x8] =	stream.linear.gather [hbm4b:s16+s20], $0x50, $0x38;
	[tilespmem:$0x1E800] =	vst v63  }
0x1c8: {  	_ =	swait.ge [sflag:s31], $0x50  }
0x1c9: {  	[sflag:s31] =	ssyncset.done $0x0  }
0x1ca: {  	[sflag:s31] =	ssyncadd.s32 $0xFFFFFFB0  }
0x1cb: {  	_ =	swait.ge [sflag:s31], $0x50  }
0x1cc: {  	[sflag:s31] =	ssyncset.done $0x0  }
0x1cd: {  	s24 =	simm.s32 $0x200;
	s8 =	simm.s32 $0xB;
	[sflag:s31] =	ssyncadd.s32 $0xFFFFFFB0  }
0x1ce: {  	[tilespmem:s22], [sflag:$0x9] =	stream.indirect.gather [hbm4b:s3+s14], $0x80, s24, s14, $0xb8;
	[tilespmem:$0x1E800] =	vst v63  }
0x1cf: {  	_ =	swait.ge [sflag:s8], $0x2800  }
0x1d0: {  	[sflag:s8] =	ssyncset.done $0x0  }
0x1d1: {  	s25 =	simm.s32 $0x500;
	s16 =	simm.s32 $0xE;
	[sflag:s8] =	ssyncadd.s32 $0xFFFFD800  }
0x1d2: {  	[spmem:s6] =	stream.indirect.scatter.add.f32 [tilespmem:s11], [sflag:$0xF], $0x80, s25, s14, $0xb8;
	[tilespmem:$0x1E800] =	vst v63  }
0x1d3: {  	_ =	swait.ge [sflag:s16], $0x2800  }
0x1d4: {  	s0 =	sshrl.u32 s18, $0x3;
	[sflag:s16] =	ssyncset.done $0x0;
	s18 =	rddreg [dreg:$0x12]  }
0x1d5: {  	s25 =	rddreg [dreg:$0x13];
	[sflag:s16] =	ssyncadd.s32 $0xFFFFD800;
	s12 =	sadd.s32 s18, s0  }
0x1d6: {  	[tilespmem:s20], [sflag:$0x1] =	stream.linear.gather [hbm4b:s12+s20], $0x50, $0x38;
	[tilespmem:$0x1E800] =	vst v63  }
0x1d7: {  	s4 =	simm.s32 $0x400;
	s5 =	sadd.s32 s25, s0;
	s12 =	simm.s32 $0x6  }
0x1d8: {  	[tilespmem:s4], [sflag:$0x1] =	stream.linear.gather [hbm4b:s5+s20], $0x50, $0x38;
	[tilespmem:$0x1E800] =	vst v63  }
0x1d9: {  	_ =	swait.ge [sflag:s12], $0x50  }
0x1da: {  	[sflag:s12] =	ssyncset.done $0x0  }
0x1db: {  	[sflag:s12] =	ssyncadd.s32 $0xFFFFFFB0  }
0x1dc: {  	_ =	swait.ge [sflag:s12], $0x50  }
0x1dd: {  	[sflag:s12] =	ssyncset.done $0x0  }
0x1de: {  	s13 =	simm.s32 $0xC;
	[sflag:s12] =	ssyncadd.s32 $0xFFFFFFB0  }
0x1df: {  	[tilespmem:s28], [sflag:$0xA] =	stream.indirect.gather [hbm4b:s3+s14], $0x80, s15, s14, $0xb8;
	[tilespmem:$0x1E800] =	vst v63  }
0x1e0: {  	_ =	swait.ge [sflag:s13], $0x2800  }
0x1e1: {  	[sflag:s13] =	ssyncset.done $0x0  }
0x1e2: {  	s25 =	simm.s32 $0x580;
	s18 =	simm.s32 $0xF;
	[sflag:s13] =	ssyncadd.s32 $0xFFFFD800  }
0x1e3: {  	[spmem:s6] =	stream.indirect.scatter.add.f32 [tilespmem:s2], [sflag:$0x10], $0x80, s25, s14, $0xb8;
	[tilespmem:$0x1E800] =	vst v63  }
0x1e4: {  	_ =	swait.ge [sflag:s18], $0x2800  }
0x1e5: {  	s15 =	rddreg [dreg:$0x5]  }
0x1e6: {  	[sflag:s18] =	ssyncset.done $0x0;
	s0 =	rddreg [dreg:$0x4]  }
0x1e7: {  	[sflag:s18] =	ssyncadd.s32 $0xFFFFD800;
	s5 =	sadd.s32 s10, s15;
	s15 =	simm.s32 $0x80  }
0x1e8: {  	[tilespmem:s15], [sflag:$0x2] =	stream.linear.gather [hbm4b:s5+s20], $0x50, $0x38;
	[tilespmem:$0x1E800] =	vst v63  }
0x1e9: {  	s1 =	simm.s32 $0x480;
	s12 =	simm.s32 $0x7;
	s4 =	sadd.s32 s10, s0  }
0x1ea: {  	[tilespmem:s1], [sflag:$0x2] =	stream.linear.gather [hbm4b:s4+s20], $0x50, $0x38;
	[tilespmem:$0x1E800] =	vst v63  }
0x1eb: {  	_ =	swait.ge [sflag:s12], $0x50  }
0x1ec: {  	[sflag:s12] =	ssyncset.done $0x0  }
0x1ed: {  	[sflag:s12] =	ssyncadd.s32 $0xFFFFFFB0  }
0x1ee: {  	_ =	swait.ge [sflag:s12], $0x50  }
0x1ef: {  	[sflag:s12] =	ssyncset.done $0x0  }
0x1f0: {  	[sflag:s12] =	ssyncadd.s32 $0xFFFFFFB0  }
0x1f1: {  	[tilespmem:s11], [sflag:$0xB] =	stream.indirect.gather [hbm4b:s3+s14], $0x80, s9, s14, $0xb8;
	[tilespmem:$0x1E800] =	vst v63  }
0x1f2: {  	_ =	swait.ge [sflag:s26], $0x2800  }
0x1f3: {  	[sflag:s26] =	ssyncset.done $0x0  }
0x1f4: {  	s9 =	simm.s32 $0x10;
	[sflag:s26] =	ssyncadd.s32 $0xFFFFD800  }
0x1f5: {  	[spmem:s6] =	stream.indirect.scatter.add.f32 [tilespmem:s22], [sflag:$0xD], $0x80, s23, s14, $0xb8;
	[tilespmem:$0x1E800] =	vst v63  }
0x1f6: {  	_ =	swait.ge [sflag:s9], $0x2800  }
0x1f7: {  	s0 =	rddreg [dreg:$0x7]  }
0x1f8: {  	[sflag:s9] =	ssyncset.done $0x0;
	s1 =	rddreg [dreg:$0x6]  }
0x1f9: {  	[sflag:s9] =	ssyncadd.s32 $0xFFFFD800;
	s5 =	sadd.s32 s10, s0;
	s0 =	simm.s32 $0x100  }
0x1fa: {  	[tilespmem:s0], [sflag:$0x3] =	stream.linear.gather [hbm4b:s5+s20], $0x50, $0x38;
	[tilespmem:$0x1E800] =	vst v63  }
0x1fb: {  	s24 =	simm.s32 $0x500;
	s4 =	sadd.s32 s10, s1;
	s5 =	simm.s32 $0x8  }
0x1fc: {  	[tilespmem:s24], [sflag:$0x3] =	stream.linear.gather [hbm4b:s4+s20], $0x50, $0x38;
	[tilespmem:$0x1E800] =	vst v63  }
0x1fd: {  	_ =	swait.ge [sflag:s5], $0x50  }
0x1fe: {  	[sflag:s5] =	ssyncset.done $0x0  }
0x1ff: {  	[sflag:s5] =	ssyncadd.s32 $0xFFFFFFB0  }
0x200: {  	_ =	swait.ge [sflag:s5], $0x50  }
0x201: {  	[sflag:s5] =	ssyncset.done $0x0  }
0x202: {  	[sflag:s5] =	ssyncadd.s32 $0xFFFFFFB0  }
0x203: {  	[tilespmem:s2], [sflag:$0xC] =	stream.indirect.gather [hbm4b:s3+s14], $0x80, s21, s14, $0xb8;
	[tilespmem:$0x1E800] =	vst v63  }
0x204: {  	_ =	swait.ge [sflag:s29], $0x2800  }
0x205: {  	[sflag:s29] =	ssyncset.done $0x0  }
0x206: {  	s12 =	simm.s32 $0x680;
	[sflag:s29] =	ssyncadd.s32 $0xFFFFD800  }
0x207: {  	[spmem:s6] =	stream.indirect.scatter.add.f32 [tilespmem:s28], [sflag:$0xE], $0x80, s12, s14, $0xb8;
	[tilespmem:$0x1E800] =	vst v63  }
0x208: {  	_ =	swait.ge [sflag:s7], $0x2800  }
0x209: {  	s4 =	simm.s32 $0x180;
	s21 =	rddreg [dreg:$0x9];
	[sflag:s7] =	ssyncset.done $0x0  }
0x20a: {  	s1 =	rddreg [dreg:$0x8];
	[sflag:s7] =	ssyncadd.s32 $0xFFFFD800;
	s5 =	sadd.s32 s10, s21  }
0x20b: {  	[tilespmem:s4], [sflag:$0x4] =	stream.linear.gather [hbm4b:s5+s20], $0x50, $0x38;
	[tilespmem:$0x1E800] =	vst v63  }
0x20c: {  	s12 =	sadd.s32 s10, s1;
	s21 =	simm.s32 $0x1  }
0x20d: {  	[tilespmem:s25], [sflag:$0x4] =	stream.linear.gather [hbm4b:s12+s20], $0x50, $0x38;
	[tilespmem:$0x1E800] =	vst v63  }
0x20e: {  	_ =	swait.ge [sflag:s21], $0x50  }
0x20f: {  	[sflag:s21] =	ssyncset.done $0x0  }
0x210: {  	[sflag:s21] =	ssyncadd.s32 $0xFFFFFFB0  }
0x211: {  	_ =	swait.ge [sflag:s21], $0x50  }
0x212: {  	[sflag:s21] =	ssyncset.done $0x0  }
0x213: {  	[sflag:s21] =	ssyncadd.s32 $0xFFFFFFB0  }
0x214: {  	[tilespmem:s22], [sflag:$0x9] =	stream.indirect.gather [hbm4b:s3+s14], $0x80, s20, s14, $0xb8;
	[tilespmem:$0x1E800] =	vst v63  }
0x215: {  	_ =	swait.ge [sflag:s8], $0x2800  }
0x216: {  	[sflag:s8] =	ssyncset.done $0x0  }
0x217: {  	s5 =	simm.s32 $0x700;
	[sflag:s8] =	ssyncadd.s32 $0xFFFFD800  }
0x218: {  	[spmem:s6] =	stream.indirect.scatter.add.f32 [tilespmem:s11], [sflag:$0xF], $0x80, s5, s14, $0xb8;
	[tilespmem:$0x1E800] =	vst v63  }
0x219: {  	_ =	swait.ge [sflag:s16], $0x2800  }
0x21a: {  	s1 =	simm.s32 $0x200;
	s12 =	rddreg [dreg:$0xb];
	[sflag:s16] =	ssyncset.done $0x0  }
0x21b: {  	s21 =	rddreg [dreg:$0xa];
	[sflag:s16] =	ssyncadd.s32 $0xFFFFD800;
	s5 =	sadd.s32 s10, s12  }
0x21c: {  	[tilespmem:s1], [sflag:$0x5] =	stream.linear.gather [hbm4b:s5+s20], $0x50, $0x38;
	[tilespmem:$0x1E800] =	vst v63  }
0x21d: {  	s12 =	sadd.s32 s10, s21  }
0x21e: {  	[tilespmem:s23], [sflag:$0x5] =	stream.linear.gather [hbm4b:s12+s20], $0x50, $0x38;
	[tilespmem:$0x1E800] =	vst v63  }
0x21f: {  	_ =	swait.ge [sflag:s17], $0x50  }
0x220: {  	[sflag:s17] =	ssyncset.done $0x0  }
0x221: {  	[sflag:s17] =	ssyncadd.s32 $0xFFFFFFB0  }
0x222: {  	_ =	swait.ge [sflag:s17], $0x50  }
0x223: {  	[sflag:s17] =	ssyncset.done $0x0  }
0x224: {  	[sflag:s17] =	ssyncadd.s32 $0xFFFFFFB0  }
0x225: {  	[tilespmem:s28], [sflag:$0xA] =	stream.indirect.gather [hbm4b:s3+s14], $0x80, s15, s14, $0xb8;
	[tilespmem:$0x1E800] =	vst v63  }
0x226: {  	_ =	swait.ge [sflag:s13], $0x2800  }
0x227: {  	[sflag:s13] =	ssyncset.done $0x0  }
0x228: {  	s15 =	simm.s32 $0x780;
	[sflag:s13] =	ssyncadd.s32 $0xFFFFD800  }
0x229: {  	[spmem:s6] =	stream.indirect.scatter.add.f32 [tilespmem:s2], [sflag:$0x10], $0x80, s15, s14, $0xb8;
	[tilespmem:$0x1E800] =	vst v63  }
0x22a: {  	_ =	swait.ge [sflag:s18], $0x2800  }
0x22b: {  	[sflag:s18] =	ssyncset.done $0x0  }
0x22c: {  	[sflag:s18] =	ssyncadd.s32 $0xFFFFD800  }
0x22d: {  	_ =	swait.ge [sflag:s30], $0x50  }
0x22e: {  	[sflag:s30] =	ssyncset.done $0x0  }
0x22f: {  	[sflag:s30] =	ssyncadd.s32 $0xFFFFFFB0  }
0x230: {  	_ =	swait.ge [sflag:s30], $0x50  }
0x231: {  	[sflag:s30] =	ssyncset.done $0x0  }
0x232: {  	[sflag:s30] =	ssyncadd.s32 $0xFFFFFFB0  }
0x233: {  	[tilespmem:s11], [sflag:$0xB] =	stream.indirect.gather [hbm4b:s3+s14], $0x80, s0, s14, $0xb8;
	[tilespmem:$0x1E800] =	vst v63  }
0x234: {  	_ =	swait.ge [sflag:s26], $0x2800  }
0x235: {  	[sflag:s26] =	ssyncset.done $0x0  }
0x236: {  	s17 =	simm.s32 $0x400;
	[sflag:s26] =	ssyncadd.s32 $0xFFFFD800  }
0x237: {  	[spmem:s6] =	stream.indirect.scatter.add.f32 [tilespmem:s22], [sflag:$0xD], $0x80, s17, s14, $0xb8;
	[tilespmem:$0x1E800] =	vst v63  }
0x238: {  	_ =	swait.ge [sflag:s9], $0x2800  }
0x239: {  	[sflag:s9] =	ssyncset.done $0x0  }
0x23a: {  	[sflag:s9] =	ssyncadd.s32 $0xFFFFD800  }
0x23b: {  	_ =	swait.ge [sflag:s19], $0x50  }
0x23c: {  	[sflag:s19] =	ssyncset.done $0x0  }
0x23d: {  	[sflag:s19] =	ssyncadd.s32 $0xFFFFFFB0  }
0x23e: {  	_ =	swait.ge [sflag:s19], $0x50  }
0x23f: {  	[sflag:s19] =	ssyncset.done $0x0  }
0x240: {  	[sflag:s19] =	ssyncadd.s32 $0xFFFFFFB0  }
0x241: {  	[tilespmem:s2], [sflag:$0xC] =	stream.indirect.gather [hbm4b:s3+s14], $0x80, s4, s14, $0xb8;
	[tilespmem:$0x1E800] =	vst v63  }
0x242: {  	_ =	swait.ge [sflag:s29], $0x2800  }
0x243: {  	[sflag:s29] =	ssyncset.done $0x0  }
0x244: {  	s21 =	simm.s32 $0x480;
	[sflag:s29] =	ssyncadd.s32 $0xFFFFD800  }
0x245: {  	[spmem:s6] =	stream.indirect.scatter.add.f32 [tilespmem:s28], [sflag:$0xE], $0x80, s21, s14, $0xb8;
	[tilespmem:$0x1E800] =	vst v63  }
0x246: {  	_ =	swait.ge [sflag:s7], $0x2800  }
0x247: {  	[sflag:s7] =	ssyncset.done $0x0  }
0x248: {  	[sflag:s7] =	ssyncadd.s32 $0xFFFFD800  }
0x249: {  	_ =	swait.ge [sflag:s31], $0x50  }
0x24a: {  	[sflag:s31] =	ssyncset.done $0x0  }
0x24b: {  	[sflag:s31] =	ssyncadd.s32 $0xFFFFFFB0  }
0x24c: {  	_ =	swait.ge [sflag:s31], $0x50  }
0x24d: {  	[sflag:s31] =	ssyncset.done $0x0  }
0x24e: {  	[sflag:s31] =	ssyncadd.s32 $0xFFFFFFB0  }
0x24f: {  	[tilespmem:s22], [sflag:$0x9] =	stream.indirect.gather [hbm4b:s3+s14], $0x80, s1, s14, $0xb8;
	[tilespmem:$0x1E800] =	vst v63  }
0x250: {  	_ =	swait.ge [sflag:s8], $0x2800  }
0x251: {  	[sflag:s8] =	ssyncset.done $0x0  }
0x252: {  	s24 =	simm.s32 $0x500;
	[sflag:s8] =	ssyncadd.s32 $0xFFFFD800  }
0x253: {  	[spmem:s6] =	stream.indirect.scatter.add.f32 [tilespmem:s11], [sflag:$0xF], $0x80, s24, s14, $0xb8;
	[tilespmem:$0x1E800] =	vst v63  }
0x254: {  	_ =	swait.ge [sflag:s13], $0x2800  }
0x255: {  	[sflag:s13] =	ssyncset.done $0x0  }
0x256: {  	[sflag:s13] =	ssyncadd.s32 $0xFFFFD800  }
0x257: {  	[spmem:s6] =	stream.indirect.scatter.add.f32 [tilespmem:s2], [sflag:$0x10], $0x80, s25, s14, $0xb8;
	[tilespmem:$0x1E800] =	vst v63  }
0x258: {  	_ =	swait.ge [sflag:s26], $0x2800  }
0x259: {  	[sflag:s26] =	ssyncset.done $0x0  }
0x25a: {  	[sflag:s26] =	ssyncadd.s32 $0xFFFFD800  }
0x25b: {  	[spmem:s6] =	stream.indirect.scatter.add.f32 [tilespmem:s22], [sflag:$0xD], $0x80, s23, s14, $0xb8;
	[tilespmem:$0x1E800] =	vst v63  }
0x25c: {  	_ =	swait.ge [sflag:s16], $0x2800  }
0x25d: {  	[sflag:s16] =	ssyncset.done $0x0  }
0x25e: {  	[sflag:s16] =	ssyncadd.s32 $0xFFFFD800  }
0x25f: {  	_ =	swait.ge [sflag:s18], $0x2800  }
0x260: {  	[sflag:s18] =	ssyncset.done $0x0  }
0x261: {  	[sflag:s18] =	ssyncadd.s32 $0xFFFFD800  }
0x262: {  	_ =	swait.ge [sflag:s9], $0x2800  }
0x263: {  	[sflag:s9] =	ssyncset.done $0x0  }
0x264: {  	[sflag:s9] =	ssyncadd.s32 $0xFFFFD800  }
0x265: {  	_ =	swait.ge [sflag:s7], $0x2800  }
0x266: {  	[sflag:s7] =	ssyncset.done $0x0  }
0x267: {  	[sflag:s7] =	ssyncadd.s32 $0xFFFFD800  }
0x268: {  	[bflag:$0x0] =	sbarrier.arrive $0xFFFF  }
0x269: {  	s25 =	stileid.u32;
	s29 =	sld [smem:$0x7F9]  }
0x26a: {  	s5 =	sshll.u32 s25, $0x6;
	s12 =	rddreg [dreg:$0x1e]  }
0x26b: {  	s28 =	simm.s32 $0x11;
	s5 =	sor.u32 $0x1C11, s5;
	s26 =	sshrl.u32 s12, $0x3  }
0x26c: {  	[hbm:s29], [sflag:s5] =	dma.local [spmem:s26], $0x2800  }
0x26d: {  	_ =	swait.ge [sflag:s28], $0x2800  }
0x26e: {  	s30 =	sld [smem:$0x7F3]  }
0x26f: {  	s31 =	sld [smem:$0x7FA];
	_ =	sdelay $0x1  }
0x270: {  	s11 =	sadd.s32 $0x1, s30  }
0x271: {  	p0 =	sne.s32 s11, s31  }
.Ltmp2:
0x272: {  	s10 =	simm.s32 $0x100;
	(pc) =	sbr.rel @p0 .LBB2_1-.Ltmp2, $4  }
0x273: {  	s0 =	simm.s32 $0x200;
	s17 =	simm.s32 $0x580;
	s19 =	simm.s32 $0x80  }
0x274: {  	s4 =	simm.s32 $0x480;
	s21 =	simm.s32 $0x600;
	s1 =	smov.u32 s6  }
0x275: {  	s8 =	simm.s32 $0x400;
	s13 =	simm.s32 $0x9;
	[sflag:s28] =	ssyncset.done $0x0  }
0x276: {  	s23 =	simm.s32 $0x180;
	s18 =	simm.s32 $0x500;
	[sflag:s28] =	ssyncadd.s32 $0xFFFFD800  }
0x277: {  	_ =	sfence.sel $0x180000  }
0x278: {  	[bflag:$0x0] =	sbarrier.arrive $0xFFFF  }
0x279: {  	_ =	strace $0x90000047  }
0x27a: {  	s0 =	stileid.u32;
	[bflag:$0x2] =	sbarrier.arrive $0xFFFF  }
0x27b: {  	p0 =	sne.s32 s0, $0x0;
	s0 =	rddreg [dreg:$0x3]  }
0x27c: {  	s0 =	sadd.s32 @!p0 $0x100000, s0  }
0x27d: {  	[sflag:s0] =	ssyncadd.tile.s32 @!p0 $0x1;
	_ =	shalt  }
.Lfunc_end2:
_tile_overlayer_lowered:
.L_overlay_start_2:
0x27e: {  	(tag) =	ssettag $0x2  }
0x27f: {  	s0 =	rddreg [dreg:$0x0];
	s2 =	stileid.u32  }
0x280: {  	s1 =	rddreg [dreg:$0x1];
	p0 =	sne.s32 s2, $0x0  }
0x281: {  	s3 =	rddreg [dreg:$0x2];
	[bflag:$0x3] =	sbarrier.arrive $0xFFFF;
	s2 =	simm.s32 @!p0 $0x1C11  }
0x282: {  	[timem:s3], [sflag:s2] =	dma.local @!p0 [hbm:s0], s1  }
0x283: {  	s0 =	simm.s32 @!p0 $0x11  }
0x284: {  	_ =	swait.ge @!p0 [sflag:s0], s1  }
0x285: {  	s1 =	ssub.s32 @!p0 $0x0, s1;
	[sflag:s0] =	ssyncset.done @!p0 $0x0  }
0x286: {  	[sflag:s0] =	ssyncadd.s32 @!p0 s1  }
0x287: {  	[bflag:$0x3] =	sbarrier.arrive $0xFFFF  }
0x288: {  	_ =	shalt  }

// kernel: kernel.9.cloned.1.call-start
scs
__scs_entry_jumppad:
0x0: {  	(pc) =	sbr.rel $0x88, $3  }
0x1: {  	(tag) =	ssettag $0x0;
	lr =	simm.s32 $0x1  }
0x2: {  	[smem:$0x3F91] =	sst lr;
	_ =	strace $0xD0000000  }
0x3: {  	_ = 	snop  }
0x4: {  	_ = 	snop  }
0x5: {  	_ = 	snop  }
0x6: {  	_ = 	snop  }
0x7: {  	_ = 	snop  }
__scs_overlays_trampoline_lowered:
0x8: {  	[smem:$0x3FA0] =	sst s0  }
0x9: {  	[smem:$0x3FA1] =	sst s1  }
0xa: {  	[smem:$0x3FA2] =	sst s2  }
0xb: {  	[smem:$0x3FA3] =	sst s3  }
0xc: {  	[smem:$0x3FA4] =	sst s4  }
0xd: {  	[smem:$0x3FA5] =	sst s5  }
0xe: {  	[smem:$0x3FA6] =	sst s6  }
0xf: {  	[smem:$0x3FA7] =	sst s7  }
0x10: {  	[smem:$0x3FA8] =	sst s8  }
0x11: {  	[smem:$0x3FA9] =	sst s9;
	s0 =	simm.s32 @!p0 $0x0  }
0x12: {  	s1 =	sld [smem:$0x3F8F];
	s0 =	simm.s32 @p0 $0x1  }
0x13: {  	[smem:$0x3FAA] =	sst s0;
	s0 =	simm.s32 @!p1 $0x0  }
0x14: {  	s2 =	sld [smem:$0x3F8E];
	s0 =	simm.s32 @p1 $0x1  }
0x15: {  	[smem:$0x3FAB] =	sst s0;
	s0 =	simm.s32 @!p2 $0x0  }
0x16: {  	s3 =	sld [smem:$0x3FDB];
	s0 =	simm.s32 @p2 $0x1  }
0x17: {  	s4 =	simm.s32 $0x1BF5;
	[smem:$0x3FAD] =	sst s0  }
0x18: {  	s0 =	sld [smem:$0x3F90];
	_ =	swait.ge [sflag:s4], $0x0  }
0x19: {  	s7 =	sld [smem:$0x3F91]  }
0x1a: {  	s8 =	sadd.s32 $0xFFFFE003, lr  }
0x1b: {  	s9 =	sadd.s32 $0xFFFFFEF7, lr;
	s5 =	simm.s32 $0xFFFFFFFF;
	p2 =	slt.u32 s8, $0xFFFFF086  }
0x1c: {  	p1 =	slt.u32 s9, $0xF7A;
	s5 =	simm.s32 @!p2 $0x0  }
0x1d: {  	s5 =	simm.s32 @p1 $0x1;
	p0 =	seq.s32 s7, s2  }
0x1e: {  	s7 =	smul.u32 @!p0 $0xF7A, s2;
	p2 =	seq.s32 @!p0 s5, $0x0  }
0x1f: {  	s9 =	smul.u32 $0xF7A, s1;
	s8 =	simm.s32 @!p0 $0x1BF5;
	p2 =	por !p2, p0  }
0x20: {  	[sflag:s8] =	ssyncset.s32 @!p0 $0xFFFFF086;
	s6 =	sadd.s32 @!p0 s3, s7;
	s7 =	simm.s32 @!p0 $0x108  }
0x21: {  	s3 =	sadd.s32 s3, s9;
	s6 =	sadd.s32 @!p0 $0x88, s6;
	s7 =	simm.s32 @p2 $0x1082  }
0x22: {  	[simem:s7], [sflag:s8] =	dma.local @!p0 [hbm:s6], $0xF7A  }
0x23: {  	s9 =	sor.u32 $0xD0000000, s2;
	s6 =	simm.s32 $0x108;
	_ =	swait.ge @!p0 [sflag:s8], $0x0  }
0x24: {  	s3 =	sadd.s32 $0x88, s3;
	s6 =	simm.s32 @!p1 $0x1082;
	[sflag:s4] =	ssyncset.s32 $0xFFFFF086  }
0x25: {  	[simem:s6], [sflag:s4] =	dma.local [hbm:s3], $0xF7A  }
0x26: {  	[smem:$0x3F91] =	sst s1;
	(tag) =	ssettag s2;
	_ =	strace s9  }
0x27: {  	s1 =	sld [smem:$0x3FA1]  }
0x28: {  	s2 =	sld [smem:$0x3FA2]  }
0x29: {  	s4 =	sld [smem:$0x3FA4]  }
0x2a: {  	p0 =	seq.s32 s5, $0x0;
	s5 =	sld [smem:$0x3FA5]  }
0x2b: {  	s6 =	sld [smem:$0x3FA6]  }
0x2c: {  	s7 =	sld [smem:$0x3FA7]  }
0x2d: {  	s3 =	simm.s32 $0x108;
	s8 =	sld [smem:$0x3FA8]  }
0x2e: {  	s3 =	simm.s32 @!p0 $0x1082;
	s9 =	sld [smem:$0x3FA9]  }
0x2f: {  	lr =	sadd.s32 s0, s3;
	s0 =	sld [smem:$0x3FA0]  }
0x30: {  	s3 =	sld [smem:$0x3FA3]  }
0x31: {  	[smem:$0x3FAC] =	sst s10  }
0x32: {  	s10 =	sld [smem:$0x3FAA];
	_ =	sdelay $0x3  }
0x33: {  	p0 =	seq.s32 s10, $0x1;
	s10 =	sld [smem:$0x3FAC];
	_ =	sdelay $0x3  }
0x34: {  	[smem:$0x3FAC] =	sst s10  }
0x35: {  	s10 =	sld [smem:$0x3FAB];
	_ =	sdelay $0x3  }
0x36: {  	p1 =	seq.s32 s10, $0x1;
	s10 =	sld [smem:$0x3FAC];
	_ =	sdelay $0x3  }
0x37: {  	[smem:$0x3FAC] =	sst s10  }
0x38: {  	s10 =	sld [smem:$0x3FAD]  }
0x39: {  	_ = 	snop;
	(pc) =	sbr.ind lr, $3  }
0x3a: {  	_ = 	snop  }
0x3b: {  	_ = 	snop  }
0x3c: {  	p2 =	seq.s32 s10, $0x1;
	s10 =	sld [smem:$0x3FAC]  }
0x3d: {  	_ =	shalt  }
0x3e: {  	_ =	shalt  }
0x3f: {  	_ =	shalt  }
0x40: {  	_ =	shalt  }
0x41: {  	_ =	shalt  }
0x42: {  	_ =	shalt  }
0x43: {  	_ =	shalt  }
0x44: {  	_ =	shalt  }
0x45: {  	_ =	shalt  }
0x46: {  	_ =	shalt  }
0x47: {  	_ =	shalt  }
0x48: {  	_ =	shalt  }
0x49: {  	_ =	shalt  }
0x4a: {  	_ =	shalt  }
0x4b: {  	_ =	shalt  }
0x4c: {  	_ =	shalt  }
0x4d: {  	_ =	shalt  }
0x4e: {  	_ =	shalt  }
0x4f: {  	_ =	shalt  }
0x50: {  	_ =	shalt  }
0x51: {  	_ =	shalt  }
0x52: {  	_ =	shalt  }
0x53: {  	_ =	shalt  }
0x54: {  	_ =	shalt  }
0x55: {  	_ =	shalt  }
0x56: {  	_ =	shalt  }
0x57: {  	_ =	shalt  }
0x58: {  	_ =	shalt  }
0x59: {  	_ =	shalt  }
0x5a: {  	_ =	shalt  }
0x5b: {  	_ =	shalt  }
0x5c: {  	_ =	shalt  }
0x5d: {  	_ =	shalt  }
0x5e: {  	_ =	shalt  }
0x5f: {  	_ =	shalt  }
0x60: {  	_ =	shalt  }
0x61: {  	_ =	shalt  }
0x62: {  	_ =	shalt  }
0x63: {  	_ =	shalt  }
0x64: {  	_ =	shalt  }
0x65: {  	_ =	shalt  }
0x66: {  	_ =	shalt  }
0x67: {  	_ =	shalt  }
0x68: {  	_ =	shalt  }
0x69: {  	_ =	shalt  }
0x6a: {  	_ =	shalt  }
0x6b: {  	_ =	shalt  }
0x6c: {  	_ =	shalt  }
0x6d: {  	_ =	shalt  }
0x6e: {  	_ =	shalt  }
0x6f: {  	_ =	shalt  }
0x70: {  	_ =	shalt  }
0x71: {  	_ =	shalt  }
0x72: {  	_ =	shalt  }
0x73: {  	_ =	shalt  }
0x74: {  	_ =	shalt  }
0x75: {  	_ =	shalt  }
0x76: {  	_ =	shalt  }
0x77: {  	_ =	shalt  }
0x78: {  	_ =	shalt  }
0x79: {  	_ =	shalt  }
0x7a: {  	_ =	shalt  }
0x7b: {  	_ =	shalt  }
0x7c: {  	_ =	shalt  }
0x7d: {  	_ =	shalt  }
0x7e: {  	_ =	shalt  }
0x7f: {  	_ =	shalt  }
0x80: {  	_ =	shalt  }
0x81: {  	_ =	shalt  }
0x82: {  	_ =	shalt  }
0x83: {  	_ =	shalt  }
0x84: {  	_ =	shalt  }
0x85: {  	_ =	shalt  }
0x86: {  	_ =	shalt  }
0x87: {  	_ =	shalt  }
.Lfunc_end0:
.L_simem_size_0:
called_computation.1_lowered:
.L_overlay_start_0:
0x88: {  	s2 =	sld [smem:$0x3FD9]  }
0x89: {  	s3 =	sld [smem:$0x3FFE];
	_ =	sdelay $0x1  }
0x8a: {  	s1 =	srdreg.scid  }
0x8b: {  	s0 =	sand.u32 $0x1, s1  }
0x8c: {  	s17 =	sshll.u32 s0, $0xA;
	s2 =	sadd.s32 s3, s2  }
0x8d: {  	s2 =	sadd.s32 s2, s17  }
0x8e: {  	[smem:$0x3FB8] =	sst s2  }
0x8f: {  	_ = 	snop  }
0x90: {  	s2 =	sld [smem:$0x3FD0];
	(tm) =	ssettm $0x1  }
0x91: {  	s18 =	sld [smem:$0x3FFB];
	_ =	sdelay $0x3  }
0x92: {  	_ =	strace s18  }
0x93: {  	s3 =	sld [smem:$0x3FFC];
	_ =	sdelay $0x3  }
0x94: {  	_ =	strace s3  }
0x95: {  	s3 =	sld [smem:$0x3FFD];
	_ =	sdelay $0x3  }
0x96: {  	_ =	strace s3  }
0x97: {  	_ =	strace $0x8FFFFFFF  }
0x98: {  	s19 =	sld [smem:$0x3FDB];
	_ =	sdelay $0x1  }
0x99: {  	s4 =	simm.s32 $_scs_section_size  }
0x9a: {  	s5 =	simm.s32 $_size__tile_overlayer_lowered;
	s6 =	simm.s32 $_tile_overlayer_lowered  }
0x9b: {  	s22 =	simm.s32 $0x1BFF;
	s21 =	sshll.u32 s6, $0x1;
	s3 =	sadd.s32 s4, s19  }
0x9c: {  	s7 =	simm.s32 $0x0;
	s20 =	sshll.u32 s5, $0x1;
	s5 =	sadd.s32 s21, s3  }
0x9d: {  	[timem:s7], [sflag:s22] =	dma.local [hbm:s5], s20  }
0x9e: {  	_ =	swait.ge [sflag:s22], s20  }
0x9f: {  	s4 =	ssub.s32 $0x0, s20;
	[sflag:s22] =	ssyncset.done $0x0  }
0xa0: {  	[sflag:s22] =	ssyncadd.s32 s4;
	_ =	sdelay $0x1  }
0xa1: {  	s23 =	simm.s32 $0x1B8B  }
0xa2: {  	_ =	swait.ge [sflag:s23], $0x1  }
0xa3: {  	[sflag:s23] =	ssyncset.done $0x0  }
0xa4: {  	s25 =	simm.s32 $0x1B8E;
	s24 =	sld [smem:$0x3FFE];
	[sflag:s23] =	ssyncadd.s32 $0xFFFFFFFF  }
0xa5: {  	s26 =	simm.s32 $execute0_lowered;
	[smem:$0x3FD2] =	sst s25  }
0xa6: {  	s5 =	sshll.u32 s26, $0x1;
	_ =	strace $0x80000049;
	[dreg:$0x1] =	wrdreg $0xFFFFFFFF  }
0xa7: {  	s28 =	simm.s32 $_size_execute0_lowered;
	s3 =	sadd.s32 s3, s5;
	[dreg:$0x0] =	wrdreg $0x0  }
0xa8: {  	s5 =	sshll.u32 s28, $0x1;
	[dreg:$0x2] =	wrdreg s3  }
0xa9: {  	[dreg:$0x3] =	wrdreg s5  }
0xaa: {  	[dreg:$0x4] =	wrdreg $0xC0  }
0xab: {  	_ =	task [dreg:s7], $0x5FFFF  }
0xac: {  	[dreg:$0x1] =	wrdreg $0xFFFFFFFF  }
0xad: {  	[dreg:$0x0] =	wrdreg $0x60  }
0xae: {  	[dreg:$0x2] =	wrdreg s2  }
0xaf: {  	[dreg:$0x3] =	wrdreg s24  }
0xb0: {  	[dreg:$0x4] =	wrdreg $0xA8000  }
0xb1: {  	[dreg:$0x5] =	wrdreg $0x9  }
0xb2: {  	_ =	task.clear_ibuf [dreg:s7], $0x6FFFF;
	_ =	strace $0x90000049  }
0xb3: {  	s29 =	simm.s32 $0x9;
	_ =	strace $0x8000004B  }
0xb4: {  	_ =	swait.ge [sflag:s29], $0x1  }
0xb5: {  	[sflag:s29] =	ssyncadd.s32 $0xFFFFFFFF  }
0xb6: {  	_ =	strace $0x9000004B  }
0xb7: {  	_ =	sfence  }
0xb8: {  	s30 =	sld [smem:$0x0];
	_ =	sdelay $0x2  }
0xb9: {  	s31 =	sshll.u32 s1, $0xD;
	s1 =	sshrl.u32 s1, $0x2  }
0xba: {  	s3 =	sand.u32 $0x4000, s31;
	s1 =	sadd.s32 s1, s30  }
0xbb: {  	s0 =	sor.u32 s3, s0;
	s1 =	sshll.u32 s1, $0x11  }
0xbc: {  	s0 =	sor.u32 s1, s0  }
0xbd: {  	s0 =	sadd.s32 $0x8F2B, s0  }
0xbe: {  	[sflag:s0] =	ssyncadd.remote.s32 $0x1  }
0xbf: {  	_ =	sfence.sel $0xFFFF  }
0xc0: {  	[dreg:$0x0] =	wrdreg $0xFFFFFFFF;
	(pc) =	sbr.abs _section_cstart, $3  }
0xc1: {  	[dreg:$0x1] =	wrdreg $0xFFFFFFFF  }
0xc2: {  	_ =	task.clear_ibuf [dreg:s7], $0x2FFFF;
	_ =	strace $0x9FFFFFFF  }
0xc3: {  	(tm) =	ssettm $0x7FFFFFFF  }
tec
execute0_lowered:
.L_overlay_start_1:
0x0: {  	(tag) =	ssettag $0x1  }
0x1: {  	s19 =	rddreg [dreg:$0x0]  }
0x2: {  	s0 =	srdreg.scid;
	s10 =	stileid.u32  }
0x3: {  	s1 =	rddreg [dreg:$0x1];
	s2 =	smul.u32 $0x2800, s10  }
0x4: {  	s16 =	rddreg [dreg:$0x2];
	s8 =	smul.u32 $0x4E20, s10  }
0x5: {  	s4 =	simm.s32 $0x0;
	s30 =	simm.s32 $0x80;
	s13 =	smul.u32 $0x50000, s10  }
0x6: {  	s28 =	simm.s32 $0x180;
	s0 =	sand.u32 $0x1, s0;
	s21 =	smul.u32 $0x9C4, s10  }
0x7: {  	s29 =	simm.s32 $0x7;
	[smem:$0x7FF] =	sst s4;
	s6 =	smul.u32 $0x28000, s0  }
0x8: {  	s9 =	sadd.s32 $0xD200, s1;
	s5 =	sadd.s32 $0x17000, s1;
	s7 =	smul.u32 $0x4E200, s0  }
0x9: {  	_ =	strace $0x8000004A;
	s0 =	ssub.s32 $0x2, s0;
	s11 =	sshrl.u32 s8, $0x3  }
0xa: {  	s2 =	sadd.s32 s2, s6;
	s6 =	sadd.s32 s8, s7;
	s8 =	sadd.s32 s9, s11  }
0xb: {  	s3 =	sshrl.u32 s0, $0x1;
	s11 =	sadd.s32 $0xA, s8;
	[dreg:$0xc] =	wrdreg s8  }
0xc: {  	s0 =	ssub.s32 s0, s3;
	s15 =	sadd.s32 $0x14, s8;
	[dreg:$0xe] =	wrdreg s11  }
0xd: {  	s1 =	sadd.s32 s2, s1;
	s18 =	sadd.s32 $0x1E, s8;
	[dreg:$0x10] =	wrdreg s15  }
0xe: {  	s7 =	sshrl.u32 s6, $0x3;
	s20 =	sadd.s32 $0x28, s8;
	[dreg:$0x12] =	wrdreg s18  }
0xf: {  	s2 =	sshrl.u32 s13, $0x2;
	s0 =	smax.u32 s0, $0x1;
	[dreg:$0x14] =	wrdreg s20  }
0x10: {  	s22 =	sadd.s32 $0x2D0, s6;
	s7 =	sadd.s32 s19, s7;
	[dreg:$0x1c] =	wrdreg s0  }
0x11: {  	s24 =	sadd.s32 $0x3C0, s6;
	s1 =	sadd.s32 $0x65200, s1;
	[dreg:$0xb] =	wrdreg s7  }
0x12: {  	s26 =	sshrl.u32 s24, $0x3;
	s24 =	sadd.s32 $0x280, s6;
	[dreg:$0x1b] =	wrdreg s1  }
0x13: {  	s3 =	sadd.s32 $0x370, s6;
	s12 =	sadd.s32 $0xA, s7;
	[dreg:$0x1d] =	wrdreg s24  }
0x14: {  	s8 =	sadd.s32 $0x320, s6;
	s14 =	sadd.s32 $0x14, s7;
	[dreg:$0xd] =	wrdreg s12  }
0x15: {  	s18 =	sadd.s32 s21, s9;
	s17 =	sadd.s32 $0x1E, s7;
	[dreg:$0xf] =	wrdreg s14  }
0x16: {  	s9 =	sadd.s32 $0x230, s6;
	s7 =	sadd.s32 $0x28, s7;
	[dreg:$0x11] =	wrdreg s17  }
0x17: {  	s31 =	sadd.s32 s26, s19;
	s11 =	sshrl.u32 s9, $0x3;
	[dreg:$0x13] =	wrdreg s7  }
0x18: {  	s12 =	sadd.s32 s2, s16;
	[dreg:$0x5] =	wrdreg s31;
	s13 =	sadd.s32 s11, s19  }
0x19: {  	s7 =	sshrl.u32 s22, $0x3;
	s31 =	simm.s32 $0x0;
	[dreg:$0x8] =	wrdreg s13  }
0x1a: {  	s14 =	sadd.s32 $0x1E0, s6;
	s17 =	sadd.s32 $0x190, s6;
	[smem:$0x7FD] =	sst s31  }
0x1b: {  	s11 =	simm.s32 $0x100;
	s2 =	sadd.s32 $0x2800, s12;
	[dreg:$0x15] =	wrdreg s12  }
0x1c: {  	s6 =	simm.s32 $0x9;
	s23 =	sadd.s32 $0x5000, s12;
	[dreg:$0x16] =	wrdreg s2  }
0x1d: {  	s25 =	sadd.s32 s7, s19;
	s7 =	sshrl.u32 s3, $0x3;
	[dreg:$0x17] =	wrdreg s23  }
0x1e: {  	s15 =	sshrl.u32 s14, $0x3;
	s20 =	sadd.s32 $0x7800, s12;
	[dreg:$0x4] =	wrdreg s25  }
0x1f: {  	s21 =	sadd.s32 $0xA000, s12;
	s26 =	sadd.s32 $0x11800, s12;
	[dreg:$0x18] =	wrdreg s20  }
0x20: {  	s13 =	simm.s32 $0x580;
	s14 =	simm.s32 $0x1;
	[dreg:$0x19] =	wrdreg s21  }
0x21: {  	s2 =	sadd.s32 s7, s19;
	s7 =	sshrl.u32 s8, $0x3;
	[dreg:$0x1f] =	wrdreg s26  }
0x22: {  	s23 =	sadd.s32 $0xC800, s12;
	s25 =	sadd.s32 $0xF000, s12;
	[dreg:$0x6] =	wrdreg s2  }
0x23: {  	s21 =	simm.s32 $0x480;
	s26 =	simm.s32 $0x500;
	[dreg:$0x1a] =	wrdreg s23  }
0x24: {  	s20 =	simm.s32 $0x200;
	s10 =	sadd.s32 s7, s19;
	[dreg:$0x1e] =	wrdreg s25  }
0x25: {  	s2 =	sadd.s32 s15, s19;
	s7 =	sshrl.u32 s17, $0x3;
	[dreg:$0x7] =	wrdreg s10  }
0x26: {  	s23 =	simm.s32 $0x400;
	[dreg:$0x9] =	wrdreg s2;
	s22 =	sadd.s32 s7, s19  }
0x27: {  	v0 =	vimm.f32 $0.0e+00;
	s15 =	simm.s32 $0x50;
	s7 =	simm.s32 $0x11;
	[dreg:$0xa] =	wrdreg s22  }
.LBB2_1:
0x28: {  	s1 =	rddreg [dreg:$0xb]  }
0x29: {  	s2 =	rddreg [dreg:$0xc]  }
0x2a: {  	[tilespmem:s4], [sflag:$0x1] =	stream.linear.gather [hbm4b:s1+s4], $0x50, $0x38;
	[tilespmem:$0x1E800] =	vst v63  }
0x2b: {  	s3 =	rddreg [dreg:$0xd]  }
0x2c: {  	[tilespmem:s23], [sflag:$0x1] =	stream.linear.gather [hbm4b:s2+s4], $0x50, $0x38;
	[tilespmem:$0x1E800] =	vst v63  }
0x2d: {  	s8 =	rddreg [dreg:$0xe]  }
0x2e: {  	[tilespmem:s30], [sflag:$0x2] =	stream.linear.gather [hbm4b:s3+s4], $0x50, $0x38;
	[tilespmem:$0x1E800] =	vst v63  }
0x2f: {  	s9 =	rddreg [dreg:$0xf]  }
0x30: {  	[tilespmem:s21], [sflag:$0x2] =	stream.linear.gather [hbm4b:s8+s4], $0x50, $0x38;
	[tilespmem:$0x1E800] =	vst v63  }
0x31: {  	s10 =	rddreg [dreg:$0x10]  }
0x32: {  	[tilespmem:s11], [sflag:$0x3] =	stream.linear.gather [hbm4b:s9+s4], $0x50, $0x38;
	[tilespmem:$0x1E800] =	vst v63  }
0x33: {  	s17 =	rddreg [dreg:$0x11]  }
0x34: {  	[tilespmem:s26], [sflag:$0x3] =	stream.linear.gather [hbm4b:s10+s4], $0x50, $0x38;
	[tilespmem:$0x1E800] =	vst v63  }
0x35: {  	s22 =	rddreg [dreg:$0x12]  }
0x36: {  	[tilespmem:s28], [sflag:$0x4] =	stream.linear.gather [hbm4b:s17+s4], $0x50, $0x38;
	[tilespmem:$0x1E800] =	vst v63  }
0x37: {  	s24 =	rddreg [dreg:$0x13]  }
0x38: {  	[tilespmem:s13], [sflag:$0x4] =	stream.linear.gather [hbm4b:s22+s4], $0x50, $0x38;
	[tilespmem:$0x1E800] =	vst v63  }
0x39: {  	s25 =	rddreg [dreg:$0x14]  }
0x3a: {  	[tilespmem:s20], [sflag:$0x5] =	stream.linear.gather [hbm4b:s24+s4], $0x50, $0x38;
	[tilespmem:$0x1E800] =	vst v63  }
0x3b: {  	s31 =	simm.s32 $0x600;
	s1 =	simm.s32 $0x0;
	s13 =	simm.s32 $0x200  }
0x3c: {  	[tilespmem:s31], [sflag:$0x5] =	stream.linear.gather [hbm4b:s25+s4], $0x50, $0x38;
	[tilespmem:$0x1E800] =	vst v63  }
.LBB2_2:
0x3d: {  	p0 =	sne.s32 s13, $0x9E00;
	[tilespmem:s1+$0x870] =	vst v0  }
0x3e: {  	[tilespmem:s1+$0x800] =	vst v0  }
0x3f: {  	[tilespmem:s1+$0x810] =	vst v0  }
.Ltmp0:
0x40: {  	[tilespmem:s1+$0x820] =	vst v0;
	(pc) =	sbr.rel @p0 .LBB2_2-.Ltmp0, $4  }
0x41: {  	[tilespmem:s1+$0x830] =	vst v0  }
0x42: {  	[tilespmem:s1+$0x840] =	vst v0  }
0x43: {  	[tilespmem:s1+$0x850] =	vst v0  }
0x44: {  	[tilespmem:s1+$0x860] =	vst v0;
	s1 =	sshra.s32 s13, $0x2;
	s13 =	sadd.s32 $0x200, s13  }
0x45: {  	[tilespmem:s1+$0x870] =	vst v0  }
0x46: {  	[tilespmem:s1+$0x800] =	vst v0  }
0x47: {  	[tilespmem:s1+$0x810] =	vst v0  }
0x48: {  	[tilespmem:s1+$0x820] =	vst v0  }
0x49: {  	[tilespmem:s1+$0x830] =	vst v0  }
0x4a: {  	[tilespmem:s1+$0x840] =	vst v0  }
0x4b: {  	[tilespmem:s1+$0x850] =	vst v0  }
0x4c: {  	[tilespmem:s1+$0x860] =	vst v0;
	s17 =	simm.s32 $0x800  }
0x4d: {  	[spmem:s12] =	stream.linear.scatter [tilespmem:s17], [sflag:$0x11], $0x2800, $0x38;
	[tilespmem:$0x1E800] =	vst v63  }
0x4e: {  	_ =	swait.ge [sflag:s7], $0x2800  }
0x4f: {  	[sflag:s7] =	ssyncset.done $0x0  }
0x50: {  	s12 =	simm.s32 $0x800;
	s20 =	rddreg [dreg:$0x16];
	[sflag:s7] =	ssyncadd.s32 $0xFFFFD800  }
0x51: {  	[spmem:s20] =	stream.linear.scatter [tilespmem:s12], [sflag:$0x11], $0x2800, $0x38;
	[tilespmem:$0x1E800] =	vst v63  }
0x52: {  	_ =	swait.ge [sflag:s7], $0x2800  }
0x53: {  	[sflag:s7] =	ssyncset.done $0x0  }
0x54: {  	s22 =	rddreg [dreg:$0x17];
	[sflag:s7] =	ssyncadd.s32 $0xFFFFD800  }
0x55: {  	[spmem:s22] =	stream.linear.scatter [tilespmem:s12], [sflag:$0x11], $0x2800, $0x38;
	[tilespmem:$0x1E800] =	vst v63  }
0x56: {  	_ =	swait.ge [sflag:s7], $0x2800  }
0x57: {  	[sflag:s7] =	ssyncset.done $0x0  }
0x58: {  	s24 =	rddreg [dreg:$0x18];
	[sflag:s7] =	ssyncadd.s32 $0xFFFFD800  }
0x59: {  	[spmem:s24] =	stream.linear.scatter [tilespmem:s12], [sflag:$0x11], $0x2800, $0x38;
	[tilespmem:$0x1E800] =	vst v63  }
0x5a: {  	_ =	swait.ge [sflag:s7], $0x2800  }
0x5b: {  	[sflag:s7] =	ssyncset.done $0x0  }
0x5c: {  	s25 =	rddreg [dreg:$0x19];
	[sflag:s7] =	ssyncadd.s32 $0xFFFFD800  }
0x5d: {  	[spmem:s25] =	stream.linear.scatter [tilespmem:s12], [sflag:$0x11], $0x2800, $0x38;
	[tilespmem:$0x1E800] =	vst v63  }
0x5e: {  	_ =	swait.ge [sflag:s7], $0x2800  }
0x5f: {  	[sflag:s7] =	ssyncset.done $0x0  }
0x60: {  	s0 =	rddreg [dreg:$0x1a];
	[sflag:s7] =	ssyncadd.s32 $0xFFFFD800  }
0x61: {  	[spmem:s0] =	stream.linear.scatter [tilespmem:s12], [sflag:$0x11], $0x2800, $0x38;
	[tilespmem:$0x1E800] =	vst v63  }
0x62: {  	_ =	swait.ge [sflag:s7], $0x2800  }
0x63: {  	[sflag:s7] =	ssyncset.done $0x0  }
0x64: {  	s2 =	rddreg [dreg:$0x1e];
	[sflag:s7] =	ssyncadd.s32 $0xFFFFD800  }
0x65: {  	[spmem:s2] =	stream.linear.scatter [tilespmem:s12], [sflag:$0x11], $0x2800, $0x38;
	[tilespmem:$0x1E800] =	vst v63  }
0x66: {  	_ =	swait.ge [sflag:s7], $0x2800  }
0x67: {  	[sflag:s7] =	ssyncset.done $0x0  }
0x68: {  	s3 =	rddreg [dreg:$0x1f];
	[sflag:s7] =	ssyncadd.s32 $0xFFFFD800  }
0x69: {  	[spmem:s3] =	stream.linear.scatter [tilespmem:s12], [sflag:$0x11], $0x2800, $0x38;
	[tilespmem:$0x1E800] =	vst v63  }
0x6a: {  	_ =	swait.ge [sflag:s7], $0x2800  }
0x6b: {  	[sflag:s7] =	ssyncset.done $0x0  }
0x6c: {  	[sflag:s7] =	ssyncadd.s32 $0xFFFFD800  }
0x6d: {  	_ =	swait.ge [sflag:s14], $0x50  }
0x6e: {  	[sflag:s14] =	ssyncset.done $0x0  }
0x6f: {  	[sflag:s14] =	ssyncadd.s32 $0xFFFFFFB0  }
0x70: {  	_ =	swait.ge [sflag:s14], $0x50  }
0x71: {  	[sflag:s14] =	ssyncset.done $0x0  }
0x72: {  	s8 =	simm.s32 $0x0;
	s9 =	simm.s32 $0x2;
	[sflag:s14] =	ssyncadd.s32 $0xFFFFFFB0  }
0x73: {  	[tilespmem:s12], [sflag:$0x9] =	stream.indirect.gather [hbm4b:s5+s15], $0x80, s8, s15, $0xb8;
	[tilespmem:$0x1E800] =	vst v63  }
0x74: {  	_ =	swait.ge [sflag:s9], $0x50  }
0x75: {  	[sflag:s9] =	ssyncset.done $0x0  }
0x76: {  	[sflag:s9] =	ssyncadd.s32 $0xFFFFFFB0  }
0x77: {  	_ =	swait.ge [sflag:s9], $0x50  }
0x78: {  	[sflag:s9] =	ssyncset.done $0x0  }
0x79: {  	p0 =	por $0x1, $0x1;
	s7 =	simm.s32 $0x3000;
	[sflag:s9] =	ssyncadd.s32 $0xFFFFFFB0  }
0x7a: {  	[tilespmem:s7], [sflag:$0xA] =	stream.indirect.gather [hbm4b:s5+s15], $0x80, s30, s15, $0xb8;
	[tilespmem:$0x1E800] =	vst v63  }
0x7b: {  	s1 =	simm.s32 @!p0 $0xF;
	[bflag:$0x0] =	sbarrier.arrive $0xFFFF  }
0x7c: {  	_ =	swait.ge @!p0 [sflag:s1], $0x2800  }
0x7d: {  	s24 =	simm.s32 $0x280;
	s13 =	rddreg [dreg:$0xa];
	[sflag:s1] =	ssyncset.done @!p0 $0x0  }
0x7e: {  	[sflag:s1] =	ssyncadd.s32 @!p0 $0xFFFFD800;
	s1 =	sadd.s32 $0x0, s18;
	s13 =	sadd.s32 $0x0, s13  }
0x7f: {  	[tilespmem:s24], [sflag:$0x6] =	stream.linear.gather [hbm4b:s13+s4], $0x50, $0x38;
	[tilespmem:$0x1E800] =	vst v63  }
0x80: {  	s25 =	simm.s32 $0x680;
	s0 =	simm.s32 $0x3;
	s10 =	sadd.s32 $0x32, s1  }
0x81: {  	[tilespmem:s25], [sflag:$0x6] =	stream.linear.gather [hbm4b:s10+s4], $0x50, $0x38;
	[tilespmem:$0x1E800] =	vst v63  }
0x82: {  	_ =	swait.ge [sflag:s0], $0x50  }
0x83: {  	[sflag:s0] =	ssyncset.done $0x0  }
0x84: {  	[sflag:s0] =	ssyncadd.s32 $0xFFFFFFB0  }
0x85: {  	_ =	swait.ge [sflag:s0], $0x50  }
0x86: {  	[sflag:s0] =	ssyncset.done $0x0  }
0x87: {  	s22 =	simm.s32 $0x5800;
	[sflag:s0] =	ssyncadd.s32 $0xFFFFFFB0  }
0x88: {  	[tilespmem:s22], [sflag:$0xB] =	stream.indirect.gather [hbm4b:s5+s15], $0x80, s11, s15, $0xb8;
	[tilespmem:$0x1E800] =	vst v63  }
0x89: {  	_ =	swait.ge [sflag:s6], $0x2800  }
0x8a: {  	[sflag:s6] =	ssyncset.done $0x0  }
0x8b: {  	s13 =	simm.s32 @!p0 $0x10;
	[sflag:s6] =	ssyncadd.s32 $0xFFFFD800  }
0x8c: {  	[spmem:s16] =	stream.indirect.scatter.add.f32 [tilespmem:s12], [sflag:$0xD], $0x80, s23, s15, $0xb8;
	[tilespmem:$0x1E800] =	vst v63  }
0x8d: {  	_ =	swait.ge @!p0 [sflag:s13], $0x2800  }
0x8e: {  	s31 =	smov.u32 s16;
	s20 =	rddreg [dreg:$0x9];
	[sflag:s13] =	ssyncset.done @!p0 $0x0  }
0x8f: {  	s9 =	simm.s32 $0x300;
	[sflag:s13] =	ssyncadd.s32 @!p0 $0xFFFFD800;
	s11 =	sadd.s32 $0x0, s20  }
0x90: {  	[tilespmem:s9], [sflag:$0x7] =	stream.linear.gather [hbm4b:s11+s4], $0x50, $0x38;
	[tilespmem:$0x1E800] =	vst v63  }
0x91: {  	s17 =	sadd.s32 $0x3C, s1;
	s16 =	simm.s32 $0x700;
	s20 =	simm.s32 $0x4  }
0x92: {  	[tilespmem:s16], [sflag:$0x7] =	stream.linear.gather [hbm4b:s17+s4], $0x50, $0x38;
	[tilespmem:$0x1E800] =	vst v63  }
0x93: {  	_ =	swait.ge [sflag:s20], $0x50  }
0x94: {  	[sflag:s20] =	ssyncset.done $0x0  }
0x95: {  	[sflag:s20] =	ssyncadd.s32 $0xFFFFFFB0  }
0x96: {  	_ =	swait.ge [sflag:s20], $0x50  }
0x97: {  	[sflag:s20] =	ssyncset.done $0x0  }
0x98: {  	s6 =	simm.s32 $0xA;
	s17 =	simm.s32 $0x8000;
	[sflag:s20] =	ssyncadd.s32 $0xFFFFFFB0  }
0x99: {  	[tilespmem:s17], [sflag:$0xC] =	stream.indirect.gather [hbm4b:s5+s15], $0x80, s28, s15, $0xb8;
	[tilespmem:$0x1E800] =	vst v63  }
0x9a: {  	_ =	swait.ge [sflag:s6], $0x2800  }
0x9b: {  	[sflag:s6] =	ssyncset.done $0x0  }
0x9c: {  	s2 =	simm.s32 $0xD;
	[sflag:s6] =	ssyncadd.s32 $0xFFFFD800  }
0x9d: {  	[spmem:s31] =	stream.indirect.scatter.add.f32 [tilespmem:s7], [sflag:$0xE], $0x80, s21, s15, $0xb8;
	[tilespmem:$0x1E800] =	vst v63  }
0x9e: {  	_ =	swait.ge [sflag:s2], $0x2800  }
0x9f: {  	s0 =	rddreg [dreg:$0x8];
	[sflag:s2] =	ssyncset.done $0x0  }
0xa0: {  	s10 =	simm.s32 $0x380;
	[sflag:s2] =	ssyncadd.s32 $0xFFFFD800;
	s13 =	sadd.s32 $0x0, s0  }
0xa1: {  	[tilespmem:s10], [sflag:$0x8] =	stream.linear.gather [hbm4b:s13+s4], $0x50, $0x38;
	[tilespmem:$0x1E800] =	vst v63  }
0xa2: {  	s8 =	simm.s32 $0x780;
	s3 =	sadd.s32 $0x46, s1;
	s11 =	simm.s32 $0x5  }
0xa3: {  	[tilespmem:s8], [sflag:$0x8] =	stream.linear.gather [hbm4b:s3+s4], $0x50, $0x38;
	[tilespmem:$0x1E800] =	vst v63  }
0xa4: {  	_ =	swait.ge [sflag:s11], $0x50  }
0xa5: {  	[sflag:s11] =	ssyncset.done $0x0  }
0xa6: {  	[sflag:s11] =	ssyncadd.s32 $0xFFFFFFB0  }
0xa7: {  	_ =	swait.ge [sflag:s11], $0x50  }
0xa8: {  	[sflag:s11] =	ssyncset.done $0x0  }
0xa9: {  	s13 =	simm.s32 $0x200;
	s3 =	simm.s32 $0xB;
	[sflag:s11] =	ssyncadd.s32 $0xFFFFFFB0  }
0xaa: {  	[tilespmem:s12], [sflag:$0x9] =	stream.indirect.gather [hbm4b:s5+s15], $0x80, s13, s15, $0xb8;
	[tilespmem:$0x1E800] =	vst v63  }
0xab: {  	_ =	swait.ge [sflag:s3], $0x2800  }
0xac: {  	[sflag:s3] =	ssyncset.done $0x0  }
0xad: {  	s8 =	simm.s32 $0xE;
	[sflag:s3] =	ssyncadd.s32 $0xFFFFD800  }
0xae: {  	[spmem:s31] =	stream.indirect.scatter.add.f32 [tilespmem:s22], [sflag:$0xF], $0x80, s26, s15, $0xb8;
	[tilespmem:$0x1E800] =	vst v63  }
0xaf: {  	_ =	swait.ge [sflag:s8], $0x2800  }
0xb0: {  	s11 =	rddreg [dreg:$0x1d]  }
0xb1: {  	[sflag:s8] =	ssyncset.done $0x0;
	s26 =	sshrl.u32 s11, $0x3  }
0xb2: {  	[sflag:s8] =	ssyncadd.s32 $0xFFFFD800;
	s13 =	sadd.s32 s19, s26  }
0xb3: {  	[tilespmem:s4], [sflag:$0x1] =	stream.linear.gather [hbm4b:s13+s4], $0x50, $0x38;
	[tilespmem:$0x1E800] =	vst v63  }
0xb4: {  	s0 =	sadd.s32 $0x50, s1;
	s26 =	simm.s32 $0x6  }
0xb5: {  	[tilespmem:s23], [sflag:$0x1] =	stream.linear.gather [hbm4b:s0+s4], $0x50, $0x38;
	[tilespmem:$0x1E800] =	vst v63  }
0xb6: {  	_ =	swait.ge [sflag:s26], $0x50  }
0xb7: {  	[sflag:s26] =	ssyncset.done $0x0  }
0xb8: {  	[sflag:s26] =	ssyncadd.s32 $0xFFFFFFB0  }
0xb9: {  	_ =	swait.ge [sflag:s26], $0x50  }
0xba: {  	[sflag:s26] =	ssyncset.done $0x0  }
0xbb: {  	s0 =	simm.s32 $0xC;
	[sflag:s26] =	ssyncadd.s32 $0xFFFFFFB0  }
0xbc: {  	[tilespmem:s7], [sflag:$0xA] =	stream.indirect.gather [hbm4b:s5+s15], $0x80, s24, s15, $0xb8;
	[tilespmem:$0x1E800] =	vst v63  }
0xbd: {  	_ =	swait.ge [sflag:s0], $0x2800  }
0xbe: {  	[sflag:s0] =	ssyncset.done $0x0  }
0xbf: {  	s13 =	simm.s32 $0x580;
	s24 =	simm.s32 $0xF;
	[sflag:s0] =	ssyncadd.s32 $0xFFFFD800  }
0xc0: {  	[spmem:s31] =	stream.indirect.scatter.add.f32 [tilespmem:s17], [sflag:$0x10], $0x80, s13, s15, $0xb8;
	[tilespmem:$0x1E800] =	vst v63  }
0xc1: {  	_ =	swait.ge [sflag:s24], $0x2800  }
0xc2: {  	s26 =	rddreg [dreg:$0x4];
	[sflag:s24] =	ssyncset.done $0x0  }
0xc3: {  	[sflag:s24] =	ssyncadd.s32 $0xFFFFD800;
	s13 =	sadd.s32 $0x0, s26  }
0xc4: {  	[tilespmem:s30], [sflag:$0x2] =	stream.linear.gather [hbm4b:s13+s4], $0x50, $0x38;
	[tilespmem:$0x1E800] =	vst v63  }
0xc5: {  	s1 =	sadd.s32 $0x5A, s1  }
0xc6: {  	[tilespmem:s21], [sflag:$0x2] =	stream.linear.gather [hbm4b:s1+s4], $0x50, $0x38;
	[tilespmem:$0x1E800] =	vst v63  }
0xc7: {  	_ =	swait.ge [sflag:s29], $0x50  }
0xc8: {  	[sflag:s29] =	ssyncset.done $0x0  }
0xc9: {  	[sflag:s29] =	ssyncadd.s32 $0xFFFFFFB0  }
0xca: {  	_ =	swait.ge [sflag:s29], $0x50  }
0xcb: {  	[sflag:s29] =	ssyncset.done $0x0  }
0xcc: {  	s20 =	simm.s32 $0x9;
	[sflag:s29] =	ssyncadd.s32 $0xFFFFFFB0  }
0xcd: {  	[tilespmem:s22], [sflag:$0xB] =	stream.indirect.gather [hbm4b:s5+s15], $0x80, s9, s15, $0xb8;
	[tilespmem:$0x1E800] =	vst v63  }
0xce: {  	_ =	swait.ge [sflag:s20], $0x2800  }
0xcf: {  	p0 =	por $0x0, $0x0;
	[sflag:s20] =	ssyncset.done $0x0  }
0xd0: {  	s24 =	simm.s32 $0x600;
	s26 =	simm.s32 $0x10;
	[sflag:s20] =	ssyncadd.s32 $0xFFFFD800  }
0xd1: {  	[spmem:s31] =	stream.indirect.scatter.add.f32 [tilespmem:s12], [sflag:$0xD], $0x80, s24, s15, $0xb8;
	[tilespmem:$0x1E800] =	vst v63  }
0xd2: {  	s13 =	simm.s32 @!p0 $0x0;
	_ =	swait.ge [sflag:s26], $0x2800  }
0xd3: {  	s21 =	simm.s32 @!p0 $0x100;
	s1 =	rddreg [dreg:$0x7];
	[sflag:s26] =	ssyncset.done $0x0  }
0xd4: {  	s20 =	sadd.s32 @!p0 $0x0, s18;
	[sflag:s26] =	ssyncadd.s32 $0xFFFFD800;
	s1 =	sadd.s32 @!p0 $0x0, s1  }
0xd5: {  	[tilespmem:s21], [sflag:$0x3] =	stream.linear.gather @!p0 [hbm4b:s1+s13], $0x50, $0x38;
	[tilespmem:$0x1E800] =	vst v63  }
0xd6: {  	s29 =	simm.s32 $0x8;
	s1 =	sadd.s32 @!p0 $0x64, s20;
	s21 =	simm.s32 @!p0 $0x500  }
0xd7: {  	[tilespmem:s21], [sflag:$0x3] =	stream.linear.gather @!p0 [hbm4b:s1+s13], $0x50, $0x38;
	[tilespmem:$0x1E800] =	vst v63  }
0xd8: {  	_ =	swait.ge [sflag:s29], $0x50  }
0xd9: {  	[sflag:s29] =	ssyncset.done $0x0  }
0xda: {  	[sflag:s29] =	ssyncadd.s32 $0xFFFFFFB0  }
0xdb: {  	_ =	swait.ge [sflag:s29], $0x50  }
0xdc: {  	[sflag:s29] =	ssyncset.done $0x0  }
0xdd: {  	[sflag:s29] =	ssyncadd.s32 $0xFFFFFFB0  }
0xde: {  	[tilespmem:s17], [sflag:$0xC] =	stream.indirect.gather [hbm4b:s5+s15], $0x80, s10, s15, $0xb8;
	[tilespmem:$0x1E800] =	vst v63  }
0xdf: {  	_ =	swait.ge [sflag:s6], $0x2800  }
0xe0: {  	[sflag:s6] =	ssyncset.done $0x0  }
0xe1: {  	[sflag:s6] =	ssyncadd.s32 $0xFFFFD800  }
0xe2: {  	[spmem:s31] =	stream.indirect.scatter.add.f32 [tilespmem:s7], [sflag:$0xE], $0x80, s25, s15, $0xb8;
	[tilespmem:$0x1E800] =	vst v63  }
0xe3: {  	_ =	swait.ge [sflag:s2], $0x2800  }
0xe4: {  	s1 =	rddreg [dreg:$0x6];
	[sflag:s2] =	ssyncset.done $0x0  }
0xe5: {  	s21 =	simm.s32 @!p0 $0x180;
	[sflag:s2] =	ssyncadd.s32 $0xFFFFD800;
	s1 =	sadd.s32 @!p0 $0x0, s1  }
0xe6: {  	[tilespmem:s21], [sflag:$0x4] =	stream.linear.gather @!p0 [hbm4b:s1+s13], $0x50, $0x38;
	[tilespmem:$0x1E800] =	vst v63  }
0xe7: {  	s1 =	sadd.s32 @!p0 $0x6E, s20;
	s21 =	simm.s32 @!p0 $0x580  }
0xe8: {  	[tilespmem:s21], [sflag:$0x4] =	stream.linear.gather @!p0 [hbm4b:s1+s13], $0x50, $0x38;
	[tilespmem:$0x1E800] =	vst v63  }
0xe9: {  	_ =	swait.ge [sflag:s14], $0x50  }
0xea: {  	[sflag:s14] =	ssyncset.done $0x0  }
0xeb: {  	[sflag:s14] =	ssyncadd.s32 $0xFFFFFFB0  }
0xec: {  	_ =	swait.ge [sflag:s14], $0x50  }
0xed: {  	[sflag:s14] =	ssyncset.done $0x0  }
0xee: {  	[sflag:s14] =	ssyncadd.s32 $0xFFFFFFB0  }
0xef: {  	[tilespmem:s12], [sflag:$0x9] =	stream.indirect.gather [hbm4b:s5+s15], $0x80, s4, s15, $0xb8;
	[tilespmem:$0x1E800] =	vst v63  }
0xf0: {  	_ =	swait.ge [sflag:s3], $0x2800  }
0xf1: {  	[sflag:s3] =	ssyncset.done $0x0  }
0xf2: {  	[sflag:s3] =	ssyncadd.s32 $0xFFFFD800  }
0xf3: {  	[spmem:s31] =	stream.indirect.scatter.add.f32 [tilespmem:s22], [sflag:$0xF], $0x80, s16, s15, $0xb8;
	[tilespmem:$0x1E800] =	vst v63  }
0xf4: {  	_ =	swait.ge [sflag:s8], $0x2800  }
0xf5: {  	s1 =	rddreg [dreg:$0x5];
	[sflag:s8] =	ssyncset.done $0x0  }
0xf6: {  	s21 =	simm.s32 @!p0 $0x200;
	[sflag:s8] =	ssyncadd.s32 $0xFFFFD800;
	s1 =	sadd.s32 @!p0 $0x0, s1  }
0xf7: {  	[tilespmem:s21], [sflag:$0x5] =	stream.linear.gather @!p0 [hbm4b:s1+s13], $0x50, $0x38;
	[tilespmem:$0x1E800] =	vst v63  }
0xf8: {  	s28 =	simm.s32 $0x2;
	s1 =	sadd.s32 @!p0 $0x78, s20;
	s20 =	simm.s32 @!p0 $0x600  }
0xf9: {  	[tilespmem:s20], [sflag:$0x5] =	stream.linear.gather @!p0 [hbm4b:s1+s13], $0x50, $0x38;
	[tilespmem:$0x1E800] =	vst v63  }
0xfa: {  	_ =	swait.ge [sflag:s28], $0x50  }
0xfb: {  	[sflag:s28] =	ssyncset.done $0x0  }
0xfc: {  	[sflag:s28] =	ssyncadd.s32 $0xFFFFFFB0  }
0xfd: {  	_ =	swait.ge [sflag:s28], $0x50  }
0xfe: {  	p1 =	por $0x0, $0x0;
	s26 =	simm.s32 $0xA0;
	[sflag:s28] =	ssyncset.done $0x0  }
0xff: {  	s16 =	smov.u32 s31;
	s13 =	simm.s32 $0xC;
	[sflag:s28] =	ssyncadd.s32 $0xFFFFFFB0  }
0x100: {  	[tilespmem:s7], [sflag:$0xA] =	stream.indirect.gather [hbm4b:s5+s15], $0x80, s30, s15, $0xb8;
	[tilespmem:$0x1E800] =	vst v63  }
0x101: {  	s21 =	sadd.s32 $0x280, s11;
	s20 =	simm.s32 $0x50;
	_ =	swait.ge [sflag:s13], $0x2800  }
.LBB2_4:
0x102: {  	s1 =	simm.s32 @!p1 $0xF;
	[sflag:s13] =	ssyncset.done $0x0  }
0x103: {  	s17 =	simm.s32 $0x8000;
	s29 =	simm.s32 $0x780;
	[sflag:s13] =	ssyncadd.s32 $0xFFFFD800  }
0x104: {  	[spmem:s16] =	stream.indirect.scatter.add.f32 [tilespmem:s17], [sflag:$0x10], $0x80, s29, s15, $0xb8;
	[tilespmem:$0x1E800] =	vst v63  }
0x105: {  	_ =	swait.ge @!p1 [sflag:s1], $0x2800  }
0x106: {  	s24 =	simm.s32 $0x280;
	[sflag:s1] =	ssyncset.done @!p1 $0x0;
	s11 =	rddreg [dreg:$0xa]  }
0x107: {  	s13 =	sadd.s32 s20, s18;
	[sflag:s1] =	ssyncadd.s32 @!p1 $0xFFFFD800;
	s8 =	sadd.s32 s20, s11  }
0x108: {  	[tilespmem:s24], [sflag:$0x6] =	stream.linear.gather [hbm4b:s8+s4], $0x50, $0x38;
	[tilespmem:$0x1E800] =	vst v63  }
0x109: {  	s0 =	simm.s32 $0x680;
	s10 =	simm.s32 $0x3;
	s9 =	sadd.s32 $0x32, s13  }
0x10a: {  	[tilespmem:s0], [sflag:$0x6] =	stream.linear.gather [hbm4b:s9+s4], $0x50, $0x38;
	[tilespmem:$0x1E800] =	vst v63  }
0x10b: {  	_ =	swait.ge [sflag:s10], $0x50  }
0x10c: {  	[sflag:s10] =	ssyncset.done $0x0  }
0x10d: {  	[sflag:s10] =	ssyncadd.s32 $0xFFFFFFB0  }
0x10e: {  	_ =	swait.ge [sflag:s10], $0x50  }
0x10f: {  	s22 =	simm.s32 $0x5800;
	[sflag:s10] =	ssyncset.done $0x0  }
0x110: {  	s11 =	simm.s32 $0x100;
	s9 =	simm.s32 $0x9;
	[sflag:s10] =	ssyncadd.s32 $0xFFFFFFB0  }
0x111: {  	[tilespmem:s22], [sflag:$0xB] =	stream.indirect.gather [hbm4b:s5+s15], $0x80, s11, s15, $0xb8;
	[tilespmem:$0x1E800] =	vst v63  }
0x112: {  	_ =	swait.ge [sflag:s9], $0x2800  }
0x113: {  	[sflag:s9] =	ssyncset.done $0x0  }
0x114: {  	s1 =	simm.s32 @!p1 $0x10;
	[sflag:s9] =	ssyncadd.s32 $0xFFFFD800  }
0x115: {  	[spmem:s16] =	stream.indirect.scatter.add.f32 [tilespmem:s12], [sflag:$0xD], $0x80, s23, s15, $0xb8;
	[tilespmem:$0x1E800] =	vst v63  }
0x116: {  	_ =	swait.ge @!p1 [sflag:s1], $0x2800  }
0x117: {  	s25 =	rddreg [dreg:$0x9];
	[sflag:s1] =	ssyncset.done @!p1 $0x0  }
0x118: {  	s11 =	simm.s32 $0x300;
	[sflag:s1] =	ssyncadd.s32 @!p1 $0xFFFFD800;
	s2 =	sadd.s32 s20, s25  }
0x119: {  	[tilespmem:s11], [sflag:$0x7] =	stream.linear.gather [hbm4b:s2+s4], $0x50, $0x38;
	[tilespmem:$0x1E800] =	vst v63  }
0x11a: {  	s6 =	simm.s32 $0x4;
	s3 =	sadd.s32 $0x3C, s13;
	s16 =	simm.s32 $0x700  }
0x11b: {  	[tilespmem:s16], [sflag:$0x7] =	stream.linear.gather [hbm4b:s3+s4], $0x50, $0x38;
	[tilespmem:$0x1E800] =	vst v63  }
0x11c: {  	_ =	swait.ge [sflag:s6], $0x50  }
0x11d: {  	[sflag:s6] =	ssyncset.done $0x0  }
0x11e: {  	[sflag:s6] =	ssyncadd.s32 $0xFFFFFFB0  }
0x11f: {  	_ =	swait.ge [sflag:s6], $0x50  }
0x120: {  	[sflag:s6] =	ssyncset.done $0x0  }
0x121: {  	s8 =	simm.s32 $0x180;
	[sflag:s6] =	ssyncadd.s32 $0xFFFFFFB0;
	s6 =	simm.s32 $0xA  }
0x122: {  	[tilespmem:s17], [sflag:$0xC] =	stream.indirect.gather [hbm4b:s5+s15], $0x80, s8, s15, $0xb8;
	[tilespmem:$0x1E800] =	vst v63  }
0x123: {  	_ =	swait.ge [sflag:s6], $0x2800  }
0x124: {  	[sflag:s6] =	ssyncset.done $0x0  }
0x125: {  	s25 =	simm.s32 $0x480;
	s2 =	simm.s32 $0xD;
	[sflag:s6] =	ssyncadd.s32 $0xFFFFD800  }
0x126: {  	[spmem:s31] =	stream.indirect.scatter.add.f32 [tilespmem:s7], [sflag:$0xE], $0x80, s25, s15, $0xb8;
	[tilespmem:$0x1E800] =	vst v63  }
0x127: {  	_ =	swait.ge [sflag:s2], $0x2800  }
0x128: {  	s10 =	rddreg [dreg:$0x8];
	[sflag:s2] =	ssyncset.done $0x0  }
0x129: {  	[sflag:s2] =	ssyncadd.s32 $0xFFFFD800;
	s1 =	sadd.s32 s20, s10;
	s10 =	simm.s32 $0x380  }
0x12a: {  	[tilespmem:s10], [sflag:$0x8] =	stream.linear.gather [hbm4b:s1+s4], $0x50, $0x38;
	[tilespmem:$0x1E800] =	vst v63  }
0x12b: {  	s3 =	sadd.s32 $0x46, s13;
	s8 =	simm.s32 $0x5  }
0x12c: {  	[tilespmem:s29], [sflag:$0x8] =	stream.linear.gather [hbm4b:s3+s4], $0x50, $0x38;
	[tilespmem:$0x1E800] =	vst v63  }
0x12d: {  	_ =	swait.ge [sflag:s8], $0x50  }
0x12e: {  	[sflag:s8] =	ssyncset.done $0x0  }
0x12f: {  	[sflag:s8] =	ssyncadd.s32 $0xFFFFFFB0  }
0x130: {  	_ =	swait.ge [sflag:s8], $0x50  }
0x131: {  	[sflag:s8] =	ssyncset.done $0x0  }
0x132: {  	s3 =	simm.s32 $0x200;
	[sflag:s8] =	ssyncadd.s32 $0xFFFFFFB0  }
0x133: {  	[tilespmem:s12], [sflag:$0x9] =	stream.indirect.gather [hbm4b:s5+s15], $0x80, s3, s15, $0xb8;
	[tilespmem:$0x1E800] =	vst v63  }
0x134: {  	s3 =	simm.s32 $0xB  }
0x135: {  	_ =	swait.ge [sflag:s3], $0x2800  }
0x136: {  	[sflag:s3] =	ssyncset.done $0x0  }
0x137: {  	s8 =	simm.s32 $0x500;
	[sflag:s3] =	ssyncadd.s32 $0xFFFFD800  }
0x138: {  	[spmem:s31] =	stream.indirect.scatter.add.f32 [tilespmem:s22], [sflag:$0xF], $0x80, s8, s15, $0xb8;
	[tilespmem:$0x1E800] =	vst v63  }
0x139: {  	s8 =	simm.s32 $0xE  }
0x13a: {  	_ =	swait.ge [sflag:s8], $0x2800  }
0x13b: {  	s1 =	sshrl.u32 s21, $0x3;
	[sflag:s8] =	ssyncset.done $0x0  }
0x13c: {  	s1 =	sadd.s32 s19, s1;
	[sflag:s8] =	ssyncadd.s32 $0xFFFFD800  }
0x13d: {  	[tilespmem:s4], [sflag:$0x1] =	stream.linear.gather [hbm4b:s1+s4], $0x50, $0x38;
	[tilespmem:$0x1E800] =	vst v63  }
0x13e: {  	s1 =	sadd.s32 $0x50, s13  }
0x13f: {  	[tilespmem:s23], [sflag:$0x1] =	stream.linear.gather [hbm4b:s1+s4], $0x50, $0x38;
	[tilespmem:$0x1E800] =	vst v63  }
0x140: {  	s23 =	simm.s32 $0x6  }
0x141: {  	_ =	swait.ge [sflag:s23], $0x50  }
0x142: {  	[sflag:s23] =	ssyncset.done $0x0  }
0x143: {  	[sflag:s23] =	ssyncadd.s32 $0xFFFFFFB0  }
0x144: {  	_ =	swait.ge [sflag:s23], $0x50  }
0x145: {  	[sflag:s23] =	ssyncset.done $0x0  }
0x146: {  	s14 =	simm.s32 $0xC;
	[sflag:s23] =	ssyncadd.s32 $0xFFFFFFB0  }
0x147: {  	[tilespmem:s7], [sflag:$0xA] =	stream.indirect.gather [hbm4b:s5+s15], $0x80, s24, s15, $0xb8;
	[tilespmem:$0x1E800] =	vst v63  }
0x148: {  	_ =	swait.ge [sflag:s14], $0x2800  }
0x149: {  	[sflag:s14] =	ssyncset.done $0x0  }
0x14a: {  	s1 =	simm.s32 $0xF;
	s24 =	simm.s32 $0x580;
	[sflag:s14] =	ssyncadd.s32 $0xFFFFD800  }
0x14b: {  	[spmem:s31] =	stream.indirect.scatter.add.f32 [tilespmem:s17], [sflag:$0x10], $0x80, s24, s15, $0xb8;
	[tilespmem:$0x1E800] =	vst v63  }
0x14c: {  	_ =	swait.ge [sflag:s1], $0x2800  }
0x14d: {  	s14 =	rddreg [dreg:$0x4];
	[sflag:s1] =	ssyncset.done $0x0  }
0x14e: {  	[sflag:s1] =	ssyncadd.s32 $0xFFFFD800;
	s1 =	sadd.s32 s20, s14  }
0x14f: {  	[tilespmem:s30], [sflag:$0x2] =	stream.linear.gather [hbm4b:s1+s4], $0x50, $0x38;
	[tilespmem:$0x1E800] =	vst v63  }
0x150: {  	s29 =	simm.s32 $0x7;
	s23 =	sadd.s32 $0x5A, s13  }
0x151: {  	[tilespmem:s25], [sflag:$0x2] =	stream.linear.gather [hbm4b:s23+s4], $0x50, $0x38;
	[tilespmem:$0x1E800] =	vst v63  }
0x152: {  	_ =	swait.ge [sflag:s29], $0x50  }
0x153: {  	[sflag:s29] =	ssyncset.done $0x0  }
0x154: {  	[sflag:s29] =	ssyncadd.s32 $0xFFFFFFB0  }
0x155: {  	_ =	swait.ge [sflag:s29], $0x50  }
0x156: {  	[sflag:s29] =	ssyncset.done $0x0  }
0x157: {  	[sflag:s29] =	ssyncadd.s32 $0xFFFFFFB0  }
0x158: {  	[tilespmem:s22], [sflag:$0xB] =	stream.indirect.gather [hbm4b:s5+s15], $0x80, s11, s15, $0xb8;
	[tilespmem:$0x1E800] =	vst v63  }
0x159: {  	p1 =	seq.s32 s20, $0x960;
	_ =	swait.ge [sflag:s9], $0x2800  }
0x15a: {  	s13 =	simm.s32 @!p1 $0x0;
	[sflag:s9] =	ssyncset.done $0x0  }
0x15b: {  	s24 =	simm.s32 $0x600;
	s25 =	simm.s32 $0x10;
	[sflag:s9] =	ssyncadd.s32 $0xFFFFD800  }
0x15c: {  	[spmem:s31] =	stream.indirect.scatter.add.f32 [tilespmem:s12], [sflag:$0xD], $0x80, s24, s15, $0xb8;
	[tilespmem:$0x1E800] =	vst v63  }
0x15d: {  	s30 =	simm.s32 @!p1 $0x100;
	s23 =	smov.u32 s18;
	_ =	swait.ge [sflag:s25], $0x2800  }
0x15e: {  	s11 =	sadd.s32 @!p1 s20, s18;
	s1 =	rddreg [dreg:$0x7];
	[sflag:s25] =	ssyncset.done $0x0  }
0x15f: {  	s18 =	smov.u32 s19;
	[sflag:s25] =	ssyncadd.s32 $0xFFFFD800;
	s1 =	sadd.s32 @!p1 s20, s1  }
0x160: {  	[tilespmem:s30], [sflag:$0x3] =	stream.linear.gather @!p1 [hbm4b:s1+s13], $0x50, $0x38;
	[tilespmem:$0x1E800] =	vst v63  }
0x161: {  	s19 =	sadd.s32 @!p1 $0x64, s11;
	s25 =	simm.s32 $0x8;
	s30 =	simm.s32 @!p1 $0x500  }
0x162: {  	[tilespmem:s30], [sflag:$0x3] =	stream.linear.gather @!p1 [hbm4b:s19+s13], $0x50, $0x38;
	[tilespmem:$0x1E800] =	vst v63  }
0x163: {  	_ =	swait.ge [sflag:s25], $0x50  }
0x164: {  	[sflag:s25] =	ssyncset.done $0x0  }
0x165: {  	[sflag:s25] =	ssyncadd.s32 $0xFFFFFFB0  }
0x166: {  	_ =	swait.ge [sflag:s25], $0x50  }
0x167: {  	[sflag:s25] =	ssyncset.done $0x0  }
0x168: {  	[sflag:s25] =	ssyncadd.s32 $0xFFFFFFB0  }
0x169: {  	[tilespmem:s17], [sflag:$0xC] =	stream.indirect.gather [hbm4b:s5+s15], $0x80, s10, s15, $0xb8;
	[tilespmem:$0x1E800] =	vst v63  }
0x16a: {  	_ =	swait.ge [sflag:s6], $0x2800  }
0x16b: {  	[sflag:s6] =	ssyncset.done $0x0  }
0x16c: {  	s7 =	simm.s32 $0x3000;
	[sflag:s6] =	ssyncadd.s32 $0xFFFFD800  }
0x16d: {  	[spmem:s31] =	stream.indirect.scatter.add.f32 [tilespmem:s7], [sflag:$0xE], $0x80, s0, s15, $0xb8;
	[tilespmem:$0x1E800] =	vst v63  }
0x16e: {  	s12 =	sadd.s32 @!p1 $0x6E, s11;
	_ =	swait.ge [sflag:s2], $0x2800  }
0x16f: {  	s1 =	sadd.s32 @!p1 $0x78, s11;
	s11 =	rddreg [dreg:$0x6];
	[sflag:s2] =	ssyncset.done $0x0  }
0x170: {  	s19 =	simm.s32 @!p1 $0x180;
	[sflag:s2] =	ssyncadd.s32 $0xFFFFD800;
	s11 =	sadd.s32 @!p1 s20, s11  }
0x171: {  	[tilespmem:s19], [sflag:$0x4] =	stream.linear.gather @!p1 [hbm4b:s11+s13], $0x50, $0x38;
	[tilespmem:$0x1E800] =	vst v63  }
0x172: {  	s14 =	simm.s32 $0x1;
	s30 =	simm.s32 @!p1 $0x580  }
0x173: {  	[tilespmem:s30], [sflag:$0x4] =	stream.linear.gather @!p1 [hbm4b:s12+s13], $0x50, $0x38;
	[tilespmem:$0x1E800] =	vst v63  }
0x174: {  	_ =	swait.ge [sflag:s14], $0x50  }
0x175: {  	[sflag:s14] =	ssyncset.done $0x0  }
0x176: {  	[sflag:s14] =	ssyncadd.s32 $0xFFFFFFB0  }
0x177: {  	_ =	swait.ge [sflag:s14], $0x50  }
0x178: {  	[sflag:s14] =	ssyncset.done $0x0  }
0x179: {  	s24 =	simm.s32 $0x800;
	[sflag:s14] =	ssyncadd.s32 $0xFFFFFFB0  }
0x17a: {  	[tilespmem:s24], [sflag:$0x9] =	stream.indirect.gather [hbm4b:s5+s15], $0x80, s4, s15, $0xb8;
	[tilespmem:$0x1E800] =	vst v63  }
0x17b: {  	_ =	swait.ge [sflag:s3], $0x2800  }
0x17c: {  	[sflag:s3] =	ssyncset.done $0x0  }
0x17d: {  	[sflag:s3] =	ssyncadd.s32 $0xFFFFD800  }
0x17e: {  	[spmem:s31] =	stream.indirect.scatter.add.f32 [tilespmem:s22], [sflag:$0xF], $0x80, s16, s15, $0xb8;
	[tilespmem:$0x1E800] =	vst v63  }
0x17f: {  	_ =	swait.ge [sflag:s8], $0x2800  }
0x180: {  	s28 =	smov.u32 s26;
	s11 =	rddreg [dreg:$0x5];
	[sflag:s8] =	ssyncset.done $0x0  }
0x181: {  	s12 =	simm.s32 @!p1 $0x200;
	[sflag:s8] =	ssyncadd.s32 $0xFFFFD800;
	s11 =	sadd.s32 @!p1 s20, s11  }
0x182: {  	[tilespmem:s12], [sflag:$0x5] =	stream.linear.gather @!p1 [hbm4b:s11+s13], $0x50, $0x38;
	[tilespmem:$0x1E800] =	vst v63  }
0x183: {  	s19 =	simm.s32 @!p1 $0x600;
	s20 =	smov.u32 s28;
	s28 =	simm.s32 $0x2  }
0x184: {  	[tilespmem:s19], [sflag:$0x5] =	stream.linear.gather @!p1 [hbm4b:s1+s13], $0x50, $0x38;
	[tilespmem:$0x1E800] =	vst v63  }
0x185: {  	s26 =	sadd.s32 $0x50, s26;
	_ =	swait.ge [sflag:s28], $0x50  }
0x186: {  	p0 =	sne.s32 s26, $0x9B0;
	s21 =	sadd.s32 $0x280, s21;
	[sflag:s28] =	ssyncset.done $0x0  }
0x187: {  	s7 =	simm.s32 $0x3000;
	s30 =	simm.s32 $0x80;
	[sflag:s28] =	ssyncadd.s32 $0xFFFFFFB0  }
.Ltmp1:
0x188: {  	s16 =	smov.u32 s31;
	_ =	swait.ge [sflag:s28], $0x50;
	(pc) =	sbr.rel @p0 .LBB2_4-.Ltmp1, $4  }
0x189: {  	s12 =	simm.s32 $0x800;
	s13 =	simm.s32 $0xC;
	[sflag:s28] =	ssyncset.done $0x0  }
0x18a: {  	s19 =	smov.u32 s18;
	s18 =	smov.u32 s23;
	[sflag:s28] =	ssyncadd.s32 $0xFFFFFFB0  }
0x18b: {  	[tilespmem:s7], [sflag:$0xA] =	stream.indirect.gather [hbm4b:s5+s15], $0x80, s30, s15, $0xb8;
	[tilespmem:$0x1E800] =	vst v63  }
0x18c: {  	s23 =	simm.s32 $0x400;
	p1 =	seq.s32 s20, $0x0;
	_ =	swait.ge [sflag:s13], $0x2800  }
0x18d: {  	[sflag:s13] =	ssyncset.done $0x0;
	s1 =	simm.s32 @!p1 $0xF  }
0x18e: {  	s17 =	simm.s32 $0x8000;
	s0 =	simm.s32 $0x780;
	[sflag:s13] =	ssyncadd.s32 $0xFFFFD800  }
0x18f: {  	[spmem:s16] =	stream.indirect.scatter.add.f32 [tilespmem:s17], [sflag:$0x10], $0x80, s0, s15, $0xb8;
	[tilespmem:$0x1E800] =	vst v63  }
0x190: {  	_ =	swait.ge @!p1 [sflag:s1], $0x2800  }
0x191: {  	s0 =	simm.s32 $0x280;
	s11 =	rddreg [dreg:$0xa];
	[sflag:s1] =	ssyncset.done @!p1 $0x0  }
0x192: {  	[sflag:s1] =	ssyncadd.s32 @!p1 $0xFFFFD800;
	s1 =	sadd.s32 s20, s18;
	s11 =	sadd.s32 s20, s11  }
0x193: {  	[tilespmem:s0], [sflag:$0x6] =	stream.linear.gather [hbm4b:s11+s4], $0x50, $0x38;
	[tilespmem:$0x1E800] =	vst v63  }
0x194: {  	s31 =	simm.s32 $0x680;
	s2 =	simm.s32 $0x3;
	s25 =	sadd.s32 $0x32, s1  }
0x195: {  	[tilespmem:s31], [sflag:$0x6] =	stream.linear.gather [hbm4b:s25+s4], $0x50, $0x38;
	[tilespmem:$0x1E800] =	vst v63  }
0x196: {  	_ =	swait.ge [sflag:s2], $0x50  }
0x197: {  	[sflag:s2] =	ssyncset.done $0x0  }
0x198: {  	[sflag:s2] =	ssyncadd.s32 $0xFFFFFFB0  }
0x199: {  	_ =	swait.ge [sflag:s2], $0x50  }
0x19a: {  	s22 =	simm.s32 $0x5800;
	[sflag:s2] =	ssyncset.done $0x0  }
0x19b: {  	s26 =	simm.s32 $0x100;
	s9 =	simm.s32 $0x9;
	[sflag:s2] =	ssyncadd.s32 $0xFFFFFFB0  }
0x19c: {  	[tilespmem:s22], [sflag:$0xB] =	stream.indirect.gather [hbm4b:s5+s15], $0x80, s26, s15, $0xb8;
	[tilespmem:$0x1E800] =	vst v63  }
0x19d: {  	_ =	swait.ge [sflag:s9], $0x2800  }
0x19e: {  	[sflag:s9] =	ssyncset.done $0x0  }
0x19f: {  	s11 =	simm.s32 @!p1 $0x10;
	[sflag:s9] =	ssyncadd.s32 $0xFFFFD800  }
0x1a0: {  	[spmem:s16] =	stream.indirect.scatter.add.f32 [tilespmem:s12], [sflag:$0xD], $0x80, s23, s15, $0xb8;
	[tilespmem:$0x1E800] =	vst v63  }
0x1a1: {  	_ =	swait.ge @!p1 [sflag:s11], $0x2800  }
0x1a2: {  	s2 =	rddreg [dreg:$0x9];
	[sflag:s11] =	ssyncset.done @!p1 $0x0  }
0x1a3: {  	s12 =	simm.s32 $0x300;
	[sflag:s11] =	ssyncadd.s32 @!p1 $0xFFFFD800;
	s6 =	sadd.s32 s20, s2  }
0x1a4: {  	[tilespmem:s12], [sflag:$0x7] =	stream.linear.gather [hbm4b:s6+s4], $0x50, $0x38;
	[tilespmem:$0x1E800] =	vst v63  }
0x1a5: {  	s10 =	simm.s32 $0x700;
	s8 =	sadd.s32 $0x3C, s1;
	s11 =	simm.s32 $0x4  }
0x1a6: {  	[tilespmem:s10], [sflag:$0x7] =	stream.linear.gather [hbm4b:s8+s4], $0x50, $0x38;
	[tilespmem:$0x1E800] =	vst v63  }
0x1a7: {  	_ =	swait.ge [sflag:s11], $0x50  }
0x1a8: {  	[sflag:s11] =	ssyncset.done $0x0  }
0x1a9: {  	[sflag:s11] =	ssyncadd.s32 $0xFFFFFFB0  }
0x1aa: {  	_ =	swait.ge [sflag:s11], $0x50  }
0x1ab: {  	[sflag:s11] =	ssyncset.done $0x0  }
0x1ac: {  	s24 =	simm.s32 $0x180;
	s6 =	simm.s32 $0xA;
	[sflag:s11] =	ssyncadd.s32 $0xFFFFFFB0  }
0x1ad: {  	[tilespmem:s17], [sflag:$0xC] =	stream.indirect.gather [hbm4b:s5+s15], $0x80, s24, s15, $0xb8;
	[tilespmem:$0x1E800] =	vst v63  }
0x1ae: {  	_ =	swait.ge [sflag:s6], $0x2800  }
0x1af: {  	[sflag:s6] =	ssyncset.done $0x0  }
0x1b0: {  	s2 =	simm.s32 $0xD;
	s24 =	simm.s32 $0x480;
	[sflag:s6] =	ssyncadd.s32 $0xFFFFD800  }
0x1b1: {  	[spmem:s16] =	stream.indirect.scatter.add.f32 [tilespmem:s7], [sflag:$0xE], $0x80, s24, s15, $0xb8;
	[tilespmem:$0x1E800] =	vst v63  }
0x1b2: {  	_ =	swait.ge [sflag:s2], $0x2800  }
0x1b3: {  	s25 =	rddreg [dreg:$0x8];
	[sflag:s2] =	ssyncset.done $0x0  }
0x1b4: {  	[sflag:s2] =	ssyncadd.s32 $0xFFFFD800;
	s11 =	sadd.s32 s20, s25;
	s25 =	simm.s32 $0x380  }
0x1b5: {  	[tilespmem:s25], [sflag:$0x8] =	stream.linear.gather [hbm4b:s11+s4], $0x50, $0x38;
	[tilespmem:$0x1E800] =	vst v63  }
0x1b6: {  	s3 =	simm.s32 $0x780;
	s8 =	sadd.s32 $0x46, s1;
	s10 =	simm.s32 $0x5  }
0x1b7: {  	[tilespmem:s3], [sflag:$0x8] =	stream.linear.gather [hbm4b:s8+s4], $0x50, $0x38;
	[tilespmem:$0x1E800] =	vst v63  }
0x1b8: {  	_ =	swait.ge [sflag:s10], $0x50  }
0x1b9: {  	[sflag:s10] =	ssyncset.done $0x0  }
0x1ba: {  	[sflag:s10] =	ssyncadd.s32 $0xFFFFFFB0  }
0x1bb: {  	_ =	swait.ge [sflag:s10], $0x50  }
0x1bc: {  	s26 =	simm.s32 $0x800;
	[sflag:s10] =	ssyncset.done $0x0  }
0x1bd: {  	s11 =	simm.s32 $0x200;
	s3 =	simm.s32 $0xB;
	[sflag:s10] =	ssyncadd.s32 $0xFFFFFFB0  }
0x1be: {  	[tilespmem:s26], [sflag:$0x9] =	stream.indirect.gather [hbm4b:s5+s15], $0x80, s11, s15, $0xb8;
	[tilespmem:$0x1E800] =	vst v63  }
0x1bf: {  	_ =	swait.ge [sflag:s3], $0x2800  }
0x1c0: {  	[sflag:s3] =	ssyncset.done $0x0  }
0x1c1: {  	s8 =	simm.s32 $0x500;
	[sflag:s3] =	ssyncadd.s32 $0xFFFFD800  }
0x1c2: {  	[spmem:s16] =	stream.indirect.scatter.add.f32 [tilespmem:s22], [sflag:$0xF], $0x80, s8, s15, $0xb8;
	[tilespmem:$0x1E800] =	vst v63  }
0x1c3: {  	s8 =	simm.s32 $0xE  }
0x1c4: {  	_ =	swait.ge [sflag:s8], $0x2800  }
0x1c5: {  	s21 =	sshrl.u32 s21, $0x3;
	[sflag:s8] =	ssyncset.done $0x0  }
0x1c6: {  	s11 =	sadd.s32 s19, s21;
	[sflag:s8] =	ssyncadd.s32 $0xFFFFD800  }
0x1c7: {  	[tilespmem:s4], [sflag:$0x1] =	stream.linear.gather [hbm4b:s11+s4], $0x50, $0x38;
	[tilespmem:$0x1E800] =	vst v63  }
0x1c8: {  	s10 =	sadd.s32 $0x50, s1  }
0x1c9: {  	[tilespmem:s23], [sflag:$0x1] =	stream.linear.gather [hbm4b:s10+s4], $0x50, $0x38;
	[tilespmem:$0x1E800] =	vst v63  }
0x1ca: {  	s10 =	simm.s32 $0x6  }
0x1cb: {  	_ =	swait.ge [sflag:s10], $0x50  }
0x1cc: {  	[sflag:s10] =	ssyncset.done $0x0  }
0x1cd: {  	[sflag:s10] =	ssyncadd.s32 $0xFFFFFFB0  }
0x1ce: {  	_ =	swait.ge [sflag:s10], $0x50  }
0x1cf: {  	[sflag:s10] =	ssyncset.done $0x0  }
0x1d0: {  	[sflag:s10] =	ssyncadd.s32 $0xFFFFFFB0  }
0x1d1: {  	[tilespmem:s7], [sflag:$0xA] =	stream.indirect.gather [hbm4b:s5+s15], $0x80, s0, s15, $0xb8;
	[tilespmem:$0x1E800] =	vst v63  }
0x1d2: {  	_ =	swait.ge [sflag:s13], $0x2800  }
0x1d3: {  	[sflag:s13] =	ssyncset.done $0x0  }
0x1d4: {  	s21 =	simm.s32 $0x580;
	s10 =	simm.s32 $0xF;
	[sflag:s13] =	ssyncadd.s32 $0xFFFFD800  }
0x1d5: {  	[spmem:s16] =	stream.indirect.scatter.add.f32 [tilespmem:s17], [sflag:$0x10], $0x80, s21, s15, $0xb8;
	[tilespmem:$0x1E800] =	vst v63  }
0x1d6: {  	_ =	swait.ge [sflag:s10], $0x2800  }
0x1d7: {  	s0 =	rddreg [dreg:$0x4];
	[sflag:s10] =	ssyncset.done $0x0  }
0x1d8: {  	[sflag:s10] =	ssyncadd.s32 $0xFFFFD800;
	s11 =	sadd.s32 s20, s0  }
0x1d9: {  	[tilespmem:s30], [sflag:$0x2] =	stream.linear.gather [hbm4b:s11+s4], $0x50, $0x38;
	[tilespmem:$0x1E800] =	vst v63  }
0x1da: {  	s1 =	sadd.s32 $0x5A, s1  }
0x1db: {  	[tilespmem:s24], [sflag:$0x2] =	stream.linear.gather [hbm4b:s1+s4], $0x50, $0x38;
	[tilespmem:$0x1E800] =	vst v63  }
0x1dc: {  	_ =	swait.ge [sflag:s29], $0x50  }
0x1dd: {  	[sflag:s29] =	ssyncset.done $0x0  }
0x1de: {  	[sflag:s29] =	ssyncadd.s32 $0xFFFFFFB0  }
0x1df: {  	_ =	swait.ge [sflag:s29], $0x50  }
0x1e0: {  	[sflag:s29] =	ssyncset.done $0x0  }
0x1e1: {  	[sflag:s29] =	ssyncadd.s32 $0xFFFFFFB0  }
0x1e2: {  	[tilespmem:s22], [sflag:$0xB] =	stream.indirect.gather [hbm4b:s5+s15], $0x80, s12, s15, $0xb8;
	[tilespmem:$0x1E800] =	vst v63  }
0x1e3: {  	_ =	swait.ge [sflag:s9], $0x2800  }
0x1e4: {  	p0 =	seq.s32 s20, $0x960;
	[sflag:s9] =	ssyncset.done $0x0  }
0x1e5: {  	s21 =	simm.s32 $0x10;
	s12 =	simm.s32 $0x600;
	[sflag:s9] =	ssyncadd.s32 $0xFFFFD800  }
0x1e6: {  	[spmem:s16] =	stream.indirect.scatter.add.f32 [tilespmem:s26], [sflag:$0xD], $0x80, s12, s15, $0xb8;
	[tilespmem:$0x1E800] =	vst v63  }
0x1e7: {  	s13 =	simm.s32 @!p0 $0x100;
	_ =	swait.ge [sflag:s21], $0x2800  }
0x1e8: {  	s11 =	simm.s32 @!p0 $0x0;
	s1 =	rddreg [dreg:$0x7];
	[sflag:s21] =	ssyncset.done $0x0  }
0x1e9: {  	s12 =	sadd.s32 @!p0 s20, s18;
	[sflag:s21] =	ssyncadd.s32 $0xFFFFD800;
	s1 =	sadd.s32 @!p0 s20, s1  }
0x1ea: {  	[tilespmem:s13], [sflag:$0x3] =	stream.linear.gather @!p0 [hbm4b:s1+s11], $0x50, $0x38;
	[tilespmem:$0x1E800] =	vst v63  }
0x1eb: {  	s1 =	sadd.s32 @!p0 $0x64, s12;
	s13 =	simm.s32 @!p0 $0x500  }
0x1ec: {  	[tilespmem:s13], [sflag:$0x3] =	stream.linear.gather @!p0 [hbm4b:s1+s11], $0x50, $0x38;
	[tilespmem:$0x1E800] =	vst v63  }
0x1ed: {  	s13 =	simm.s32 $0x8  }
0x1ee: {  	_ =	swait.ge [sflag:s13], $0x50  }
0x1ef: {  	[sflag:s13] =	ssyncset.done $0x0  }
0x1f0: {  	[sflag:s13] =	ssyncadd.s32 $0xFFFFFFB0  }
0x1f1: {  	_ =	swait.ge [sflag:s13], $0x50  }
0x1f2: {  	[sflag:s13] =	ssyncset.done $0x0  }
0x1f3: {  	[sflag:s13] =	ssyncadd.s32 $0xFFFFFFB0  }
0x1f4: {  	[tilespmem:s17], [sflag:$0xC] =	stream.indirect.gather [hbm4b:s5+s15], $0x80, s25, s15, $0xb8;
	[tilespmem:$0x1E800] =	vst v63  }
0x1f5: {  	_ =	swait.ge [sflag:s6], $0x2800  }
0x1f6: {  	[sflag:s6] =	ssyncset.done $0x0  }
0x1f7: {  	[sflag:s6] =	ssyncadd.s32 $0xFFFFD800  }
0x1f8: {  	[spmem:s16] =	stream.indirect.scatter.add.f32 [tilespmem:s7], [sflag:$0xE], $0x80, s31, s15, $0xb8;
	[tilespmem:$0x1E800] =	vst v63  }
0x1f9: {  	_ =	swait.ge [sflag:s2], $0x2800  }
0x1fa: {  	s1 =	rddreg [dreg:$0x6];
	[sflag:s2] =	ssyncset.done $0x0  }
0x1fb: {  	s13 =	simm.s32 @!p0 $0x180;
	[sflag:s2] =	ssyncadd.s32 $0xFFFFD800;
	s1 =	sadd.s32 @!p0 s20, s1  }
0x1fc: {  	[tilespmem:s13], [sflag:$0x4] =	stream.linear.gather @!p0 [hbm4b:s1+s11], $0x50, $0x38;
	[tilespmem:$0x1E800] =	vst v63  }
0x1fd: {  	s1 =	sadd.s32 @!p0 $0x6E, s12;
	s13 =	simm.s32 @!p0 $0x580  }
0x1fe: {  	[tilespmem:s13], [sflag:$0x4] =	stream.linear.gather @!p0 [hbm4b:s1+s11], $0x50, $0x38;
	[tilespmem:$0x1E800] =	vst v63  }
0x1ff: {  	_ =	swait.ge [sflag:s14], $0x50  }
0x200: {  	[sflag:s14] =	ssyncset.done $0x0  }
0x201: {  	[sflag:s14] =	ssyncadd.s32 $0xFFFFFFB0  }
0x202: {  	_ =	swait.ge [sflag:s14], $0x50  }
0x203: {  	[sflag:s14] =	ssyncset.done $0x0  }
0x204: {  	[sflag:s14] =	ssyncadd.s32 $0xFFFFFFB0  }
0x205: {  	[tilespmem:s26], [sflag:$0x9] =	stream.indirect.gather [hbm4b:s5+s15], $0x80, s4, s15, $0xb8;
	[tilespmem:$0x1E800] =	vst v63  }
0x206: {  	_ =	swait.ge [sflag:s3], $0x2800  }
0x207: {  	[sflag:s3] =	ssyncset.done $0x0  }
0x208: {  	s13 =	simm.s32 $0x700;
	[sflag:s3] =	ssyncadd.s32 $0xFFFFD800  }
0x209: {  	[spmem:s16] =	stream.indirect.scatter.add.f32 [tilespmem:s22], [sflag:$0xF], $0x80, s13, s15, $0xb8;
	[tilespmem:$0x1E800] =	vst v63  }
0x20a: {  	_ =	swait.ge [sflag:s8], $0x2800  }
0x20b: {  	s1 =	rddreg [dreg:$0x5];
	[sflag:s8] =	ssyncset.done $0x0  }
0x20c: {  	s13 =	simm.s32 @!p0 $0x200;
	[sflag:s8] =	ssyncadd.s32 $0xFFFFD800;
	s1 =	sadd.s32 @!p0 s20, s1  }
0x20d: {  	[tilespmem:s13], [sflag:$0x5] =	stream.linear.gather @!p0 [hbm4b:s1+s11], $0x50, $0x38;
	[tilespmem:$0x1E800] =	vst v63  }
0x20e: {  	s1 =	sadd.s32 @!p0 $0x78, s12;
	s12 =	simm.s32 @!p0 $0x600  }
0x20f: {  	[tilespmem:s12], [sflag:$0x5] =	stream.linear.gather @!p0 [hbm4b:s1+s11], $0x50, $0x38;
	[tilespmem:$0x1E800] =	vst v63  }
0x210: {  	_ =	swait.ge [sflag:s28], $0x50  }
0x211: {  	[sflag:s28] =	ssyncset.done $0x0  }
0x212: {  	[sflag:s28] =	ssyncadd.s32 $0xFFFFFFB0  }
0x213: {  	_ =	swait.ge [sflag:s28], $0x50  }
0x214: {  	[sflag:s28] =	ssyncset.done $0x0  }
0x215: {  	s0 =	simm.s32 $0xC;
	[sflag:s28] =	ssyncadd.s32 $0xFFFFFFB0  }
0x216: {  	[tilespmem:s7], [sflag:$0xA] =	stream.indirect.gather [hbm4b:s5+s15], $0x80, s30, s15, $0xb8;
	[tilespmem:$0x1E800] =	vst v63  }
0x217: {  	_ =	swait.ge [sflag:s0], $0x2800  }
0x218: {  	[sflag:s0] =	ssyncset.done $0x0  }
0x219: {  	s20 =	simm.s32 $0x780;
	[sflag:s0] =	ssyncadd.s32 $0xFFFFD800  }
0x21a: {  	[spmem:s16] =	stream.indirect.scatter.add.f32 [tilespmem:s17], [sflag:$0x10], $0x80, s20, s15, $0xb8;
	[tilespmem:$0x1E800] =	vst v63  }
0x21b: {  	_ =	swait.ge [sflag:s9], $0x2800  }
0x21c: {  	[sflag:s9] =	ssyncset.done $0x0  }
0x21d: {  	[sflag:s9] =	ssyncadd.s32 $0xFFFFD800  }
0x21e: {  	[spmem:s16] =	stream.indirect.scatter.add.f32 [tilespmem:s26], [sflag:$0xD], $0x80, s23, s15, $0xb8;
	[tilespmem:$0x1E800] =	vst v63  }
0x21f: {  	_ =	swait.ge [sflag:s6], $0x2800  }
0x220: {  	[sflag:s6] =	ssyncset.done $0x0  }
0x221: {  	[sflag:s6] =	ssyncadd.s32 $0xFFFFD800  }
0x222: {  	[spmem:s16] =	stream.indirect.scatter.add.f32 [tilespmem:s7], [sflag:$0xE], $0x80, s24, s15, $0xb8;
	[tilespmem:$0x1E800] =	vst v63  }
0x223: {  	_ =	swait.ge [sflag:s10], $0x2800  }
0x224: {  	[sflag:s10] =	ssyncset.done $0x0  }
0x225: {  	[sflag:s10] =	ssyncadd.s32 $0xFFFFD800  }
0x226: {  	_ =	swait.ge [sflag:s21], $0x2800  }
0x227: {  	[sflag:s21] =	ssyncset.done $0x0  }
0x228: {  	[sflag:s21] =	ssyncadd.s32 $0xFFFFD800  }
0x229: {  	_ =	swait.ge [sflag:s2], $0x2800  }
0x22a: {  	[sflag:s2] =	ssyncset.done $0x0  }
0x22b: {  	[sflag:s2] =	ssyncadd.s32 $0xFFFFD800  }
0x22c: {  	_ =	swait.ge [sflag:s8], $0x2800  }
0x22d: {  	[sflag:s8] =	ssyncset.done $0x0  }
0x22e: {  	s22 =	stileid.u32;
	[sflag:s8] =	ssyncadd.s32 $0xFFFFD800  }
0x22f: {  	s1 =	sshll.u32 s22, $0x6;
	[bflag:$0x0] =	sbarrier.arrive $0xFFFF  }
0x230: {  	s1 =	sor.u32 $0x1C11, s1;
	s12 =	rddreg [dreg:$0x15]  }
0x231: {  	s7 =	simm.s32 $0x11;
	s25 =	rddreg [dreg:$0x1b];
	s24 =	sshrl.u32 s12, $0x3  }
0x232: {  	[hbm:s25], [sflag:s1] =	dma.local [spmem:s24], $0x2800  }
0x233: {  	_ =	swait.ge [sflag:s7], $0x2800  }
0x234: {  	s26 =	sld [smem:$0x7FD];
	_ =	sdelay $0x2  }
0x235: {  	s31 =	rddreg [dreg:$0x1c];
	s11 =	sadd.s32 $0x1, s26  }
0x236: {  	p0 =	sne.s32 s11, s31  }
.Ltmp2:
0x237: {  	_ = 	snop;
	(pc) =	sbr.rel @p0 .LBB2_1-.Ltmp2, $4  }
0x238: {  	s13 =	simm.s32 $0x580  }
0x239: {  	s28 =	simm.s32 $0x180;
	s20 =	simm.s32 $0x200;
	[sflag:s7] =	ssyncset.done $0x0  }
0x23a: {  	s6 =	simm.s32 $0x9;
	s21 =	simm.s32 $0x480;
	[sflag:s7] =	ssyncadd.s32 $0xFFFFD800  }
0x23b: {  	s26 =	simm.s32 $0x500;
	[smem:$0x7FD] =	sst s11;
	s11 =	simm.s32 $0x100  }
0x23c: {  	_ =	sfence.sel $0x180000  }
0x23d: {  	[bflag:$0x0] =	sbarrier.arrive $0xFFFF  }
0x23e: {  	_ =	strace $0x9000004A  }
0x23f: {  	s0 =	stileid.u32;
	[bflag:$0x2] =	sbarrier.arrive $0xFFFF  }
0x240: {  	p0 =	sne.s32 s0, $0x0;
	s0 =	rddreg [dreg:$0x3]  }
0x241: {  	s0 =	sadd.s32 @!p0 $0x100000, s0  }
0x242: {  	[sflag:s0] =	ssyncadd.tile.s32 @!p0 $0x1;
	_ =	shalt  }
.Lfunc_end2:
_tile_overlayer_lowered:
.L_overlay_start_2:
0x243: {  	(tag) =	ssettag $0x2  }
0x244: {  	s0 =	rddreg [dreg:$0x0];
	s2 =	stileid.u32  }
0x245: {  	s1 =	rddreg [dreg:$0x1];
	p0 =	sne.s32 s2, $0x0  }
0x246: {  	s3 =	rddreg [dreg:$0x2];
	[bflag:$0x3] =	sbarrier.arrive $0xFFFF;
	s2 =	simm.s32 @!p0 $0x1C11  }
0x247: {  	[timem:s3], [sflag:s2] =	dma.local @!p0 [hbm:s0], s1  }
0x248: {  	s0 =	simm.s32 @!p0 $0x11  }
0x249: {  	_ =	swait.ge @!p0 [sflag:s0], s1  }
0x24a: {  	s1 =	ssub.s32 @!p0 $0x0, s1;
	[sflag:s0] =	ssyncset.done @!p0 $0x0  }
0x24b: {  	[sflag:s0] =	ssyncadd.s32 @!p0 s1  }
0x24c: {  	[bflag:$0x3] =	sbarrier.arrive $0xFFFF  }
0x24d: {  	_ =	shalt  }

</sc_bundles>
